<compile_context>
chip_gen: v7x
topology: tpu7x:2x2x1
jax: 0.10.2.dev20260603
libtpu: 0.0.44.dev20260713+nightly
codegen_flags: <defaults>
</compile_context>

<pallas_src>
import functools

import jax
import jax.numpy as jnp
from jax import lax
from jax.experimental import pallas as pl
from jax.experimental.pallas import tpu as pltpu
from jax.experimental.pallas import tpu_sc as plsc

N_USERS = 20000
N_ITEMS = 30000
N_NODES = N_USERS + N_ITEMS
EMB = 64
HALF = EMB // 2
N_EDGES = 800000
N_LAYERS = 2
N_SLABS = 6
TABLE_ROWS = N_SLABS * N_NODES

NC = 2
NS = 16
LANES = 16

CHUNK = 128
N_CHUNKS = N_EDGES // CHUNK
BASE_CHUNKS = N_CHUNKS // NS
EXTRA_CHUNKS = N_CHUNKS % NS
ROWS_PER_TEC = N_NODES // NS
ZROWS = 125
NZ = ROWS_PER_TEC // ZROWS


def _sc_spmm_kernel(row_hbm, col_hbm, val_hbm, table_hbm, out_hbm,
                    colv, rowv, valv, vals, rowsv, zbuf, accum, sem):
    c = lax.axis_index("c")
    s = lax.axis_index("s")

    zero16 = jnp.zeros((LANES,), jnp.float32)

    def fill_zero(e, carry):
        zbuf[e, pl.ds(0, LANES)] = zero16
        zbuf[e, pl.ds(LANES, LANES)] = zero16
        return carry

    lax.fori_loop(0, ZROWS, fill_zero, 0)

    n_chunks_me = BASE_CHUNKS + jnp.where(s < EXTRA_CHUNKS, 1, 0)
    my_rows = s * ROWS_PER_TEC

    def slab_body(j, carry):
        slab_off = c * (3 * N_NODES) + j * N_NODES

        def zero_body(i, carry2):
            pltpu.sync_copy(zbuf, accum.at[pl.ds(my_rows + i * ZROWS, ZROWS)])
            return carry2

        lax.fori_loop(0, NZ, zero_body, 0)
        plsc.subcore_barrier()

        def chunk_body(k, carry2):
            eb = (s + k * NS) * CHUNK
            pltpu.sync_copy(col_hbm.at[pl.ds(eb, CHUNK)], colv)
            pltpu.sync_copy(row_hbm.at[pl.ds(eb, CHUNK)], rowv)
            pltpu.sync_copy(val_hbm.at[pl.ds(eb, CHUNK)], valv)
            for t in range(CHUNK // LANES):
                sl = pl.ds(t * LANES, LANES)
                colv[sl] = colv[sl] + slab_off
            pltpu.async_copy(table_hbm.at[colv], rowsv, sem).wait()

            def scale_body(g, carry3):
                vv = valv[pl.ds(g * LANES, LANES)]
                for i in range(LANES):
                    e = g * LANES + i
                    vs = vv[i]
                    a = rowsv[e, pl.ds(0, LANES)]
                    rowsv[e, pl.ds(0, LANES)] = a * vs
                    b = rowsv[e, pl.ds(LANES, LANES)]
                    rowsv[e, pl.ds(LANES, LANES)] = b * vs
                return carry3

            lax.fori_loop(0, CHUNK // LANES, scale_body, 0)
            pltpu.sync_copy(rowsv, accum.at[rowv], add=True)
            return carry2

        lax.fori_loop(0, n_chunks_me, chunk_body, 0)
        plsc.subcore_barrier()

        def flush_body(i, carry2):
            r0 = my_rows + i * ZROWS
            pltpu.sync_copy(accum.at[pl.ds(r0, ZROWS)],
                            out_hbm.at[pl.ds(slab_off + r0, ZROWS)])
            return carry2

        lax.fori_loop(0, NZ, flush_body, 0)
        plsc.subcore_barrier()
        return carry

    lax.fori_loop(0, 3, slab_body, 0)


def _make_sc_spmm():
    mesh = plsc.VectorSubcoreMesh(core_axis_name="c", subcore_axis_name="s")
    return functools.partial(
        pl.kernel,
        mesh=mesh,
        compiler_params=pltpu.CompilerParams(use_tc_tiling_on_sc=False),
        out_type=jax.ShapeDtypeStruct((TABLE_ROWS, HALF), jnp.float32),
        scratch_types=[
            pltpu.VMEM((CHUNK,), jnp.int32),
            pltpu.VMEM((CHUNK,), jnp.int32),
            pltpu.VMEM((CHUNK,), jnp.float32),
            pltpu.SMEM((8,), jnp.float32),
            pltpu.VMEM((CHUNK, HALF), jnp.float32),
            pltpu.VMEM((ZROWS, HALF), jnp.float32),
            pltpu.VMEM_SHARED((N_NODES, HALF), jnp.float32),
            pltpu.SemaphoreType.DMA,
        ],
    )(_sc_spmm_kernel)


ROW_BLK = 2000


def _tc_mid_body(s_ref, w_ref, o_ref):
    for m in range(3):
        h = jnp.concatenate([s_ref[m], s_ref[3 + m]], axis=1)
        y = jnp.dot(h, w_ref[m].T, preferred_element_type=jnp.float32)
        y = jnp.where(y >= 0, y, 0.2 * y)
        o_ref[m] = y[:, :HALF]
        o_ref[3 + m] = y[:, HALF:]


def _tc_fin_body(s_ref, w_ref, u_ref, o_ref):
    acc = u_ref[...]
    for m in range(3):
        h = jnp.concatenate([s_ref[m], s_ref[3 + m]], axis=1)
        y = jnp.dot(h, w_ref[m].T, preferred_element_type=jnp.float32)
        acc = acc + jnp.where(y >= 0, y, 0.2 * y)
    o_ref[...] = acc


def _tc_mid(s6, w):
    grid = (N_NODES // ROW_BLK,)
    return pl.pallas_call(
        _tc_mid_body,
        grid=grid,
        in_specs=[
            pl.BlockSpec((N_SLABS, ROW_BLK, HALF), lambda i: (0, i, 0)),
            pl.BlockSpec((3, EMB, EMB), lambda i: (0, 0, 0)),
        ],
        out_specs=pl.BlockSpec((N_SLABS, ROW_BLK, HALF), lambda i: (0, i, 0)),
        out_shape=jax.ShapeDtypeStruct((N_SLABS, N_NODES, HALF), jnp.float32),
    )(s6, w)


def _tc_fin(s6, w, uid):
    grid = (N_NODES // ROW_BLK,)
    return pl.pallas_call(
        _tc_fin_body,
        grid=grid,
        in_specs=[
            pl.BlockSpec((N_SLABS, ROW_BLK, HALF), lambda i: (0, i, 0)),
            pl.BlockSpec((3, EMB, EMB), lambda i: (0, 0, 0)),
            pl.BlockSpec((ROW_BLK, EMB), lambda i: (i, 0)),
        ],
        out_specs=pl.BlockSpec((ROW_BLK, EMB), lambda i: (i, 0)),
        out_shape=jax.ShapeDtypeStruct((N_NODES, EMB), jnp.float32),
    )(s6, w, uid)


def kernel(adj_indices, adj_values, user_id_emb, item_id_emb,
           user_visual_emb, user_acoustic_emb, user_textual_emb,
           visual_feat, acoustic_feat, textual_feat, W_v, W_a, W_t):
    row = adj_indices[0]
    col = adj_indices[1]

    uid = jnp.concatenate([user_id_emb, item_id_emb], axis=0)
    vis = jnp.concatenate([user_visual_emb, visual_feat], axis=0)
    aco = jnp.concatenate([user_acoustic_emb, acoustic_feat], axis=0)
    tex = jnp.concatenate([user_textual_emb, textual_feat], axis=0)

    table = jnp.concatenate(
        [vis[:, :HALF], aco[:, :HALF], tex[:, :HALF],
         vis[:, HALF:], aco[:, HALF:], tex[:, HALF:]], axis=0)

    sc_spmm = _make_sc_spmm()

    fused = None
    for l in range(N_LAYERS):
        w = jnp.stack([W_v[l], W_a[l], W_t[l]])
        spmm = sc_spmm(row, col, adj_values, table)
        s6 = spmm.reshape(N_SLABS, N_NODES, HALF)
        if l + 1 < N_LAYERS:
            table = _tc_mid(s6, w).reshape(TABLE_ROWS, HALF)
        else:
            fused = _tc_fin(s6, w, uid)

    return (fused[:N_USERS], fused[N_USERS:])

# --- scband reference (transcript-rebuilt; emitter-appended) ---
"""Pipeline reference for scband-mmgcn-13245679141186 (READ-ONLY COPY).

The authoritative reference and input builder live on the scoring server;
editing this copy changes nothing except your own understanding.
"""

import jax, jax.numpy as jnp
import numpy as np

N_USERS = 20000
N_ITEMS = 30000
N_NODES = N_USERS + N_ITEMS
EMB = 64
N_EDGES = 800000
N_LAYERS = 2


def setup_inputs(seed: int = 0) -> dict:
    key = jax.random.key(seed)
    ks = jax.random.split(key, 14)
    adj_indices = jax.random.randint(ks[0], (2, N_EDGES), 0, N_NODES, dtype=jnp.int32)
    adj_values = jax.random.uniform(ks[1], (N_EDGES,), dtype=jnp.float32) * (1.0 / 16.0)
    s = 0.1
    return {
        'adj_indices': adj_indices,
        'adj_values': adj_values,
        'user_id_emb': jax.random.normal(ks[2], (N_USERS, EMB), dtype=jnp.float32) * s,
        'item_id_emb': jax.random.normal(ks[3], (N_ITEMS, EMB), dtype=jnp.float32) * s,
        'user_visual_emb': jax.random.normal(ks[4], (N_USERS, EMB), dtype=jnp.float32) * s,
        'user_acoustic_emb': jax.random.normal(ks[5], (N_USERS, EMB), dtype=jnp.float32) * s,
        'user_textual_emb': jax.random.normal(ks[6], (N_USERS, EMB), dtype=jnp.float32) * s,
        'visual_feat': jax.random.normal(ks[7], (N_ITEMS, EMB), dtype=jnp.float32) * s,
        'acoustic_feat': jax.random.normal(ks[8], (N_ITEMS, EMB), dtype=jnp.float32) * s,
        'textual_feat': jax.random.normal(ks[9], (N_ITEMS, EMB), dtype=jnp.float32) * s,
        'W_v': jax.random.normal(ks[10], (N_LAYERS, EMB, EMB), dtype=jnp.float32) * (1.0 / np.sqrt(EMB)),
        'W_a': jax.random.normal(ks[11], (N_LAYERS, EMB, EMB), dtype=jnp.float32) * (1.0 / np.sqrt(EMB)),
        'W_t': jax.random.normal(ks[12], (N_LAYERS, EMB, EMB), dtype=jnp.float32) * (1.0 / np.sqrt(EMB)),
    }


def _spmm(adj_indices, adj_values, x):
    # sparse COO matmul: out[row] += val * x[col]
    row = adj_indices[0]
    col = adj_indices[1]
    gathered = adj_values[:, None] * jnp.take(x, col, axis=0)
    return jax.ops.segment_sum(gathered, row, num_segments=N_NODES)


def reference(adj_indices, adj_values, user_id_emb, item_id_emb,
              user_visual_emb, user_acoustic_emb, user_textual_emb,
              visual_feat, acoustic_feat, textual_feat, W_v, W_a, W_t):
    uid = jnp.concatenate([user_id_emb, item_id_emb], axis=0)
    vis = jnp.concatenate([user_visual_emb, visual_feat], axis=0)
    aco = jnp.concatenate([user_acoustic_emb, acoustic_feat], axis=0)
    tex = jnp.concatenate([user_textual_emb, textual_feat], axis=0)
    for l in range(N_LAYERS):
        vis = jax.nn.leaky_relu(_spmm(adj_indices, adj_values, vis) @ W_v[l].T, negative_slope=0.2)
        aco = jax.nn.leaky_relu(_spmm(adj_indices, adj_values, aco) @ W_a[l].T, negative_slope=0.2)
        tex = jax.nn.leaky_relu(_spmm(adj_indices, adj_values, tex) @ W_t[l].T, negative_slope=0.2)
    fused = vis + aco + tex + uid
    user_emb = fused[:N_USERS]
    item_emb = fused[N_USERS:]
    return (user_emb, item_emb)

if __name__ == "__main__":
    import jax
    _d = setup_inputs()
    print(jax.jit(kernel)(*tuple(_d.values())))

</pallas_src>

<mosaic_0001>
#map = affine_map<(d0, d1) -> (0)>
#map1 = affine_map<(d0, d1) -> (0, 0)>
module attributes {stable_mosaic.version = 14 : i64} {
  func.func @_sc_spmm_kernel(%arg0: i32, %arg1: i32, %arg2: memref<800000xi32, #tpu.memory_space<hbm>>, %arg3: memref<800000xi32, #tpu.memory_space<hbm>>, %arg4: memref<800000xf32, #tpu.memory_space<hbm>>, %arg5: memref<300000x32xf32, #tpu.memory_space<hbm>>, %arg6: memref<300000x32xf32, #tpu.memory_space<hbm>>, %arg7: memref<128xi32, #tpu.memory_space<vmem>>, %arg8: memref<128xi32, #tpu.memory_space<vmem>>, %arg9: memref<128xf32, #tpu.memory_space<vmem>>, %arg10: memref<8xf32, #tpu.memory_space<smem>>, %arg11: memref<128x32xf32, #tpu.memory_space<vmem>>, %arg12: memref<125x32xf32, #tpu.memory_space<vmem>>, %arg13: memref<50000x32xf32, #tpu.memory_space<vmem_shared>>, %arg14: memref<!tpu.dma_semaphore, #tpu.memory_space<semaphore_mem>>) attributes {dimension_semantics = [#tpu.dimension_semantics<core_parallel>, #tpu.dimension_semantics<subcore_parallel>], iteration_bounds = array<i64: 2, 16>, scalar_prefetch = 0 : i64, scratch_operands = 8 : i64, tpu.core_type = #tpu.core_type<sc_vector_subcore>, window_params = [{transform_indices = #map}, {transform_indices = #map}, {transform_indices = #map}, {transform_indices = #map1}, {transform_indices = #map1}]} {
    %broadcast_in_dim3A = arith.constant 0.000000e+00 : f32
    %broadcast_in_dim3A_0 = vector.broadcast %broadcast_in_dim3A : f32 to vector<16xf32>
    %scan3A = arith.constant 0 : i32
    %scan3A_1 = arith.constant 0 : i32
    %scan3A_2 = arith.constant 125 : i32
    %scan3A_3 = arith.addi %scan3A_1, %scan3A_2 : i32
    %scan3A_4 = arith.constant 1 : i32
    scf.for %scan3A_16 = %scan3A_1 to %scan3A_3 step %scan3A_4  : i32 {
      %swap3A = arith.index_cast %scan3A_16 : i32 to index
      %swap3A_17 = arith.constant 0 : index
      %swap3A_18 = tpu.vector_load %arg12[%swap3A, %swap3A_17] {strides = array<i32>} : memref<125x32xf32, #tpu.memory_space<vmem>>, vector<1x16xf32>,
      %swap3A_19 = vector.shape_cast %swap3A_18 : vector<1x16xf32> to vector<16xf32>
      %swap3A_20 = vector.shape_cast %broadcast_in_dim3A_0 : vector<16xf32> to vector<1x16xf32>
      tpu.vector_store %arg12[%swap3A, %swap3A_17], %swap3A_20 {strides = array<i32>} : memref<125x32xf32, #tpu.memory_space<vmem>>, vector<1x16xf32>,
      %swap3A_21 = arith.index_cast %scan3A_16 : i32 to index
      %swap3A_22 = arith.constant 16 : index
      %swap3A_23 = tpu.vector_load %arg12[%swap3A_21, %swap3A_22] {strides = array<i32>} : memref<125x32xf32, #tpu.memory_space<vmem>>, vector<1x16xf32>,
      %swap3A_24 = vector.shape_cast %swap3A_23 : vector<1x16xf32> to vector<16xf32>
      %swap3A_25 = vector.shape_cast %broadcast_in_dim3A_0 : vector<16xf32> to vector<1x16xf32>
      tpu.vector_store %arg12[%swap3A_21, %swap3A_22], %swap3A_25 {strides = array<i32>} : memref<125x32xf32, #tpu.memory_space<vmem>>, vector<1x16xf32>,
    }
    %scan3A_5 = arith.constant 125 : i32
    %lt3A = arith.constant 10 : i32
    %lt3A_6 = arith.cmpi slt, %arg1, %lt3A : i32
    %jit3A = arith.constant 1 : i32
    %jit3A_7 = arith.constant 0 : i32
    %select_n3A = arith.select %lt3A_6, %jit3A, %jit3A_7 : i32
    %add3A = arith.constant 390 : i32
    %add3A_8 = arith.addi %add3A, %select_n3A : i32
    %mul3A = arith.constant 3125 : i32
    %mul3A_9 = arith.muli %arg1, %mul3A : i32
    %scan3A_10 = arith.constant 0 : i32
    %scan3A_11 = arith.constant 0 : i32
    %scan3A_12 = arith.constant 3 : i32
    %scan3A_13 = arith.addi %scan3A_11, %scan3A_12 : i32
    %scan3A_14 = arith.constant 1 : i32
    scf.for %scan3A_16 = %scan3A_11 to %scan3A_13 step %scan3A_14  : i32 {
      %mul3A_17 = arith.constant 150000 : i32
      %mul3A_18 = arith.muli %arg0, %mul3A_17 : i32
      %mul3A_19 = arith.constant 50000 : i32
      %mul3A_20 = arith.muli %scan3A_16, %mul3A_19 : i32
      %add3A_21 = arith.addi %mul3A_18, %mul3A_20 : i32
      %scan3A_22 = arith.constant 0 : i32
      %scan3A_23 = arith.constant 0 : i32
      %scan3A_24 = arith.constant 25 : i32
      %scan3A_25 = arith.addi %scan3A_23, %scan3A_24 : i32
      %scan3A_26 = arith.constant 1 : i32
      scf.for %scan3A_45 = %scan3A_23 to %scan3A_25 step %scan3A_26  : i32 {
        %mul3A_46 = arith.constant 125 : i32
        %mul3A_47 = arith.muli %scan3A_45, %mul3A_46 : i32
        %add3A_48 = arith.addi %mul3A_9, %mul3A_47 : i32
        "tpu.region"() ({
          %run_scoped3A = tpu.sem_alloc : memref<!tpu.dma_semaphore, #tpu.memory_space<semaphore_mem>>
          %dma_start3A = arith.constant 0 : i32
          %dma_start3A_49 = tpu.memref_slice %arg13[%add3A_48, %dma_start3A] : memref<50000x32xf32, #tpu.memory_space<vmem_shared>> -> memref<125x32xf32, #tpu.memory_space<vmem_shared>>
          %dma_start3A_50 = arith.constant 0 : i32
          %dma_start3A_51 = tpu.memref_slice %arg13[%add3A_48, %dma_start3A_50] : memref<50000x32xf32, #tpu.memory_space<vmem_shared>> -> memref<125x32xf32, #tpu.memory_space<vmem_shared>>
          tpu.enqueue_dma source(%arg12 : memref<125x32xf32, #tpu.memory_space<vmem>>) target(%dma_start3A_51 : memref<125x32xf32, #tpu.memory_space<vmem_shared>>) target_semaphore(%run_scoped3A : memref<!tpu.dma_semaphore, #tpu.memory_space<semaphore_mem>>)
          %dma_wait3A = arith.constant 0 : i32
          %dma_wait3A_52 = tpu.memref_slice %arg13[%add3A_48, %dma_wait3A] : memref<50000x32xf32, #tpu.memory_space<vmem_shared>> -> memref<125x32xf32, #tpu.memory_space<vmem_shared>>
          %dma_wait3A_53 = arith.constant 0 : i32
          %dma_wait3A_54 = tpu.memref_slice %arg13[%add3A_48, %dma_wait3A_53] : memref<50000x32xf32, #tpu.memory_space<vmem_shared>> -> memref<125x32xf32, #tpu.memory_space<vmem_shared>>
          tpu.wait_dma2 semaphore(%run_scoped3A : memref<!tpu.dma_semaphore, #tpu.memory_space<semaphore_mem>>) src(%arg12 : memref<125x32xf32, #tpu.memory_space<vmem>>) dst(%dma_wait3A_54 : memref<125x32xf32, #tpu.memory_space<vmem_shared>>)
          tpu.yield
        }) : () -> ()
      }
      %scan3A_27 = arith.constant 25 : i32
      %barrier3A = arith.constant 0 : index
      tpu.barrier barrier_id(%barrier3A)
      %while3A = arith.constant 0 : i32
      %while3A_28 = arith.constant 0 : i32
      %while3A_29 = arith.subi %add3A_8, %while3A_28 : i32
      %while3A_30 = arith.addi %while3A_28, %while3A_29 : i32
      %while3A_31 = arith.constant 1 : i32
      %while3A_32 = arith.divsi %while3A_29, %while3A_31 : i32
      %while3A_33 = arith.muli %while3A_32, %while3A_31 : i32
      %while3A_34 = arith.addi %while3A_28, %while3A_33 : i32
      %while3A_35 = arith.constant 1 : i32
      scf.for %while3A_45 = %while3A_28 to %while3A_34 step %while3A_35  : i32 {
        %mul3A_46 = arith.constant 16 : i32
        %mul3A_47 = arith.muli %while3A_45, %mul3A_46 : i32
        %add3A_48 = arith.addi %arg1, %mul3A_47 : i32
        %mul3A_49 = arith.constant 128 : i32
        %mul3A_50 = arith.muli %add3A_48, %mul3A_49 : i32
        "tpu.region"() ({
          %run_scoped3A = tpu.sem_alloc : memref<!tpu.dma_semaphore, #tpu.memory_space<semaphore_mem>>
          %dma_start3A_131 = tpu.memref_slice %arg3[%mul3A_50] : memref<800000xi32, #tpu.memory_space<hbm>> -> memref<128xi32, #tpu.memory_space<hbm>>
          %dma_start3A_132 = tpu.memref_slice %arg3[%mul3A_50] : memref<800000xi32, #tpu.memory_space<hbm>> -> memref<128xi32, #tpu.memory_space<hbm>>
          tpu.enqueue_dma source(%dma_start3A_132 : memref<128xi32, #tpu.memory_space<hbm>>) target(%arg7 : memref<128xi32, #tpu.memory_space<vmem>>) target_semaphore(%run_scoped3A : memref<!tpu.dma_semaphore, #tpu.memory_space<semaphore_mem>>)
          %dma_wait3A_133 = tpu.memref_slice %arg3[%mul3A_50] : memref<800000xi32, #tpu.memory_space<hbm>> -> memref<128xi32, #tpu.memory_space<hbm>>
          %dma_wait3A_134 = tpu.memref_slice %arg3[%mul3A_50] : memref<800000xi32, #tpu.memory_space<hbm>> -> memref<128xi32, #tpu.memory_space<hbm>>
          tpu.wait_dma2 semaphore(%run_scoped3A : memref<!tpu.dma_semaphore, #tpu.memory_space<semaphore_mem>>) src(%dma_wait3A_134 : memref<128xi32, #tpu.memory_space<hbm>>) dst(%arg7 : memref<128xi32, #tpu.memory_space<vmem>>)
          tpu.yield
        }) : () -> ()
        "tpu.region"() ({
          %run_scoped3A = tpu.sem_alloc : memref<!tpu.dma_semaphore, #tpu.memory_space<semaphore_mem>>
          %dma_start3A_131 = tpu.memref_slice %arg2[%mul3A_50] : memref<800000xi32, #tpu.memory_space<hbm>> -> memref<128xi32, #tpu.memory_space<hbm>>
          %dma_start3A_132 = tpu.memref_slice %arg2[%mul3A_50] : memref<800000xi32, #tpu.memory_space<hbm>> -> memref<128xi32, #tpu.memory_space<hbm>>
          tpu.enqueue_dma source(%dma_start3A_132 : memref<128xi32, #tpu.memory_space<hbm>>) target(%arg8 : memref<128xi32, #tpu.memory_space<vmem>>) target_semaphore(%run_scoped3A : memref<!tpu.dma_semaphore, #tpu.memory_space<semaphore_mem>>)
          %dma_wait3A_133 = tpu.memref_slice %arg2[%mul3A_50] : memref<800000xi32, #tpu.memory_space<hbm>> -> memref<128xi32, #tpu.memory_space<hbm>>
          %dma_wait3A_134 = tpu.memref_slice %arg2[%mul3A_50] : memref<800000xi32, #tpu.memory_space<hbm>> -> memref<128xi32, #tpu.memory_space<hbm>>
          tpu.wait_dma2 semaphore(%run_scoped3A : memref<!tpu.dma_semaphore, #tpu.memory_space<semaphore_mem>>) src(%dma_wait3A_134 : memref<128xi32, #tpu.memory_space<hbm>>) dst(%arg8 : memref<128xi32, #tpu.memory_space<vmem>>)
          tpu.yield
        }) : () -> ()
        "tpu.region"() ({
          %run_scoped3A = tpu.sem_alloc : memref<!tpu.dma_semaphore, #tpu.memory_space<semaphore_mem>>
          %dma_start3A_131 = tpu.memref_slice %arg4[%mul3A_50] : memref<800000xf32, #tpu.memory_space<hbm>> -> memref<128xf32, #tpu.memory_space<hbm>>
          %dma_start3A_132 = tpu.memref_slice %arg4[%mul3A_50] : memref<800000xf32, #tpu.memory_space<hbm>> -> memref<128xf32, #tpu.memory_space<hbm>>
          tpu.enqueue_dma source(%dma_start3A_132 : memref<128xf32, #tpu.memory_space<hbm>>) target(%arg9 : memref<128xf32, #tpu.memory_space<vmem>>) target_semaphore(%run_scoped3A : memref<!tpu.dma_semaphore, #tpu.memory_space<semaphore_mem>>)
          %dma_wait3A_133 = tpu.memref_slice %arg4[%mul3A_50] : memref<800000xf32, #tpu.memory_space<hbm>> -> memref<128xf32, #tpu.memory_space<hbm>>
          %dma_wait3A_134 = tpu.memref_slice %arg4[%mul3A_50] : memref<800000xf32, #tpu.memory_space<hbm>> -> memref<128xf32, #tpu.memory_space<hbm>>
          tpu.wait_dma2 semaphore(%run_scoped3A : memref<!tpu.dma_semaphore, #tpu.memory_space<semaphore_mem>>) src(%dma_wait3A_134 : memref<128xf32, #tpu.memory_space<hbm>>) dst(%arg9 : memref<128xf32, #tpu.memory_space<vmem>>)
          tpu.yield
        }) : () -> ()
        %get3A = arith.constant 0 : index
        %get3A_51 = tpu.vector_load %arg7[%get3A] {strides = array<i32>} : memref<128xi32, #tpu.memory_space<vmem>>, vector<16xi32>,
        %get3A_52 = vector.shape_cast %get3A_51 : vector<16xi32> to vector<16xi32>
        %add3A_53 = vector.broadcast %add3A_21 : i32 to vector<16xi32>
        %add3A_54 = arith.addi %get3A_52, %add3A_53 : vector<16xi32>
        %swap3A = arith.constant 0 : index
        %swap3A_55 = tpu.vector_load %arg7[%swap3A] {strides = array<i32>} : memref<128xi32, #tpu.memory_space<vmem>>, vector<16xi32>,
        %swap3A_56 = vector.shape_cast %swap3A_55 : vector<16xi32> to vector<16xi32>
        %swap3A_57 = vector.shape_cast %add3A_54 : vector<16xi32> to vector<16xi32>
        tpu.vector_store %arg7[%swap3A], %swap3A_57 {strides = array<i32>} : memref<128xi32, #tpu.memory_space<vmem>>, vector<16xi32>,
        %get3A_58 = arith.constant 16 : index
        %get3A_59 = tpu.vector_load %arg7[%get3A_58] {strides = array<i32>} : memref<128xi32, #tpu.memory_space<vmem>>, vector<16xi32>,
        %get3A_60 = vector.shape_cast %get3A_59 : vector<16xi32> to vector<16xi32>
        %add3A_61 = vector.broadcast %add3A_21 : i32 to vector<16xi32>
        %add3A_62 = arith.addi %get3A_60, %add3A_61 : vector<16xi32>
        %swap3A_63 = arith.constant 16 : index
        %swap3A_64 = tpu.vector_load %arg7[%swap3A_63] {strides = array<i32>} : memref<128xi32, #tpu.memory_space<vmem>>, vector<16xi32>,
        %swap3A_65 = vector.shape_cast %swap3A_64 : vector<16xi32> to vector<16xi32>
        %swap3A_66 = vector.shape_cast %add3A_62 : vector<16xi32> to vector<16xi32>
        tpu.vector_store %arg7[%swap3A_63], %swap3A_66 {strides = array<i32>} : memref<128xi32, #tpu.memory_space<vmem>>, vector<16xi32>,
        %get3A_67 = arith.constant 32 : index
        %get3A_68 = tpu.vector_load %arg7[%get3A_67] {strides = array<i32>} : memref<128xi32, #tpu.memory_space<vmem>>, vector<16xi32>,
        %get3A_69 = vector.shape_cast %get3A_68 : vector<16xi32> to vector<16xi32>
        %add3A_70 = vector.broadcast %add3A_21 : i32 to vector<16xi32>
        %add3A_71 = arith.addi %get3A_69, %add3A_70 : vector<16xi32>
        %swap3A_72 = arith.constant 32 : index
        %swap3A_73 = tpu.vector_load %arg7[%swap3A_72] {strides = array<i32>} : memref<128xi32, #tpu.memory_space<vmem>>, vector<16xi32>,
        %swap3A_74 = vector.shape_cast %swap3A_73 : vector<16xi32> to vector<16xi32>
        %swap3A_75 = vector.shape_cast %add3A_71 : vector<16xi32> to vector<16xi32>
        tpu.vector_store %arg7[%swap3A_72], %swap3A_75 {strides = array<i32>} : memref<128xi32, #tpu.memory_space<vmem>>, vector<16xi32>,
        %get3A_76 = arith.constant 48 : index
        %get3A_77 = tpu.vector_load %arg7[%get3A_76] {strides = array<i32>} : memref<128xi32, #tpu.memory_space<vmem>>, vector<16xi32>,
        %get3A_78 = vector.shape_cast %get3A_77 : vector<16xi32> to vector<16xi32>
        %add3A_79 = vector.broadcast %add3A_21 : i32 to vector<16xi32>
        %add3A_80 = arith.addi %get3A_78, %add3A_79 : vector<16xi32>
        %swap3A_81 = arith.constant 48 : index
        %swap3A_82 = tpu.vector_load %arg7[%swap3A_81] {strides = array<i32>} : memref<128xi32, #tpu.memory_space<vmem>>, vector<16xi32>,
        %swap3A_83 = vector.shape_cast %swap3A_82 : vector<16xi32> to vector<16xi32>
        %swap3A_84 = vector.shape_cast %add3A_80 : vector<16xi32> to vector<16xi32>
        tpu.vector_store %arg7[%swap3A_81], %swap3A_84 {strides = array<i32>} : memref<128xi32, #tpu.memory_space<vmem>>, vector<16xi32>,
        %get3A_85 = arith.constant 64 : index
        %get3A_86 = tpu.vector_load %arg7[%get3A_85] {strides = array<i32>} : memref<128xi32, #tpu.memory_space<vmem>>, vector<16xi32>,
        %get3A_87 = vector.shape_cast %get3A_86 : vector<16xi32> to vector<16xi32>
        %add3A_88 = vector.broadcast %add3A_21 : i32 to vector<16xi32>
        %add3A_89 = arith.addi %get3A_87, %add3A_88 : vector<16xi32>
        %swap3A_90 = arith.constant 64 : index
        %swap3A_91 = tpu.vector_load %arg7[%swap3A_90] {strides = array<i32>} : memref<128xi32, #tpu.memory_space<vmem>>, vector<16xi32>,
        %swap3A_92 = vector.shape_cast %swap3A_91 : vector<16xi32> to vector<16xi32>
        %swap3A_93 = vector.shape_cast %add3A_89 : vector<16xi32> to vector<16xi32>
        tpu.vector_store %arg7[%swap3A_90], %swap3A_93 {strides = array<i32>} : memref<128xi32, #tpu.memory_space<vmem>>, vector<16xi32>,
        %get3A_94 = arith.constant 80 : index
        %get3A_95 = tpu.vector_load %arg7[%get3A_94] {strides = array<i32>} : memref<128xi32, #tpu.memory_space<vmem>>, vector<16xi32>,
        %get3A_96 = vector.shape_cast %get3A_95 : vector<16xi32> to vector<16xi32>
        %add3A_97 = vector.broadcast %add3A_21 : i32 to vector<16xi32>
        %add3A_98 = arith.addi %get3A_96, %add3A_97 : vector<16xi32>
        %swap3A_99 = arith.constant 80 : index
        %swap3A_100 = tpu.vector_load %arg7[%swap3A_99] {strides = array<i32>} : memref<128xi32, #tpu.memory_space<vmem>>, vector<16xi32>,
        %swap3A_101 = vector.shape_cast %swap3A_100 : vector<16xi32> to vector<16xi32>
        %swap3A_102 = vector.shape_cast %add3A_98 : vector<16xi32> to vector<16xi32>
        tpu.vector_store %arg7[%swap3A_99], %swap3A_102 {strides = array<i32>} : memref<128xi32, #tpu.memory_space<vmem>>, vector<16xi32>,
        %get3A_103 = arith.constant 96 : index
        %get3A_104 = tpu.vector_load %arg7[%get3A_103] {strides = array<i32>} : memref<128xi32, #tpu.memory_space<vmem>>, vector<16xi32>,
        %get3A_105 = vector.shape_cast %get3A_104 : vector<16xi32> to vector<16xi32>
        %add3A_106 = vector.broadcast %add3A_21 : i32 to vector<16xi32>
        %add3A_107 = arith.addi %get3A_105, %add3A_106 : vector<16xi32>
        %swap3A_108 = arith.constant 96 : index
        %swap3A_109 = tpu.vector_load %arg7[%swap3A_108] {strides = array<i32>} : memref<128xi32, #tpu.memory_space<vmem>>, vector<16xi32>,
        %swap3A_110 = vector.shape_cast %swap3A_109 : vector<16xi32> to vector<16xi32>
        %swap3A_111 = vector.shape_cast %add3A_107 : vector<16xi32> to vector<16xi32>
        tpu.vector_store %arg7[%swap3A_108], %swap3A_111 {strides = array<i32>} : memref<128xi32, #tpu.memory_space<vmem>>, vector<16xi32>,
        %get3A_112 = arith.constant 112 : index
        %get3A_113 = tpu.vector_load %arg7[%get3A_112] {strides = array<i32>} : memref<128xi32, #tpu.memory_space<vmem>>, vector<16xi32>,
        %get3A_114 = vector.shape_cast %get3A_113 : vector<16xi32> to vector<16xi32>
        %add3A_115 = vector.broadcast %add3A_21 : i32 to vector<16xi32>
        %add3A_116 = arith.addi %get3A_114, %add3A_115 : vector<16xi32>
        %swap3A_117 = arith.constant 112 : index
        %swap3A_118 = tpu.vector_load %arg7[%swap3A_117] {strides = array<i32>} : memref<128xi32, #tpu.memory_space<vmem>>, vector<16xi32>,
        %swap3A_119 = vector.shape_cast %swap3A_118 : vector<16xi32> to vector<16xi32>
        %swap3A_120 = vector.shape_cast %add3A_116 : vector<16xi32> to vector<16xi32>
        tpu.vector_store %arg7[%swap3A_117], %swap3A_120 {strides = array<i32>} : memref<128xi32, #tpu.memory_space<vmem>>, vector<16xi32>,
        %dma_start3A = arith.constant 0 : i32
        %dma_start3A_121 = arith.constant 0 : i32
        %dma_start3A_122 = tpu.memref_slice %arg5[%dma_start3A, %dma_start3A_121] : memref<300000x32xf32, #tpu.memory_space<hbm>> -> memref<300000x32xf32, #tpu.memory_space<hbm>>
        tpu.enqueue_indirect_dma source(%dma_start3A_122 : memref<300000x32xf32, #tpu.memory_space<hbm>>) target(%arg11 : memref<128x32xf32, #tpu.memory_space<vmem>>) offsets(%arg7 : memref<128xi32, #tpu.memory_space<vmem>>) semaphore(%arg14 : memref<!tpu.dma_semaphore, #tpu.memory_space<semaphore_mem>>)
        %dma_wait3A = arith.constant 0 : i32
        %dma_wait3A_123 = arith.constant 0 : i32
        %dma_wait3A_124 = tpu.memref_slice %arg5[%dma_wait3A, %dma_wait3A_123] : memref<300000x32xf32, #tpu.memory_space<hbm>> -> memref<300000x32xf32, #tpu.memory_space<hbm>>
        tpu.wait_indirect_dma semaphore(%arg14 : memref<!tpu.dma_semaphore, #tpu.memory_space<semaphore_mem>>) src(%dma_wait3A_124 : memref<300000x32xf32, #tpu.memory_space<hbm>>) dst(%arg11 : memref<128x32xf32, #tpu.memory_space<vmem>>)
        %scan3A_125 = arith.constant 0 : i32
        %scan3A_126 = arith.constant 0 : i32
        %scan3A_127 = arith.constant 8 : i32
        %scan3A_128 = arith.addi %scan3A_126, %scan3A_127 : i32
        %scan3A_129 = arith.constant 1 : i32
        scf.for %scan3A_131 = %scan3A_126 to %scan3A_128 step %scan3A_129  : i32 {
          %mul3A_132 = arith.constant 16 : i32
          %mul3A_133 = arith.muli %scan3A_131, %mul3A_132 : i32
          %get3A_134 = arith.index_cast %mul3A_133 : i32 to index
          %get3A_135 = tpu.vector_load %arg9[%get3A_134] {strides = array<i32>} : memref<128xf32, #tpu.memory_space<vmem>>, vector<16xf32>,
          %get3A_136 = vector.shape_cast %get3A_135 : vector<16xf32> to vector<16xf32>
          %mul3A_137 = arith.constant 16 : i32
          %mul3A_138 = arith.muli %scan3A_131, %mul3A_137 : i32
          %add3A_139 = arith.constant 0 : i32
          %add3A_140 = arith.addi %mul3A_138, %add3A_139 : i32
          %slice3A = vector.extract_strided_slice %get3A_136 {offsets = [0], sizes = [1], strides = [1]} : vector<16xf32> to vector<1xf32>
          %squeeze3A = vector.extract %slice3A[0] : f32 from vector<1xf32>
          %get3A_141 = arith.index_cast %add3A_140 : i32 to index
          %get3A_142 = arith.constant 0 : index
          %get3A_143 = tpu.vector_load %arg11[%get3A_141, %get3A_142] {strides = array<i32>} : memref<128x32xf32, #tpu.memory_space<vmem>>, vector<1x16xf32>,
          %get3A_144 = vector.shape_cast %get3A_143 : vector<1x16xf32> to vector<16xf32>
          %mul3A_145 = vector.broadcast %squeeze3A : f32 to vector<16xf32>
          %mul3A_146 = arith.mulf %get3A_144, %mul3A_145 : vector<16xf32>
          %swap3A_147 = arith.index_cast %add3A_140 : i32 to index
          %swap3A_148 = arith.constant 0 : index
          %swap3A_149 = tpu.vector_load %arg11[%swap3A_147, %swap3A_148] {strides = array<i32>} : memref<128x32xf32, #tpu.memory_space<vmem>>, vector<1x16xf32>,
          %swap3A_150 = vector.shape_cast %swap3A_149 : vector<1x16xf32> to vector<16xf32>
          %swap3A_151 = vector.shape_cast %mul3A_146 : vector<16xf32> to vector<1x16xf32>
          tpu.vector_store %arg11[%swap3A_147, %swap3A_148], %swap3A_151 {strides = array<i32>} : memref<128x32xf32, #tpu.memory_space<vmem>>, vector<1x16xf32>,
          %get3A_152 = arith.index_cast %add3A_140 : i32 to index
          %get3A_153 = arith.constant 16 : index
          %get3A_154 = tpu.vector_load %arg11[%get3A_152, %get3A_153] {strides = array<i32>} : memref<128x32xf32, #tpu.memory_space<vmem>>, vector<1x16xf32>,
          %get3A_155 = vector.shape_cast %get3A_154 : vector<1x16xf32> to vector<16xf32>
          %mul3A_156 = vector.broadcast %squeeze3A : f32 to vector<16xf32>
          %mul3A_157 = arith.mulf %get3A_155, %mul3A_156 : vector<16xf32>
          %swap3A_158 = arith.index_cast %add3A_140 : i32 to index
          %swap3A_159 = arith.constant 16 : index
          %swap3A_160 = tpu.vector_load %arg11[%swap3A_158, %swap3A_159] {strides = array<i32>} : memref<128x32xf32, #tpu.memory_space<vmem>>, vector<1x16xf32>,
          %swap3A_161 = vector.shape_cast %swap3A_160 : vector<1x16xf32> to vector<16xf32>
          %swap3A_162 = vector.shape_cast %mul3A_157 : vector<16xf32> to vector<1x16xf32>
          tpu.vector_store %arg11[%swap3A_158, %swap3A_159], %swap3A_162 {strides = array<i32>} : memref<128x32xf32, #tpu.memory_space<vmem>>, vector<1x16xf32>,
          %mul3A_163 = arith.constant 16 : i32
          %mul3A_164 = arith.muli %scan3A_131, %mul3A_163 : i32
          %add3A_165 = arith.constant 1 : i32
          %add3A_166 = arith.addi %mul3A_164, %add3A_165 : i32
          %slice3A_167 = vector.extract_strided_slice %get3A_136 {offsets = [1], sizes = [1], strides = [1]} : vector<16xf32> to vector<1xf32>
          %squeeze3A_168 = vector.extract %slice3A_167[0] : f32 from vector<1xf32>
          %get3A_169 = arith.index_cast %add3A_166 : i32 to index
          %get3A_170 = arith.constant 0 : index
          %get3A_171 = tpu.vector_load %arg11[%get3A_169, %get3A_170] {strides = array<i32>} : memref<128x32xf32, #tpu.memory_space<vmem>>, vector<1x16xf32>,
          %get3A_172 = vector.shape_cast %get3A_171 : vector<1x16xf32> to vector<16xf32>
          %mul3A_173 = vector.broadcast %squeeze3A_168 : f32 to vector<16xf32>
          %mul3A_174 = arith.mulf %get3A_172, %mul3A_173 : vector<16xf32>
          %swap3A_175 = arith.index_cast %add3A_166 : i32 to index
          %swap3A_176 = arith.constant 0 : index
          %swap3A_177 = tpu.vector_load %arg11[%swap3A_175, %swap3A_176] {strides = array<i32>} : memref<128x32xf32, #tpu.memory_space<vmem>>, vector<1x16xf32>,
          %swap3A_178 = vector.shape_cast %swap3A_177 : vector<1x16xf32> to vector<16xf32>
          %swap3A_179 = vector.shape_cast %mul3A_174 : vector<16xf32> to vector<1x16xf32>
          tpu.vector_store %arg11[%swap3A_175, %swap3A_176], %swap3A_179 {strides = array<i32>} : memref<128x32xf32, #tpu.memory_space<vmem>>, vector<1x16xf32>,
          %get3A_180 = arith.index_cast %add3A_166 : i32 to index
          %get3A_181 = arith.constant 16 : index
          %get3A_182 = tpu.vector_load %arg11[%get3A_180, %get3A_181] {strides = array<i32>} : memref<128x32xf32, #tpu.memory_space<vmem>>, vector<1x16xf32>,
          %get3A_183 = vector.shape_cast %get3A_182 : vector<1x16xf32> to vector<16xf32>
          %mul3A_184 = vector.broadcast %squeeze3A_168 : f32 to vector<16xf32>
          %mul3A_185 = arith.mulf %get3A_183, %mul3A_184 : vector<16xf32>
          %swap3A_186 = arith.index_cast %add3A_166 : i32 to index
          %swap3A_187 = arith.constant 16 : index
          %swap3A_188 = tpu.vector_load %arg11[%swap3A_186, %swap3A_187] {strides = array<i32>} : memref<128x32xf32, #tpu.memory_space<vmem>>, vector<1x16xf32>,
          %swap3A_189 = vector.shape_cast %swap3A_188 : vector<1x16xf32> to vector<16xf32>
          %swap3A_190 = vector.shape_cast %mul3A_185 : vector<16xf32> to vector<1x16xf32>
          tpu.vector_store %arg11[%swap3A_186, %swap3A_187], %swap3A_190 {strides = array<i32>} : memref<128x32xf32, #tpu.memory_space<vmem>>, vector<1x16xf32>,
          %mul3A_191 = arith.constant 16 : i32
          %mul3A_192 = arith.muli %scan3A_131, %mul3A_191 : i32
          %add3A_193 = arith.constant 2 : i32
          %add3A_194 = arith.addi %mul3A_192, %add3A_193 : i32
          %slice3A_195 = vector.extract_strided_slice %get3A_136 {offsets = [2], sizes = [1], strides = [1]} : vector<16xf32> to vector<1xf32>
          %squeeze3A_196 = vector.extract %slice3A_195[0] : f32 from vector<1xf32>
          %get3A_197 = arith.index_cast %add3A_194 : i32 to index
          %get3A_198 = arith.constant 0 : index
          %get3A_199 = tpu.vector_load %arg11[%get3A_197, %get3A_198] {strides = array<i32>} : memref<128x32xf32, #tpu.memory_space<vmem>>, vector<1x16xf32>,
          %get3A_200 = vector.shape_cast %get3A_199 : vector<1x16xf32> to vector<16xf32>
          %mul3A_201 = vector.broadcast %squeeze3A_196 : f32 to vector<16xf32>
          %mul3A_202 = arith.mulf %get3A_200, %mul3A_201 : vector<16xf32>
          %swap3A_203 = arith.index_cast %add3A_194 : i32 to index
          %swap3A_204 = arith.constant 0 : index
          %swap3A_205 = tpu.vector_load %arg11[%swap3A_203, %swap3A_204] {strides = array<i32>} : memref<128x32xf32, #tpu.memory_space<vmem>>, vector<1x16xf32>,
          %swap3A_206 = vector.shape_cast %swap3A_205 : vector<1x16xf32> to vector<16xf32>
          %swap3A_207 = vector.shape_cast %mul3A_202 : vector<16xf32> to vector<1x16xf32>
          tpu.vector_store %arg11[%swap3A_203, %swap3A_204], %swap3A_207 {strides = array<i32>} : memref<128x32xf32, #tpu.memory_space<vmem>>, vector<1x16xf32>,
          %get3A_208 = arith.index_cast %add3A_194 : i32 to index
          %get3A_209 = arith.constant 16 : index
          %get3A_210 = tpu.vector_load %arg11[%get3A_208, %get3A_209] {strides = array<i32>} : memref<128x32xf32, #tpu.memory_space<vmem>>, vector<1x16xf32>,
          %get3A_211 = vector.shape_cast %get3A_210 : vector<1x16xf32> to vector<16xf32>
          %mul3A_212 = vector.broadcast %squeeze3A_196 : f32 to vector<16xf32>
          %mul3A_213 = arith.mulf %get3A_211, %mul3A_212 : vector<16xf32>
          %swap3A_214 = arith.index_cast %add3A_194 : i32 to index
          %swap3A_215 = arith.constant 16 : index
          %swap3A_216 = tpu.vector_load %arg11[%swap3A_214, %swap3A_215] {strides = array<i32>} : memref<128x32xf32, #tpu.memory_space<vmem>>, vector<1x16xf32>,
          %swap3A_217 = vector.shape_cast %swap3A_216 : vector<1x16xf32> to vector<16xf32>
          %swap3A_218 = vector.shape_cast %mul3A_213 : vector<16xf32> to vector<1x16xf32>
          tpu.vector_store %arg11[%swap3A_214, %swap3A_215], %swap3A_218 {strides = array<i32>} : memref<128x32xf32, #tpu.memory_space<vmem>>, vector<1x16xf32>,
          %mul3A_219 = arith.constant 16 : i32
          %mul3A_220 = arith.muli %scan3A_131, %mul3A_219 : i32
          %add3A_221 = arith.constant 3 : i32
          %add3A_222 = arith.addi %mul3A_220, %add3A_221 : i32
          %slice3A_223 = vector.extract_strided_slice %get3A_136 {offsets = [3], sizes = [1], strides = [1]} : vector<16xf32> to vector<1xf32>
          %squeeze3A_224 = vector.extract %slice3A_223[0] : f32 from vector<1xf32>
          %get3A_225 = arith.index_cast %add3A_222 : i32 to index
          %get3A_226 = arith.constant 0 : index
          %get3A_227 = tpu.vector_load %arg11[%get3A_225, %get3A_226] {strides = array<i32>} : memref<128x32xf32, #tpu.memory_space<vmem>>, vector<1x16xf32>,
          %get3A_228 = vector.shape_cast %get3A_227 : vector<1x16xf32> to vector<16xf32>
          %mul3A_229 = vector.broadcast %squeeze3A_224 : f32 to vector<16xf32>
          %mul3A_230 = arith.mulf %get3A_228, %mul3A_229 : vector<16xf32>
          %swap3A_231 = arith.index_cast %add3A_222 : i32 to index
          %swap3A_232 = arith.constant 0 : index
          %swap3A_233 = tpu.vector_load %arg11[%swap3A_231, %swap3A_232] {strides = array<i32>} : memref<128x32xf32, #tpu.memory_space<vmem>>, vector<1x16xf32>,
          %swap3A_234 = vector.shape_cast %swap3A_233 : vector<1x16xf32> to vector<16xf32>
          %swap3A_235 = vector.shape_cast %mul3A_230 : vector<16xf32> to vector<1x16xf32>
          tpu.vector_store %arg11[%swap3A_231, %swap3A_232], %swap3A_235 {strides = array<i32>} : memref<128x32xf32, #tpu.memory_space<vmem>>, vector<1x16xf32>,
          %get3A_236 = arith.index_cast %add3A_222 : i32 to index
          %get3A_237 = arith.constant 16 : index
          %get3A_238 = tpu.vector_load %arg11[%get3A_236, %get3A_237] {strides = array<i32>} : memref<128x32xf32, #tpu.memory_space<vmem>>, vector<1x16xf32>,
          %get3A_239 = vector.shape_cast %get3A_238 : vector<1x16xf32> to vector<16xf32>
          %mul3A_240 = vector.broadcast %squeeze3A_224 : f32 to vector<16xf32>
          %mul3A_241 = arith.mulf %get3A_239, %mul3A_240 : vector<16xf32>
          %swap3A_242 = arith.index_cast %add3A_222 : i32 to index
          %swap3A_243 = arith.constant 16 : index
          %swap3A_244 = tpu.vector_load %arg11[%swap3A_242, %swap3A_243] {strides = array<i32>} : memref<128x32xf32, #tpu.memory_space<vmem>>, vector<1x16xf32>,
          %swap3A_245 = vector.shape_cast %swap3A_244 : vector<1x16xf32> to vector<16xf32>
          %swap3A_246 = vector.shape_cast %mul3A_241 : vector<16xf32> to vector<1x16xf32>
          tpu.vector_store %arg11[%swap3A_242, %swap3A_243], %swap3A_246 {strides = array<i32>} : memref<128x32xf32, #tpu.memory_space<vmem>>, vector<1x16xf32>,
          %mul3A_247 = arith.constant 16 : i32
          %mul3A_248 = arith.muli %scan3A_131, %mul3A_247 : i32
          %add3A_249 = arith.constant 4 : i32
          %add3A_250 = arith.addi %mul3A_248, %add3A_249 : i32
          %slice3A_251 = vector.extract_strided_slice %get3A_136 {offsets = [4], sizes = [1], strides = [1]} : vector<16xf32> to vector<1xf32>
          %squeeze3A_252 = vector.extract %slice3A_251[0] : f32 from vector<1xf32>
          %get3A_253 = arith.index_cast %add3A_250 : i32 to index
          %get3A_254 = arith.constant 0 : index
          %get3A_255 = tpu.vector_load %arg11[%get3A_253, %get3A_254] {strides = array<i32>} : memref<128x32xf32, #tpu.memory_space<vmem>>, vector<1x16xf32>,
          %get3A_256 = vector.shape_cast %get3A_255 : vector<1x16xf32> to vector<16xf32>
          %mul3A_257 = vector.broadcast %squeeze3A_252 : f32 to vector<16xf32>
          %mul3A_258 = arith.mulf %get3A_256, %mul3A_257 : vector<16xf32>
          %swap3A_259 = arith.index_cast %add3A_250 : i32 to index
          %swap3A_260 = arith.constant 0 : index
          %swap3A_261 = tpu.vector_load %arg11[%swap3A_259, %swap3A_260] {strides = array<i32>} : memref<128x32xf32, #tpu.memory_space<vmem>>, vector<1x16xf32>,
          %swap3A_262 = vector.shape_cast %swap3A_261 : vector<1x16xf32> to vector<16xf32>
          %swap3A_263 = vector.shape_cast %mul3A_258 : vector<16xf32> to vector<1x16xf32>
          tpu.vector_store %arg11[%swap3A_259, %swap3A_260], %swap3A_263 {strides = array<i32>} : memref<128x32xf32, #tpu.memory_space<vmem>>, vector<1x16xf32>,
          %get3A_264 = arith.index_cast %add3A_250 : i32 to index
          %get3A_265 = arith.constant 16 : index
          %get3A_266 = tpu.vector_load %arg11[%get3A_264, %get3A_265] {strides = array<i32>} : memref<128x32xf32, #tpu.memory_space<vmem>>, vector<1x16xf32>,
          %get3A_267 = vector.shape_cast %get3A_266 : vector<1x16xf32> to vector<16xf32>
          %mul3A_268 = vector.broadcast %squeeze3A_252 : f32 to vector<16xf32>
          %mul3A_269 = arith.mulf %get3A_267, %mul3A_268 : vector<16xf32>
          %swap3A_270 = arith.index_cast %add3A_250 : i32 to index
          %swap3A_271 = arith.constant 16 : index
          %swap3A_272 = tpu.vector_load %arg11[%swap3A_270, %swap3A_271] {strides = array<i32>} : memref<128x32xf32, #tpu.memory_space<vmem>>, vector<1x16xf32>,
          %swap3A_273 = vector.shape_cast %swap3A_272 : vector<1x16xf32> to vector<16xf32>
          %swap3A_274 = vector.shape_cast %mul3A_269 : vector<16xf32> to vector<1x16xf32>
          tpu.vector_store %arg11[%swap3A_270, %swap3A_271], %swap3A_274 {strides = array<i32>} : memref<128x32xf32, #tpu.memory_space<vmem>>, vector<1x16xf32>,
          %mul3A_275 = arith.constant 16 : i32
          %mul3A_276 = arith.muli %scan3A_131, %mul3A_275 : i32
          %add3A_277 = arith.constant 5 : i32
          %add3A_278 = arith.addi %mul3A_276, %add3A_277 : i32
          %slice3A_279 = vector.extract_strided_slice %get3A_136 {offsets = [5], sizes = [1], strides = [1]} : vector<16xf32> to vector<1xf32>
          %squeeze3A_280 = vector.extract %slice3A_279[0] : f32 from vector<1xf32>
          %get3A_281 = arith.index_cast %add3A_278 : i32 to index
          %get3A_282 = arith.constant 0 : index
          %get3A_283 = tpu.vector_load %arg11[%get3A_281, %get3A_282] {strides = array<i32>} : memref<128x32xf32, #tpu.memory_space<vmem>>, vector<1x16xf32>,
          %get3A_284 = vector.shape_cast %get3A_283 : vector<1x16xf32> to vector<16xf32>
          %mul3A_285 = vector.broadcast %squeeze3A_280 : f32 to vector<16xf32>
          %mul3A_286 = arith.mulf %get3A_284, %mul3A_285 : vector<16xf32>
          %swap3A_287 = arith.index_cast %add3A_278 : i32 to index
          %swap3A_288 = arith.constant 0 : index
          %swap3A_289 = tpu.vector_load %arg11[%swap3A_287, %swap3A_288] {strides = array<i32>} : memref<128x32xf32, #tpu.memory_space<vmem>>, vector<1x16xf32>,
          %swap3A_290 = vector.shape_cast %swap3A_289 : vector<1x16xf32> to vector<16xf32>
          %swap3A_291 = vector.shape_cast %mul3A_286 : vector<16xf32> to vector<1x16xf32>
          tpu.vector_store %arg11[%swap3A_287, %swap3A_288], %swap3A_291 {strides = array<i32>} : memref<128x32xf32, #tpu.memory_space<vmem>>, vector<1x16xf32>,
          %get3A_292 = arith.index_cast %add3A_278 : i32 to index
          %get3A_293 = arith.constant 16 : index
          %get3A_294 = tpu.vector_load %arg11[%get3A_292, %get3A_293] {strides = array<i32>} : memref<128x32xf32, #tpu.memory_space<vmem>>, vector<1x16xf32>,
          %get3A_295 = vector.shape_cast %get3A_294 : vector<1x16xf32> to vector<16xf32>
          %mul3A_296 = vector.broadcast %squeeze3A_280 : f32 to vector<16xf32>
          %mul3A_297 = arith.mulf %get3A_295, %mul3A_296 : vector<16xf32>
          %swap3A_298 = arith.index_cast %add3A_278 : i32 to index
          %swap3A_299 = arith.constant 16 : index
          %swap3A_300 = tpu.vector_load %arg11[%swap3A_298, %swap3A_299] {strides = array<i32>} : memref<128x32xf32, #tpu.memory_space<vmem>>, vector<1x16xf32>,
          %swap3A_301 = vector.shape_cast %swap3A_300 : vector<1x16xf32> to vector<16xf32>
          %swap3A_302 = vector.shape_cast %mul3A_297 : vector<16xf32> to vector<1x16xf32>
          tpu.vector_store %arg11[%swap3A_298, %swap3A_299], %swap3A_302 {strides = array<i32>} : memref<128x32xf32, #tpu.memory_space<vmem>>, vector<1x16xf32>,
          %mul3A_303 = arith.constant 16 : i32
          %mul3A_304 = arith.muli %scan3A_131, %mul3A_303 : i32
          %add3A_305 = arith.constant 6 : i32
          %add3A_306 = arith.addi %mul3A_304, %add3A_305 : i32
          %slice3A_307 = vector.extract_strided_slice %get3A_136 {offsets = [6], sizes = [1], strides = [1]} : vector<16xf32> to vector<1xf32>
          %squeeze3A_308 = vector.extract %slice3A_307[0] : f32 from vector<1xf32>
          %get3A_309 = arith.index_cast %add3A_306 : i32 to index
          %get3A_310 = arith.constant 0 : index
          %get3A_311 = tpu.vector_load %arg11[%get3A_309, %get3A_310] {strides = array<i32>} : memref<128x32xf32, #tpu.memory_space<vmem>>, vector<1x16xf32>,
          %get3A_312 = vector.shape_cast %get3A_311 : vector<1x16xf32> to vector<16xf32>
          %mul3A_313 = vector.broadcast %squeeze3A_308 : f32 to vector<16xf32>
          %mul3A_314 = arith.mulf %get3A_312, %mul3A_313 : vector<16xf32>
          %swap3A_315 = arith.index_cast %add3A_306 : i32 to index
          %swap3A_316 = arith.constant 0 : index
          %swap3A_317 = tpu.vector_load %arg11[%swap3A_315, %swap3A_316] {strides = array<i32>} : memref<128x32xf32, #tpu.memory_space<vmem>>, vector<1x16xf32>,
          %swap3A_318 = vector.shape_cast %swap3A_317 : vector<1x16xf32> to vector<16xf32>
          %swap3A_319 = vector.shape_cast %mul3A_314 : vector<16xf32> to vector<1x16xf32>
          tpu.vector_store %arg11[%swap3A_315, %swap3A_316], %swap3A_319 {strides = array<i32>} : memref<128x32xf32, #tpu.memory_space<vmem>>, vector<1x16xf32>,
          %get3A_320 = arith.index_cast %add3A_306 : i32 to index
          %get3A_321 = arith.constant 16 : index
          %get3A_322 = tpu.vector_load %arg11[%get3A_320, %get3A_321] {strides = array<i32>} : memref<128x32xf32, #tpu.memory_space<vmem>>, vector<1x16xf32>,
          %get3A_323 = vector.shape_cast %get3A_322 : vector<1x16xf32> to vector<16xf32>
          %mul3A_324 = vector.broadcast %squeeze3A_308 : f32 to vector<16xf32>
          %mul3A_325 = arith.mulf %get3A_323, %mul3A_324 : vector<16xf32>
          %swap3A_326 = arith.index_cast %add3A_306 : i32 to index
          %swap3A_327 = arith.constant 16 : index
          %swap3A_328 = tpu.vector_load %arg11[%swap3A_326, %swap3A_327] {strides = array<i32>} : memref<128x32xf32, #tpu.memory_space<vmem>>, vector<1x16xf32>,
          %swap3A_329 = vector.shape_cast %swap3A_328 : vector<1x16xf32> to vector<16xf32>
          %swap3A_330 = vector.shape_cast %mul3A_325 : vector<16xf32> to vector<1x16xf32>
          tpu.vector_store %arg11[%swap3A_326, %swap3A_327], %swap3A_330 {strides = array<i32>} : memref<128x32xf32, #tpu.memory_space<vmem>>, vector<1x16xf32>,
          %mul3A_331 = arith.constant 16 : i32
          %mul3A_332 = arith.muli %scan3A_131, %mul3A_331 : i32
          %add3A_333 = arith.constant 7 : i32
          %add3A_334 = arith.addi %mul3A_332, %add3A_333 : i32
          %slice3A_335 = vector.extract_strided_slice %get3A_136 {offsets = [7], sizes = [1], strides = [1]} : vector<16xf32> to vector<1xf32>
          %squeeze3A_336 = vector.extract %slice3A_335[0] : f32 from vector<1xf32>
          %get3A_337 = arith.index_cast %add3A_334 : i32 to index
          %get3A_338 = arith.constant 0 : index
          %get3A_339 = tpu.vector_load %arg11[%get3A_337, %get3A_338] {strides = array<i32>} : memref<128x32xf32, #tpu.memory_space<vmem>>, vector<1x16xf32>,
          %get3A_340 = vector.shape_cast %get3A_339 : vector<1x16xf32> to vector<16xf32>
          %mul3A_341 = vector.broadcast %squeeze3A_336 : f32 to vector<16xf32>
          %mul3A_342 = arith.mulf %get3A_340, %mul3A_341 : vector<16xf32>
          %swap3A_343 = arith.index_cast %add3A_334 : i32 to index
          %swap3A_344 = arith.constant 0 : index
          %swap3A_345 = tpu.vector_load %arg11[%swap3A_343, %swap3A_344] {strides = array<i32>} : memref<128x32xf32, #tpu.memory_space<vmem>>, vector<1x16xf32>,
          %swap3A_346 = vector.shape_cast %swap3A_345 : vector<1x16xf32> to vector<16xf32>
          %swap3A_347 = vector.shape_cast %mul3A_342 : vector<16xf32> to vector<1x16xf32>
          tpu.vector_store %arg11[%swap3A_343, %swap3A_344], %swap3A_347 {strides = array<i32>} : memref<128x32xf32, #tpu.memory_space<vmem>>, vector<1x16xf32>,
          %get3A_348 = arith.index_cast %add3A_334 : i32 to index
          %get3A_349 = arith.constant 16 : index
          %get3A_350 = tpu.vector_load %arg11[%get3A_348, %get3A_349] {strides = array<i32>} : memref<128x32xf32, #tpu.memory_space<vmem>>, vector<1x16xf32>,
          %get3A_351 = vector.shape_cast %get3A_350 : vector<1x16xf32> to vector<16xf32>
          %mul3A_352 = vector.broadcast %squeeze3A_336 : f32 to vector<16xf32>
          %mul3A_353 = arith.mulf %get3A_351, %mul3A_352 : vector<16xf32>
          %swap3A_354 = arith.index_cast %add3A_334 : i32 to index
          %swap3A_355 = arith.constant 16 : index
          %swap3A_356 = tpu.vector_load %arg11[%swap3A_354, %swap3A_355] {strides = array<i32>} : memref<128x32xf32, #tpu.memory_space<vmem>>, vector<1x16xf32>,
          %swap3A_357 = vector.shape_cast %swap3A_356 : vector<1x16xf32> to vector<16xf32>
          %swap3A_358 = vector.shape_cast %mul3A_353 : vector<16xf32> to vector<1x16xf32>
          tpu.vector_store %arg11[%swap3A_354, %swap3A_355], %swap3A_358 {strides = array<i32>} : memref<128x32xf32, #tpu.memory_space<vmem>>, vector<1x16xf32>,
          %mul3A_359 = arith.constant 16 : i32
          %mul3A_360 = arith.muli %scan3A_131, %mul3A_359 : i32
          %add3A_361 = arith.constant 8 : i32
          %add3A_362 = arith.addi %mul3A_360, %add3A_361 : i32
          %slice3A_363 = vector.extract_strided_slice %get3A_136 {offsets = [8], sizes = [1], strides = [1]} : vector<16xf32> to vector<1xf32>
          %squeeze3A_364 = vector.extract %slice3A_363[0] : f32 from vector<1xf32>
          %get3A_365 = arith.index_cast %add3A_362 : i32 to index
          %get3A_366 = arith.constant 0 : index
          %get3A_367 = tpu.vector_load %arg11[%get3A_365, %get3A_366] {strides = array<i32>} : memref<128x32xf32, #tpu.memory_space<vmem>>, vector<1x16xf32>,
          %get3A_368 = vector.shape_cast %get3A_367 : vector<1x16xf32> to vector<16xf32>
          %mul3A_369 = vector.broadcast %squeeze3A_364 : f32 to vector<16xf32>
          %mul3A_370 = arith.mulf %get3A_368, %mul3A_369 : vector<16xf32>
          %swap3A_371 = arith.index_cast %add3A_362 : i32 to index
          %swap3A_372 = arith.constant 0 : index
          %swap3A_373 = tpu.vector_load %arg11[%swap3A_371, %swap3A_372] {strides = array<i32>} : memref<128x32xf32, #tpu.memory_space<vmem>>, vector<1x16xf32>,
          %swap3A_374 = vector.shape_cast %swap3A_373 : vector<1x16xf32> to vector<16xf32>
          %swap3A_375 = vector.shape_cast %mul3A_370 : vector<16xf32> to vector<1x16xf32>
          tpu.vector_store %arg11[%swap3A_371, %swap3A_372], %swap3A_375 {strides = array<i32>} : memref<128x32xf32, #tpu.memory_space<vmem>>, vector<1x16xf32>,
          %get3A_376 = arith.index_cast %add3A_362 : i32 to index
          %get3A_377 = arith.constant 16 : index
          %get3A_378 = tpu.vector_load %arg11[%get3A_376, %get3A_377] {strides = array<i32>} : memref<128x32xf32, #tpu.memory_space<vmem>>, vector<1x16xf32>,
          %get3A_379 = vector.shape_cast %get3A_378 : vector<1x16xf32> to vector<16xf32>
          %mul3A_380 = vector.broadcast %squeeze3A_364 : f32 to vector<16xf32>
          %mul3A_381 = arith.mulf %get3A_379, %mul3A_380 : vector<16xf32>
          %swap3A_382 = arith.index_cast %add3A_362 : i32 to index
          %swap3A_383 = arith.constant 16 : index
          %swap3A_384 = tpu.vector_load %arg11[%swap3A_382, %swap3A_383] {strides = array<i32>} : memref<128x32xf32, #tpu.memory_space<vmem>>, vector<1x16xf32>,
          %swap3A_385 = vector.shape_cast %swap3A_384 : vector<1x16xf32> to vector<16xf32>
          %swap3A_386 = vector.shape_cast %mul3A_381 : vector<16xf32> to vector<1x16xf32>
          tpu.vector_store %arg11[%swap3A_382, %swap3A_383], %swap3A_386 {strides = array<i32>} : memref<128x32xf32, #tpu.memory_space<vmem>>, vector<1x16xf32>,
          %mul3A_387 = arith.constant 16 : i32
          %mul3A_388 = arith.muli %scan3A_131, %mul3A_387 : i32
          %add3A_389 = arith.constant 9 : i32
          %add3A_390 = arith.addi %mul3A_388, %add3A_389 : i32
          %slice3A_391 = vector.extract_strided_slice %get3A_136 {offsets = [9], sizes = [1], strides = [1]} : vector<16xf32> to vector<1xf32>
          %squeeze3A_392 = vector.extract %slice3A_391[0] : f32 from vector<1xf32>
          %get3A_393 = arith.index_cast %add3A_390 : i32 to index
          %get3A_394 = arith.constant 0 : index
          %get3A_395 = tpu.vector_load %arg11[%get3A_393, %get3A_394] {strides = array<i32>} : memref<128x32xf32, #tpu.memory_space<vmem>>, vector<1x16xf32>,
          %get3A_396 = vector.shape_cast %get3A_395 : vector<1x16xf32> to vector<16xf32>
          %mul3A_397 = vector.broadcast %squeeze3A_392 : f32 to vector<16xf32>
          %mul3A_398 = arith.mulf %get3A_396, %mul3A_397 : vector<16xf32>
          %swap3A_399 = arith.index_cast %add3A_390 : i32 to index
          %swap3A_400 = arith.constant 0 : index
          %swap3A_401 = tpu.vector_load %arg11[%swap3A_399, %swap3A_400] {strides = array<i32>} : memref<128x32xf32, #tpu.memory_space<vmem>>, vector<1x16xf32>,
          %swap3A_402 = vector.shape_cast %swap3A_401 : vector<1x16xf32> to vector<16xf32>
          %swap3A_403 = vector.shape_cast %mul3A_398 : vector<16xf32> to vector<1x16xf32>
          tpu.vector_store %arg11[%swap3A_399, %swap3A_400], %swap3A_403 {strides = array<i32>} : memref<128x32xf32, #tpu.memory_space<vmem>>, vector<1x16xf32>,
          %get3A_404 = arith.index_cast %add3A_390 : i32 to index
          %get3A_405 = arith.constant 16 : index
          %get3A_406 = tpu.vector_load %arg11[%get3A_404, %get3A_405] {strides = array<i32>} : memref<128x32xf32, #tpu.memory_space<vmem>>, vector<1x16xf32>,
          %get3A_407 = vector.shape_cast %get3A_406 : vector<1x16xf32> to vector<16xf32>
          %mul3A_408 = vector.broadcast %squeeze3A_392 : f32 to vector<16xf32>
          %mul3A_409 = arith.mulf %get3A_407, %mul3A_408 : vector<16xf32>
          %swap3A_410 = arith.index_cast %add3A_390 : i32 to index
          %swap3A_411 = arith.constant 16 : index
          %swap3A_412 = tpu.vector_load %arg11[%swap3A_410, %swap3A_411] {strides = array<i32>} : memref<128x32xf32, #tpu.memory_space<vmem>>, vector<1x16xf32>,
          %swap3A_413 = vector.shape_cast %swap3A_412 : vector<1x16xf32> to vector<16xf32>
          %swap3A_414 = vector.shape_cast %mul3A_409 : vector<16xf32> to vector<1x16xf32>
          tpu.vector_store %arg11[%swap3A_410, %swap3A_411], %swap3A_414 {strides = array<i32>} : memref<128x32xf32, #tpu.memory_space<vmem>>, vector<1x16xf32>,
          %mul3A_415 = arith.constant 16 : i32
          %mul3A_416 = arith.muli %scan3A_131, %mul3A_415 : i32
          %add3A_417 = arith.constant 10 : i32
          %add3A_418 = arith.addi %mul3A_416, %add3A_417 : i32
          %slice3A_419 = vector.extract_strided_slice %get3A_136 {offsets = [10], sizes = [1], strides = [1]} : vector<16xf32> to vector<1xf32>
          %squeeze3A_420 = vector.extract %slice3A_419[0] : f32 from vector<1xf32>
          %get3A_421 = arith.index_cast %add3A_418 : i32 to index
          %get3A_422 = arith.constant 0 : index
          %get3A_423 = tpu.vector_load %arg11[%get3A_421, %get3A_422] {strides = array<i32>} : memref<128x32xf32, #tpu.memory_space<vmem>>, vector<1x16xf32>,
          %get3A_424 = vector.shape_cast %get3A_423 : vector<1x16xf32> to vector<16xf32>
          %mul3A_425 = vector.broadcast %squeeze3A_420 : f32 to vector<16xf32>
          %mul3A_426 = arith.mulf %get3A_424, %mul3A_425 : vector<16xf32>
          %swap3A_427 = arith.index_cast %add3A_418 : i32 to index
          %swap3A_428 = arith.constant 0 : index
          %swap3A_429 = tpu.vector_load %arg11[%swap3A_427, %swap3A_428] {strides = array<i32>} : memref<128x32xf32, #tpu.memory_space<vmem>>, vector<1x16xf32>,
          %swap3A_430 = vector.shape_cast %swap3A_429 : vector<1x16xf32> to vector<16xf32>
          %swap3A_431 = vector.shape_cast %mul3A_426 : vector<16xf32> to vector<1x16xf32>
          tpu.vector_store %arg11[%swap3A_427, %swap3A_428], %swap3A_431 {strides = array<i32>} : memref<128x32xf32, #tpu.memory_space<vmem>>, vector<1x16xf32>,
          %get3A_432 = arith.index_cast %add3A_418 : i32 to index
          %get3A_433 = arith.constant 16 : index
          %get3A_434 = tpu.vector_load %arg11[%get3A_432, %get3A_433] {strides = array<i32>} : memref<128x32xf32, #tpu.memory_space<vmem>>, vector<1x16xf32>,
          %get3A_435 = vector.shape_cast %get3A_434 : vector<1x16xf32> to vector<16xf32>
          %mul3A_436 = vector.broadcast %squeeze3A_420 : f32 to vector<16xf32>
          %mul3A_437 = arith.mulf %get3A_435, %mul3A_436 : vector<16xf32>
          %swap3A_438 = arith.index_cast %add3A_418 : i32 to index
          %swap3A_439 = arith.constant 16 : index
          %swap3A_440 = tpu.vector_load %arg11[%swap3A_438, %swap3A_439] {strides = array<i32>} : memref<128x32xf32, #tpu.memory_space<vmem>>, vector<1x16xf32>,
          %swap3A_441 = vector.shape_cast %swap3A_440 : vector<1x16xf32> to vector<16xf32>
          %swap3A_442 = vector.shape_cast %mul3A_437 : vector<16xf32> to vector<1x16xf32>
          tpu.vector_store %arg11[%swap3A_438, %swap3A_439], %swap3A_442 {strides = array<i32>} : memref<128x32xf32, #tpu.memory_space<vmem>>, vector<1x16xf32>,
          %mul3A_443 = arith.constant 16 : i32
          %mul3A_444 = arith.muli %scan3A_131, %mul3A_443 : i32
          %add3A_445 = arith.constant 11 : i32
          %add3A_446 = arith.addi %mul3A_444, %add3A_445 : i32
          %slice3A_447 = vector.extract_strided_slice %get3A_136 {offsets = [11], sizes = [1], strides = [1]} : vector<16xf32> to vector<1xf32>
          %squeeze3A_448 = vector.extract %slice3A_447[0] : f32 from vector<1xf32>
          %get3A_449 = arith.index_cast %add3A_446 : i32 to index
          %get3A_450 = arith.constant 0 : index
          %get3A_451 = tpu.vector_load %arg11[%get3A_449, %get3A_450] {strides = array<i32>} : memref<128x32xf32, #tpu.memory_space<vmem>>, vector<1x16xf32>,
          %get3A_452 = vector.shape_cast %get3A_451 : vector<1x16xf32> to vector<16xf32>
          %mul3A_453 = vector.broadcast %squeeze3A_448 : f32 to vector<16xf32>
          %mul3A_454 = arith.mulf %get3A_452, %mul3A_453 : vector<16xf32>
          %swap3A_455 = arith.index_cast %add3A_446 : i32 to index
          %swap3A_456 = arith.constant 0 : index
          %swap3A_457 = tpu.vector_load %arg11[%swap3A_455, %swap3A_456] {strides = array<i32>} : memref<128x32xf32, #tpu.memory_space<vmem>>, vector<1x16xf32>,
          %swap3A_458 = vector.shape_cast %swap3A_457 : vector<1x16xf32> to vector<16xf32>
          %swap3A_459 = vector.shape_cast %mul3A_454 : vector<16xf32> to vector<1x16xf32>
          tpu.vector_store %arg11[%swap3A_455, %swap3A_456], %swap3A_459 {strides = array<i32>} : memref<128x32xf32, #tpu.memory_space<vmem>>, vector<1x16xf32>,
          %get3A_460 = arith.index_cast %add3A_446 : i32 to index
          %get3A_461 = arith.constant 16 : index
          %get3A_462 = tpu.vector_load %arg11[%get3A_460, %get3A_461] {strides = array<i32>} : memref<128x32xf32, #tpu.memory_space<vmem>>, vector<1x16xf32>,
          %get3A_463 = vector.shape_cast %get3A_462 : vector<1x16xf32> to vector<16xf32>
          %mul3A_464 = vector.broadcast %squeeze3A_448 : f32 to vector<16xf32>
          %mul3A_465 = arith.mulf %get3A_463, %mul3A_464 : vector<16xf32>
          %swap3A_466 = arith.index_cast %add3A_446 : i32 to index
          %swap3A_467 = arith.constant 16 : index
          %swap3A_468 = tpu.vector_load %arg11[%swap3A_466, %swap3A_467] {strides = array<i32>} : memref<128x32xf32, #tpu.memory_space<vmem>>, vector<1x16xf32>,
          %swap3A_469 = vector.shape_cast %swap3A_468 : vector<1x16xf32> to vector<16xf32>
          %swap3A_470 = vector.shape_cast %mul3A_465 : vector<16xf32> to vector<1x16xf32>
          tpu.vector_store %arg11[%swap3A_466, %swap3A_467], %swap3A_470 {strides = array<i32>} : memref<128x32xf32, #tpu.memory_space<vmem>>, vector<1x16xf32>,
          %mul3A_471 = arith.constant 16 : i32
          %mul3A_472 = arith.muli %scan3A_131, %mul3A_471 : i32
          %add3A_473 = arith.constant 12 : i32
          %add3A_474 = arith.addi %mul3A_472, %add3A_473 : i32
          %slice3A_475 = vector.extract_strided_slice %get3A_136 {offsets = [12], sizes = [1], strides = [1]} : vector<16xf32> to vector<1xf32>
          %squeeze3A_476 = vector.extract %slice3A_475[0] : f32 from vector<1xf32>
          %get3A_477 = arith.index_cast %add3A_474 : i32 to index
          %get3A_478 = arith.constant 0 : index
          %get3A_479 = tpu.vector_load %arg11[%get3A_477, %get3A_478] {strides = array<i32>} : memref<128x32xf32, #tpu.memory_space<vmem>>, vector<1x16xf32>,
          %get3A_480 = vector.shape_cast %get3A_479 : vector<1x16xf32> to vector<16xf32>
          %mul3A_481 = vector.broadcast %squeeze3A_476 : f32 to vector<16xf32>
          %mul3A_482 = arith.mulf %get3A_480, %mul3A_481 : vector<16xf32>
          %swap3A_483 = arith.index_cast %add3A_474 : i32 to index
          %swap3A_484 = arith.constant 0 : index
          %swap3A_485 = tpu.vector_load %arg11[%swap3A_483, %swap3A_484] {strides = array<i32>} : memref<128x32xf32, #tpu.memory_space<vmem>>, vector<1x16xf32>,
          %swap3A_486 = vector.shape_cast %swap3A_485 : vector<1x16xf32> to vector<16xf32>
          %swap3A_487 = vector.shape_cast %mul3A_482 : vector<16xf32> to vector<1x16xf32>
          tpu.vector_store %arg11[%swap3A_483, %swap3A_484], %swap3A_487 {strides = array<i32>} : memref<128x32xf32, #tpu.memory_space<vmem>>, vector<1x16xf32>,
          %get3A_488 = arith.index_cast %add3A_474 : i32 to index
          %get3A_489 = arith.constant 16 : index
          %get3A_490 = tpu.vector_load %arg11[%get3A_488, %get3A_489] {strides = array<i32>} : memref<128x32xf32, #tpu.memory_space<vmem>>, vector<1x16xf32>,
          %get3A_491 = vector.shape_cast %get3A_490 : vector<1x16xf32> to vector<16xf32>
          %mul3A_492 = vector.broadcast %squeeze3A_476 : f32 to vector<16xf32>
          %mul3A_493 = arith.mulf %get3A_491, %mul3A_492 : vector<16xf32>
          %swap3A_494 = arith.index_cast %add3A_474 : i32 to index
          %swap3A_495 = arith.constant 16 : index
          %swap3A_496 = tpu.vector_load %arg11[%swap3A_494, %swap3A_495] {strides = array<i32>} : memref<128x32xf32, #tpu.memory_space<vmem>>, vector<1x16xf32>,
          %swap3A_497 = vector.shape_cast %swap3A_496 : vector<1x16xf32> to vector<16xf32>
          %swap3A_498 = vector.shape_cast %mul3A_493 : vector<16xf32> to vector<1x16xf32>
          tpu.vector_store %arg11[%swap3A_494, %swap3A_495], %swap3A_498 {strides = array<i32>} : memref<128x32xf32, #tpu.memory_space<vmem>>, vector<1x16xf32>,
          %mul3A_499 = arith.constant 16 : i32
          %mul3A_500 = arith.muli %scan3A_131, %mul3A_499 : i32
          %add3A_501 = arith.constant 13 : i32
          %add3A_502 = arith.addi %mul3A_500, %add3A_501 : i32
          %slice3A_503 = vector.extract_strided_slice %get3A_136 {offsets = [13], sizes = [1], strides = [1]} : vector<16xf32> to vector<1xf32>
          %squeeze3A_504 = vector.extract %slice3A_503[0] : f32 from vector<1xf32>
          %get3A_505 = arith.index_cast %add3A_502 : i32 to index
          %get3A_506 = arith.constant 0 : index
          %get3A_507 = tpu.vector_load %arg11[%get3A_505, %get3A_506] {strides = array<i32>} : memref<128x32xf32, #tpu.memory_space<vmem>>, vector<1x16xf32>,
          %get3A_508 = vector.shape_cast %get3A_507 : vector<1x16xf32> to vector<16xf32>
          %mul3A_509 = vector.broadcast %squeeze3A_504 : f32 to vector<16xf32>
          %mul3A_510 = arith.mulf %get3A_508, %mul3A_509 : vector<16xf32>
          %swap3A_511 = arith.index_cast %add3A_502 : i32 to index
          %swap3A_512 = arith.constant 0 : index
          %swap3A_513 = tpu.vector_load %arg11[%swap3A_511, %swap3A_512] {strides = array<i32>} : memref<128x32xf32, #tpu.memory_space<vmem>>, vector<1x16xf32>,
          %swap3A_514 = vector.shape_cast %swap3A_513 : vector<1x16xf32> to vector<16xf32>
          %swap3A_515 = vector.shape_cast %mul3A_510 : vector<16xf32> to vector<1x16xf32>
          tpu.vector_store %arg11[%swap3A_511, %swap3A_512], %swap3A_515 {strides = array<i32>} : memref<128x32xf32, #tpu.memory_space<vmem>>, vector<1x16xf32>,
          %get3A_516 = arith.index_cast %add3A_502 : i32 to index
          %get3A_517 = arith.constant 16 : index
          %get3A_518 = tpu.vector_load %arg11[%get3A_516, %get3A_517] {strides = array<i32>} : memref<128x32xf32, #tpu.memory_space<vmem>>, vector<1x16xf32>,
          %get3A_519 = vector.shape_cast %get3A_518 : vector<1x16xf32> to vector<16xf32>
          %mul3A_520 = vector.broadcast %squeeze3A_504 : f32 to vector<16xf32>
          %mul3A_521 = arith.mulf %get3A_519, %mul3A_520 : vector<16xf32>
          %swap3A_522 = arith.index_cast %add3A_502 : i32 to index
          %swap3A_523 = arith.constant 16 : index
          %swap3A_524 = tpu.vector_load %arg11[%swap3A_522, %swap3A_523] {strides = array<i32>} : memref<128x32xf32, #tpu.memory_space<vmem>>, vector<1x16xf32>,
          %swap3A_525 = vector.shape_cast %swap3A_524 : vector<1x16xf32> to vector<16xf32>
          %swap3A_526 = vector.shape_cast %mul3A_521 : vector<16xf32> to vector<1x16xf32>
          tpu.vector_store %arg11[%swap3A_522, %swap3A_523], %swap3A_526 {strides = array<i32>} : memref<128x32xf32, #tpu.memory_space<vmem>>, vector<1x16xf32>,
          %mul3A_527 = arith.constant 16 : i32
          %mul3A_528 = arith.muli %scan3A_131, %mul3A_527 : i32
          %add3A_529 = arith.constant 14 : i32
          %add3A_530 = arith.addi %mul3A_528, %add3A_529 : i32
          %slice3A_531 = vector.extract_strided_slice %get3A_136 {offsets = [14], sizes = [1], strides = [1]} : vector<16xf32> to vector<1xf32>
          %squeeze3A_532 = vector.extract %slice3A_531[0] : f32 from vector<1xf32>
          %get3A_533 = arith.index_cast %add3A_530 : i32 to index
          %get3A_534 = arith.constant 0 : index
          %get3A_535 = tpu.vector_load %arg11[%get3A_533, %get3A_534] {strides = array<i32>} : memref<128x32xf32, #tpu.memory_space<vmem>>, vector<1x16xf32>,
          %get3A_536 = vector.shape_cast %get3A_535 : vector<1x16xf32> to vector<16xf32>
          %mul3A_537 = vector.broadcast %squeeze3A_532 : f32 to vector<16xf32>
          %mul3A_538 = arith.mulf %get3A_536, %mul3A_537 : vector<16xf32>
          %swap3A_539 = arith.index_cast %add3A_530 : i32 to index
          %swap3A_540 = arith.constant 0 : index
          %swap3A_541 = tpu.vector_load %arg11[%swap3A_539, %swap3A_540] {strides = array<i32>} : memref<128x32xf32, #tpu.memory_space<vmem>>, vector<1x16xf32>,
          %swap3A_542 = vector.shape_cast %swap3A_541 : vector<1x16xf32> to vector<16xf32>
          %swap3A_543 = vector.shape_cast %mul3A_538 : vector<16xf32> to vector<1x16xf32>
          tpu.vector_store %arg11[%swap3A_539, %swap3A_540], %swap3A_543 {strides = array<i32>} : memref<128x32xf32, #tpu.memory_space<vmem>>, vector<1x16xf32>,
          %get3A_544 = arith.index_cast %add3A_530 : i32 to index
          %get3A_545 = arith.constant 16 : index
          %get3A_546 = tpu.vector_load %arg11[%get3A_544, %get3A_545] {strides = array<i32>} : memref<128x32xf32, #tpu.memory_space<vmem>>, vector<1x16xf32>,
          %get3A_547 = vector.shape_cast %get3A_546 : vector<1x16xf32> to vector<16xf32>
          %mul3A_548 = vector.broadcast %squeeze3A_532 : f32 to vector<16xf32>
          %mul3A_549 = arith.mulf %get3A_547, %mul3A_548 : vector<16xf32>
          %swap3A_550 = arith.index_cast %add3A_530 : i32 to index
          %swap3A_551 = arith.constant 16 : index
          %swap3A_552 = tpu.vector_load %arg11[%swap3A_550, %swap3A_551] {strides = array<i32>} : memref<128x32xf32, #tpu.memory_space<vmem>>, vector<1x16xf32>,
          %swap3A_553 = vector.shape_cast %swap3A_552 : vector<1x16xf32> to vector<16xf32>
          %swap3A_554 = vector.shape_cast %mul3A_549 : vector<16xf32> to vector<1x16xf32>
          tpu.vector_store %arg11[%swap3A_550, %swap3A_551], %swap3A_554 {strides = array<i32>} : memref<128x32xf32, #tpu.memory_space<vmem>>, vector<1x16xf32>,
          %mul3A_555 = arith.constant 16 : i32
          %mul3A_556 = arith.muli %scan3A_131, %mul3A_555 : i32
          %add3A_557 = arith.constant 15 : i32
          %add3A_558 = arith.addi %mul3A_556, %add3A_557 : i32
          %slice3A_559 = vector.extract_strided_slice %get3A_136 {offsets = [15], sizes = [1], strides = [1]} : vector<16xf32> to vector<1xf32>
          %squeeze3A_560 = vector.extract %slice3A_559[0] : f32 from vector<1xf32>
          %get3A_561 = arith.index_cast %add3A_558 : i32 to index
          %get3A_562 = arith.constant 0 : index
          %get3A_563 = tpu.vector_load %arg11[%get3A_561, %get3A_562] {strides = array<i32>} : memref<128x32xf32, #tpu.memory_space<vmem>>, vector<1x16xf32>,
          %get3A_564 = vector.shape_cast %get3A_563 : vector<1x16xf32> to vector<16xf32>
          %mul3A_565 = vector.broadcast %squeeze3A_560 : f32 to vector<16xf32>
          %mul3A_566 = arith.mulf %get3A_564, %mul3A_565 : vector<16xf32>
          %swap3A_567 = arith.index_cast %add3A_558 : i32 to index
          %swap3A_568 = arith.constant 0 : index
          %swap3A_569 = tpu.vector_load %arg11[%swap3A_567, %swap3A_568] {strides = array<i32>} : memref<128x32xf32, #tpu.memory_space<vmem>>, vector<1x16xf32>,
          %swap3A_570 = vector.shape_cast %swap3A_569 : vector<1x16xf32> to vector<16xf32>
          %swap3A_571 = vector.shape_cast %mul3A_566 : vector<16xf32> to vector<1x16xf32>
          tpu.vector_store %arg11[%swap3A_567, %swap3A_568], %swap3A_571 {strides = array<i32>} : memref<128x32xf32, #tpu.memory_space<vmem>>, vector<1x16xf32>,
          %get3A_572 = arith.index_cast %add3A_558 : i32 to index
          %get3A_573 = arith.constant 16 : index
          %get3A_574 = tpu.vector_load %arg11[%get3A_572, %get3A_573] {strides = array<i32>} : memref<128x32xf32, #tpu.memory_space<vmem>>, vector<1x16xf32>,
          %get3A_575 = vector.shape_cast %get3A_574 : vector<1x16xf32> to vector<16xf32>
          %mul3A_576 = vector.broadcast %squeeze3A_560 : f32 to vector<16xf32>
          %mul3A_577 = arith.mulf %get3A_575, %mul3A_576 : vector<16xf32>
          %swap3A_578 = arith.index_cast %add3A_558 : i32 to index
          %swap3A_579 = arith.constant 16 : index
          %swap3A_580 = tpu.vector_load %arg11[%swap3A_578, %swap3A_579] {strides = array<i32>} : memref<128x32xf32, #tpu.memory_space<vmem>>, vector<1x16xf32>,
          %swap3A_581 = vector.shape_cast %swap3A_580 : vector<1x16xf32> to vector<16xf32>
          %swap3A_582 = vector.shape_cast %mul3A_577 : vector<16xf32> to vector<1x16xf32>
          tpu.vector_store %arg11[%swap3A_578, %swap3A_579], %swap3A_582 {strides = array<i32>} : memref<128x32xf32, #tpu.memory_space<vmem>>, vector<1x16xf32>,
        }
        %scan3A_130 = arith.constant 8 : i32
        "tpu.region"() ({
          %run_scoped3A = tpu.sem_alloc : memref<!tpu.dma_semaphore, #tpu.memory_space<semaphore_mem>>
          %dma_start3A_131 = arith.constant 0 : i32
          %dma_start3A_132 = arith.constant 0 : i32
          %dma_start3A_133 = tpu.memref_slice %arg13[%dma_start3A_131, %dma_start3A_132] : memref<50000x32xf32, #tpu.memory_space<vmem_shared>> -> memref<50000x32xf32, #tpu.memory_space<vmem_shared>>
          tpu.enqueue_indirect_dma source(%arg11 : memref<128x32xf32, #tpu.memory_space<vmem>>) target(%dma_start3A_133 : memref<50000x32xf32, #tpu.memory_space<vmem_shared>>) offsets(%arg8 : memref<128xi32, #tpu.memory_space<vmem>>) semaphore(%run_scoped3A : memref<!tpu.dma_semaphore, #tpu.memory_space<semaphore_mem>>) {add = true}
          %dma_wait3A_134 = arith.constant 0 : i32
          %dma_wait3A_135 = arith.constant 0 : i32
          %dma_wait3A_136 = tpu.memref_slice %arg13[%dma_wait3A_134, %dma_wait3A_135] : memref<50000x32xf32, #tpu.memory_space<vmem_shared>> -> memref<50000x32xf32, #tpu.memory_space<vmem_shared>>
          tpu.wait_indirect_dma semaphore(%run_scoped3A : memref<!tpu.dma_semaphore, #tpu.memory_space<semaphore_mem>>) src(%arg11 : memref<128x32xf32, #tpu.memory_space<vmem>>) dst(%dma_wait3A_136 : memref<50000x32xf32, #tpu.memory_space<vmem_shared>>)
          tpu.yield
        }) : () -> ()
      }
      %while3A_36 = arith.constant 1 : i32
      scf.for %while3A_45 = %while3A_34 to %while3A_30 step %while3A_36  : i32 {
        %mul3A_46 = arith.constant 16 : i32
        %mul3A_47 = arith.muli %while3A_45, %mul3A_46 : i32
        %add3A_48 = arith.addi %arg1, %mul3A_47 : i32
        %mul3A_49 = arith.constant 128 : i32
        %mul3A_50 = arith.muli %add3A_48, %mul3A_49 : i32
        "tpu.region"() ({
          %run_scoped3A = tpu.sem_alloc : memref<!tpu.dma_semaphore, #tpu.memory_space<semaphore_mem>>
          %dma_start3A_131 = tpu.memref_slice %arg3[%mul3A_50] : memref<800000xi32, #tpu.memory_space<hbm>> -> memref<128xi32, #tpu.memory_space<hbm>>
          %dma_start3A_132 = tpu.memref_slice %arg3[%mul3A_50] : memref<800000xi32, #tpu.memory_space<hbm>> -> memref<128xi32, #tpu.memory_space<hbm>>
          tpu.enqueue_dma source(%dma_start3A_132 : memref<128xi32, #tpu.memory_space<hbm>>) target(%arg7 : memref<128xi32, #tpu.memory_space<vmem>>) target_semaphore(%run_scoped3A : memref<!tpu.dma_semaphore, #tpu.memory_space<semaphore_mem>>)
          %dma_wait3A_133 = tpu.memref_slice %arg3[%mul3A_50] : memref<800000xi32, #tpu.memory_space<hbm>> -> memref<128xi32, #tpu.memory_space<hbm>>
          %dma_wait3A_134 = tpu.memref_slice %arg3[%mul3A_50] : memref<800000xi32, #tpu.memory_space<hbm>> -> memref<128xi32, #tpu.memory_space<hbm>>
          tpu.wait_dma2 semaphore(%run_scoped3A : memref<!tpu.dma_semaphore, #tpu.memory_space<semaphore_mem>>) src(%dma_wait3A_134 : memref<128xi32, #tpu.memory_space<hbm>>) dst(%arg7 : memref<128xi32, #tpu.memory_space<vmem>>)
          tpu.yield
        }) : () -> ()
        "tpu.region"() ({
          %run_scoped3A = tpu.sem_alloc : memref<!tpu.dma_semaphore, #tpu.memory_space<semaphore_mem>>
          %dma_start3A_131 = tpu.memref_slice %arg2[%mul3A_50] : memref<800000xi32, #tpu.memory_space<hbm>> -> memref<128xi32, #tpu.memory_space<hbm>>
          %dma_start3A_132 = tpu.memref_slice %arg2[%mul3A_50] : memref<800000xi32, #tpu.memory_space<hbm>> -> memref<128xi32, #tpu.memory_space<hbm>>
          tpu.enqueue_dma source(%dma_start3A_132 : memref<128xi32, #tpu.memory_space<hbm>>) target(%arg8 : memref<128xi32, #tpu.memory_space<vmem>>) target_semaphore(%run_scoped3A : memref<!tpu.dma_semaphore, #tpu.memory_space<semaphore_mem>>)
          %dma_wait3A_133 = tpu.memref_slice %arg2[%mul3A_50] : memref<800000xi32, #tpu.memory_space<hbm>> -> memref<128xi32, #tpu.memory_space<hbm>>
          %dma_wait3A_134 = tpu.memref_slice %arg2[%mul3A_50] : memref<800000xi32, #tpu.memory_space<hbm>> -> memref<128xi32, #tpu.memory_space<hbm>>
          tpu.wait_dma2 semaphore(%run_scoped3A : memref<!tpu.dma_semaphore, #tpu.memory_space<semaphore_mem>>) src(%dma_wait3A_134 : memref<128xi32, #tpu.memory_space<hbm>>) dst(%arg8 : memref<128xi32, #tpu.memory_space<vmem>>)
          tpu.yield
        }) : () -> ()
        "tpu.region"() ({
          %run_scoped3A = tpu.sem_alloc : memref<!tpu.dma_semaphore, #tpu.memory_space<semaphore_mem>>
          %dma_start3A_131 = tpu.memref_slice %arg4[%mul3A_50] : memref<800000xf32, #tpu.memory_space<hbm>> -> memref<128xf32, #tpu.memory_space<hbm>>
          %dma_start3A_132 = tpu.memref_slice %arg4[%mul3A_50] : memref<800000xf32, #tpu.memory_space<hbm>> -> memref<128xf32, #tpu.memory_space<hbm>>
          tpu.enqueue_dma source(%dma_start3A_132 : memref<128xf32, #tpu.memory_space<hbm>>) target(%arg9 : memref<128xf32, #tpu.memory_space<vmem>>) target_semaphore(%run_scoped3A : memref<!tpu.dma_semaphore, #tpu.memory_space<semaphore_mem>>)
          %dma_wait3A_133 = tpu.memref_slice %arg4[%mul3A_50] : memref<800000xf32, #tpu.memory_space<hbm>> -> memref<128xf32, #tpu.memory_space<hbm>>
          %dma_wait3A_134 = tpu.memref_slice %arg4[%mul3A_50] : memref<800000xf32, #tpu.memory_space<hbm>> -> memref<128xf32, #tpu.memory_space<hbm>>
          tpu.wait_dma2 semaphore(%run_scoped3A : memref<!tpu.dma_semaphore, #tpu.memory_space<semaphore_mem>>) src(%dma_wait3A_134 : memref<128xf32, #tpu.memory_space<hbm>>) dst(%arg9 : memref<128xf32, #tpu.memory_space<vmem>>)
          tpu.yield
        }) : () -> ()
        %get3A = arith.constant 0 : index
        %get3A_51 = tpu.vector_load %arg7[%get3A] {strides = array<i32>} : memref<128xi32, #tpu.memory_space<vmem>>, vector<16xi32>,
        %get3A_52 = vector.shape_cast %get3A_51 : vector<16xi32> to vector<16xi32>
        %add3A_53 = vector.broadcast %add3A_21 : i32 to vector<16xi32>
        %add3A_54 = arith.addi %get3A_52, %add3A_53 : vector<16xi32>
        %swap3A = arith.constant 0 : index
        %swap3A_55 = tpu.vector_load %arg7[%swap3A] {strides = array<i32>} : memref<128xi32, #tpu.memory_space<vmem>>, vector<16xi32>,
        %swap3A_56 = vector.shape_cast %swap3A_55 : vector<16xi32> to vector<16xi32>
        %swap3A_57 = vector.shape_cast %add3A_54 : vector<16xi32> to vector<16xi32>
        tpu.vector_store %arg7[%swap3A], %swap3A_57 {strides = array<i32>} : memref<128xi32, #tpu.memory_space<vmem>>, vector<16xi32>,
        %get3A_58 = arith.constant 16 : index
        %get3A_59 = tpu.vector_load %arg7[%get3A_58] {strides = array<i32>} : memref<128xi32, #tpu.memory_space<vmem>>, vector<16xi32>,
        %get3A_60 = vector.shape_cast %get3A_59 : vector<16xi32> to vector<16xi32>
        %add3A_61 = vector.broadcast %add3A_21 : i32 to vector<16xi32>
        %add3A_62 = arith.addi %get3A_60, %add3A_61 : vector<16xi32>
        %swap3A_63 = arith.constant 16 : index
        %swap3A_64 = tpu.vector_load %arg7[%swap3A_63] {strides = array<i32>} : memref<128xi32, #tpu.memory_space<vmem>>, vector<16xi32>,
        %swap3A_65 = vector.shape_cast %swap3A_64 : vector<16xi32> to vector<16xi32>
        %swap3A_66 = vector.shape_cast %add3A_62 : vector<16xi32> to vector<16xi32>
        tpu.vector_store %arg7[%swap3A_63], %swap3A_66 {strides = array<i32>} : memref<128xi32, #tpu.memory_space<vmem>>, vector<16xi32>,
        %get3A_67 = arith.constant 32 : index
        %get3A_68 = tpu.vector_load %arg7[%get3A_67] {strides = array<i32>} : memref<128xi32, #tpu.memory_space<vmem>>, vector<16xi32>,
        %get3A_69 = vector.shape_cast %get3A_68 : vector<16xi32> to vector<16xi32>
        %add3A_70 = vector.broadcast %add3A_21 : i32 to vector<16xi32>
        %add3A_71 = arith.addi %get3A_69, %add3A_70 : vector<16xi32>
        %swap3A_72 = arith.constant 32 : index
        %swap3A_73 = tpu.vector_load %arg7[%swap3A_72] {strides = array<i32>} : memref<128xi32, #tpu.memory_space<vmem>>, vector<16xi32>,
        %swap3A_74 = vector.shape_cast %swap3A_73 : vector<16xi32> to vector<16xi32>
        %swap3A_75 = vector.shape_cast %add3A_71 : vector<16xi32> to vector<16xi32>
        tpu.vector_store %arg7[%swap3A_72], %swap3A_75 {strides = array<i32>} : memref<128xi32, #tpu.memory_space<vmem>>, vector<16xi32>,
        %get3A_76 = arith.constant 48 : index
        %get3A_77 = tpu.vector_load %arg7[%get3A_76] {strides = array<i32>} : memref<128xi32, #tpu.memory_space<vmem>>, vector<16xi32>,
        %get3A_78 = vector.shape_cast %get3A_77 : vector<16xi32> to vector<16xi32>
        %add3A_79 = vector.broadcast %add3A_21 : i32 to vector<16xi32>
        %add3A_80 = arith.addi %get3A_78, %add3A_79 : vector<16xi32>
        %swap3A_81 = arith.constant 48 : index
        %swap3A_82 = tpu.vector_load %arg7[%swap3A_81] {strides = array<i32>} : memref<128xi32, #tpu.memory_space<vmem>>, vector<16xi32>,
        %swap3A_83 = vector.shape_cast %swap3A_82 : vector<16xi32> to vector<16xi32>
        %swap3A_84 = vector.shape_cast %add3A_80 : vector<16xi32> to vector<16xi32>
        tpu.vector_store %arg7[%swap3A_81], %swap3A_84 {strides = array<i32>} : memref<128xi32, #tpu.memory_space<vmem>>, vector<16xi32>,
        %get3A_85 = arith.constant 64 : index
        %get3A_86 = tpu.vector_load %arg7[%get3A_85] {strides = array<i32>} : memref<128xi32, #tpu.memory_space<vmem>>, vector<16xi32>,
        %get3A_87 = vector.shape_cast %get3A_86 : vector<16xi32> to vector<16xi32>
        %add3A_88 = vector.broadcast %add3A_21 : i32 to vector<16xi32>
        %add3A_89 = arith.addi %get3A_87, %add3A_88 : vector<16xi32>
        %swap3A_90 = arith.constant 64 : index
        %swap3A_91 = tpu.vector_load %arg7[%swap3A_90] {strides = array<i32>} : memref<128xi32, #tpu.memory_space<vmem>>, vector<16xi32>,
        %swap3A_92 = vector.shape_cast %swap3A_91 : vector<16xi32> to vector<16xi32>
        %swap3A_93 = vector.shape_cast %add3A_89 : vector<16xi32> to vector<16xi32>
        tpu.vector_store %arg7[%swap3A_90], %swap3A_93 {strides = array<i32>} : memref<128xi32, #tpu.memory_space<vmem>>, vector<16xi32>,
        %get3A_94 = arith.constant 80 : index
        %get3A_95 = tpu.vector_load %arg7[%get3A_94] {strides = array<i32>} : memref<128xi32, #tpu.memory_space<vmem>>, vector<16xi32>,
        %get3A_96 = vector.shape_cast %get3A_95 : vector<16xi32> to vector<16xi32>
        %add3A_97 = vector.broadcast %add3A_21 : i32 to vector<16xi32>
        %add3A_98 = arith.addi %get3A_96, %add3A_97 : vector<16xi32>
        %swap3A_99 = arith.constant 80 : index
        %swap3A_100 = tpu.vector_load %arg7[%swap3A_99] {strides = array<i32>} : memref<128xi32, #tpu.memory_space<vmem>>, vector<16xi32>,
        %swap3A_101 = vector.shape_cast %swap3A_100 : vector<16xi32> to vector<16xi32>
        %swap3A_102 = vector.shape_cast %add3A_98 : vector<16xi32> to vector<16xi32>
        tpu.vector_store %arg7[%swap3A_99], %swap3A_102 {strides = array<i32>} : memref<128xi32, #tpu.memory_space<vmem>>, vector<16xi32>,
        %get3A_103 = arith.constant 96 : index
        %get3A_104 = tpu.vector_load %arg7[%get3A_103] {strides = array<i32>} : memref<128xi32, #tpu.memory_space<vmem>>, vector<16xi32>,
        %get3A_105 = vector.shape_cast %get3A_104 : vector<16xi32> to vector<16xi32>
        %add3A_106 = vector.broadcast %add3A_21 : i32 to vector<16xi32>
        %add3A_107 = arith.addi %get3A_105, %add3A_106 : vector<16xi32>
        %swap3A_108 = arith.constant 96 : index
        %swap3A_109 = tpu.vector_load %arg7[%swap3A_108] {strides = array<i32>} : memref<128xi32, #tpu.memory_space<vmem>>, vector<16xi32>,
        %swap3A_110 = vector.shape_cast %swap3A_109 : vector<16xi32> to vector<16xi32>
        %swap3A_111 = vector.shape_cast %add3A_107 : vector<16xi32> to vector<16xi32>
        tpu.vector_store %arg7[%swap3A_108], %swap3A_111 {strides = array<i32>} : memref<128xi32, #tpu.memory_space<vmem>>, vector<16xi32>,
        %get3A_112 = arith.constant 112 : index
        %get3A_113 = tpu.vector_load %arg7[%get3A_112] {strides = array<i32>} : memref<128xi32, #tpu.memory_space<vmem>>, vector<16xi32>,
        %get3A_114 = vector.shape_cast %get3A_113 : vector<16xi32> to vector<16xi32>
        %add3A_115 = vector.broadcast %add3A_21 : i32 to vector<16xi32>
        %add3A_116 = arith.addi %get3A_114, %add3A_115 : vector<16xi32>
        %swap3A_117 = arith.constant 112 : index
        %swap3A_118 = tpu.vector_load %arg7[%swap3A_117] {strides = array<i32>} : memref<128xi32, #tpu.memory_space<vmem>>, vector<16xi32>,
        %swap3A_119 = vector.shape_cast %swap3A_118 : vector<16xi32> to vector<16xi32>
        %swap3A_120 = vector.shape_cast %add3A_116 : vector<16xi32> to vector<16xi32>
        tpu.vector_store %arg7[%swap3A_117], %swap3A_120 {strides = array<i32>} : memref<128xi32, #tpu.memory_space<vmem>>, vector<16xi32>,
        %dma_start3A = arith.constant 0 : i32
        %dma_start3A_121 = arith.constant 0 : i32
        %dma_start3A_122 = tpu.memref_slice %arg5[%dma_start3A, %dma_start3A_121] : memref<300000x32xf32, #tpu.memory_space<hbm>> -> memref<300000x32xf32, #tpu.memory_space<hbm>>
        tpu.enqueue_indirect_dma source(%dma_start3A_122 : memref<300000x32xf32, #tpu.memory_space<hbm>>) target(%arg11 : memref<128x32xf32, #tpu.memory_space<vmem>>) offsets(%arg7 : memref<128xi32, #tpu.memory_space<vmem>>) semaphore(%arg14 : memref<!tpu.dma_semaphore, #tpu.memory_space<semaphore_mem>>)
        %dma_wait3A = arith.constant 0 : i32
        %dma_wait3A_123 = arith.constant 0 : i32
        %dma_wait3A_124 = tpu.memref_slice %arg5[%dma_wait3A, %dma_wait3A_123] : memref<300000x32xf32, #tpu.memory_space<hbm>> -> memref<300000x32xf32, #tpu.memory_space<hbm>>
        tpu.wait_indirect_dma semaphore(%arg14 : memref<!tpu.dma_semaphore, #tpu.memory_space<semaphore_mem>>) src(%dma_wait3A_124 : memref<300000x32xf32, #tpu.memory_space<hbm>>) dst(%arg11 : memref<128x32xf32, #tpu.memory_space<vmem>>)
        %scan3A_125 = arith.constant 0 : i32
        %scan3A_126 = arith.constant 0 : i32
        %scan3A_127 = arith.constant 8 : i32
        %scan3A_128 = arith.addi %scan3A_126, %scan3A_127 : i32
        %scan3A_129 = arith.constant 1 : i32
        scf.for %scan3A_131 = %scan3A_126 to %scan3A_128 step %scan3A_129  : i32 {
          %mul3A_132 = arith.constant 16 : i32
          %mul3A_133 = arith.muli %scan3A_131, %mul3A_132 : i32
          %get3A_134 = arith.index_cast %mul3A_133 : i32 to index
          %get3A_135 = tpu.vector_load %arg9[%get3A_134] {strides = array<i32>} : memref<128xf32, #tpu.memory_space<vmem>>, vector<16xf32>,
          %get3A_136 = vector.shape_cast %get3A_135 : vector<16xf32> to vector<16xf32>
          %mul3A_137 = arith.constant 16 : i32
          %mul3A_138 = arith.muli %scan3A_131, %mul3A_137 : i32
          %add3A_139 = arith.constant 0 : i32
          %add3A_140 = arith.addi %mul3A_138, %add3A_139 : i32
          %slice3A = vector.extract_strided_slice %get3A_136 {offsets = [0], sizes = [1], strides = [1]} : vector<16xf32> to vector<1xf32>
          %squeeze3A = vector.extract %slice3A[0] : f32 from vector<1xf32>
          %get3A_141 = arith.index_cast %add3A_140 : i32 to index
          %get3A_142 = arith.constant 0 : index
          %get3A_143 = tpu.vector_load %arg11[%get3A_141, %get3A_142] {strides = array<i32>} : memref<128x32xf32, #tpu.memory_space<vmem>>, vector<1x16xf32>,
          %get3A_144 = vector.shape_cast %get3A_143 : vector<1x16xf32> to vector<16xf32>
          %mul3A_145 = vector.broadcast %squeeze3A : f32 to vector<16xf32>
          %mul3A_146 = arith.mulf %get3A_144, %mul3A_145 : vector<16xf32>
          %swap3A_147 = arith.index_cast %add3A_140 : i32 to index
          %swap3A_148 = arith.constant 0 : index
          %swap3A_149 = tpu.vector_load %arg11[%swap3A_147, %swap3A_148] {strides = array<i32>} : memref<128x32xf32, #tpu.memory_space<vmem>>, vector<1x16xf32>,
          %swap3A_150 = vector.shape_cast %swap3A_149 : vector<1x16xf32> to vector<16xf32>
          %swap3A_151 = vector.shape_cast %mul3A_146 : vector<16xf32> to vector<1x16xf32>
          tpu.vector_store %arg11[%swap3A_147, %swap3A_148], %swap3A_151 {strides = array<i32>} : memref<128x32xf32, #tpu.memory_space<vmem>>, vector<1x16xf32>,
          %get3A_152 = arith.index_cast %add3A_140 : i32 to index
          %get3A_153 = arith.constant 16 : index
          %get3A_154 = tpu.vector_load %arg11[%get3A_152, %get3A_153] {strides = array<i32>} : memref<128x32xf32, #tpu.memory_space<vmem>>, vector<1x16xf32>,
          %get3A_155 = vector.shape_cast %get3A_154 : vector<1x16xf32> to vector<16xf32>
          %mul3A_156 = vector.broadcast %squeeze3A : f32 to vector<16xf32>
          %mul3A_157 = arith.mulf %get3A_155, %mul3A_156 : vector<16xf32>
          %swap3A_158 = arith.index_cast %add3A_140 : i32 to index
          %swap3A_159 = arith.constant 16 : index
          %swap3A_160 = tpu.vector_load %arg11[%swap3A_158, %swap3A_159] {strides = array<i32>} : memref<128x32xf32, #tpu.memory_space<vmem>>, vector<1x16xf32>,
          %swap3A_161 = vector.shape_cast %swap3A_160 : vector<1x16xf32> to vector<16xf32>
          %swap3A_162 = vector.shape_cast %mul3A_157 : vector<16xf32> to vector<1x16xf32>
          tpu.vector_store %arg11[%swap3A_158, %swap3A_159], %swap3A_162 {strides = array<i32>} : memref<128x32xf32, #tpu.memory_space<vmem>>, vector<1x16xf32>,
          %mul3A_163 = arith.constant 16 : i32
          %mul3A_164 = arith.muli %scan3A_131, %mul3A_163 : i32
          %add3A_165 = arith.constant 1 : i32
          %add3A_166 = arith.addi %mul3A_164, %add3A_165 : i32
          %slice3A_167 = vector.extract_strided_slice %get3A_136 {offsets = [1], sizes = [1], strides = [1]} : vector<16xf32> to vector<1xf32>
          %squeeze3A_168 = vector.extract %slice3A_167[0] : f32 from vector<1xf32>
          %get3A_169 = arith.index_cast %add3A_166 : i32 to index
          %get3A_170 = arith.constant 0 : index
          %get3A_171 = tpu.vector_load %arg11[%get3A_169, %get3A_170] {strides = array<i32>} : memref<128x32xf32, #tpu.memory_space<vmem>>, vector<1x16xf32>,
          %get3A_172 = vector.shape_cast %get3A_171 : vector<1x16xf32> to vector<16xf32>
          %mul3A_173 = vector.broadcast %squeeze3A_168 : f32 to vector<16xf32>
          %mul3A_174 = arith.mulf %get3A_172, %mul3A_173 : vector<16xf32>
          %swap3A_175 = arith.index_cast %add3A_166 : i32 to index
          %swap3A_176 = arith.constant 0 : index
          %swap3A_177 = tpu.vector_load %arg11[%swap3A_175, %swap3A_176] {strides = array<i32>} : memref<128x32xf32, #tpu.memory_space<vmem>>, vector<1x16xf32>,
          %swap3A_178 = vector.shape_cast %swap3A_177 : vector<1x16xf32> to vector<16xf32>
          %swap3A_179 = vector.shape_cast %mul3A_174 : vector<16xf32> to vector<1x16xf32>
          tpu.vector_store %arg11[%swap3A_175, %swap3A_176], %swap3A_179 {strides = array<i32>} : memref<128x32xf32, #tpu.memory_space<vmem>>, vector<1x16xf32>,
          %get3A_180 = arith.index_cast %add3A_166 : i32 to index
          %get3A_181 = arith.constant 16 : index
          %get3A_182 = tpu.vector_load %arg11[%get3A_180, %get3A_181] {strides = array<i32>} : memref<128x32xf32, #tpu.memory_space<vmem>>, vector<1x16xf32>,
          %get3A_183 = vector.shape_cast %get3A_182 : vector<1x16xf32> to vector<16xf32>
          %mul3A_184 = vector.broadcast %squeeze3A_168 : f32 to vector<16xf32>
          %mul3A_185 = arith.mulf %get3A_183, %mul3A_184 : vector<16xf32>
          %swap3A_186 = arith.index_cast %add3A_166 : i32 to index
          %swap3A_187 = arith.constant 16 : index
          %swap3A_188 = tpu.vector_load %arg11[%swap3A_186, %swap3A_187] {strides = array<i32>} : memref<128x32xf32, #tpu.memory_space<vmem>>, vector<1x16xf32>,
          %swap3A_189 = vector.shape_cast %swap3A_188 : vector<1x16xf32> to vector<16xf32>
          %swap3A_190 = vector.shape_cast %mul3A_185 : vector<16xf32> to vector<1x16xf32>
          tpu.vector_store %arg11[%swap3A_186, %swap3A_187], %swap3A_190 {strides = array<i32>} : memref<128x32xf32, #tpu.memory_space<vmem>>, vector<1x16xf32>,
          %mul3A_191 = arith.constant 16 : i32
          %mul3A_192 = arith.muli %scan3A_131, %mul3A_191 : i32
          %add3A_193 = arith.constant 2 : i32
          %add3A_194 = arith.addi %mul3A_192, %add3A_193 : i32
          %slice3A_195 = vector.extract_strided_slice %get3A_136 {offsets = [2], sizes = [1], strides = [1]} : vector<16xf32> to vector<1xf32>
          %squeeze3A_196 = vector.extract %slice3A_195[0] : f32 from vector<1xf32>
          %get3A_197 = arith.index_cast %add3A_194 : i32 to index
          %get3A_198 = arith.constant 0 : index
          %get3A_199 = tpu.vector_load %arg11[%get3A_197, %get3A_198] {strides = array<i32>} : memref<128x32xf32, #tpu.memory_space<vmem>>, vector<1x16xf32>,
          %get3A_200 = vector.shape_cast %get3A_199 : vector<1x16xf32> to vector<16xf32>
          %mul3A_201 = vector.broadcast %squeeze3A_196 : f32 to vector<16xf32>
          %mul3A_202 = arith.mulf %get3A_200, %mul3A_201 : vector<16xf32>
          %swap3A_203 = arith.index_cast %add3A_194 : i32 to index
          %swap3A_204 = arith.constant 0 : index
          %swap3A_205 = tpu.vector_load %arg11[%swap3A_203, %swap3A_204] {strides = array<i32>} : memref<128x32xf32, #tpu.memory_space<vmem>>, vector<1x16xf32>,
          %swap3A_206 = vector.shape_cast %swap3A_205 : vector<1x16xf32> to vector<16xf32>
          %swap3A_207 = vector.shape_cast %mul3A_202 : vector<16xf32> to vector<1x16xf32>
          tpu.vector_store %arg11[%swap3A_203, %swap3A_204], %swap3A_207 {strides = array<i32>} : memref<128x32xf32, #tpu.memory_space<vmem>>, vector<1x16xf32>,
          %get3A_208 = arith.index_cast %add3A_194 : i32 to index
          %get3A_209 = arith.constant 16 : index
          %get3A_210 = tpu.vector_load %arg11[%get3A_208, %get3A_209] {strides = array<i32>} : memref<128x32xf32, #tpu.memory_space<vmem>>, vector<1x16xf32>,
          %get3A_211 = vector.shape_cast %get3A_210 : vector<1x16xf32> to vector<16xf32>
          %mul3A_212 = vector.broadcast %squeeze3A_196 : f32 to vector<16xf32>
          %mul3A_213 = arith.mulf %get3A_211, %mul3A_212 : vector<16xf32>
          %swap3A_214 = arith.index_cast %add3A_194 : i32 to index
          %swap3A_215 = arith.constant 16 : index
          %swap3A_216 = tpu.vector_load %arg11[%swap3A_214, %swap3A_215] {strides = array<i32>} : memref<128x32xf32, #tpu.memory_space<vmem>>, vector<1x16xf32>,
          %swap3A_217 = vector.shape_cast %swap3A_216 : vector<1x16xf32> to vector<16xf32>
          %swap3A_218 = vector.shape_cast %mul3A_213 : vector<16xf32> to vector<1x16xf32>
          tpu.vector_store %arg11[%swap3A_214, %swap3A_215], %swap3A_218 {strides = array<i32>} : memref<128x32xf32, #tpu.memory_space<vmem>>, vector<1x16xf32>,
          %mul3A_219 = arith.constant 16 : i32
          %mul3A_220 = arith.muli %scan3A_131, %mul3A_219 : i32
          %add3A_221 = arith.constant 3 : i32
          %add3A_222 = arith.addi %mul3A_220, %add3A_221 : i32
          %slice3A_223 = vector.extract_strided_slice %get3A_136 {offsets = [3], sizes = [1], strides = [1]} : vector<16xf32> to vector<1xf32>
          %squeeze3A_224 = vector.extract %slice3A_223[0] : f32 from vector<1xf32>
          %get3A_225 = arith.index_cast %add3A_222 : i32 to index
          %get3A_226 = arith.constant 0 : index
          %get3A_227 = tpu.vector_load %arg11[%get3A_225, %get3A_226] {strides = array<i32>} : memref<128x32xf32, #tpu.memory_space<vmem>>, vector<1x16xf32>,
          %get3A_228 = vector.shape_cast %get3A_227 : vector<1x16xf32> to vector<16xf32>
          %mul3A_229 = vector.broadcast %squeeze3A_224 : f32 to vector<16xf32>
          %mul3A_230 = arith.mulf %get3A_228, %mul3A_229 : vector<16xf32>
          %swap3A_231 = arith.index_cast %add3A_222 : i32 to index
          %swap3A_232 = arith.constant 0 : index
          %swap3A_233 = tpu.vector_load %arg11[%swap3A_231, %swap3A_232] {strides = array<i32>} : memref<128x32xf32, #tpu.memory_space<vmem>>, vector<1x16xf32>,
          %swap3A_234 = vector.shape_cast %swap3A_233 : vector<1x16xf32> to vector<16xf32>
          %swap3A_235 = vector.shape_cast %mul3A_230 : vector<16xf32> to vector<1x16xf32>
          tpu.vector_store %arg11[%swap3A_231, %swap3A_232], %swap3A_235 {strides = array<i32>} : memref<128x32xf32, #tpu.memory_space<vmem>>, vector<1x16xf32>,
          %get3A_236 = arith.index_cast %add3A_222 : i32 to index
          %get3A_237 = arith.constant 16 : index
          %get3A_238 = tpu.vector_load %arg11[%get3A_236, %get3A_237] {strides = array<i32>} : memref<128x32xf32, #tpu.memory_space<vmem>>, vector<1x16xf32>,
          %get3A_239 = vector.shape_cast %get3A_238 : vector<1x16xf32> to vector<16xf32>
          %mul3A_240 = vector.broadcast %squeeze3A_224 : f32 to vector<16xf32>
          %mul3A_241 = arith.mulf %get3A_239, %mul3A_240 : vector<16xf32>
          %swap3A_242 = arith.index_cast %add3A_222 : i32 to index
          %swap3A_243 = arith.constant 16 : index
          %swap3A_244 = tpu.vector_load %arg11[%swap3A_242, %swap3A_243] {strides = array<i32>} : memref<128x32xf32, #tpu.memory_space<vmem>>, vector<1x16xf32>,
          %swap3A_245 = vector.shape_cast %swap3A_244 : vector<1x16xf32> to vector<16xf32>
          %swap3A_246 = vector.shape_cast %mul3A_241 : vector<16xf32> to vector<1x16xf32>
          tpu.vector_store %arg11[%swap3A_242, %swap3A_243], %swap3A_246 {strides = array<i32>} : memref<128x32xf32, #tpu.memory_space<vmem>>, vector<1x16xf32>,
          %mul3A_247 = arith.constant 16 : i32
          %mul3A_248 = arith.muli %scan3A_131, %mul3A_247 : i32
          %add3A_249 = arith.constant 4 : i32
          %add3A_250 = arith.addi %mul3A_248, %add3A_249 : i32
          %slice3A_251 = vector.extract_strided_slice %get3A_136 {offsets = [4], sizes = [1], strides = [1]} : vector<16xf32> to vector<1xf32>
          %squeeze3A_252 = vector.extract %slice3A_251[0] : f32 from vector<1xf32>
          %get3A_253 = arith.index_cast %add3A_250 : i32 to index
          %get3A_254 = arith.constant 0 : index
          %get3A_255 = tpu.vector_load %arg11[%get3A_253, %get3A_254] {strides = array<i32>} : memref<128x32xf32, #tpu.memory_space<vmem>>, vector<1x16xf32>,
          %get3A_256 = vector.shape_cast %get3A_255 : vector<1x16xf32> to vector<16xf32>
          %mul3A_257 = vector.broadcast %squeeze3A_252 : f32 to vector<16xf32>
          %mul3A_258 = arith.mulf %get3A_256, %mul3A_257 : vector<16xf32>
          %swap3A_259 = arith.index_cast %add3A_250 : i32 to index
          %swap3A_260 = arith.constant 0 : index
          %swap3A_261 = tpu.vector_load %arg11[%swap3A_259, %swap3A_260] {strides = array<i32>} : memref<128x32xf32, #tpu.memory_space<vmem>>, vector<1x16xf32>,
          %swap3A_262 = vector.shape_cast %swap3A_261 : vector<1x16xf32> to vector<16xf32>
          %swap3A_263 = vector.shape_cast %mul3A_258 : vector<16xf32> to vector<1x16xf32>
          tpu.vector_store %arg11[%swap3A_259, %swap3A_260], %swap3A_263 {strides = array<i32>} : memref<128x32xf32, #tpu.memory_space<vmem>>, vector<1x16xf32>,
          %get3A_264 = arith.index_cast %add3A_250 : i32 to index
          %get3A_265 = arith.constant 16 : index
          %get3A_266 = tpu.vector_load %arg11[%get3A_264, %get3A_265] {strides = array<i32>} : memref<128x32xf32, #tpu.memory_space<vmem>>, vector<1x16xf32>,
          %get3A_267 = vector.shape_cast %get3A_266 : vector<1x16xf32> to vector<16xf32>
          %mul3A_268 = vector.broadcast %squeeze3A_252 : f32 to vector<16xf32>
          %mul3A_269 = arith.mulf %get3A_267, %mul3A_268 : vector<16xf32>
          %swap3A_270 = arith.index_cast %add3A_250 : i32 to index
          %swap3A_271 = arith.constant 16 : index
          %swap3A_272 = tpu.vector_load %arg11[%swap3A_270, %swap3A_271] {strides = array<i32>} : memref<128x32xf32, #tpu.memory_space<vmem>>, vector<1x16xf32>,
          %swap3A_273 = vector.shape_cast %swap3A_272 : vector<1x16xf32> to vector<16xf32>
          %swap3A_274 = vector.shape_cast %mul3A_269 : vector<16xf32> to vector<1x16xf32>
          tpu.vector_store %arg11[%swap3A_270, %swap3A_271], %swap3A_274 {strides = array<i32>} : memref<128x32xf32, #tpu.memory_space<vmem>>, vector<1x16xf32>,
          %mul3A_275 = arith.constant 16 : i32
          %mul3A_276 = arith.muli %scan3A_131, %mul3A_275 : i32
          %add3A_277 = arith.constant 5 : i32
          %add3A_278 = arith.addi %mul3A_276, %add3A_277 : i32
          %slice3A_279 = vector.extract_strided_slice %get3A_136 {offsets = [5], sizes = [1], strides = [1]} : vector<16xf32> to vector<1xf32>
          %squeeze3A_280 = vector.extract %slice3A_279[0] : f32 from vector<1xf32>
          %get3A_281 = arith.index_cast %add3A_278 : i32 to index
          %get3A_282 = arith.constant 0 : index
          %get3A_283 = tpu.vector_load %arg11[%get3A_281, %get3A_282] {strides = array<i32>} : memref<128x32xf32, #tpu.memory_space<vmem>>, vector<1x16xf32>,
          %get3A_284 = vector.shape_cast %get3A_283 : vector<1x16xf32> to vector<16xf32>
          %mul3A_285 = vector.broadcast %squeeze3A_280 : f32 to vector<16xf32>
          %mul3A_286 = arith.mulf %get3A_284, %mul3A_285 : vector<16xf32>
          %swap3A_287 = arith.index_cast %add3A_278 : i32 to index
          %swap3A_288 = arith.constant 0 : index
          %swap3A_289 = tpu.vector_load %arg11[%swap3A_287, %swap3A_288] {strides = array<i32>} : memref<128x32xf32, #tpu.memory_space<vmem>>, vector<1x16xf32>,
          %swap3A_290 = vector.shape_cast %swap3A_289 : vector<1x16xf32> to vector<16xf32>
          %swap3A_291 = vector.shape_cast %mul3A_286 : vector<16xf32> to vector<1x16xf32>
          tpu.vector_store %arg11[%swap3A_287, %swap3A_288], %swap3A_291 {strides = array<i32>} : memref<128x32xf32, #tpu.memory_space<vmem>>, vector<1x16xf32>,
          %get3A_292 = arith.index_cast %add3A_278 : i32 to index
          %get3A_293 = arith.constant 16 : index
          %get3A_294 = tpu.vector_load %arg11[%get3A_292, %get3A_293] {strides = array<i32>} : memref<128x32xf32, #tpu.memory_space<vmem>>, vector<1x16xf32>,
          %get3A_295 = vector.shape_cast %get3A_294 : vector<1x16xf32> to vector<16xf32>
          %mul3A_296 = vector.broadcast %squeeze3A_280 : f32 to vector<16xf32>
          %mul3A_297 = arith.mulf %get3A_295, %mul3A_296 : vector<16xf32>
          %swap3A_298 = arith.index_cast %add3A_278 : i32 to index
          %swap3A_299 = arith.constant 16 : index
          %swap3A_300 = tpu.vector_load %arg11[%swap3A_298, %swap3A_299] {strides = array<i32>} : memref<128x32xf32, #tpu.memory_space<vmem>>, vector<1x16xf32>,
          %swap3A_301 = vector.shape_cast %swap3A_300 : vector<1x16xf32> to vector<16xf32>
          %swap3A_302 = vector.shape_cast %mul3A_297 : vector<16xf32> to vector<1x16xf32>
          tpu.vector_store %arg11[%swap3A_298, %swap3A_299], %swap3A_302 {strides = array<i32>} : memref<128x32xf32, #tpu.memory_space<vmem>>, vector<1x16xf32>,
          %mul3A_303 = arith.constant 16 : i32
          %mul3A_304 = arith.muli %scan3A_131, %mul3A_303 : i32
          %add3A_305 = arith.constant 6 : i32
          %add3A_306 = arith.addi %mul3A_304, %add3A_305 : i32
          %slice3A_307 = vector.extract_strided_slice %get3A_136 {offsets = [6], sizes = [1], strides = [1]} : vector<16xf32> to vector<1xf32>
          %squeeze3A_308 = vector.extract %slice3A_307[0] : f32 from vector<1xf32>
          %get3A_309 = arith.index_cast %add3A_306 : i32 to index
          %get3A_310 = arith.constant 0 : index
          %get3A_311 = tpu.vector_load %arg11[%get3A_309, %get3A_310] {strides = array<i32>} : memref<128x32xf32, #tpu.memory_space<vmem>>, vector<1x16xf32>,
          %get3A_312 = vector.shape_cast %get3A_311 : vector<1x16xf32> to vector<16xf32>
          %mul3A_313 = vector.broadcast %squeeze3A_308 : f32 to vector<16xf32>
          %mul3A_314 = arith.mulf %get3A_312, %mul3A_313 : vector<16xf32>
          %swap3A_315 = arith.index_cast %add3A_306 : i32 to index
          %swap3A_316 = arith.constant 0 : index
          %swap3A_317 = tpu.vector_load %arg11[%swap3A_315, %swap3A_316] {strides = array<i32>} : memref<128x32xf32, #tpu.memory_space<vmem>>, vector<1x16xf32>,
          %swap3A_318 = vector.shape_cast %swap3A_317 : vector<1x16xf32> to vector<16xf32>
          %swap3A_319 = vector.shape_cast %mul3A_314 : vector<16xf32> to vector<1x16xf32>
          tpu.vector_store %arg11[%swap3A_315, %swap3A_316], %swap3A_319 {strides = array<i32>} : memref<128x32xf32, #tpu.memory_space<vmem>>, vector<1x16xf32>,
          %get3A_320 = arith.index_cast %add3A_306 : i32 to index
          %get3A_321 = arith.constant 16 : index
          %get3A_322 = tpu.vector_load %arg11[%get3A_320, %get3A_321] {strides = array<i32>} : memref<128x32xf32, #tpu.memory_space<vmem>>, vector<1x16xf32>,
          %get3A_323 = vector.shape_cast %get3A_322 : vector<1x16xf32> to vector<16xf32>
          %mul3A_324 = vector.broadcast %squeeze3A_308 : f32 to vector<16xf32>
          %mul3A_325 = arith.mulf %get3A_323, %mul3A_324 : vector<16xf32>
          %swap3A_326 = arith.index_cast %add3A_306 : i32 to index
          %swap3A_327 = arith.constant 16 : index
          %swap3A_328 = tpu.vector_load %arg11[%swap3A_326, %swap3A_327] {strides = array<i32>} : memref<128x32xf32, #tpu.memory_space<vmem>>, vector<1x16xf32>,
          %swap3A_329 = vector.shape_cast %swap3A_328 : vector<1x16xf32> to vector<16xf32>
          %swap3A_330 = vector.shape_cast %mul3A_325 : vector<16xf32> to vector<1x16xf32>
          tpu.vector_store %arg11[%swap3A_326, %swap3A_327], %swap3A_330 {strides = array<i32>} : memref<128x32xf32, #tpu.memory_space<vmem>>, vector<1x16xf32>,
          %mul3A_331 = arith.constant 16 : i32
          %mul3A_332 = arith.muli %scan3A_131, %mul3A_331 : i32
          %add3A_333 = arith.constant 7 : i32
          %add3A_334 = arith.addi %mul3A_332, %add3A_333 : i32
          %slice3A_335 = vector.extract_strided_slice %get3A_136 {offsets = [7], sizes = [1], strides = [1]} : vector<16xf32> to vector<1xf32>
          %squeeze3A_336 = vector.extract %slice3A_335[0] : f32 from vector<1xf32>
          %get3A_337 = arith.index_cast %add3A_334 : i32 to index
          %get3A_338 = arith.constant 0 : index
          %get3A_339 = tpu.vector_load %arg11[%get3A_337, %get3A_338] {strides = array<i32>} : memref<128x32xf32, #tpu.memory_space<vmem>>, vector<1x16xf32>,
          %get3A_340 = vector.shape_cast %get3A_339 : vector<1x16xf32> to vector<16xf32>
          %mul3A_341 = vector.broadcast %squeeze3A_336 : f32 to vector<16xf32>
          %mul3A_342 = arith.mulf %get3A_340, %mul3A_341 : vector<16xf32>
          %swap3A_343 = arith.index_cast %add3A_334 : i32 to index
          %swap3A_344 = arith.constant 0 : index
          %swap3A_345 = tpu.vector_load %arg11[%swap3A_343, %swap3A_344] {strides = array<i32>} : memref<128x32xf32, #tpu.memory_space<vmem>>, vector<1x16xf32>,
          %swap3A_346 = vector.shape_cast %swap3A_345 : vector<1x16xf32> to vector<16xf32>
          %swap3A_347 = vector.shape_cast %mul3A_342 : vector<16xf32> to vector<1x16xf32>
          tpu.vector_store %arg11[%swap3A_343, %swap3A_344], %swap3A_347 {strides = array<i32>} : memref<128x32xf32, #tpu.memory_space<vmem>>, vector<1x16xf32>,
          %get3A_348 = arith.index_cast %add3A_334 : i32 to index
          %get3A_349 = arith.constant 16 : index
          %get3A_350 = tpu.vector_load %arg11[%get3A_348, %get3A_349] {strides = array<i32>} : memref<128x32xf32, #tpu.memory_space<vmem>>, vector<1x16xf32>,
          %get3A_351 = vector.shape_cast %get3A_350 : vector<1x16xf32> to vector<16xf32>
          %mul3A_352 = vector.broadcast %squeeze3A_336 : f32 to vector<16xf32>
          %mul3A_353 = arith.mulf %get3A_351, %mul3A_352 : vector<16xf32>
          %swap3A_354 = arith.index_cast %add3A_334 : i32 to index
          %swap3A_355 = arith.constant 16 : index
          %swap3A_356 = tpu.vector_load %arg11[%swap3A_354, %swap3A_355] {strides = array<i32>} : memref<128x32xf32, #tpu.memory_space<vmem>>, vector<1x16xf32>,
          %swap3A_357 = vector.shape_cast %swap3A_356 : vector<1x16xf32> to vector<16xf32>
          %swap3A_358 = vector.shape_cast %mul3A_353 : vector<16xf32> to vector<1x16xf32>
          tpu.vector_store %arg11[%swap3A_354, %swap3A_355], %swap3A_358 {strides = array<i32>} : memref<128x32xf32, #tpu.memory_space<vmem>>, vector<1x16xf32>,
          %mul3A_359 = arith.constant 16 : i32
          %mul3A_360 = arith.muli %scan3A_131, %mul3A_359 : i32
          %add3A_361 = arith.constant 8 : i32
          %add3A_362 = arith.addi %mul3A_360, %add3A_361 : i32
          %slice3A_363 = vector.extract_strided_slice %get3A_136 {offsets = [8], sizes = [1], strides = [1]} : vector<16xf32> to vector<1xf32>
          %squeeze3A_364 = vector.extract %slice3A_363[0] : f32 from vector<1xf32>
          %get3A_365 = arith.index_cast %add3A_362 : i32 to index
          %get3A_366 = arith.constant 0 : index
          %get3A_367 = tpu.vector_load %arg11[%get3A_365, %get3A_366] {strides = array<i32>} : memref<128x32xf32, #tpu.memory_space<vmem>>, vector<1x16xf32>,
          %get3A_368 = vector.shape_cast %get3A_367 : vector<1x16xf32> to vector<16xf32>
          %mul3A_369 = vector.broadcast %squeeze3A_364 : f32 to vector<16xf32>
          %mul3A_370 = arith.mulf %get3A_368, %mul3A_369 : vector<16xf32>
          %swap3A_371 = arith.index_cast %add3A_362 : i32 to index
          %swap3A_372 = arith.constant 0 : index
          %swap3A_373 = tpu.vector_load %arg11[%swap3A_371, %swap3A_372] {strides = array<i32>} : memref<128x32xf32, #tpu.memory_space<vmem>>, vector<1x16xf32>,
          %swap3A_374 = vector.shape_cast %swap3A_373 : vector<1x16xf32> to vector<16xf32>
          %swap3A_375 = vector.shape_cast %mul3A_370 : vector<16xf32> to vector<1x16xf32>
          tpu.vector_store %arg11[%swap3A_371, %swap3A_372], %swap3A_375 {strides = array<i32>} : memref<128x32xf32, #tpu.memory_space<vmem>>, vector<1x16xf32>,
          %get3A_376 = arith.index_cast %add3A_362 : i32 to index
          %get3A_377 = arith.constant 16 : index
          %get3A_378 = tpu.vector_load %arg11[%get3A_376, %get3A_377] {strides = array<i32>} : memref<128x32xf32, #tpu.memory_space<vmem>>, vector<1x16xf32>,
          %get3A_379 = vector.shape_cast %get3A_378 : vector<1x16xf32> to vector<16xf32>
          %mul3A_380 = vector.broadcast %squeeze3A_364 : f32 to vector<16xf32>
          %mul3A_381 = arith.mulf %get3A_379, %mul3A_380 : vector<16xf32>
          %swap3A_382 = arith.index_cast %add3A_362 : i32 to index
          %swap3A_383 = arith.constant 16 : index
          %swap3A_384 = tpu.vector_load %arg11[%swap3A_382, %swap3A_383] {strides = array<i32>} : memref<128x32xf32, #tpu.memory_space<vmem>>, vector<1x16xf32>,
          %swap3A_385 = vector.shape_cast %swap3A_384 : vector<1x16xf32> to vector<16xf32>
          %swap3A_386 = vector.shape_cast %mul3A_381 : vector<16xf32> to vector<1x16xf32>
          tpu.vector_store %arg11[%swap3A_382, %swap3A_383], %swap3A_386 {strides = array<i32>} : memref<128x32xf32, #tpu.memory_space<vmem>>, vector<1x16xf32>,
          %mul3A_387 = arith.constant 16 : i32
          %mul3A_388 = arith.muli %scan3A_131, %mul3A_387 : i32
          %add3A_389 = arith.constant 9 : i32
          %add3A_390 = arith.addi %mul3A_388, %add3A_389 : i32
          %slice3A_391 = vector.extract_strided_slice %get3A_136 {offsets = [9], sizes = [1], strides = [1]} : vector<16xf32> to vector<1xf32>
          %squeeze3A_392 = vector.extract %slice3A_391[0] : f32 from vector<1xf32>
          %get3A_393 = arith.index_cast %add3A_390 : i32 to index
          %get3A_394 = arith.constant 0 : index
          %get3A_395 = tpu.vector_load %arg11[%get3A_393, %get3A_394] {strides = array<i32>} : memref<128x32xf32, #tpu.memory_space<vmem>>, vector<1x16xf32>,
          %get3A_396 = vector.shape_cast %get3A_395 : vector<1x16xf32> to vector<16xf32>
          %mul3A_397 = vector.broadcast %squeeze3A_392 : f32 to vector<16xf32>
          %mul3A_398 = arith.mulf %get3A_396, %mul3A_397 : vector<16xf32>
          %swap3A_399 = arith.index_cast %add3A_390 : i32 to index
          %swap3A_400 = arith.constant 0 : index
          %swap3A_401 = tpu.vector_load %arg11[%swap3A_399, %swap3A_400] {strides = array<i32>} : memref<128x32xf32, #tpu.memory_space<vmem>>, vector<1x16xf32>,
          %swap3A_402 = vector.shape_cast %swap3A_401 : vector<1x16xf32> to vector<16xf32>
          %swap3A_403 = vector.shape_cast %mul3A_398 : vector<16xf32> to vector<1x16xf32>
          tpu.vector_store %arg11[%swap3A_399, %swap3A_400], %swap3A_403 {strides = array<i32>} : memref<128x32xf32, #tpu.memory_space<vmem>>, vector<1x16xf32>,
          %get3A_404 = arith.index_cast %add3A_390 : i32 to index
          %get3A_405 = arith.constant 16 : index
          %get3A_406 = tpu.vector_load %arg11[%get3A_404, %get3A_405] {strides = array<i32>} : memref<128x32xf32, #tpu.memory_space<vmem>>, vector<1x16xf32>,
          %get3A_407 = vector.shape_cast %get3A_406 : vector<1x16xf32> to vector<16xf32>
          %mul3A_408 = vector.broadcast %squeeze3A_392 : f32 to vector<16xf32>
          %mul3A_409 = arith.mulf %get3A_407, %mul3A_408 : vector<16xf32>
          %swap3A_410 = arith.index_cast %add3A_390 : i32 to index
          %swap3A_411 = arith.constant 16 : index
          %swap3A_412 = tpu.vector_load %arg11[%swap3A_410, %swap3A_411] {strides = array<i32>} : memref<128x32xf32, #tpu.memory_space<vmem>>, vector<1x16xf32>,
          %swap3A_413 = vector.shape_cast %swap3A_412 : vector<1x16xf32> to vector<16xf32>
          %swap3A_414 = vector.shape_cast %mul3A_409 : vector<16xf32> to vector<1x16xf32>
          tpu.vector_store %arg11[%swap3A_410, %swap3A_411], %swap3A_414 {strides = array<i32>} : memref<128x32xf32, #tpu.memory_space<vmem>>, vector<1x16xf32>,
          %mul3A_415 = arith.constant 16 : i32
          %mul3A_416 = arith.muli %scan3A_131, %mul3A_415 : i32
          %add3A_417 = arith.constant 10 : i32
          %add3A_418 = arith.addi %mul3A_416, %add3A_417 : i32
          %slice3A_419 = vector.extract_strided_slice %get3A_136 {offsets = [10], sizes = [1], strides = [1]} : vector<16xf32> to vector<1xf32>
          %squeeze3A_420 = vector.extract %slice3A_419[0] : f32 from vector<1xf32>
          %get3A_421 = arith.index_cast %add3A_418 : i32 to index
          %get3A_422 = arith.constant 0 : index
          %get3A_423 = tpu.vector_load %arg11[%get3A_421, %get3A_422] {strides = array<i32>} : memref<128x32xf32, #tpu.memory_space<vmem>>, vector<1x16xf32>,
          %get3A_424 = vector.shape_cast %get3A_423 : vector<1x16xf32> to vector<16xf32>
          %mul3A_425 = vector.broadcast %squeeze3A_420 : f32 to vector<16xf32>
          %mul3A_426 = arith.mulf %get3A_424, %mul3A_425 : vector<16xf32>
          %swap3A_427 = arith.index_cast %add3A_418 : i32 to index
          %swap3A_428 = arith.constant 0 : index
          %swap3A_429 = tpu.vector_load %arg11[%swap3A_427, %swap3A_428] {strides = array<i32>} : memref<128x32xf32, #tpu.memory_space<vmem>>, vector<1x16xf32>,
          %swap3A_430 = vector.shape_cast %swap3A_429 : vector<1x16xf32> to vector<16xf32>
          %swap3A_431 = vector.shape_cast %mul3A_426 : vector<16xf32> to vector<1x16xf32>
          tpu.vector_store %arg11[%swap3A_427, %swap3A_428], %swap3A_431 {strides = array<i32>} : memref<128x32xf32, #tpu.memory_space<vmem>>, vector<1x16xf32>,
          %get3A_432 = arith.index_cast %add3A_418 : i32 to index
          %get3A_433 = arith.constant 16 : index
          %get3A_434 = tpu.vector_load %arg11[%get3A_432, %get3A_433] {strides = array<i32>} : memref<128x32xf32, #tpu.memory_space<vmem>>, vector<1x16xf32>,
          %get3A_435 = vector.shape_cast %get3A_434 : vector<1x16xf32> to vector<16xf32>
          %mul3A_436 = vector.broadcast %squeeze3A_420 : f32 to vector<16xf32>
          %mul3A_437 = arith.mulf %get3A_435, %mul3A_436 : vector<16xf32>
          %swap3A_438 = arith.index_cast %add3A_418 : i32 to index
          %swap3A_439 = arith.constant 16 : index
          %swap3A_440 = tpu.vector_load %arg11[%swap3A_438, %swap3A_439] {strides = array<i32>} : memref<128x32xf32, #tpu.memory_space<vmem>>, vector<1x16xf32>,
          %swap3A_441 = vector.shape_cast %swap3A_440 : vector<1x16xf32> to vector<16xf32>
          %swap3A_442 = vector.shape_cast %mul3A_437 : vector<16xf32> to vector<1x16xf32>
          tpu.vector_store %arg11[%swap3A_438, %swap3A_439], %swap3A_442 {strides = array<i32>} : memref<128x32xf32, #tpu.memory_space<vmem>>, vector<1x16xf32>,
          %mul3A_443 = arith.constant 16 : i32
          %mul3A_444 = arith.muli %scan3A_131, %mul3A_443 : i32
          %add3A_445 = arith.constant 11 : i32
          %add3A_446 = arith.addi %mul3A_444, %add3A_445 : i32
          %slice3A_447 = vector.extract_strided_slice %get3A_136 {offsets = [11], sizes = [1], strides = [1]} : vector<16xf32> to vector<1xf32>
          %squeeze3A_448 = vector.extract %slice3A_447[0] : f32 from vector<1xf32>
          %get3A_449 = arith.index_cast %add3A_446 : i32 to index
          %get3A_450 = arith.constant 0 : index
          %get3A_451 = tpu.vector_load %arg11[%get3A_449, %get3A_450] {strides = array<i32>} : memref<128x32xf32, #tpu.memory_space<vmem>>, vector<1x16xf32>,
          %get3A_452 = vector.shape_cast %get3A_451 : vector<1x16xf32> to vector<16xf32>
          %mul3A_453 = vector.broadcast %squeeze3A_448 : f32 to vector<16xf32>
          %mul3A_454 = arith.mulf %get3A_452, %mul3A_453 : vector<16xf32>
          %swap3A_455 = arith.index_cast %add3A_446 : i32 to index
          %swap3A_456 = arith.constant 0 : index
          %swap3A_457 = tpu.vector_load %arg11[%swap3A_455, %swap3A_456] {strides = array<i32>} : memref<128x32xf32, #tpu.memory_space<vmem>>, vector<1x16xf32>,
          %swap3A_458 = vector.shape_cast %swap3A_457 : vector<1x16xf32> to vector<16xf32>
          %swap3A_459 = vector.shape_cast %mul3A_454 : vector<16xf32> to vector<1x16xf32>
          tpu.vector_store %arg11[%swap3A_455, %swap3A_456], %swap3A_459 {strides = array<i32>} : memref<128x32xf32, #tpu.memory_space<vmem>>, vector<1x16xf32>,
          %get3A_460 = arith.index_cast %add3A_446 : i32 to index
          %get3A_461 = arith.constant 16 : index
          %get3A_462 = tpu.vector_load %arg11[%get3A_460, %get3A_461] {strides = array<i32>} : memref<128x32xf32, #tpu.memory_space<vmem>>, vector<1x16xf32>,
          %get3A_463 = vector.shape_cast %get3A_462 : vector<1x16xf32> to vector<16xf32>
          %mul3A_464 = vector.broadcast %squeeze3A_448 : f32 to vector<16xf32>
          %mul3A_465 = arith.mulf %get3A_463, %mul3A_464 : vector<16xf32>
          %swap3A_466 = arith.index_cast %add3A_446 : i32 to index
          %swap3A_467 = arith.constant 16 : index
          %swap3A_468 = tpu.vector_load %arg11[%swap3A_466, %swap3A_467] {strides = array<i32>} : memref<128x32xf32, #tpu.memory_space<vmem>>, vector<1x16xf32>,
          %swap3A_469 = vector.shape_cast %swap3A_468 : vector<1x16xf32> to vector<16xf32>
          %swap3A_470 = vector.shape_cast %mul3A_465 : vector<16xf32> to vector<1x16xf32>
          tpu.vector_store %arg11[%swap3A_466, %swap3A_467], %swap3A_470 {strides = array<i32>} : memref<128x32xf32, #tpu.memory_space<vmem>>, vector<1x16xf32>,
          %mul3A_471 = arith.constant 16 : i32
          %mul3A_472 = arith.muli %scan3A_131, %mul3A_471 : i32
          %add3A_473 = arith.constant 12 : i32
          %add3A_474 = arith.addi %mul3A_472, %add3A_473 : i32
          %slice3A_475 = vector.extract_strided_slice %get3A_136 {offsets = [12], sizes = [1], strides = [1]} : vector<16xf32> to vector<1xf32>
          %squeeze3A_476 = vector.extract %slice3A_475[0] : f32 from vector<1xf32>
          %get3A_477 = arith.index_cast %add3A_474 : i32 to index
          %get3A_478 = arith.constant 0 : index
          %get3A_479 = tpu.vector_load %arg11[%get3A_477, %get3A_478] {strides = array<i32>} : memref<128x32xf32, #tpu.memory_space<vmem>>, vector<1x16xf32>,
          %get3A_480 = vector.shape_cast %get3A_479 : vector<1x16xf32> to vector<16xf32>
          %mul3A_481 = vector.broadcast %squeeze3A_476 : f32 to vector<16xf32>
          %mul3A_482 = arith.mulf %get3A_480, %mul3A_481 : vector<16xf32>
          %swap3A_483 = arith.index_cast %add3A_474 : i32 to index
          %swap3A_484 = arith.constant 0 : index
          %swap3A_485 = tpu.vector_load %arg11[%swap3A_483, %swap3A_484] {strides = array<i32>} : memref<128x32xf32, #tpu.memory_space<vmem>>, vector<1x16xf32>,
          %swap3A_486 = vector.shape_cast %swap3A_485 : vector<1x16xf32> to vector<16xf32>
          %swap3A_487 = vector.shape_cast %mul3A_482 : vector<16xf32> to vector<1x16xf32>
          tpu.vector_store %arg11[%swap3A_483, %swap3A_484], %swap3A_487 {strides = array<i32>} : memref<128x32xf32, #tpu.memory_space<vmem>>, vector<1x16xf32>,
          %get3A_488 = arith.index_cast %add3A_474 : i32 to index
          %get3A_489 = arith.constant 16 : index
          %get3A_490 = tpu.vector_load %arg11[%get3A_488, %get3A_489] {strides = array<i32>} : memref<128x32xf32, #tpu.memory_space<vmem>>, vector<1x16xf32>,
          %get3A_491 = vector.shape_cast %get3A_490 : vector<1x16xf32> to vector<16xf32>
          %mul3A_492 = vector.broadcast %squeeze3A_476 : f32 to vector<16xf32>
          %mul3A_493 = arith.mulf %get3A_491, %mul3A_492 : vector<16xf32>
          %swap3A_494 = arith.index_cast %add3A_474 : i32 to index
          %swap3A_495 = arith.constant 16 : index
          %swap3A_496 = tpu.vector_load %arg11[%swap3A_494, %swap3A_495] {strides = array<i32>} : memref<128x32xf32, #tpu.memory_space<vmem>>, vector<1x16xf32>,
          %swap3A_497 = vector.shape_cast %swap3A_496 : vector<1x16xf32> to vector<16xf32>
          %swap3A_498 = vector.shape_cast %mul3A_493 : vector<16xf32> to vector<1x16xf32>
          tpu.vector_store %arg11[%swap3A_494, %swap3A_495], %swap3A_498 {strides = array<i32>} : memref<128x32xf32, #tpu.memory_space<vmem>>, vector<1x16xf32>,
          %mul3A_499 = arith.constant 16 : i32
          %mul3A_500 = arith.muli %scan3A_131, %mul3A_499 : i32
          %add3A_501 = arith.constant 13 : i32
          %add3A_502 = arith.addi %mul3A_500, %add3A_501 : i32
          %slice3A_503 = vector.extract_strided_slice %get3A_136 {offsets = [13], sizes = [1], strides = [1]} : vector<16xf32> to vector<1xf32>
          %squeeze3A_504 = vector.extract %slice3A_503[0] : f32 from vector<1xf32>
          %get3A_505 = arith.index_cast %add3A_502 : i32 to index
          %get3A_506 = arith.constant 0 : index
          %get3A_507 = tpu.vector_load %arg11[%get3A_505, %get3A_506] {strides = array<i32>} : memref<128x32xf32, #tpu.memory_space<vmem>>, vector<1x16xf32>,
          %get3A_508 = vector.shape_cast %get3A_507 : vector<1x16xf32> to vector<16xf32>
          %mul3A_509 = vector.broadcast %squeeze3A_504 : f32 to vector<16xf32>
          %mul3A_510 = arith.mulf %get3A_508, %mul3A_509 : vector<16xf32>
          %swap3A_511 = arith.index_cast %add3A_502 : i32 to index
          %swap3A_512 = arith.constant 0 : index
          %swap3A_513 = tpu.vector_load %arg11[%swap3A_511, %swap3A_512] {strides = array<i32>} : memref<128x32xf32, #tpu.memory_space<vmem>>, vector<1x16xf32>,
          %swap3A_514 = vector.shape_cast %swap3A_513 : vector<1x16xf32> to vector<16xf32>
          %swap3A_515 = vector.shape_cast %mul3A_510 : vector<16xf32> to vector<1x16xf32>
          tpu.vector_store %arg11[%swap3A_511, %swap3A_512], %swap3A_515 {strides = array<i32>} : memref<128x32xf32, #tpu.memory_space<vmem>>, vector<1x16xf32>,
          %get3A_516 = arith.index_cast %add3A_502 : i32 to index
          %get3A_517 = arith.constant 16 : index
          %get3A_518 = tpu.vector_load %arg11[%get3A_516, %get3A_517] {strides = array<i32>} : memref<128x32xf32, #tpu.memory_space<vmem>>, vector<1x16xf32>,
          %get3A_519 = vector.shape_cast %get3A_518 : vector<1x16xf32> to vector<16xf32>
          %mul3A_520 = vector.broadcast %squeeze3A_504 : f32 to vector<16xf32>
          %mul3A_521 = arith.mulf %get3A_519, %mul3A_520 : vector<16xf32>
          %swap3A_522 = arith.index_cast %add3A_502 : i32 to index
          %swap3A_523 = arith.constant 16 : index
          %swap3A_524 = tpu.vector_load %arg11[%swap3A_522, %swap3A_523] {strides = array<i32>} : memref<128x32xf32, #tpu.memory_space<vmem>>, vector<1x16xf32>,
          %swap3A_525 = vector.shape_cast %swap3A_524 : vector<1x16xf32> to vector<16xf32>
          %swap3A_526 = vector.shape_cast %mul3A_521 : vector<16xf32> to vector<1x16xf32>
          tpu.vector_store %arg11[%swap3A_522, %swap3A_523], %swap3A_526 {strides = array<i32>} : memref<128x32xf32, #tpu.memory_space<vmem>>, vector<1x16xf32>,
          %mul3A_527 = arith.constant 16 : i32
          %mul3A_528 = arith.muli %scan3A_131, %mul3A_527 : i32
          %add3A_529 = arith.constant 14 : i32
          %add3A_530 = arith.addi %mul3A_528, %add3A_529 : i32
          %slice3A_531 = vector.extract_strided_slice %get3A_136 {offsets = [14], sizes = [1], strides = [1]} : vector<16xf32> to vector<1xf32>
          %squeeze3A_532 = vector.extract %slice3A_531[0] : f32 from vector<1xf32>
          %get3A_533 = arith.index_cast %add3A_530 : i32 to index
          %get3A_534 = arith.constant 0 : index
          %get3A_535 = tpu.vector_load %arg11[%get3A_533, %get3A_534] {strides = array<i32>} : memref<128x32xf32, #tpu.memory_space<vmem>>, vector<1x16xf32>,
          %get3A_536 = vector.shape_cast %get3A_535 : vector<1x16xf32> to vector<16xf32>
          %mul3A_537 = vector.broadcast %squeeze3A_532 : f32 to vector<16xf32>
          %mul3A_538 = arith.mulf %get3A_536, %mul3A_537 : vector<16xf32>
          %swap3A_539 = arith.index_cast %add3A_530 : i32 to index
          %swap3A_540 = arith.constant 0 : index
          %swap3A_541 = tpu.vector_load %arg11[%swap3A_539, %swap3A_540] {strides = array<i32>} : memref<128x32xf32, #tpu.memory_space<vmem>>, vector<1x16xf32>,
          %swap3A_542 = vector.shape_cast %swap3A_541 : vector<1x16xf32> to vector<16xf32>
          %swap3A_543 = vector.shape_cast %mul3A_538 : vector<16xf32> to vector<1x16xf32>
          tpu.vector_store %arg11[%swap3A_539, %swap3A_540], %swap3A_543 {strides = array<i32>} : memref<128x32xf32, #tpu.memory_space<vmem>>, vector<1x16xf32>,
          %get3A_544 = arith.index_cast %add3A_530 : i32 to index
          %get3A_545 = arith.constant 16 : index
          %get3A_546 = tpu.vector_load %arg11[%get3A_544, %get3A_545] {strides = array<i32>} : memref<128x32xf32, #tpu.memory_space<vmem>>, vector<1x16xf32>,
          %get3A_547 = vector.shape_cast %get3A_546 : vector<1x16xf32> to vector<16xf32>
          %mul3A_548 = vector.broadcast %squeeze3A_532 : f32 to vector<16xf32>
          %mul3A_549 = arith.mulf %get3A_547, %mul3A_548 : vector<16xf32>
          %swap3A_550 = arith.index_cast %add3A_530 : i32 to index
          %swap3A_551 = arith.constant 16 : index
          %swap3A_552 = tpu.vector_load %arg11[%swap3A_550, %swap3A_551] {strides = array<i32>} : memref<128x32xf32, #tpu.memory_space<vmem>>, vector<1x16xf32>,
          %swap3A_553 = vector.shape_cast %swap3A_552 : vector<1x16xf32> to vector<16xf32>
          %swap3A_554 = vector.shape_cast %mul3A_549 : vector<16xf32> to vector<1x16xf32>
          tpu.vector_store %arg11[%swap3A_550, %swap3A_551], %swap3A_554 {strides = array<i32>} : memref<128x32xf32, #tpu.memory_space<vmem>>, vector<1x16xf32>,
          %mul3A_555 = arith.constant 16 : i32
          %mul3A_556 = arith.muli %scan3A_131, %mul3A_555 : i32
          %add3A_557 = arith.constant 15 : i32
          %add3A_558 = arith.addi %mul3A_556, %add3A_557 : i32
          %slice3A_559 = vector.extract_strided_slice %get3A_136 {offsets = [15], sizes = [1], strides = [1]} : vector<16xf32> to vector<1xf32>
          %squeeze3A_560 = vector.extract %slice3A_559[0] : f32 from vector<1xf32>
          %get3A_561 = arith.index_cast %add3A_558 : i32 to index
          %get3A_562 = arith.constant 0 : index
          %get3A_563 = tpu.vector_load %arg11[%get3A_561, %get3A_562] {strides = array<i32>} : memref<128x32xf32, #tpu.memory_space<vmem>>, vector<1x16xf32>,
          %get3A_564 = vector.shape_cast %get3A_563 : vector<1x16xf32> to vector<16xf32>
          %mul3A_565 = vector.broadcast %squeeze3A_560 : f32 to vector<16xf32>
          %mul3A_566 = arith.mulf %get3A_564, %mul3A_565 : vector<16xf32>
          %swap3A_567 = arith.index_cast %add3A_558 : i32 to index
          %swap3A_568 = arith.constant 0 : index
          %swap3A_569 = tpu.vector_load %arg11[%swap3A_567, %swap3A_568] {strides = array<i32>} : memref<128x32xf32, #tpu.memory_space<vmem>>, vector<1x16xf32>,
          %swap3A_570 = vector.shape_cast %swap3A_569 : vector<1x16xf32> to vector<16xf32>
          %swap3A_571 = vector.shape_cast %mul3A_566 : vector<16xf32> to vector<1x16xf32>
          tpu.vector_store %arg11[%swap3A_567, %swap3A_568], %swap3A_571 {strides = array<i32>} : memref<128x32xf32, #tpu.memory_space<vmem>>, vector<1x16xf32>,
          %get3A_572 = arith.index_cast %add3A_558 : i32 to index
          %get3A_573 = arith.constant 16 : index
          %get3A_574 = tpu.vector_load %arg11[%get3A_572, %get3A_573] {strides = array<i32>} : memref<128x32xf32, #tpu.memory_space<vmem>>, vector<1x16xf32>,
          %get3A_575 = vector.shape_cast %get3A_574 : vector<1x16xf32> to vector<16xf32>
          %mul3A_576 = vector.broadcast %squeeze3A_560 : f32 to vector<16xf32>
          %mul3A_577 = arith.mulf %get3A_575, %mul3A_576 : vector<16xf32>
          %swap3A_578 = arith.index_cast %add3A_558 : i32 to index
          %swap3A_579 = arith.constant 16 : index
          %swap3A_580 = tpu.vector_load %arg11[%swap3A_578, %swap3A_579] {strides = array<i32>} : memref<128x32xf32, #tpu.memory_space<vmem>>, vector<1x16xf32>,
          %swap3A_581 = vector.shape_cast %swap3A_580 : vector<1x16xf32> to vector<16xf32>
          %swap3A_582 = vector.shape_cast %mul3A_577 : vector<16xf32> to vector<1x16xf32>
          tpu.vector_store %arg11[%swap3A_578, %swap3A_579], %swap3A_582 {strides = array<i32>} : memref<128x32xf32, #tpu.memory_space<vmem>>, vector<1x16xf32>,
        }
        %scan3A_130 = arith.constant 8 : i32
        "tpu.region"() ({
          %run_scoped3A = tpu.sem_alloc : memref<!tpu.dma_semaphore, #tpu.memory_space<semaphore_mem>>
          %dma_start3A_131 = arith.constant 0 : i32
          %dma_start3A_132 = arith.constant 0 : i32
          %dma_start3A_133 = tpu.memref_slice %arg13[%dma_start3A_131, %dma_start3A_132] : memref<50000x32xf32, #tpu.memory_space<vmem_shared>> -> memref<50000x32xf32, #tpu.memory_space<vmem_shared>>
          tpu.enqueue_indirect_dma source(%arg11 : memref<128x32xf32, #tpu.memory_space<vmem>>) target(%dma_start3A_133 : memref<50000x32xf32, #tpu.memory_space<vmem_shared>>) offsets(%arg8 : memref<128xi32, #tpu.memory_space<vmem>>) semaphore(%run_scoped3A : memref<!tpu.dma_semaphore, #tpu.memory_space<semaphore_mem>>) {add = true}
          %dma_wait3A_134 = arith.constant 0 : i32
          %dma_wait3A_135 = arith.constant 0 : i32
          %dma_wait3A_136 = tpu.memref_slice %arg13[%dma_wait3A_134, %dma_wait3A_135] : memref<50000x32xf32, #tpu.memory_space<vmem_shared>> -> memref<50000x32xf32, #tpu.memory_space<vmem_shared>>
          tpu.wait_indirect_dma semaphore(%run_scoped3A : memref<!tpu.dma_semaphore, #tpu.memory_space<semaphore_mem>>) src(%arg11 : memref<128x32xf32, #tpu.memory_space<vmem>>) dst(%dma_wait3A_136 : memref<50000x32xf32, #tpu.memory_space<vmem_shared>>)
          tpu.yield
        }) : () -> ()
      }
      %barrier3A_37 = arith.constant 0 : index
      tpu.barrier barrier_id(%barrier3A_37)
      %scan3A_38 = arith.constant 0 : i32
      %scan3A_39 = arith.constant 0 : i32
      %scan3A_40 = arith.constant 25 : i32
      %scan3A_41 = arith.addi %scan3A_39, %scan3A_40 : i32
      %scan3A_42 = arith.constant 1 : i32
      scf.for %scan3A_45 = %scan3A_39 to %scan3A_41 step %scan3A_42  : i32 {
        %mul3A_46 = arith.constant 125 : i32
        %mul3A_47 = arith.muli %scan3A_45, %mul3A_46 : i32
        %add3A_48 = arith.addi %mul3A_9, %mul3A_47 : i32
        %add3A_49 = arith.addi %add3A_21, %add3A_48 : i32
        "tpu.region"() ({
          %run_scoped3A = tpu.sem_alloc : memref<!tpu.dma_semaphore, #tpu.memory_space<semaphore_mem>>
          %dma_start3A = arith.constant 0 : i32
          %dma_start3A_50 = tpu.memref_slice %arg6[%add3A_49, %dma_start3A] : memref<300000x32xf32, #tpu.memory_space<hbm>> -> memref<125x32xf32, #tpu.memory_space<hbm>>
          %dma_start3A_51 = arith.constant 0 : i32
          %dma_start3A_52 = tpu.memref_slice %arg13[%add3A_48, %dma_start3A_51] : memref<50000x32xf32, #tpu.memory_space<vmem_shared>> -> memref<125x32xf32, #tpu.memory_space<vmem_shared>>
          tpu.enqueue_dma source(%dma_start3A_52 : memref<125x32xf32, #tpu.memory_space<vmem_shared>>) target(%dma_start3A_50 : memref<125x32xf32, #tpu.memory_space<hbm>>) target_semaphore(%run_scoped3A : memref<!tpu.dma_semaphore, #tpu.memory_space<semaphore_mem>>)
          %dma_wait3A = arith.constant 0 : i32
          %dma_wait3A_53 = tpu.memref_slice %arg6[%add3A_49, %dma_wait3A] : memref<300000x32xf32, #tpu.memory_space<hbm>> -> memref<125x32xf32, #tpu.memory_space<hbm>>
          %dma_wait3A_54 = arith.constant 0 : i32
          %dma_wait3A_55 = tpu.memref_slice %arg13[%add3A_48, %dma_wait3A_54] : memref<50000x32xf32, #tpu.memory_space<vmem_shared>> -> memref<125x32xf32, #tpu.memory_space<vmem_shared>>
          tpu.wait_dma2 semaphore(%run_scoped3A : memref<!tpu.dma_semaphore, #tpu.memory_space<semaphore_mem>>) src(%dma_wait3A_55 : memref<125x32xf32, #tpu.memory_space<vmem_shared>>) dst(%dma_wait3A_53 : memref<125x32xf32, #tpu.memory_space<hbm>>)
          tpu.yield
        }) : () -> ()
      }
      %scan3A_43 = arith.constant 25 : i32
      %barrier3A_44 = arith.constant 0 : index
      tpu.barrier barrier_id(%barrier3A_44)
    }
    %scan3A_15 = arith.constant 3 : i32
    return
  }
}

#map = affine_map<(d0, d1) -> (0)>
#map1 = affine_map<(d0, d1) -> (0, 0)>
module attributes {stable_mosaic.version = 14 : i64} {
  func.func @_sc_spmm_kernel(%arg0: i32, %arg1: i32, %arg2: memref<800000xi32, #tpu.memory_space<hbm>>, %arg3: memref<800000xi32, #tpu.memory_space<hbm>>, %arg4: memref<800000xf32, #tpu.memory_space<hbm>>, %arg5: memref<300000x32xf32, #tpu.memory_space<hbm>>, %arg6: memref<300000x32xf32, #tpu.memory_space<hbm>>, %arg7: memref<128xi32, #tpu.memory_space<vmem>>, %arg8: memref<128xi32, #tpu.memory_space<vmem>>, %arg9: memref<128xf32, #tpu.memory_space<vmem>>, %arg10: memref<8xf32, #tpu.memory_space<smem>>, %arg11: memref<128x32xf32, #tpu.memory_space<vmem>>, %arg12: memref<125x32xf32, #tpu.memory_space<vmem>>, %arg13: memref<50000x32xf32, #tpu.memory_space<vmem_shared>>, %arg14: memref<!tpu.dma_semaphore, #tpu.memory_space<semaphore_mem>>) attributes {dimension_semantics = [#tpu.dimension_semantics<core_parallel>, #tpu.dimension_semantics<subcore_parallel>], iteration_bounds = array<i64: 2, 16>, scalar_prefetch = 0 : i64, scratch_operands = 8 : i64, tpu.core_type = #tpu.core_type<sc_vector_subcore>, window_params = [{transform_indices = #map}, {transform_indices = #map}, {transform_indices = #map}, {transform_indices = #map1}, {transform_indices = #map1}]} {
    %broadcast_in_dim3A = arith.constant 0.000000e+00 : f32
    %broadcast_in_dim3A_0 = vector.broadcast %broadcast_in_dim3A : f32 to vector<16xf32>
    %scan3A = arith.constant 0 : i32
    %scan3A_1 = arith.constant 0 : i32
    %scan3A_2 = arith.constant 125 : i32
    %scan3A_3 = arith.addi %scan3A_1, %scan3A_2 : i32
    %scan3A_4 = arith.constant 1 : i32
    scf.for %scan3A_16 = %scan3A_1 to %scan3A_3 step %scan3A_4  : i32 {
      %swap3A = arith.index_cast %scan3A_16 : i32 to index
      %swap3A_17 = arith.constant 0 : index
      %swap3A_18 = tpu.vector_load %arg12[%swap3A, %swap3A_17] {strides = array<i32>} : memref<125x32xf32, #tpu.memory_space<vmem>>, vector<1x16xf32>,
      %swap3A_19 = vector.shape_cast %swap3A_18 : vector<1x16xf32> to vector<16xf32>
      %swap3A_20 = vector.shape_cast %broadcast_in_dim3A_0 : vector<16xf32> to vector<1x16xf32>
      tpu.vector_store %arg12[%swap3A, %swap3A_17], %swap3A_20 {strides = array<i32>} : memref<125x32xf32, #tpu.memory_space<vmem>>, vector<1x16xf32>,
      %swap3A_21 = arith.index_cast %scan3A_16 : i32 to index
      %swap3A_22 = arith.constant 16 : index
      %swap3A_23 = tpu.vector_load %arg12[%swap3A_21, %swap3A_22] {strides = array<i32>} : memref<125x32xf32, #tpu.memory_space<vmem>>, vector<1x16xf32>,
      %swap3A_24 = vector.shape_cast %swap3A_23 : vector<1x16xf32> to vector<16xf32>
      %swap3A_25 = vector.shape_cast %broadcast_in_dim3A_0 : vector<16xf32> to vector<1x16xf32>
      tpu.vector_store %arg12[%swap3A_21, %swap3A_22], %swap3A_25 {strides = array<i32>} : memref<125x32xf32, #tpu.memory_space<vmem>>, vector<1x16xf32>,
    }
    %scan3A_5 = arith.constant 125 : i32
    %lt3A = arith.constant 10 : i32
    %lt3A_6 = arith.cmpi slt, %arg1, %lt3A : i32
    %jit3A = arith.constant 1 : i32
    %jit3A_7 = arith.constant 0 : i32
    %select_n3A = arith.select %lt3A_6, %jit3A, %jit3A_7 : i32
    %add3A = arith.constant 390 : i32
    %add3A_8 = arith.addi %add3A, %select_n3A : i32
    %mul3A = arith.constant 3125 : i32
    %mul3A_9 = arith.muli %arg1, %mul3A : i32
    %scan3A_10 = arith.constant 0 : i32
    %scan3A_11 = arith.constant 0 : i32
    %scan3A_12 = arith.constant 3 : i32
    %scan3A_13 = arith.addi %scan3A_11, %scan3A_12 : i32
    %scan3A_14 = arith.constant 1 : i32
    scf.for %scan3A_16 = %scan3A_11 to %scan3A_13 step %scan3A_14  : i32 {
      %mul3A_17 = arith.constant 150000 : i32
      %mul3A_18 = arith.muli %arg0, %mul3A_17 : i32
      %mul3A_19 = arith.constant 50000 : i32
      %mul3A_20 = arith.muli %scan3A_16, %mul3A_19 : i32
      %add3A_21 = arith.addi %mul3A_18, %mul3A_20 : i32
      %scan3A_22 = arith.constant 0 : i32
      %scan3A_23 = arith.constant 0 : i32
      %scan3A_24 = arith.constant 25 : i32
      %scan3A_25 = arith.addi %scan3A_23, %scan3A_24 : i32
      %scan3A_26 = arith.constant 1 : i32
      scf.for %scan3A_45 = %scan3A_23 to %scan3A_25 step %scan3A_26  : i32 {
        %mul3A_46 = arith.constant 125 : i32
        %mul3A_47 = arith.muli %scan3A_45, %mul3A_46 : i32
        %add3A_48 = arith.addi %mul3A_9, %mul3A_47 : i32
        "tpu.region"() ({
          %run_scoped3A = tpu.sem_alloc : memref<!tpu.dma_semaphore, #tpu.memory_space<semaphore_mem>>
          %dma_start3A = arith.constant 0 : i32
          %dma_start3A_49 = tpu.memref_slice %arg13[%add3A_48, %dma_start3A] : memref<50000x32xf32, #tpu.memory_space<vmem_shared>> -> memref<125x32xf32, #tpu.memory_space<vmem_shared>>
          %dma_start3A_50 = arith.constant 0 : i32
          %dma_start3A_51 = tpu.memref_slice %arg13[%add3A_48, %dma_start3A_50] : memref<50000x32xf32, #tpu.memory_space<vmem_shared>> -> memref<125x32xf32, #tpu.memory_space<vmem_shared>>
          tpu.enqueue_dma source(%arg12 : memref<125x32xf32, #tpu.memory_space<vmem>>) target(%dma_start3A_51 : memref<125x32xf32, #tpu.memory_space<vmem_shared>>) target_semaphore(%run_scoped3A : memref<!tpu.dma_semaphore, #tpu.memory_space<semaphore_mem>>)
          %dma_wait3A = arith.constant 0 : i32
          %dma_wait3A_52 = tpu.memref_slice %arg13[%add3A_48, %dma_wait3A] : memref<50000x32xf32, #tpu.memory_space<vmem_shared>> -> memref<125x32xf32, #tpu.memory_space<vmem_shared>>
          %dma_wait3A_53 = arith.constant 0 : i32
          %dma_wait3A_54 = tpu.memref_slice %arg13[%add3A_48, %dma_wait3A_53] : memref<50000x32xf32, #tpu.memory_space<vmem_shared>> -> memref<125x32xf32, #tpu.memory_space<vmem_shared>>
          tpu.wait_dma2 semaphore(%run_scoped3A : memref<!tpu.dma_semaphore, #tpu.memory_space<semaphore_mem>>) src(%arg12 : memref<125x32xf32, #tpu.memory_space<vmem>>) dst(%dma_wait3A_54 : memref<125x32xf32, #tpu.memory_space<vmem_shared>>)
          tpu.yield
        }) : () -> ()
      }
      %scan3A_27 = arith.constant 25 : i32
      %barrier3A = arith.constant 0 : index
      tpu.barrier barrier_id(%barrier3A)
      %while3A = arith.constant 0 : i32
      %while3A_28 = arith.constant 0 : i32
      %while3A_29 = arith.subi %add3A_8, %while3A_28 : i32
      %while3A_30 = arith.addi %while3A_28, %while3A_29 : i32
      %while3A_31 = arith.constant 1 : i32
      %while3A_32 = arith.divsi %while3A_29, %while3A_31 : i32
      %while3A_33 = arith.muli %while3A_32, %while3A_31 : i32
      %while3A_34 = arith.addi %while3A_28, %while3A_33 : i32
      %while3A_35 = arith.constant 1 : i32
      scf.for %while3A_45 = %while3A_28 to %while3A_34 step %while3A_35  : i32 {
        %mul3A_46 = arith.constant 16 : i32
        %mul3A_47 = arith.muli %while3A_45, %mul3A_46 : i32
        %add3A_48 = arith.addi %arg1, %mul3A_47 : i32
        %mul3A_49 = arith.constant 128 : i32
        %mul3A_50 = arith.muli %add3A_48, %mul3A_49 : i32
        "tpu.region"() ({
          %run_scoped3A = tpu.sem_alloc : memref<!tpu.dma_semaphore, #tpu.memory_space<semaphore_mem>>
          %dma_start3A_131 = tpu.memref_slice %arg3[%mul3A_50] : memref<800000xi32, #tpu.memory_space<hbm>> -> memref<128xi32, #tpu.memory_space<hbm>>
          %dma_start3A_132 = tpu.memref_slice %arg3[%mul3A_50] : memref<800000xi32, #tpu.memory_space<hbm>> -> memref<128xi32, #tpu.memory_space<hbm>>
          tpu.enqueue_dma source(%dma_start3A_132 : memref<128xi32, #tpu.memory_space<hbm>>) target(%arg7 : memref<128xi32, #tpu.memory_space<vmem>>) target_semaphore(%run_scoped3A : memref<!tpu.dma_semaphore, #tpu.memory_space<semaphore_mem>>)
          %dma_wait3A_133 = tpu.memref_slice %arg3[%mul3A_50] : memref<800000xi32, #tpu.memory_space<hbm>> -> memref<128xi32, #tpu.memory_space<hbm>>
          %dma_wait3A_134 = tpu.memref_slice %arg3[%mul3A_50] : memref<800000xi32, #tpu.memory_space<hbm>> -> memref<128xi32, #tpu.memory_space<hbm>>
          tpu.wait_dma2 semaphore(%run_scoped3A : memref<!tpu.dma_semaphore, #tpu.memory_space<semaphore_mem>>) src(%dma_wait3A_134 : memref<128xi32, #tpu.memory_space<hbm>>) dst(%arg7 : memref<128xi32, #tpu.memory_space<vmem>>)
          tpu.yield
        }) : () -> ()
        "tpu.region"() ({
          %run_scoped3A = tpu.sem_alloc : memref<!tpu.dma_semaphore, #tpu.memory_space<semaphore_mem>>
          %dma_start3A_131 = tpu.memref_slice %arg2[%mul3A_50] : memref<800000xi32, #tpu.memory_space<hbm>> -> memref<128xi32, #tpu.memory_space<hbm>>
          %dma_start3A_132 = tpu.memref_slice %arg2[%mul3A_50] : memref<800000xi32, #tpu.memory_space<hbm>> -> memref<128xi32, #tpu.memory_space<hbm>>
          tpu.enqueue_dma source(%dma_start3A_132 : memref<128xi32, #tpu.memory_space<hbm>>) target(%arg8 : memref<128xi32, #tpu.memory_space<vmem>>) target_semaphore(%run_scoped3A : memref<!tpu.dma_semaphore, #tpu.memory_space<semaphore_mem>>)
          %dma_wait3A_133 = tpu.memref_slice %arg2[%mul3A_50] : memref<800000xi32, #tpu.memory_space<hbm>> -> memref<128xi32, #tpu.memory_space<hbm>>
          %dma_wait3A_134 = tpu.memref_slice %arg2[%mul3A_50] : memref<800000xi32, #tpu.memory_space<hbm>> -> memref<128xi32, #tpu.memory_space<hbm>>
          tpu.wait_dma2 semaphore(%run_scoped3A : memref<!tpu.dma_semaphore, #tpu.memory_space<semaphore_mem>>) src(%dma_wait3A_134 : memref<128xi32, #tpu.memory_space<hbm>>) dst(%arg8 : memref<128xi32, #tpu.memory_space<vmem>>)
          tpu.yield
        }) : () -> ()
        "tpu.region"() ({
          %run_scoped3A = tpu.sem_alloc : memref<!tpu.dma_semaphore, #tpu.memory_space<semaphore_mem>>
          %dma_start3A_131 = tpu.memref_slice %arg4[%mul3A_50] : memref<800000xf32, #tpu.memory_space<hbm>> -> memref<128xf32, #tpu.memory_space<hbm>>
          %dma_start3A_132 = tpu.memref_slice %arg4[%mul3A_50] : memref<800000xf32, #tpu.memory_space<hbm>> -> memref<128xf32, #tpu.memory_space<hbm>>
          tpu.enqueue_dma source(%dma_start3A_132 : memref<128xf32, #tpu.memory_space<hbm>>) target(%arg9 : memref<128xf32, #tpu.memory_space<vmem>>) target_semaphore(%run_scoped3A : memref<!tpu.dma_semaphore, #tpu.memory_space<semaphore_mem>>)
          %dma_wait3A_133 = tpu.memref_slice %arg4[%mul3A_50] : memref<800000xf32, #tpu.memory_space<hbm>> -> memref<128xf32, #tpu.memory_space<hbm>>
          %dma_wait3A_134 = tpu.memref_slice %arg4[%mul3A_50] : memref<800000xf32, #tpu.memory_space<hbm>> -> memref<128xf32, #tpu.memory_space<hbm>>
          tpu.wait_dma2 semaphore(%run_scoped3A : memref<!tpu.dma_semaphore, #tpu.memory_space<semaphore_mem>>) src(%dma_wait3A_134 : memref<128xf32, #tpu.memory_space<hbm>>) dst(%arg9 : memref<128xf32, #tpu.memory_space<vmem>>)
          tpu.yield
        }) : () -> ()
        %get3A = arith.constant 0 : index
        %get3A_51 = tpu.vector_load %arg7[%get3A] {strides = array<i32>} : memref<128xi32, #tpu.memory_space<vmem>>, vector<16xi32>,
        %get3A_52 = vector.shape_cast %get3A_51 : vector<16xi32> to vector<16xi32>
        %add3A_53 = vector.broadcast %add3A_21 : i32 to vector<16xi32>
        %add3A_54 = arith.addi %get3A_52, %add3A_53 : vector<16xi32>
        %swap3A = arith.constant 0 : index
        %swap3A_55 = tpu.vector_load %arg7[%swap3A] {strides = array<i32>} : memref<128xi32, #tpu.memory_space<vmem>>, vector<16xi32>,
        %swap3A_56 = vector.shape_cast %swap3A_55 : vector<16xi32> to vector<16xi32>
        %swap3A_57 = vector.shape_cast %add3A_54 : vector<16xi32> to vector<16xi32>
        tpu.vector_store %arg7[%swap3A], %swap3A_57 {strides = array<i32>} : memref<128xi32, #tpu.memory_space<vmem>>, vector<16xi32>,
        %get3A_58 = arith.constant 16 : index
        %get3A_59 = tpu.vector_load %arg7[%get3A_58] {strides = array<i32>} : memref<128xi32, #tpu.memory_space<vmem>>, vector<16xi32>,
        %get3A_60 = vector.shape_cast %get3A_59 : vector<16xi32> to vector<16xi32>
        %add3A_61 = vector.broadcast %add3A_21 : i32 to vector<16xi32>
        %add3A_62 = arith.addi %get3A_60, %add3A_61 : vector<16xi32>
        %swap3A_63 = arith.constant 16 : index
        %swap3A_64 = tpu.vector_load %arg7[%swap3A_63] {strides = array<i32>} : memref<128xi32, #tpu.memory_space<vmem>>, vector<16xi32>,
        %swap3A_65 = vector.shape_cast %swap3A_64 : vector<16xi32> to vector<16xi32>
        %swap3A_66 = vector.shape_cast %add3A_62 : vector<16xi32> to vector<16xi32>
        tpu.vector_store %arg7[%swap3A_63], %swap3A_66 {strides = array<i32>} : memref<128xi32, #tpu.memory_space<vmem>>, vector<16xi32>,
        %get3A_67 = arith.constant 32 : index
        %get3A_68 = tpu.vector_load %arg7[%get3A_67] {strides = array<i32>} : memref<128xi32, #tpu.memory_space<vmem>>, vector<16xi32>,
        %get3A_69 = vector.shape_cast %get3A_68 : vector<16xi32> to vector<16xi32>
        %add3A_70 = vector.broadcast %add3A_21 : i32 to vector<16xi32>
        %add3A_71 = arith.addi %get3A_69, %add3A_70 : vector<16xi32>
        %swap3A_72 = arith.constant 32 : index
        %swap3A_73 = tpu.vector_load %arg7[%swap3A_72] {strides = array<i32>} : memref<128xi32, #tpu.memory_space<vmem>>, vector<16xi32>,
        %swap3A_74 = vector.shape_cast %swap3A_73 : vector<16xi32> to vector<16xi32>
        %swap3A_75 = vector.shape_cast %add3A_71 : vector<16xi32> to vector<16xi32>
        tpu.vector_store %arg7[%swap3A_72], %swap3A_75 {strides = array<i32>} : memref<128xi32, #tpu.memory_space<vmem>>, vector<16xi32>,
        %get3A_76 = arith.constant 48 : index
        %get3A_77 = tpu.vector_load %arg7[%get3A_76] {strides = array<i32>} : memref<128xi32, #tpu.memory_space<vmem>>, vector<16xi32>,
        %get3A_78 = vector.shape_cast %get3A_77 : vector<16xi32> to vector<16xi32>
        %add3A_79 = vector.broadcast %add3A_21 : i32 to vector<16xi32>
        %add3A_80 = arith.addi %get3A_78, %add3A_79 : vector<16xi32>
        %swap3A_81 = arith.constant 48 : index
        %swap3A_82 = tpu.vector_load %arg7[%swap3A_81] {strides = array<i32>} : memref<128xi32, #tpu.memory_space<vmem>>, vector<16xi32>,
        %swap3A_83 = vector.shape_cast %swap3A_82 : vector<16xi32> to vector<16xi32>
        %swap3A_84 = vector.shape_cast %add3A_80 : vector<16xi32> to vector<16xi32>
        tpu.vector_store %arg7[%swap3A_81], %swap3A_84 {strides = array<i32>} : memref<128xi32, #tpu.memory_space<vmem>>, vector<16xi32>,
        %get3A_85 = arith.constant 64 : index
        %get3A_86 = tpu.vector_load %arg7[%get3A_85] {strides = array<i32>} : memref<128xi32, #tpu.memory_space<vmem>>, vector<16xi32>,
        %get3A_87 = vector.shape_cast %get3A_86 : vector<16xi32> to vector<16xi32>
        %add3A_88 = vector.broadcast %add3A_21 : i32 to vector<16xi32>
        %add3A_89 = arith.addi %get3A_87, %add3A_88 : vector<16xi32>
        %swap3A_90 = arith.constant 64 : index
        %swap3A_91 = tpu.vector_load %arg7[%swap3A_90] {strides = array<i32>} : memref<128xi32, #tpu.memory_space<vmem>>, vector<16xi32>,
        %swap3A_92 = vector.shape_cast %swap3A_91 : vector<16xi32> to vector<16xi32>
        %swap3A_93 = vector.shape_cast %add3A_89 : vector<16xi32> to vector<16xi32>
        tpu.vector_store %arg7[%swap3A_90], %swap3A_93 {strides = array<i32>} : memref<128xi32, #tpu.memory_space<vmem>>, vector<16xi32>,
        %get3A_94 = arith.constant 80 : index
        %get3A_95 = tpu.vector_load %arg7[%get3A_94] {strides = array<i32>} : memref<128xi32, #tpu.memory_space<vmem>>, vector<16xi32>,
        %get3A_96 = vector.shape_cast %get3A_95 : vector<16xi32> to vector<16xi32>
        %add3A_97 = vector.broadcast %add3A_21 : i32 to vector<16xi32>
        %add3A_98 = arith.addi %get3A_96, %add3A_97 : vector<16xi32>
        %swap3A_99 = arith.constant 80 : index
        %swap3A_100 = tpu.vector_load %arg7[%swap3A_99] {strides = array<i32>} : memref<128xi32, #tpu.memory_space<vmem>>, vector<16xi32>,
        %swap3A_101 = vector.shape_cast %swap3A_100 : vector<16xi32> to vector<16xi32>
        %swap3A_102 = vector.shape_cast %add3A_98 : vector<16xi32> to vector<16xi32>
        tpu.vector_store %arg7[%swap3A_99], %swap3A_102 {strides = array<i32>} : memref<128xi32, #tpu.memory_space<vmem>>, vector<16xi32>,
        %get3A_103 = arith.constant 96 : index
        %get3A_104 = tpu.vector_load %arg7[%get3A_103] {strides = array<i32>} : memref<128xi32, #tpu.memory_space<vmem>>, vector<16xi32>,
        %get3A_105 = vector.shape_cast %get3A_104 : vector<16xi32> to vector<16xi32>
        %add3A_106 = vector.broadcast %add3A_21 : i32 to vector<16xi32>
        %add3A_107 = arith.addi %get3A_105, %add3A_106 : vector<16xi32>
        %swap3A_108 = arith.constant 96 : index
        %swap3A_109 = tpu.vector_load %arg7[%swap3A_108] {strides = array<i32>} : memref<128xi32, #tpu.memory_space<vmem>>, vector<16xi32>,
        %swap3A_110 = vector.shape_cast %swap3A_109 : vector<16xi32> to vector<16xi32>
        %swap3A_111 = vector.shape_cast %add3A_107 : vector<16xi32> to vector<16xi32>
        tpu.vector_store %arg7[%swap3A_108], %swap3A_111 {strides = array<i32>} : memref<128xi32, #tpu.memory_space<vmem>>, vector<16xi32>,
        %get3A_112 = arith.constant 112 : index
        %get3A_113 = tpu.vector_load %arg7[%get3A_112] {strides = array<i32>} : memref<128xi32, #tpu.memory_space<vmem>>, vector<16xi32>,
        %get3A_114 = vector.shape_cast %get3A_113 : vector<16xi32> to vector<16xi32>
        %add3A_115 = vector.broadcast %add3A_21 : i32 to vector<16xi32>
        %add3A_116 = arith.addi %get3A_114, %add3A_115 : vector<16xi32>
        %swap3A_117 = arith.constant 112 : index
        %swap3A_118 = tpu.vector_load %arg7[%swap3A_117] {strides = array<i32>} : memref<128xi32, #tpu.memory_space<vmem>>, vector<16xi32>,
        %swap3A_119 = vector.shape_cast %swap3A_118 : vector<16xi32> to vector<16xi32>
        %swap3A_120 = vector.shape_cast %add3A_116 : vector<16xi32> to vector<16xi32>
        tpu.vector_store %arg7[%swap3A_117], %swap3A_120 {strides = array<i32>} : memref<128xi32, #tpu.memory_space<vmem>>, vector<16xi32>,
        %dma_start3A = arith.constant 0 : i32
        %dma_start3A_121 = arith.constant 0 : i32
        %dma_start3A_122 = tpu.memref_slice %arg5[%dma_start3A, %dma_start3A_121] : memref<300000x32xf32, #tpu.memory_space<hbm>> -> memref<300000x32xf32, #tpu.memory_space<hbm>>
        tpu.enqueue_indirect_dma source(%dma_start3A_122 : memref<300000x32xf32, #tpu.memory_space<hbm>>) target(%arg11 : memref<128x32xf32, #tpu.memory_space<vmem>>) offsets(%arg7 : memref<128xi32, #tpu.memory_space<vmem>>) semaphore(%arg14 : memref<!tpu.dma_semaphore, #tpu.memory_space<semaphore_mem>>)
        %dma_wait3A = arith.constant 0 : i32
        %dma_wait3A_123 = arith.constant 0 : i32
        %dma_wait3A_124 = tpu.memref_slice %arg5[%dma_wait3A, %dma_wait3A_123] : memref<300000x32xf32, #tpu.memory_space<hbm>> -> memref<300000x32xf32, #tpu.memory_space<hbm>>
        tpu.wait_indirect_dma semaphore(%arg14 : memref<!tpu.dma_semaphore, #tpu.memory_space<semaphore_mem>>) src(%dma_wait3A_124 : memref<300000x32xf32, #tpu.memory_space<hbm>>) dst(%arg11 : memref<128x32xf32, #tpu.memory_space<vmem>>)
        %scan3A_125 = arith.constant 0 : i32
        %scan3A_126 = arith.constant 0 : i32
        %scan3A_127 = arith.constant 8 : i32
        %scan3A_128 = arith.addi %scan3A_126, %scan3A_127 : i32
        %scan3A_129 = arith.constant 1 : i32
        scf.for %scan3A_131 = %scan3A_126 to %scan3A_128 step %scan3A_129  : i32 {
          %mul3A_132 = arith.constant 16 : i32
          %mul3A_133 = arith.muli %scan3A_131, %mul3A_132 : i32
          %get3A_134 = arith.index_cast %mul3A_133 : i32 to index
          %get3A_135 = tpu.vector_load %arg9[%get3A_134] {strides = array<i32>} : memref<128xf32, #tpu.memory_space<vmem>>, vector<16xf32>,
          %get3A_136 = vector.shape_cast %get3A_135 : vector<16xf32> to vector<16xf32>
          %mul3A_137 = arith.constant 16 : i32
          %mul3A_138 = arith.muli %scan3A_131, %mul3A_137 : i32
          %add3A_139 = arith.constant 0 : i32
          %add3A_140 = arith.addi %mul3A_138, %add3A_139 : i32
          %slice3A = vector.extract_strided_slice %get3A_136 {offsets = [0], sizes = [1], strides = [1]} : vector<16xf32> to vector<1xf32>
          %squeeze3A = vector.extract %slice3A[0] : f32 from vector<1xf32>
          %get3A_141 = arith.index_cast %add3A_140 : i32 to index
          %get3A_142 = arith.constant 0 : index
          %get3A_143 = tpu.vector_load %arg11[%get3A_141, %get3A_142] {strides = array<i32>} : memref<128x32xf32, #tpu.memory_space<vmem>>, vector<1x16xf32>,
          %get3A_144 = vector.shape_cast %get3A_143 : vector<1x16xf32> to vector<16xf32>
          %mul3A_145 = vector.broadcast %squeeze3A : f32 to vector<16xf32>
          %mul3A_146 = arith.mulf %get3A_144, %mul3A_145 : vector<16xf32>
          %swap3A_147 = arith.index_cast %add3A_140 : i32 to index
          %swap3A_148 = arith.constant 0 : index
          %swap3A_149 = tpu.vector_load %arg11[%swap3A_147, %swap3A_148] {strides = array<i32>} : memref<128x32xf32, #tpu.memory_space<vmem>>, vector<1x16xf32>,
          %swap3A_150 = vector.shape_cast %swap3A_149 : vector<1x16xf32> to vector<16xf32>
          %swap3A_151 = vector.shape_cast %mul3A_146 : vector<16xf32> to vector<1x16xf32>
          tpu.vector_store %arg11[%swap3A_147, %swap3A_148], %swap3A_151 {strides = array<i32>} : memref<128x32xf32, #tpu.memory_space<vmem>>, vector<1x16xf32>,
          %get3A_152 = arith.index_cast %add3A_140 : i32 to index
          %get3A_153 = arith.constant 16 : index
          %get3A_154 = tpu.vector_load %arg11[%get3A_152, %get3A_153] {strides = array<i32>} : memref<128x32xf32, #tpu.memory_space<vmem>>, vector<1x16xf32>,
          %get3A_155 = vector.shape_cast %get3A_154 : vector<1x16xf32> to vector<16xf32>
          %mul3A_156 = vector.broadcast %squeeze3A : f32 to vector<16xf32>
          %mul3A_157 = arith.mulf %get3A_155, %mul3A_156 : vector<16xf32>
          %swap3A_158 = arith.index_cast %add3A_140 : i32 to index
          %swap3A_159 = arith.constant 16 : index
          %swap3A_160 = tpu.vector_load %arg11[%swap3A_158, %swap3A_159] {strides = array<i32>} : memref<128x32xf32, #tpu.memory_space<vmem>>, vector<1x16xf32>,
          %swap3A_161 = vector.shape_cast %swap3A_160 : vector<1x16xf32> to vector<16xf32>
          %swap3A_162 = vector.shape_cast %mul3A_157 : vector<16xf32> to vector<1x16xf32>
          tpu.vector_store %arg11[%swap3A_158, %swap3A_159], %swap3A_162 {strides = array<i32>} : memref<128x32xf32, #tpu.memory_space<vmem>>, vector<1x16xf32>,
          %mul3A_163 = arith.constant 16 : i32
          %mul3A_164 = arith.muli %scan3A_131, %mul3A_163 : i32
          %add3A_165 = arith.constant 1 : i32
          %add3A_166 = arith.addi %mul3A_164, %add3A_165 : i32
          %slice3A_167 = vector.extract_strided_slice %get3A_136 {offsets = [1], sizes = [1], strides = [1]} : vector<16xf32> to vector<1xf32>
          %squeeze3A_168 = vector.extract %slice3A_167[0] : f32 from vector<1xf32>
          %get3A_169 = arith.index_cast %add3A_166 : i32 to index
          %get3A_170 = arith.constant 0 : index
          %get3A_171 = tpu.vector_load %arg11[%get3A_169, %get3A_170] {strides = array<i32>} : memref<128x32xf32, #tpu.memory_space<vmem>>, vector<1x16xf32>,
          %get3A_172 = vector.shape_cast %get3A_171 : vector<1x16xf32> to vector<16xf32>
          %mul3A_173 = vector.broadcast %squeeze3A_168 : f32 to vector<16xf32>
          %mul3A_174 = arith.mulf %get3A_172, %mul3A_173 : vector<16xf32>
          %swap3A_175 = arith.index_cast %add3A_166 : i32 to index
          %swap3A_176 = arith.constant 0 : index
          %swap3A_177 = tpu.vector_load %arg11[%swap3A_175, %swap3A_176] {strides = array<i32>} : memref<128x32xf32, #tpu.memory_space<vmem>>, vector<1x16xf32>,
          %swap3A_178 = vector.shape_cast %swap3A_177 : vector<1x16xf32> to vector<16xf32>
          %swap3A_179 = vector.shape_cast %mul3A_174 : vector<16xf32> to vector<1x16xf32>
          tpu.vector_store %arg11[%swap3A_175, %swap3A_176], %swap3A_179 {strides = array<i32>} : memref<128x32xf32, #tpu.memory_space<vmem>>, vector<1x16xf32>,
          %get3A_180 = arith.index_cast %add3A_166 : i32 to index
          %get3A_181 = arith.constant 16 : index
          %get3A_182 = tpu.vector_load %arg11[%get3A_180, %get3A_181] {strides = array<i32>} : memref<128x32xf32, #tpu.memory_space<vmem>>, vector<1x16xf32>,
          %get3A_183 = vector.shape_cast %get3A_182 : vector<1x16xf32> to vector<16xf32>
          %mul3A_184 = vector.broadcast %squeeze3A_168 : f32 to vector<16xf32>
          %mul3A_185 = arith.mulf %get3A_183, %mul3A_184 : vector<16xf32>
          %swap3A_186 = arith.index_cast %add3A_166 : i32 to index
          %swap3A_187 = arith.constant 16 : index
          %swap3A_188 = tpu.vector_load %arg11[%swap3A_186, %swap3A_187] {strides = array<i32>} : memref<128x32xf32, #tpu.memory_space<vmem>>, vector<1x16xf32>,
          %swap3A_189 = vector.shape_cast %swap3A_188 : vector<1x16xf32> to vector<16xf32>
          %swap3A_190 = vector.shape_cast %mul3A_185 : vector<16xf32> to vector<1x16xf32>
          tpu.vector_store %arg11[%swap3A_186, %swap3A_187], %swap3A_190 {strides = array<i32>} : memref<128x32xf32, #tpu.memory_space<vmem>>, vector<1x16xf32>,
          %mul3A_191 = arith.constant 16 : i32
          %mul3A_192 = arith.muli %scan3A_131, %mul3A_191 : i32
          %add3A_193 = arith.constant 2 : i32
          %add3A_194 = arith.addi %mul3A_192, %add3A_193 : i32
          %slice3A_195 = vector.extract_strided_slice %get3A_136 {offsets = [2], sizes = [1], strides = [1]} : vector<16xf32> to vector<1xf32>
          %squeeze3A_196 = vector.extract %slice3A_195[0] : f32 from vector<1xf32>
          %get3A_197 = arith.index_cast %add3A_194 : i32 to index
          %get3A_198 = arith.constant 0 : index
          %get3A_199 = tpu.vector_load %arg11[%get3A_197, %get3A_198] {strides = array<i32>} : memref<128x32xf32, #tpu.memory_space<vmem>>, vector<1x16xf32>,
          %get3A_200 = vector.shape_cast %get3A_199 : vector<1x16xf32> to vector<16xf32>
          %mul3A_201 = vector.broadcast %squeeze3A_196 : f32 to vector<16xf32>
          %mul3A_202 = arith.mulf %get3A_200, %mul3A_201 : vector<16xf32>
          %swap3A_203 = arith.index_cast %add3A_194 : i32 to index
          %swap3A_204 = arith.constant 0 : index
          %swap3A_205 = tpu.vector_load %arg11[%swap3A_203, %swap3A_204] {strides = array<i32>} : memref<128x32xf32, #tpu.memory_space<vmem>>, vector<1x16xf32>,
          %swap3A_206 = vector.shape_cast %swap3A_205 : vector<1x16xf32> to vector<16xf32>
          %swap3A_207 = vector.shape_cast %mul3A_202 : vector<16xf32> to vector<1x16xf32>
          tpu.vector_store %arg11[%swap3A_203, %swap3A_204], %swap3A_207 {strides = array<i32>} : memref<128x32xf32, #tpu.memory_space<vmem>>, vector<1x16xf32>,
          %get3A_208 = arith.index_cast %add3A_194 : i32 to index
          %get3A_209 = arith.constant 16 : index
          %get3A_210 = tpu.vector_load %arg11[%get3A_208, %get3A_209] {strides = array<i32>} : memref<128x32xf32, #tpu.memory_space<vmem>>, vector<1x16xf32>,
          %get3A_211 = vector.shape_cast %get3A_210 : vector<1x16xf32> to vector<16xf32>
          %mul3A_212 = vector.broadcast %squeeze3A_196 : f32 to vector<16xf32>
          %mul3A_213 = arith.mulf %get3A_211, %mul3A_212 : vector<16xf32>
          %swap3A_214 = arith.index_cast %add3A_194 : i32 to index
          %swap3A_215 = arith.constant 16 : index
          %swap3A_216 = tpu.vector_load %arg11[%swap3A_214, %swap3A_215] {strides = array<i32>} : memref<128x32xf32, #tpu.memory_space<vmem>>, vector<1x16xf32>,
          %swap3A_217 = vector.shape_cast %swap3A_216 : vector<1x16xf32> to vector<16xf32>
          %swap3A_218 = vector.shape_cast %mul3A_213 : vector<16xf32> to vector<1x16xf32>
          tpu.vector_store %arg11[%swap3A_214, %swap3A_215], %swap3A_218 {strides = array<i32>} : memref<128x32xf32, #tpu.memory_space<vmem>>, vector<1x16xf32>,
          %mul3A_219 = arith.constant 16 : i32
          %mul3A_220 = arith.muli %scan3A_131, %mul3A_219 : i32
          %add3A_221 = arith.constant 3 : i32
          %add3A_222 = arith.addi %mul3A_220, %add3A_221 : i32
          %slice3A_223 = vector.extract_strided_slice %get3A_136 {offsets = [3], sizes = [1], strides = [1]} : vector<16xf32> to vector<1xf32>
          %squeeze3A_224 = vector.extract %slice3A_223[0] : f32 from vector<1xf32>
          %get3A_225 = arith.index_cast %add3A_222 : i32 to index
          %get3A_226 = arith.constant 0 : index
          %get3A_227 = tpu.vector_load %arg11[%get3A_225, %get3A_226] {strides = array<i32>} : memref<128x32xf32, #tpu.memory_space<vmem>>, vector<1x16xf32>,
          %get3A_228 = vector.shape_cast %get3A_227 : vector<1x16xf32> to vector<16xf32>
          %mul3A_229 = vector.broadcast %squeeze3A_224 : f32 to vector<16xf32>
          %mul3A_230 = arith.mulf %get3A_228, %mul3A_229 : vector<16xf32>
          %swap3A_231 = arith.index_cast %add3A_222 : i32 to index
          %swap3A_232 = arith.constant 0 : index
          %swap3A_233 = tpu.vector_load %arg11[%swap3A_231, %swap3A_232] {strides = array<i32>} : memref<128x32xf32, #tpu.memory_space<vmem>>, vector<1x16xf32>,
          %swap3A_234 = vector.shape_cast %swap3A_233 : vector<1x16xf32> to vector<16xf32>
          %swap3A_235 = vector.shape_cast %mul3A_230 : vector<16xf32> to vector<1x16xf32>
          tpu.vector_store %arg11[%swap3A_231, %swap3A_232], %swap3A_235 {strides = array<i32>} : memref<128x32xf32, #tpu.memory_space<vmem>>, vector<1x16xf32>,
          %get3A_236 = arith.index_cast %add3A_222 : i32 to index
          %get3A_237 = arith.constant 16 : index
          %get3A_238 = tpu.vector_load %arg11[%get3A_236, %get3A_237] {strides = array<i32>} : memref<128x32xf32, #tpu.memory_space<vmem>>, vector<1x16xf32>,
          %get3A_239 = vector.shape_cast %get3A_238 : vector<1x16xf32> to vector<16xf32>
          %mul3A_240 = vector.broadcast %squeeze3A_224 : f32 to vector<16xf32>
          %mul3A_241 = arith.mulf %get3A_239, %mul3A_240 : vector<16xf32>
          %swap3A_242 = arith.index_cast %add3A_222 : i32 to index
          %swap3A_243 = arith.constant 16 : index
          %swap3A_244 = tpu.vector_load %arg11[%swap3A_242, %swap3A_243] {strides = array<i32>} : memref<128x32xf32, #tpu.memory_space<vmem>>, vector<1x16xf32>,
          %swap3A_245 = vector.shape_cast %swap3A_244 : vector<1x16xf32> to vector<16xf32>
          %swap3A_246 = vector.shape_cast %mul3A_241 : vector<16xf32> to vector<1x16xf32>
          tpu.vector_store %arg11[%swap3A_242, %swap3A_243], %swap3A_246 {strides = array<i32>} : memref<128x32xf32, #tpu.memory_space<vmem>>, vector<1x16xf32>,
          %mul3A_247 = arith.constant 16 : i32
          %mul3A_248 = arith.muli %scan3A_131, %mul3A_247 : i32
          %add3A_249 = arith.constant 4 : i32
          %add3A_250 = arith.addi %mul3A_248, %add3A_249 : i32
          %slice3A_251 = vector.extract_strided_slice %get3A_136 {offsets = [4], sizes = [1], strides = [1]} : vector<16xf32> to vector<1xf32>
          %squeeze3A_252 = vector.extract %slice3A_251[0] : f32 from vector<1xf32>
          %get3A_253 = arith.index_cast %add3A_250 : i32 to index
          %get3A_254 = arith.constant 0 : index
          %get3A_255 = tpu.vector_load %arg11[%get3A_253, %get3A_254] {strides = array<i32>} : memref<128x32xf32, #tpu.memory_space<vmem>>, vector<1x16xf32>,
          %get3A_256 = vector.shape_cast %get3A_255 : vector<1x16xf32> to vector<16xf32>
          %mul3A_257 = vector.broadcast %squeeze3A_252 : f32 to vector<16xf32>
          %mul3A_258 = arith.mulf %get3A_256, %mul3A_257 : vector<16xf32>
          %swap3A_259 = arith.index_cast %add3A_250 : i32 to index
          %swap3A_260 = arith.constant 0 : index
          %swap3A_261 = tpu.vector_load %arg11[%swap3A_259, %swap3A_260] {strides = array<i32>} : memref<128x32xf32, #tpu.memory_space<vmem>>, vector<1x16xf32>,
          %swap3A_262 = vector.shape_cast %swap3A_261 : vector<1x16xf32> to vector<16xf32>
          %swap3A_263 = vector.shape_cast %mul3A_258 : vector<16xf32> to vector<1x16xf32>
          tpu.vector_store %arg11[%swap3A_259, %swap3A_260], %swap3A_263 {strides = array<i32>} : memref<128x32xf32, #tpu.memory_space<vmem>>, vector<1x16xf32>,
          %get3A_264 = arith.index_cast %add3A_250 : i32 to index
          %get3A_265 = arith.constant 16 : index
          %get3A_266 = tpu.vector_load %arg11[%get3A_264, %get3A_265] {strides = array<i32>} : memref<128x32xf32, #tpu.memory_space<vmem>>, vector<1x16xf32>,
          %get3A_267 = vector.shape_cast %get3A_266 : vector<1x16xf32> to vector<16xf32>
          %mul3A_268 = vector.broadcast %squeeze3A_252 : f32 to vector<16xf32>
          %mul3A_269 = arith.mulf %get3A_267, %mul3A_268 : vector<16xf32>
          %swap3A_270 = arith.index_cast %add3A_250 : i32 to index
          %swap3A_271 = arith.constant 16 : index
          %swap3A_272 = tpu.vector_load %arg11[%swap3A_270, %swap3A_271] {strides = array<i32>} : memref<128x32xf32, #tpu.memory_space<vmem>>, vector<1x16xf32>,
          %swap3A_273 = vector.shape_cast %swap3A_272 : vector<1x16xf32> to vector<16xf32>
          %swap3A_274 = vector.shape_cast %mul3A_269 : vector<16xf32> to vector<1x16xf32>
          tpu.vector_store %arg11[%swap3A_270, %swap3A_271], %swap3A_274 {strides = array<i32>} : memref<128x32xf32, #tpu.memory_space<vmem>>, vector<1x16xf32>,
          %mul3A_275 = arith.constant 16 : i32
          %mul3A_276 = arith.muli %scan3A_131, %mul3A_275 : i32
          %add3A_277 = arith.constant 5 : i32
          %add3A_278 = arith.addi %mul3A_276, %add3A_277 : i32
          %slice3A_279 = vector.extract_strided_slice %get3A_136 {offsets = [5], sizes = [1], strides = [1]} : vector<16xf32> to vector<1xf32>
          %squeeze3A_280 = vector.extract %slice3A_279[0] : f32 from vector<1xf32>
          %get3A_281 = arith.index_cast %add3A_278 : i32 to index
          %get3A_282 = arith.constant 0 : index
          %get3A_283 = tpu.vector_load %arg11[%get3A_281, %get3A_282] {strides = array<i32>} : memref<128x32xf32, #tpu.memory_space<vmem>>, vector<1x16xf32>,
          %get3A_284 = vector.shape_cast %get3A_283 : vector<1x16xf32> to vector<16xf32>
          %mul3A_285 = vector.broadcast %squeeze3A_280 : f32 to vector<16xf32>
          %mul3A_286 = arith.mulf %get3A_284, %mul3A_285 : vector<16xf32>
          %swap3A_287 = arith.index_cast %add3A_278 : i32 to index
          %swap3A_288 = arith.constant 0 : index
          %swap3A_289 = tpu.vector_load %arg11[%swap3A_287, %swap3A_288] {strides = array<i32>} : memref<128x32xf32, #tpu.memory_space<vmem>>, vector<1x16xf32>,
          %swap3A_290 = vector.shape_cast %swap3A_289 : vector<1x16xf32> to vector<16xf32>
          %swap3A_291 = vector.shape_cast %mul3A_286 : vector<16xf32> to vector<1x16xf32>
          tpu.vector_store %arg11[%swap3A_287, %swap3A_288], %swap3A_291 {strides = array<i32>} : memref<128x32xf32, #tpu.memory_space<vmem>>, vector<1x16xf32>,
          %get3A_292 = arith.index_cast %add3A_278 : i32 to index
          %get3A_293 = arith.constant 16 : index
          %get3A_294 = tpu.vector_load %arg11[%get3A_292, %get3A_293] {strides = array<i32>} : memref<128x32xf32, #tpu.memory_space<vmem>>, vector<1x16xf32>,
          %get3A_295 = vector.shape_cast %get3A_294 : vector<1x16xf32> to vector<16xf32>
          %mul3A_296 = vector.broadcast %squeeze3A_280 : f32 to vector<16xf32>
          %mul3A_297 = arith.mulf %get3A_295, %mul3A_296 : vector<16xf32>
          %swap3A_298 = arith.index_cast %add3A_278 : i32 to index
          %swap3A_299 = arith.constant 16 : index
          %swap3A_300 = tpu.vector_load %arg11[%swap3A_298, %swap3A_299] {strides = array<i32>} : memref<128x32xf32, #tpu.memory_space<vmem>>, vector<1x16xf32>,
          %swap3A_301 = vector.shape_cast %swap3A_300 : vector<1x16xf32> to vector<16xf32>
          %swap3A_302 = vector.shape_cast %mul3A_297 : vector<16xf32> to vector<1x16xf32>
          tpu.vector_store %arg11[%swap3A_298, %swap3A_299], %swap3A_302 {strides = array<i32>} : memref<128x32xf32, #tpu.memory_space<vmem>>, vector<1x16xf32>,
          %mul3A_303 = arith.constant 16 : i32
          %mul3A_304 = arith.muli %scan3A_131, %mul3A_303 : i32
          %add3A_305 = arith.constant 6 : i32
          %add3A_306 = arith.addi %mul3A_304, %add3A_305 : i32
          %slice3A_307 = vector.extract_strided_slice %get3A_136 {offsets = [6], sizes = [1], strides = [1]} : vector<16xf32> to vector<1xf32>
          %squeeze3A_308 = vector.extract %slice3A_307[0] : f32 from vector<1xf32>
          %get3A_309 = arith.index_cast %add3A_306 : i32 to index
          %get3A_310 = arith.constant 0 : index
          %get3A_311 = tpu.vector_load %arg11[%get3A_309, %get3A_310] {strides = array<i32>} : memref<128x32xf32, #tpu.memory_space<vmem>>, vector<1x16xf32>,
          %get3A_312 = vector.shape_cast %get3A_311 : vector<1x16xf32> to vector<16xf32>
          %mul3A_313 = vector.broadcast %squeeze3A_308 : f32 to vector<16xf32>
          %mul3A_314 = arith.mulf %get3A_312, %mul3A_313 : vector<16xf32>
          %swap3A_315 = arith.index_cast %add3A_306 : i32 to index
          %swap3A_316 = arith.constant 0 : index
          %swap3A_317 = tpu.vector_load %arg11[%swap3A_315, %swap3A_316] {strides = array<i32>} : memref<128x32xf32, #tpu.memory_space<vmem>>, vector<1x16xf32>,
          %swap3A_318 = vector.shape_cast %swap3A_317 : vector<1x16xf32> to vector<16xf32>
          %swap3A_319 = vector.shape_cast %mul3A_314 : vector<16xf32> to vector<1x16xf32>
          tpu.vector_store %arg11[%swap3A_315, %swap3A_316], %swap3A_319 {strides = array<i32>} : memref<128x32xf32, #tpu.memory_space<vmem>>, vector<1x16xf32>,
          %get3A_320 = arith.index_cast %add3A_306 : i32 to index
          %get3A_321 = arith.constant 16 : index
          %get3A_322 = tpu.vector_load %arg11[%get3A_320, %get3A_321] {strides = array<i32>} : memref<128x32xf32, #tpu.memory_space<vmem>>, vector<1x16xf32>,
          %get3A_323 = vector.shape_cast %get3A_322 : vector<1x16xf32> to vector<16xf32>
          %mul3A_324 = vector.broadcast %squeeze3A_308 : f32 to vector<16xf32>
          %mul3A_325 = arith.mulf %get3A_323, %mul3A_324 : vector<16xf32>
          %swap3A_326 = arith.index_cast %add3A_306 : i32 to index
          %swap3A_327 = arith.constant 16 : index
          %swap3A_328 = tpu.vector_load %arg11[%swap3A_326, %swap3A_327] {strides = array<i32>} : memref<128x32xf32, #tpu.memory_space<vmem>>, vector<1x16xf32>,
          %swap3A_329 = vector.shape_cast %swap3A_328 : vector<1x16xf32> to vector<16xf32>
          %swap3A_330 = vector.shape_cast %mul3A_325 : vector<16xf32> to vector<1x16xf32>
          tpu.vector_store %arg11[%swap3A_326, %swap3A_327], %swap3A_330 {strides = array<i32>} : memref<128x32xf32, #tpu.memory_space<vmem>>, vector<1x16xf32>,
          %mul3A_331 = arith.constant 16 : i32
          %mul3A_332 = arith.muli %scan3A_131, %mul3A_331 : i32
          %add3A_333 = arith.constant 7 : i32
          %add3A_334 = arith.addi %mul3A_332, %add3A_333 : i32
          %slice3A_335 = vector.extract_strided_slice %get3A_136 {offsets = [7], sizes = [1], strides = [1]} : vector<16xf32> to vector<1xf32>
          %squeeze3A_336 = vector.extract %slice3A_335[0] : f32 from vector<1xf32>
          %get3A_337 = arith.index_cast %add3A_334 : i32 to index
          %get3A_338 = arith.constant 0 : index
          %get3A_339 = tpu.vector_load %arg11[%get3A_337, %get3A_338] {strides = array<i32>} : memref<128x32xf32, #tpu.memory_space<vmem>>, vector<1x16xf32>,
          %get3A_340 = vector.shape_cast %get3A_339 : vector<1x16xf32> to vector<16xf32>
          %mul3A_341 = vector.broadcast %squeeze3A_336 : f32 to vector<16xf32>
          %mul3A_342 = arith.mulf %get3A_340, %mul3A_341 : vector<16xf32>
          %swap3A_343 = arith.index_cast %add3A_334 : i32 to index
          %swap3A_344 = arith.constant 0 : index
          %swap3A_345 = tpu.vector_load %arg11[%swap3A_343, %swap3A_344] {strides = array<i32>} : memref<128x32xf32, #tpu.memory_space<vmem>>, vector<1x16xf32>,
          %swap3A_346 = vector.shape_cast %swap3A_345 : vector<1x16xf32> to vector<16xf32>
          %swap3A_347 = vector.shape_cast %mul3A_342 : vector<16xf32> to vector<1x16xf32>
          tpu.vector_store %arg11[%swap3A_343, %swap3A_344], %swap3A_347 {strides = array<i32>} : memref<128x32xf32, #tpu.memory_space<vmem>>, vector<1x16xf32>,
          %get3A_348 = arith.index_cast %add3A_334 : i32 to index
          %get3A_349 = arith.constant 16 : index
          %get3A_350 = tpu.vector_load %arg11[%get3A_348, %get3A_349] {strides = array<i32>} : memref<128x32xf32, #tpu.memory_space<vmem>>, vector<1x16xf32>,
          %get3A_351 = vector.shape_cast %get3A_350 : vector<1x16xf32> to vector<16xf32>
          %mul3A_352 = vector.broadcast %squeeze3A_336 : f32 to vector<16xf32>
          %mul3A_353 = arith.mulf %get3A_351, %mul3A_352 : vector<16xf32>
          %swap3A_354 = arith.index_cast %add3A_334 : i32 to index
          %swap3A_355 = arith.constant 16 : index
          %swap3A_356 = tpu.vector_load %arg11[%swap3A_354, %swap3A_355] {strides = array<i32>} : memref<128x32xf32, #tpu.memory_space<vmem>>, vector<1x16xf32>,
          %swap3A_357 = vector.shape_cast %swap3A_356 : vector<1x16xf32> to vector<16xf32>
          %swap3A_358 = vector.shape_cast %mul3A_353 : vector<16xf32> to vector<1x16xf32>
          tpu.vector_store %arg11[%swap3A_354, %swap3A_355], %swap3A_358 {strides = array<i32>} : memref<128x32xf32, #tpu.memory_space<vmem>>, vector<1x16xf32>,
          %mul3A_359 = arith.constant 16 : i32
          %mul3A_360 = arith.muli %scan3A_131, %mul3A_359 : i32
          %add3A_361 = arith.constant 8 : i32
          %add3A_362 = arith.addi %mul3A_360, %add3A_361 : i32
          %slice3A_363 = vector.extract_strided_slice %get3A_136 {offsets = [8], sizes = [1], strides = [1]} : vector<16xf32> to vector<1xf32>
          %squeeze3A_364 = vector.extract %slice3A_363[0] : f32 from vector<1xf32>
          %get3A_365 = arith.index_cast %add3A_362 : i32 to index
          %get3A_366 = arith.constant 0 : index
          %get3A_367 = tpu.vector_load %arg11[%get3A_365, %get3A_366] {strides = array<i32>} : memref<128x32xf32, #tpu.memory_space<vmem>>, vector<1x16xf32>,
          %get3A_368 = vector.shape_cast %get3A_367 : vector<1x16xf32> to vector<16xf32>
          %mul3A_369 = vector.broadcast %squeeze3A_364 : f32 to vector<16xf32>
          %mul3A_370 = arith.mulf %get3A_368, %mul3A_369 : vector<16xf32>
          %swap3A_371 = arith.index_cast %add3A_362 : i32 to index
          %swap3A_372 = arith.constant 0 : index
          %swap3A_373 = tpu.vector_load %arg11[%swap3A_371, %swap3A_372] {strides = array<i32>} : memref<128x32xf32, #tpu.memory_space<vmem>>, vector<1x16xf32>,
          %swap3A_374 = vector.shape_cast %swap3A_373 : vector<1x16xf32> to vector<16xf32>
          %swap3A_375 = vector.shape_cast %mul3A_370 : vector<16xf32> to vector<1x16xf32>
          tpu.vector_store %arg11[%swap3A_371, %swap3A_372], %swap3A_375 {strides = array<i32>} : memref<128x32xf32, #tpu.memory_space<vmem>>, vector<1x16xf32>,
          %get3A_376 = arith.index_cast %add3A_362 : i32 to index
          %get3A_377 = arith.constant 16 : index
          %get3A_378 = tpu.vector_load %arg11[%get3A_376, %get3A_377] {strides = array<i32>} : memref<128x32xf32, #tpu.memory_space<vmem>>, vector<1x16xf32>,
          %get3A_379 = vector.shape_cast %get3A_378 : vector<1x16xf32> to vector<16xf32>
          %mul3A_380 = vector.broadcast %squeeze3A_364 : f32 to vector<16xf32>
          %mul3A_381 = arith.mulf %get3A_379, %mul3A_380 : vector<16xf32>
          %swap3A_382 = arith.index_cast %add3A_362 : i32 to index
          %swap3A_383 = arith.constant 16 : index
          %swap3A_384 = tpu.vector_load %arg11[%swap3A_382, %swap3A_383] {strides = array<i32>} : memref<128x32xf32, #tpu.memory_space<vmem>>, vector<1x16xf32>,
          %swap3A_385 = vector.shape_cast %swap3A_384 : vector<1x16xf32> to vector<16xf32>
          %swap3A_386 = vector.shape_cast %mul3A_381 : vector<16xf32> to vector<1x16xf32>
          tpu.vector_store %arg11[%swap3A_382, %swap3A_383], %swap3A_386 {strides = array<i32>} : memref<128x32xf32, #tpu.memory_space<vmem>>, vector<1x16xf32>,
          %mul3A_387 = arith.constant 16 : i32
          %mul3A_388 = arith.muli %scan3A_131, %mul3A_387 : i32
          %add3A_389 = arith.constant 9 : i32
          %add3A_390 = arith.addi %mul3A_388, %add3A_389 : i32
          %slice3A_391 = vector.extract_strided_slice %get3A_136 {offsets = [9], sizes = [1], strides = [1]} : vector<16xf32> to vector<1xf32>
          %squeeze3A_392 = vector.extract %slice3A_391[0] : f32 from vector<1xf32>
          %get3A_393 = arith.index_cast %add3A_390 : i32 to index
          %get3A_394 = arith.constant 0 : index
          %get3A_395 = tpu.vector_load %arg11[%get3A_393, %get3A_394] {strides = array<i32>} : memref<128x32xf32, #tpu.memory_space<vmem>>, vector<1x16xf32>,
          %get3A_396 = vector.shape_cast %get3A_395 : vector<1x16xf32> to vector<16xf32>
          %mul3A_397 = vector.broadcast %squeeze3A_392 : f32 to vector<16xf32>
          %mul3A_398 = arith.mulf %get3A_396, %mul3A_397 : vector<16xf32>
          %swap3A_399 = arith.index_cast %add3A_390 : i32 to index
          %swap3A_400 = arith.constant 0 : index
          %swap3A_401 = tpu.vector_load %arg11[%swap3A_399, %swap3A_400] {strides = array<i32>} : memref<128x32xf32, #tpu.memory_space<vmem>>, vector<1x16xf32>,
          %swap3A_402 = vector.shape_cast %swap3A_401 : vector<1x16xf32> to vector<16xf32>
          %swap3A_403 = vector.shape_cast %mul3A_398 : vector<16xf32> to vector<1x16xf32>
          tpu.vector_store %arg11[%swap3A_399, %swap3A_400], %swap3A_403 {strides = array<i32>} : memref<128x32xf32, #tpu.memory_space<vmem>>, vector<1x16xf32>,
          %get3A_404 = arith.index_cast %add3A_390 : i32 to index
          %get3A_405 = arith.constant 16 : index
          %get3A_406 = tpu.vector_load %arg11[%get3A_404, %get3A_405] {strides = array<i32>} : memref<128x32xf32, #tpu.memory_space<vmem>>, vector<1x16xf32>,
          %get3A_407 = vector.shape_cast %get3A_406 : vector<1x16xf32> to vector<16xf32>
          %mul3A_408 = vector.broadcast %squeeze3A_392 : f32 to vector<16xf32>
          %mul3A_409 = arith.mulf %get3A_407, %mul3A_408 : vector<16xf32>
          %swap3A_410 = arith.index_cast %add3A_390 : i32 to index
          %swap3A_411 = arith.constant 16 : index
          %swap3A_412 = tpu.vector_load %arg11[%swap3A_410, %swap3A_411] {strides = array<i32>} : memref<128x32xf32, #tpu.memory_space<vmem>>, vector<1x16xf32>,
          %swap3A_413 = vector.shape_cast %swap3A_412 : vector<1x16xf32> to vector<16xf32>
          %swap3A_414 = vector.shape_cast %mul3A_409 : vector<16xf32> to vector<1x16xf32>
          tpu.vector_store %arg11[%swap3A_410, %swap3A_411], %swap3A_414 {strides = array<i32>} : memref<128x32xf32, #tpu.memory_space<vmem>>, vector<1x16xf32>,
          %mul3A_415 = arith.constant 16 : i32
          %mul3A_416 = arith.muli %scan3A_131, %mul3A_415 : i32
          %add3A_417 = arith.constant 10 : i32
          %add3A_418 = arith.addi %mul3A_416, %add3A_417 : i32
          %slice3A_419 = vector.extract_strided_slice %get3A_136 {offsets = [10], sizes = [1], strides = [1]} : vector<16xf32> to vector<1xf32>
          %squeeze3A_420 = vector.extract %slice3A_419[0] : f32 from vector<1xf32>
          %get3A_421 = arith.index_cast %add3A_418 : i32 to index
          %get3A_422 = arith.constant 0 : index
          %get3A_423 = tpu.vector_load %arg11[%get3A_421, %get3A_422] {strides = array<i32>} : memref<128x32xf32, #tpu.memory_space<vmem>>, vector<1x16xf32>,
          %get3A_424 = vector.shape_cast %get3A_423 : vector<1x16xf32> to vector<16xf32>
          %mul3A_425 = vector.broadcast %squeeze3A_420 : f32 to vector<16xf32>
          %mul3A_426 = arith.mulf %get3A_424, %mul3A_425 : vector<16xf32>
          %swap3A_427 = arith.index_cast %add3A_418 : i32 to index
          %swap3A_428 = arith.constant 0 : index
          %swap3A_429 = tpu.vector_load %arg11[%swap3A_427, %swap3A_428] {strides = array<i32>} : memref<128x32xf32, #tpu.memory_space<vmem>>, vector<1x16xf32>,
          %swap3A_430 = vector.shape_cast %swap3A_429 : vector<1x16xf32> to vector<16xf32>
          %swap3A_431 = vector.shape_cast %mul3A_426 : vector<16xf32> to vector<1x16xf32>
          tpu.vector_store %arg11[%swap3A_427, %swap3A_428], %swap3A_431 {strides = array<i32>} : memref<128x32xf32, #tpu.memory_space<vmem>>, vector<1x16xf32>,
          %get3A_432 = arith.index_cast %add3A_418 : i32 to index
          %get3A_433 = arith.constant 16 : index
          %get3A_434 = tpu.vector_load %arg11[%get3A_432, %get3A_433] {strides = array<i32>} : memref<128x32xf32, #tpu.memory_space<vmem>>, vector<1x16xf32>,
          %get3A_435 = vector.shape_cast %get3A_434 : vector<1x16xf32> to vector<16xf32>
          %mul3A_436 = vector.broadcast %squeeze3A_420 : f32 to vector<16xf32>
          %mul3A_437 = arith.mulf %get3A_435, %mul3A_436 : vector<16xf32>
          %swap3A_438 = arith.index_cast %add3A_418 : i32 to index
          %swap3A_439 = arith.constant 16 : index
          %swap3A_440 = tpu.vector_load %arg11[%swap3A_438, %swap3A_439] {strides = array<i32>} : memref<128x32xf32, #tpu.memory_space<vmem>>, vector<1x16xf32>,
          %swap3A_441 = vector.shape_cast %swap3A_440 : vector<1x16xf32> to vector<16xf32>
          %swap3A_442 = vector.shape_cast %mul3A_437 : vector<16xf32> to vector<1x16xf32>
          tpu.vector_store %arg11[%swap3A_438, %swap3A_439], %swap3A_442 {strides = array<i32>} : memref<128x32xf32, #tpu.memory_space<vmem>>, vector<1x16xf32>,
          %mul3A_443 = arith.constant 16 : i32
          %mul3A_444 = arith.muli %scan3A_131, %mul3A_443 : i32
          %add3A_445 = arith.constant 11 : i32
          %add3A_446 = arith.addi %mul3A_444, %add3A_445 : i32
          %slice3A_447 = vector.extract_strided_slice %get3A_136 {offsets = [11], sizes = [1], strides = [1]} : vector<16xf32> to vector<1xf32>
          %squeeze3A_448 = vector.extract %slice3A_447[0] : f32 from vector<1xf32>
          %get3A_449 = arith.index_cast %add3A_446 : i32 to index
          %get3A_450 = arith.constant 0 : index
          %get3A_451 = tpu.vector_load %arg11[%get3A_449, %get3A_450] {strides = array<i32>} : memref<128x32xf32, #tpu.memory_space<vmem>>, vector<1x16xf32>,
          %get3A_452 = vector.shape_cast %get3A_451 : vector<1x16xf32> to vector<16xf32>
          %mul3A_453 = vector.broadcast %squeeze3A_448 : f32 to vector<16xf32>
          %mul3A_454 = arith.mulf %get3A_452, %mul3A_453 : vector<16xf32>
          %swap3A_455 = arith.index_cast %add3A_446 : i32 to index
          %swap3A_456 = arith.constant 0 : index
          %swap3A_457 = tpu.vector_load %arg11[%swap3A_455, %swap3A_456] {strides = array<i32>} : memref<128x32xf32, #tpu.memory_space<vmem>>, vector<1x16xf32>,
          %swap3A_458 = vector.shape_cast %swap3A_457 : vector<1x16xf32> to vector<16xf32>
          %swap3A_459 = vector.shape_cast %mul3A_454 : vector<16xf32> to vector<1x16xf32>
          tpu.vector_store %arg11[%swap3A_455, %swap3A_456], %swap3A_459 {strides = array<i32>} : memref<128x32xf32, #tpu.memory_space<vmem>>, vector<1x16xf32>,
          %get3A_460 = arith.index_cast %add3A_446 : i32 to index
          %get3A_461 = arith.constant 16 : index
          %get3A_462 = tpu.vector_load %arg11[%get3A_460, %get3A_461] {strides = array<i32>} : memref<128x32xf32, #tpu.memory_space<vmem>>, vector<1x16xf32>,
          %get3A_463 = vector.shape_cast %get3A_462 : vector<1x16xf32> to vector<16xf32>
          %mul3A_464 = vector.broadcast %squeeze3A_448 : f32 to vector<16xf32>
          %mul3A_465 = arith.mulf %get3A_463, %mul3A_464 : vector<16xf32>
          %swap3A_466 = arith.index_cast %add3A_446 : i32 to index
          %swap3A_467 = arith.constant 16 : index
          %swap3A_468 = tpu.vector_load %arg11[%swap3A_466, %swap3A_467] {strides = array<i32>} : memref<128x32xf32, #tpu.memory_space<vmem>>, vector<1x16xf32>,
          %swap3A_469 = vector.shape_cast %swap3A_468 : vector<1x16xf32> to vector<16xf32>
          %swap3A_470 = vector.shape_cast %mul3A_465 : vector<16xf32> to vector<1x16xf32>
          tpu.vector_store %arg11[%swap3A_466, %swap3A_467], %swap3A_470 {strides = array<i32>} : memref<128x32xf32, #tpu.memory_space<vmem>>, vector<1x16xf32>,
          %mul3A_471 = arith.constant 16 : i32
          %mul3A_472 = arith.muli %scan3A_131, %mul3A_471 : i32
          %add3A_473 = arith.constant 12 : i32
          %add3A_474 = arith.addi %mul3A_472, %add3A_473 : i32
          %slice3A_475 = vector.extract_strided_slice %get3A_136 {offsets = [12], sizes = [1], strides = [1]} : vector<16xf32> to vector<1xf32>
          %squeeze3A_476 = vector.extract %slice3A_475[0] : f32 from vector<1xf32>
          %get3A_477 = arith.index_cast %add3A_474 : i32 to index
          %get3A_478 = arith.constant 0 : index
          %get3A_479 = tpu.vector_load %arg11[%get3A_477, %get3A_478] {strides = array<i32>} : memref<128x32xf32, #tpu.memory_space<vmem>>, vector<1x16xf32>,
          %get3A_480 = vector.shape_cast %get3A_479 : vector<1x16xf32> to vector<16xf32>
          %mul3A_481 = vector.broadcast %squeeze3A_476 : f32 to vector<16xf32>
          %mul3A_482 = arith.mulf %get3A_480, %mul3A_481 : vector<16xf32>
          %swap3A_483 = arith.index_cast %add3A_474 : i32 to index
          %swap3A_484 = arith.constant 0 : index
          %swap3A_485 = tpu.vector_load %arg11[%swap3A_483, %swap3A_484] {strides = array<i32>} : memref<128x32xf32, #tpu.memory_space<vmem>>, vector<1x16xf32>,
          %swap3A_486 = vector.shape_cast %swap3A_485 : vector<1x16xf32> to vector<16xf32>
          %swap3A_487 = vector.shape_cast %mul3A_482 : vector<16xf32> to vector<1x16xf32>
          tpu.vector_store %arg11[%swap3A_483, %swap3A_484], %swap3A_487 {strides = array<i32>} : memref<128x32xf32, #tpu.memory_space<vmem>>, vector<1x16xf32>,
          %get3A_488 = arith.index_cast %add3A_474 : i32 to index
          %get3A_489 = arith.constant 16 : index
          %get3A_490 = tpu.vector_load %arg11[%get3A_488, %get3A_489] {strides = array<i32>} : memref<128x32xf32, #tpu.memory_space<vmem>>, vector<1x16xf32>,
          %get3A_491 = vector.shape_cast %get3A_490 : vector<1x16xf32> to vector<16xf32>
          %mul3A_492 = vector.broadcast %squeeze3A_476 : f32 to vector<16xf32>
          %mul3A_493 = arith.mulf %get3A_491, %mul3A_492 : vector<16xf32>
          %swap3A_494 = arith.index_cast %add3A_474 : i32 to index
          %swap3A_495 = arith.constant 16 : index
          %swap3A_496 = tpu.vector_load %arg11[%swap3A_494, %swap3A_495] {strides = array<i32>} : memref<128x32xf32, #tpu.memory_space<vmem>>, vector<1x16xf32>,
          %swap3A_497 = vector.shape_cast %swap3A_496 : vector<1x16xf32> to vector<16xf32>
          %swap3A_498 = vector.shape_cast %mul3A_493 : vector<16xf32> to vector<1x16xf32>
          tpu.vector_store %arg11[%swap3A_494, %swap3A_495], %swap3A_498 {strides = array<i32>} : memref<128x32xf32, #tpu.memory_space<vmem>>, vector<1x16xf32>,
          %mul3A_499 = arith.constant 16 : i32
          %mul3A_500 = arith.muli %scan3A_131, %mul3A_499 : i32
          %add3A_501 = arith.constant 13 : i32
          %add3A_502 = arith.addi %mul3A_500, %add3A_501 : i32
          %slice3A_503 = vector.extract_strided_slice %get3A_136 {offsets = [13], sizes = [1], strides = [1]} : vector<16xf32> to vector<1xf32>
          %squeeze3A_504 = vector.extract %slice3A_503[0] : f32 from vector<1xf32>
          %get3A_505 = arith.index_cast %add3A_502 : i32 to index
          %get3A_506 = arith.constant 0 : index
          %get3A_507 = tpu.vector_load %arg11[%get3A_505, %get3A_506] {strides = array<i32>} : memref<128x32xf32, #tpu.memory_space<vmem>>, vector<1x16xf32>,
          %get3A_508 = vector.shape_cast %get3A_507 : vector<1x16xf32> to vector<16xf32>
          %mul3A_509 = vector.broadcast %squeeze3A_504 : f32 to vector<16xf32>
          %mul3A_510 = arith.mulf %get3A_508, %mul3A_509 : vector<16xf32>
          %swap3A_511 = arith.index_cast %add3A_502 : i32 to index
          %swap3A_512 = arith.constant 0 : index
          %swap3A_513 = tpu.vector_load %arg11[%swap3A_511, %swap3A_512] {strides = array<i32>} : memref<128x32xf32, #tpu.memory_space<vmem>>, vector<1x16xf32>,
          %swap3A_514 = vector.shape_cast %swap3A_513 : vector<1x16xf32> to vector<16xf32>
          %swap3A_515 = vector.shape_cast %mul3A_510 : vector<16xf32> to vector<1x16xf32>
          tpu.vector_store %arg11[%swap3A_511, %swap3A_512], %swap3A_515 {strides = array<i32>} : memref<128x32xf32, #tpu.memory_space<vmem>>, vector<1x16xf32>,
          %get3A_516 = arith.index_cast %add3A_502 : i32 to index
          %get3A_517 = arith.constant 16 : index
          %get3A_518 = tpu.vector_load %arg11[%get3A_516, %get3A_517] {strides = array<i32>} : memref<128x32xf32, #tpu.memory_space<vmem>>, vector<1x16xf32>,
          %get3A_519 = vector.shape_cast %get3A_518 : vector<1x16xf32> to vector<16xf32>
          %mul3A_520 = vector.broadcast %squeeze3A_504 : f32 to vector<16xf32>
          %mul3A_521 = arith.mulf %get3A_519, %mul3A_520 : vector<16xf32>
          %swap3A_522 = arith.index_cast %add3A_502 : i32 to index
          %swap3A_523 = arith.constant 16 : index
          %swap3A_524 = tpu.vector_load %arg11[%swap3A_522, %swap3A_523] {strides = array<i32>} : memref<128x32xf32, #tpu.memory_space<vmem>>, vector<1x16xf32>,
          %swap3A_525 = vector.shape_cast %swap3A_524 : vector<1x16xf32> to vector<16xf32>
          %swap3A_526 = vector.shape_cast %mul3A_521 : vector<16xf32> to vector<1x16xf32>
          tpu.vector_store %arg11[%swap3A_522, %swap3A_523], %swap3A_526 {strides = array<i32>} : memref<128x32xf32, #tpu.memory_space<vmem>>, vector<1x16xf32>,
          %mul3A_527 = arith.constant 16 : i32
          %mul3A_528 = arith.muli %scan3A_131, %mul3A_527 : i32
          %add3A_529 = arith.constant 14 : i32
          %add3A_530 = arith.addi %mul3A_528, %add3A_529 : i32
          %slice3A_531 = vector.extract_strided_slice %get3A_136 {offsets = [14], sizes = [1], strides = [1]} : vector<16xf32> to vector<1xf32>
          %squeeze3A_532 = vector.extract %slice3A_531[0] : f32 from vector<1xf32>
          %get3A_533 = arith.index_cast %add3A_530 : i32 to index
          %get3A_534 = arith.constant 0 : index
          %get3A_535 = tpu.vector_load %arg11[%get3A_533, %get3A_534] {strides = array<i32>} : memref<128x32xf32, #tpu.memory_space<vmem>>, vector<1x16xf32>,
          %get3A_536 = vector.shape_cast %get3A_535 : vector<1x16xf32> to vector<16xf32>
          %mul3A_537 = vector.broadcast %squeeze3A_532 : f32 to vector<16xf32>
          %mul3A_538 = arith.mulf %get3A_536, %mul3A_537 : vector<16xf32>
          %swap3A_539 = arith.index_cast %add3A_530 : i32 to index
          %swap3A_540 = arith.constant 0 : index
          %swap3A_541 = tpu.vector_load %arg11[%swap3A_539, %swap3A_540] {strides = array<i32>} : memref<128x32xf32, #tpu.memory_space<vmem>>, vector<1x16xf32>,
          %swap3A_542 = vector.shape_cast %swap3A_541 : vector<1x16xf32> to vector<16xf32>
          %swap3A_543 = vector.shape_cast %mul3A_538 : vector<16xf32> to vector<1x16xf32>
          tpu.vector_store %arg11[%swap3A_539, %swap3A_540], %swap3A_543 {strides = array<i32>} : memref<128x32xf32, #tpu.memory_space<vmem>>, vector<1x16xf32>,
          %get3A_544 = arith.index_cast %add3A_530 : i32 to index
          %get3A_545 = arith.constant 16 : index
          %get3A_546 = tpu.vector_load %arg11[%get3A_544, %get3A_545] {strides = array<i32>} : memref<128x32xf32, #tpu.memory_space<vmem>>, vector<1x16xf32>,
          %get3A_547 = vector.shape_cast %get3A_546 : vector<1x16xf32> to vector<16xf32>
          %mul3A_548 = vector.broadcast %squeeze3A_532 : f32 to vector<16xf32>
          %mul3A_549 = arith.mulf %get3A_547, %mul3A_548 : vector<16xf32>
          %swap3A_550 = arith.index_cast %add3A_530 : i32 to index
          %swap3A_551 = arith.constant 16 : index
          %swap3A_552 = tpu.vector_load %arg11[%swap3A_550, %swap3A_551] {strides = array<i32>} : memref<128x32xf32, #tpu.memory_space<vmem>>, vector<1x16xf32>,
          %swap3A_553 = vector.shape_cast %swap3A_552 : vector<1x16xf32> to vector<16xf32>
          %swap3A_554 = vector.shape_cast %mul3A_549 : vector<16xf32> to vector<1x16xf32>
          tpu.vector_store %arg11[%swap3A_550, %swap3A_551], %swap3A_554 {strides = array<i32>} : memref<128x32xf32, #tpu.memory_space<vmem>>, vector<1x16xf32>,
          %mul3A_555 = arith.constant 16 : i32
          %mul3A_556 = arith.muli %scan3A_131, %mul3A_555 : i32
          %add3A_557 = arith.constant 15 : i32
          %add3A_558 = arith.addi %mul3A_556, %add3A_557 : i32
          %slice3A_559 = vector.extract_strided_slice %get3A_136 {offsets = [15], sizes = [1], strides = [1]} : vector<16xf32> to vector<1xf32>
          %squeeze3A_560 = vector.extract %slice3A_559[0] : f32 from vector<1xf32>
          %get3A_561 = arith.index_cast %add3A_558 : i32 to index
          %get3A_562 = arith.constant 0 : index
          %get3A_563 = tpu.vector_load %arg11[%get3A_561, %get3A_562] {strides = array<i32>} : memref<128x32xf32, #tpu.memory_space<vmem>>, vector<1x16xf32>,
          %get3A_564 = vector.shape_cast %get3A_563 : vector<1x16xf32> to vector<16xf32>
          %mul3A_565 = vector.broadcast %squeeze3A_560 : f32 to vector<16xf32>
          %mul3A_566 = arith.mulf %get3A_564, %mul3A_565 : vector<16xf32>
          %swap3A_567 = arith.index_cast %add3A_558 : i32 to index
          %swap3A_568 = arith.constant 0 : index
          %swap3A_569 = tpu.vector_load %arg11[%swap3A_567, %swap3A_568] {strides = array<i32>} : memref<128x32xf32, #tpu.memory_space<vmem>>, vector<1x16xf32>,
          %swap3A_570 = vector.shape_cast %swap3A_569 : vector<1x16xf32> to vector<16xf32>
          %swap3A_571 = vector.shape_cast %mul3A_566 : vector<16xf32> to vector<1x16xf32>
          tpu.vector_store %arg11[%swap3A_567, %swap3A_568], %swap3A_571 {strides = array<i32>} : memref<128x32xf32, #tpu.memory_space<vmem>>, vector<1x16xf32>,
          %get3A_572 = arith.index_cast %add3A_558 : i32 to index
          %get3A_573 = arith.constant 16 : index
          %get3A_574 = tpu.vector_load %arg11[%get3A_572, %get3A_573] {strides = array<i32>} : memref<128x32xf32, #tpu.memory_space<vmem>>, vector<1x16xf32>,
          %get3A_575 = vector.shape_cast %get3A_574 : vector<1x16xf32> to vector<16xf32>
          %mul3A_576 = vector.broadcast %squeeze3A_560 : f32 to vector<16xf32>
          %mul3A_577 = arith.mulf %get3A_575, %mul3A_576 : vector<16xf32>
          %swap3A_578 = arith.index_cast %add3A_558 : i32 to index
          %swap3A_579 = arith.constant 16 : index
          %swap3A_580 = tpu.vector_load %arg11[%swap3A_578, %swap3A_579] {strides = array<i32>} : memref<128x32xf32, #tpu.memory_space<vmem>>, vector<1x16xf32>,
          %swap3A_581 = vector.shape_cast %swap3A_580 : vector<1x16xf32> to vector<16xf32>
          %swap3A_582 = vector.shape_cast %mul3A_577 : vector<16xf32> to vector<1x16xf32>
          tpu.vector_store %arg11[%swap3A_578, %swap3A_579], %swap3A_582 {strides = array<i32>} : memref<128x32xf32, #tpu.memory_space<vmem>>, vector<1x16xf32>,
        }
        %scan3A_130 = arith.constant 8 : i32
        "tpu.region"() ({
          %run_scoped3A = tpu.sem_alloc : memref<!tpu.dma_semaphore, #tpu.memory_space<semaphore_mem>>
          %dma_start3A_131 = arith.constant 0 : i32
          %dma_start3A_132 = arith.constant 0 : i32
          %dma_start3A_133 = tpu.memref_slice %arg13[%dma_start3A_131, %dma_start3A_132] : memref<50000x32xf32, #tpu.memory_space<vmem_shared>> -> memref<50000x32xf32, #tpu.memory_space<vmem_shared>>
          tpu.enqueue_indirect_dma source(%arg11 : memref<128x32xf32, #tpu.memory_space<vmem>>) target(%dma_start3A_133 : memref<50000x32xf32, #tpu.memory_space<vmem_shared>>) offsets(%arg8 : memref<128xi32, #tpu.memory_space<vmem>>) semaphore(%run_scoped3A : memref<!tpu.dma_semaphore, #tpu.memory_space<semaphore_mem>>) {add = true}
          %dma_wait3A_134 = arith.constant 0 : i32
          %dma_wait3A_135 = arith.constant 0 : i32
          %dma_wait3A_136 = tpu.memref_slice %arg13[%dma_wait3A_134, %dma_wait3A_135] : memref<50000x32xf32, #tpu.memory_space<vmem_shared>> -> memref<50000x32xf32, #tpu.memory_space<vmem_shared>>
          tpu.wait_indirect_dma semaphore(%run_scoped3A : memref<!tpu.dma_semaphore, #tpu.memory_space<semaphore_mem>>) src(%arg11 : memref<128x32xf32, #tpu.memory_space<vmem>>) dst(%dma_wait3A_136 : memref<50000x32xf32, #tpu.memory_space<vmem_shared>>)
          tpu.yield
        }) : () -> ()
      }
      %while3A_36 = arith.constant 1 : i32
      scf.for %while3A_45 = %while3A_34 to %while3A_30 step %while3A_36  : i32 {
        %mul3A_46 = arith.constant 16 : i32
        %mul3A_47 = arith.muli %while3A_45, %mul3A_46 : i32
        %add3A_48 = arith.addi %arg1, %mul3A_47 : i32
        %mul3A_49 = arith.constant 128 : i32
        %mul3A_50 = arith.muli %add3A_48, %mul3A_49 : i32
        "tpu.region"() ({
          %run_scoped3A = tpu.sem_alloc : memref<!tpu.dma_semaphore, #tpu.memory_space<semaphore_mem>>
          %dma_start3A_131 = tpu.memref_slice %arg3[%mul3A_50] : memref<800000xi32, #tpu.memory_space<hbm>> -> memref<128xi32, #tpu.memory_space<hbm>>
          %dma_start3A_132 = tpu.memref_slice %arg3[%mul3A_50] : memref<800000xi32, #tpu.memory_space<hbm>> -> memref<128xi32, #tpu.memory_space<hbm>>
          tpu.enqueue_dma source(%dma_start3A_132 : memref<128xi32, #tpu.memory_space<hbm>>) target(%arg7 : memref<128xi32, #tpu.memory_space<vmem>>) target_semaphore(%run_scoped3A : memref<!tpu.dma_semaphore, #tpu.memory_space<semaphore_mem>>)
          %dma_wait3A_133 = tpu.memref_slice %arg3[%mul3A_50] : memref<800000xi32, #tpu.memory_space<hbm>> -> memref<128xi32, #tpu.memory_space<hbm>>
          %dma_wait3A_134 = tpu.memref_slice %arg3[%mul3A_50] : memref<800000xi32, #tpu.memory_space<hbm>> -> memref<128xi32, #tpu.memory_space<hbm>>
          tpu.wait_dma2 semaphore(%run_scoped3A : memref<!tpu.dma_semaphore, #tpu.memory_space<semaphore_mem>>) src(%dma_wait3A_134 : memref<128xi32, #tpu.memory_space<hbm>>) dst(%arg7 : memref<128xi32, #tpu.memory_space<vmem>>)
          tpu.yield
        }) : () -> ()
        "tpu.region"() ({
          %run_scoped3A = tpu.sem_alloc : memref<!tpu.dma_semaphore, #tpu.memory_space<semaphore_mem>>
          %dma_start3A_131 = tpu.memref_slice %arg2[%mul3A_50] : memref<800000xi32, #tpu.memory_space<hbm>> -> memref<128xi32, #tpu.memory_space<hbm>>
          %dma_start3A_132 = tpu.memref_slice %arg2[%mul3A_50] : memref<800000xi32, #tpu.memory_space<hbm>> -> memref<128xi32, #tpu.memory_space<hbm>>
          tpu.enqueue_dma source(%dma_start3A_132 : memref<128xi32, #tpu.memory_space<hbm>>) target(%arg8 : memref<128xi32, #tpu.memory_space<vmem>>) target_semaphore(%run_scoped3A : memref<!tpu.dma_semaphore, #tpu.memory_space<semaphore_mem>>)
          %dma_wait3A_133 = tpu.memref_slice %arg2[%mul3A_50] : memref<800000xi32, #tpu.memory_space<hbm>> -> memref<128xi32, #tpu.memory_space<hbm>>
          %dma_wait3A_134 = tpu.memref_slice %arg2[%mul3A_50] : memref<800000xi32, #tpu.memory_space<hbm>> -> memref<128xi32, #tpu.memory_space<hbm>>
          tpu.wait_dma2 semaphore(%run_scoped3A : memref<!tpu.dma_semaphore, #tpu.memory_space<semaphore_mem>>) src(%dma_wait3A_134 : memref<128xi32, #tpu.memory_space<hbm>>) dst(%arg8 : memref<128xi32, #tpu.memory_space<vmem>>)
          tpu.yield
        }) : () -> ()
        "tpu.region"() ({
          %run_scoped3A = tpu.sem_alloc : memref<!tpu.dma_semaphore, #tpu.memory_space<semaphore_mem>>
          %dma_start3A_131 = tpu.memref_slice %arg4[%mul3A_50] : memref<800000xf32, #tpu.memory_space<hbm>> -> memref<128xf32, #tpu.memory_space<hbm>>
          %dma_start3A_132 = tpu.memref_slice %arg4[%mul3A_50] : memref<800000xf32, #tpu.memory_space<hbm>> -> memref<128xf32, #tpu.memory_space<hbm>>
          tpu.enqueue_dma source(%dma_start3A_132 : memref<128xf32, #tpu.memory_space<hbm>>) target(%arg9 : memref<128xf32, #tpu.memory_space<vmem>>) target_semaphore(%run_scoped3A : memref<!tpu.dma_semaphore, #tpu.memory_space<semaphore_mem>>)
          %dma_wait3A_133 = tpu.memref_slice %arg4[%mul3A_50] : memref<800000xf32, #tpu.memory_space<hbm>> -> memref<128xf32, #tpu.memory_space<hbm>>
          %dma_wait3A_134 = tpu.memref_slice %arg4[%mul3A_50] : memref<800000xf32, #tpu.memory_space<hbm>> -> memref<128xf32, #tpu.memory_space<hbm>>
          tpu.wait_dma2 semaphore(%run_scoped3A : memref<!tpu.dma_semaphore, #tpu.memory_space<semaphore_mem>>) src(%dma_wait3A_134 : memref<128xf32, #tpu.memory_space<hbm>>) dst(%arg9 : memref<128xf32, #tpu.memory_space<vmem>>)
          tpu.yield
        }) : () -> ()
        %get3A = arith.constant 0 : index
        %get3A_51 = tpu.vector_load %arg7[%get3A] {strides = array<i32>} : memref<128xi32, #tpu.memory_space<vmem>>, vector<16xi32>,
        %get3A_52 = vector.shape_cast %get3A_51 : vector<16xi32> to vector<16xi32>
        %add3A_53 = vector.broadcast %add3A_21 : i32 to vector<16xi32>
        %add3A_54 = arith.addi %get3A_52, %add3A_53 : vector<16xi32>
        %swap3A = arith.constant 0 : index
        %swap3A_55 = tpu.vector_load %arg7[%swap3A] {strides = array<i32>} : memref<128xi32, #tpu.memory_space<vmem>>, vector<16xi32>,
        %swap3A_56 = vector.shape_cast %swap3A_55 : vector<16xi32> to vector<16xi32>
        %swap3A_57 = vector.shape_cast %add3A_54 : vector<16xi32> to vector<16xi32>
        tpu.vector_store %arg7[%swap3A], %swap3A_57 {strides = array<i32>} : memref<128xi32, #tpu.memory_space<vmem>>, vector<16xi32>,
        %get3A_58 = arith.constant 16 : index
        %get3A_59 = tpu.vector_load %arg7[%get3A_58] {strides = array<i32>} : memref<128xi32, #tpu.memory_space<vmem>>, vector<16xi32>,
        %get3A_60 = vector.shape_cast %get3A_59 : vector<16xi32> to vector<16xi32>
        %add3A_61 = vector.broadcast %add3A_21 : i32 to vector<16xi32>
        %add3A_62 = arith.addi %get3A_60, %add3A_61 : vector<16xi32>
        %swap3A_63 = arith.constant 16 : index
        %swap3A_64 = tpu.vector_load %arg7[%swap3A_63] {strides = array<i32>} : memref<128xi32, #tpu.memory_space<vmem>>, vector<16xi32>,
        %swap3A_65 = vector.shape_cast %swap3A_64 : vector<16xi32> to vector<16xi32>
        %swap3A_66 = vector.shape_cast %add3A_62 : vector<16xi32> to vector<16xi32>
        tpu.vector_store %arg7[%swap3A_63], %swap3A_66 {strides = array<i32>} : memref<128xi32, #tpu.memory_space<vmem>>, vector<16xi32>,
        %get3A_67 = arith.constant 32 : index
        %get3A_68 = tpu.vector_load %arg7[%get3A_67] {strides = array<i32>} : memref<128xi32, #tpu.memory_space<vmem>>, vector<16xi32>,
        %get3A_69 = vector.shape_cast %get3A_68 : vector<16xi32> to vector<16xi32>
        %add3A_70 = vector.broadcast %add3A_21 : i32 to vector<16xi32>
        %add3A_71 = arith.addi %get3A_69, %add3A_70 : vector<16xi32>
        %swap3A_72 = arith.constant 32 : index
        %swap3A_73 = tpu.vector_load %arg7[%swap3A_72] {strides = array<i32>} : memref<128xi32, #tpu.memory_space<vmem>>, vector<16xi32>,
        %swap3A_74 = vector.shape_cast %swap3A_73 : vector<16xi32> to vector<16xi32>
        %swap3A_75 = vector.shape_cast %add3A_71 : vector<16xi32> to vector<16xi32>
        tpu.vector_store %arg7[%swap3A_72], %swap3A_75 {strides = array<i32>} : memref<128xi32, #tpu.memory_space<vmem>>, vector<16xi32>,
        %get3A_76 = arith.constant 48 : index
        %get3A_77 = tpu.vector_load %arg7[%get3A_76] {strides = array<i32>} : memref<128xi32, #tpu.memory_space<vmem>>, vector<16xi32>,
        %get3A_78 = vector.shape_cast %get3A_77 : vector<16xi32> to vector<16xi32>
        %add3A_79 = vector.broadcast %add3A_21 : i32 to vector<16xi32>
        %add3A_80 = arith.addi %get3A_78, %add3A_79 : vector<16xi32>
        %swap3A_81 = arith.constant 48 : index
        %swap3A_82 = tpu.vector_load %arg7[%swap3A_81] {strides = array<i32>} : memref<128xi32, #tpu.memory_space<vmem>>, vector<16xi32>,
        %swap3A_83 = vector.shape_cast %swap3A_82 : vector<16xi32> to vector<16xi32>
        %swap3A_84 = vector.shape_cast %add3A_80 : vector<16xi32> to vector<16xi32>
        tpu.vector_store %arg7[%swap3A_81], %swap3A_84 {strides = array<i32>} : memref<128xi32, #tpu.memory_space<vmem>>, vector<16xi32>,
        %get3A_85 = arith.constant 64 : index
        %get3A_86 = tpu.vector_load %arg7[%get3A_85] {strides = array<i32>} : memref<128xi32, #tpu.memory_space<vmem>>, vector<16xi32>,
        %get3A_87 = vector.shape_cast %get3A_86 : vector<16xi32> to vector<16xi32>
        %add3A_88 = vector.broadcast %add3A_21 : i32 to vector<16xi32>
        %add3A_89 = arith.addi %get3A_87, %add3A_88 : vector<16xi32>
        %swap3A_90 = arith.constant 64 : index
        %swap3A_91 = tpu.vector_load %arg7[%swap3A_90] {strides = array<i32>} : memref<128xi32, #tpu.memory_space<vmem>>, vector<16xi32>,
        %swap3A_92 = vector.shape_cast %swap3A_91 : vector<16xi32> to vector<16xi32>
        %swap3A_93 = vector.shape_cast %add3A_89 : vector<16xi32> to vector<16xi32>
        tpu.vector_store %arg7[%swap3A_90], %swap3A_93 {strides = array<i32>} : memref<128xi32, #tpu.memory_space<vmem>>, vector<16xi32>,
        %get3A_94 = arith.constant 80 : index
        %get3A_95 = tpu.vector_load %arg7[%get3A_94] {strides = array<i32>} : memref<128xi32, #tpu.memory_space<vmem>>, vector<16xi32>,
        %get3A_96 = vector.shape_cast %get3A_95 : vector<16xi32> to vector<16xi32>
        %add3A_97 = vector.broadcast %add3A_21 : i32 to vector<16xi32>
        %add3A_98 = arith.addi %get3A_96, %add3A_97 : vector<16xi32>
        %swap3A_99 = arith.constant 80 : index
        %swap3A_100 = tpu.vector_load %arg7[%swap3A_99] {strides = array<i32>} : memref<128xi32, #tpu.memory_space<vmem>>, vector<16xi32>,
        %swap3A_101 = vector.shape_cast %swap3A_100 : vector<16xi32> to vector<16xi32>
        %swap3A_102 = vector.shape_cast %add3A_98 : vector<16xi32> to vector<16xi32>
        tpu.vector_store %arg7[%swap3A_99], %swap3A_102 {strides = array<i32>} : memref<128xi32, #tpu.memory_space<vmem>>, vector<16xi32>,
        %get3A_103 = arith.constant 96 : index
        %get3A_104 = tpu.vector_load %arg7[%get3A_103] {strides = array<i32>} : memref<128xi32, #tpu.memory_space<vmem>>, vector<16xi32>,
        %get3A_105 = vector.shape_cast %get3A_104 : vector<16xi32> to vector<16xi32>
        %add3A_106 = vector.broadcast %add3A_21 : i32 to vector<16xi32>
        %add3A_107 = arith.addi %get3A_105, %add3A_106 : vector<16xi32>
        %swap3A_108 = arith.constant 96 : index
        %swap3A_109 = tpu.vector_load %arg7[%swap3A_108] {strides = array<i32>} : memref<128xi32, #tpu.memory_space<vmem>>, vector<16xi32>,
        %swap3A_110 = vector.shape_cast %swap3A_109 : vector<16xi32> to vector<16xi32>
        %swap3A_111 = vector.shape_cast %add3A_107 : vector<16xi32> to vector<16xi32>
        tpu.vector_store %arg7[%swap3A_108], %swap3A_111 {strides = array<i32>} : memref<128xi32, #tpu.memory_space<vmem>>, vector<16xi32>,
        %get3A_112 = arith.constant 112 : index
        %get3A_113 = tpu.vector_load %arg7[%get3A_112] {strides = array<i32>} : memref<128xi32, #tpu.memory_space<vmem>>, vector<16xi32>,
        %get3A_114 = vector.shape_cast %get3A_113 : vector<16xi32> to vector<16xi32>
        %add3A_115 = vector.broadcast %add3A_21 : i32 to vector<16xi32>
        %add3A_116 = arith.addi %get3A_114, %add3A_115 : vector<16xi32>
        %swap3A_117 = arith.constant 112 : index
        %swap3A_118 = tpu.vector_load %arg7[%swap3A_117] {strides = array<i32>} : memref<128xi32, #tpu.memory_space<vmem>>, vector<16xi32>,
        %swap3A_119 = vector.shape_cast %swap3A_118 : vector<16xi32> to vector<16xi32>
        %swap3A_120 = vector.shape_cast %add3A_116 : vector<16xi32> to vector<16xi32>
        tpu.vector_store %arg7[%swap3A_117], %swap3A_120 {strides = array<i32>} : memref<128xi32, #tpu.memory_space<vmem>>, vector<16xi32>,
        %dma_start3A = arith.constant 0 : i32
        %dma_start3A_121 = arith.constant 0 : i32
        %dma_start3A_122 = tpu.memref_slice %arg5[%dma_start3A, %dma_start3A_121] : memref<300000x32xf32, #tpu.memory_space<hbm>> -> memref<300000x32xf32, #tpu.memory_space<hbm>>
        tpu.enqueue_indirect_dma source(%dma_start3A_122 : memref<300000x32xf32, #tpu.memory_space<hbm>>) target(%arg11 : memref<128x32xf32, #tpu.memory_space<vmem>>) offsets(%arg7 : memref<128xi32, #tpu.memory_space<vmem>>) semaphore(%arg14 : memref<!tpu.dma_semaphore, #tpu.memory_space<semaphore_mem>>)
        %dma_wait3A = arith.constant 0 : i32
        %dma_wait3A_123 = arith.constant 0 : i32
        %dma_wait3A_124 = tpu.memref_slice %arg5[%dma_wait3A, %dma_wait3A_123] : memref<300000x32xf32, #tpu.memory_space<hbm>> -> memref<300000x32xf32, #tpu.memory_space<hbm>>
        tpu.wait_indirect_dma semaphore(%arg14 : memref<!tpu.dma_semaphore, #tpu.memory_space<semaphore_mem>>) src(%dma_wait3A_124 : memref<300000x32xf32, #tpu.memory_space<hbm>>) dst(%arg11 : memref<128x32xf32, #tpu.memory_space<vmem>>)
        %scan3A_125 = arith.constant 0 : i32
        %scan3A_126 = arith.constant 0 : i32
        %scan3A_127 = arith.constant 8 : i32
        %scan3A_128 = arith.addi %scan3A_126, %scan3A_127 : i32
        %scan3A_129 = arith.constant 1 : i32
        scf.for %scan3A_131 = %scan3A_126 to %scan3A_128 step %scan3A_129  : i32 {
          %mul3A_132 = arith.constant 16 : i32
          %mul3A_133 = arith.muli %scan3A_131, %mul3A_132 : i32
          %get3A_134 = arith.index_cast %mul3A_133 : i32 to index
          %get3A_135 = tpu.vector_load %arg9[%get3A_134] {strides = array<i32>} : memref<128xf32, #tpu.memory_space<vmem>>, vector<16xf32>,
          %get3A_136 = vector.shape_cast %get3A_135 : vector<16xf32> to vector<16xf32>
          %mul3A_137 = arith.constant 16 : i32
          %mul3A_138 = arith.muli %scan3A_131, %mul3A_137 : i32
          %add3A_139 = arith.constant 0 : i32
          %add3A_140 = arith.addi %mul3A_138, %add3A_139 : i32
          %slice3A = vector.extract_strided_slice %get3A_136 {offsets = [0], sizes = [1], strides = [1]} : vector<16xf32> to vector<1xf32>
          %squeeze3A = vector.extract %slice3A[0] : f32 from vector<1xf32>
          %get3A_141 = arith.index_cast %add3A_140 : i32 to index
          %get3A_142 = arith.constant 0 : index
          %get3A_143 = tpu.vector_load %arg11[%get3A_141, %get3A_142] {strides = array<i32>} : memref<128x32xf32, #tpu.memory_space<vmem>>, vector<1x16xf32>,
          %get3A_144 = vector.shape_cast %get3A_143 : vector<1x16xf32> to vector<16xf32>
          %mul3A_145 = vector.broadcast %squeeze3A : f32 to vector<16xf32>
          %mul3A_146 = arith.mulf %get3A_144, %mul3A_145 : vector<16xf32>
          %swap3A_147 = arith.index_cast %add3A_140 : i32 to index
          %swap3A_148 = arith.constant 0 : index
          %swap3A_149 = tpu.vector_load %arg11[%swap3A_147, %swap3A_148] {strides = array<i32>} : memref<128x32xf32, #tpu.memory_space<vmem>>, vector<1x16xf32>,
          %swap3A_150 = vector.shape_cast %swap3A_149 : vector<1x16xf32> to vector<16xf32>
          %swap3A_151 = vector.shape_cast %mul3A_146 : vector<16xf32> to vector<1x16xf32>
          tpu.vector_store %arg11[%swap3A_147, %swap3A_148], %swap3A_151 {strides = array<i32>} : memref<128x32xf32, #tpu.memory_space<vmem>>, vector<1x16xf32>,
          %get3A_152 = arith.index_cast %add3A_140 : i32 to index
          %get3A_153 = arith.constant 16 : index
          %get3A_154 = tpu.vector_load %arg11[%get3A_152, %get3A_153] {strides = array<i32>} : memref<128x32xf32, #tpu.memory_space<vmem>>, vector<1x16xf32>,
          %get3A_155 = vector.shape_cast %get3A_154 : vector<1x16xf32> to vector<16xf32>
          %mul3A_156 = vector.broadcast %squeeze3A : f32 to vector<16xf32>
          %mul3A_157 = arith.mulf %get3A_155, %mul3A_156 : vector<16xf32>
          %swap3A_158 = arith.index_cast %add3A_140 : i32 to index
          %swap3A_159 = arith.constant 16 : index
          %swap3A_160 = tpu.vector_load %arg11[%swap3A_158, %swap3A_159] {strides = array<i32>} : memref<128x32xf32, #tpu.memory_space<vmem>>, vector<1x16xf32>,
          %swap3A_161 = vector.shape_cast %swap3A_160 : vector<1x16xf32> to vector<16xf32>
          %swap3A_162 = vector.shape_cast %mul3A_157 : vector<16xf32> to vector<1x16xf32>
          tpu.vector_store %arg11[%swap3A_158, %swap3A_159], %swap3A_162 {strides = array<i32>} : memref<128x32xf32, #tpu.memory_space<vmem>>, vector<1x16xf32>,
          %mul3A_163 = arith.constant 16 : i32
          %mul3A_164 = arith.muli %scan3A_131, %mul3A_163 : i32
          %add3A_165 = arith.constant 1 : i32
          %add3A_166 = arith.addi %mul3A_164, %add3A_165 : i32
          %slice3A_167 = vector.extract_strided_slice %get3A_136 {offsets = [1], sizes = [1], strides = [1]} : vector<16xf32> to vector<1xf32>
          %squeeze3A_168 = vector.extract %slice3A_167[0] : f32 from vector<1xf32>
          %get3A_169 = arith.index_cast %add3A_166 : i32 to index
          %get3A_170 = arith.constant 0 : index
          %get3A_171 = tpu.vector_load %arg11[%get3A_169, %get3A_170] {strides = array<i32>} : memref<128x32xf32, #tpu.memory_space<vmem>>, vector<1x16xf32>,
          %get3A_172 = vector.shape_cast %get3A_171 : vector<1x16xf32> to vector<16xf32>
          %mul3A_173 = vector.broadcast %squeeze3A_168 : f32 to vector<16xf32>
          %mul3A_174 = arith.mulf %get3A_172, %mul3A_173 : vector<16xf32>
          %swap3A_175 = arith.index_cast %add3A_166 : i32 to index
          %swap3A_176 = arith.constant 0 : index
          %swap3A_177 = tpu.vector_load %arg11[%swap3A_175, %swap3A_176] {strides = array<i32>} : memref<128x32xf32, #tpu.memory_space<vmem>>, vector<1x16xf32>,
          %swap3A_178 = vector.shape_cast %swap3A_177 : vector<1x16xf32> to vector<16xf32>
          %swap3A_179 = vector.shape_cast %mul3A_174 : vector<16xf32> to vector<1x16xf32>
          tpu.vector_store %arg11[%swap3A_175, %swap3A_176], %swap3A_179 {strides = array<i32>} : memref<128x32xf32, #tpu.memory_space<vmem>>, vector<1x16xf32>,
          %get3A_180 = arith.index_cast %add3A_166 : i32 to index
          %get3A_181 = arith.constant 16 : index
          %get3A_182 = tpu.vector_load %arg11[%get3A_180, %get3A_181] {strides = array<i32>} : memref<128x32xf32, #tpu.memory_space<vmem>>, vector<1x16xf32>,
          %get3A_183 = vector.shape_cast %get3A_182 : vector<1x16xf32> to vector<16xf32>
          %mul3A_184 = vector.broadcast %squeeze3A_168 : f32 to vector<16xf32>
          %mul3A_185 = arith.mulf %get3A_183, %mul3A_184 : vector<16xf32>
          %swap3A_186 = arith.index_cast %add3A_166 : i32 to index
          %swap3A_187 = arith.constant 16 : index
          %swap3A_188 = tpu.vector_load %arg11[%swap3A_186, %swap3A_187] {strides = array<i32>} : memref<128x32xf32, #tpu.memory_space<vmem>>, vector<1x16xf32>,
          %swap3A_189 = vector.shape_cast %swap3A_188 : vector<1x16xf32> to vector<16xf32>
          %swap3A_190 = vector.shape_cast %mul3A_185 : vector<16xf32> to vector<1x16xf32>
          tpu.vector_store %arg11[%swap3A_186, %swap3A_187], %swap3A_190 {strides = array<i32>} : memref<128x32xf32, #tpu.memory_space<vmem>>, vector<1x16xf32>,
          %mul3A_191 = arith.constant 16 : i32
          %mul3A_192 = arith.muli %scan3A_131, %mul3A_191 : i32
          %add3A_193 = arith.constant 2 : i32
          %add3A_194 = arith.addi %mul3A_192, %add3A_193 : i32
          %slice3A_195 = vector.extract_strided_slice %get3A_136 {offsets = [2], sizes = [1], strides = [1]} : vector<16xf32> to vector<1xf32>
          %squeeze3A_196 = vector.extract %slice3A_195[0] : f32 from vector<1xf32>
          %get3A_197 = arith.index_cast %add3A_194 : i32 to index
          %get3A_198 = arith.constant 0 : index
          %get3A_199 = tpu.vector_load %arg11[%get3A_197, %get3A_198] {strides = array<i32>} : memref<128x32xf32, #tpu.memory_space<vmem>>, vector<1x16xf32>,
          %get3A_200 = vector.shape_cast %get3A_199 : vector<1x16xf32> to vector<16xf32>
          %mul3A_201 = vector.broadcast %squeeze3A_196 : f32 to vector<16xf32>
          %mul3A_202 = arith.mulf %get3A_200, %mul3A_201 : vector<16xf32>
          %swap3A_203 = arith.index_cast %add3A_194 : i32 to index
          %swap3A_204 = arith.constant 0 : index
          %swap3A_205 = tpu.vector_load %arg11[%swap3A_203, %swap3A_204] {strides = array<i32>} : memref<128x32xf32, #tpu.memory_space<vmem>>, vector<1x16xf32>,
          %swap3A_206 = vector.shape_cast %swap3A_205 : vector<1x16xf32> to vector<16xf32>
          %swap3A_207 = vector.shape_cast %mul3A_202 : vector<16xf32> to vector<1x16xf32>
          tpu.vector_store %arg11[%swap3A_203, %swap3A_204], %swap3A_207 {strides = array<i32>} : memref<128x32xf32, #tpu.memory_space<vmem>>, vector<1x16xf32>,
          %get3A_208 = arith.index_cast %add3A_194 : i32 to index
          %get3A_209 = arith.constant 16 : index
          %get3A_210 = tpu.vector_load %arg11[%get3A_208, %get3A_209] {strides = array<i32>} : memref<128x32xf32, #tpu.memory_space<vmem>>, vector<1x16xf32>,
          %get3A_211 = vector.shape_cast %get3A_210 : vector<1x16xf32> to vector<16xf32>
          %mul3A_212 = vector.broadcast %squeeze3A_196 : f32 to vector<16xf32>
          %mul3A_213 = arith.mulf %get3A_211, %mul3A_212 : vector<16xf32>
          %swap3A_214 = arith.index_cast %add3A_194 : i32 to index
          %swap3A_215 = arith.constant 16 : index
          %swap3A_216 = tpu.vector_load %arg11[%swap3A_214, %swap3A_215] {strides = array<i32>} : memref<128x32xf32, #tpu.memory_space<vmem>>, vector<1x16xf32>,
          %swap3A_217 = vector.shape_cast %swap3A_216 : vector<1x16xf32> to vector<16xf32>
          %swap3A_218 = vector.shape_cast %mul3A_213 : vector<16xf32> to vector<1x16xf32>
          tpu.vector_store %arg11[%swap3A_214, %swap3A_215], %swap3A_218 {strides = array<i32>} : memref<128x32xf32, #tpu.memory_space<vmem>>, vector<1x16xf32>,
          %mul3A_219 = arith.constant 16 : i32
          %mul3A_220 = arith.muli %scan3A_131, %mul3A_219 : i32
          %add3A_221 = arith.constant 3 : i32
          %add3A_222 = arith.addi %mul3A_220, %add3A_221 : i32
          %slice3A_223 = vector.extract_strided_slice %get3A_136 {offsets = [3], sizes = [1], strides = [1]} : vector<16xf32> to vector<1xf32>
          %squeeze3A_224 = vector.extract %slice3A_223[0] : f32 from vector<1xf32>
          %get3A_225 = arith.index_cast %add3A_222 : i32 to index
          %get3A_226 = arith.constant 0 : index
          %get3A_227 = tpu.vector_load %arg11[%get3A_225, %get3A_226] {strides = array<i32>} : memref<128x32xf32, #tpu.memory_space<vmem>>, vector<1x16xf32>,
          %get3A_228 = vector.shape_cast %get3A_227 : vector<1x16xf32> to vector<16xf32>
          %mul3A_229 = vector.broadcast %squeeze3A_224 : f32 to vector<16xf32>
          %mul3A_230 = arith.mulf %get3A_228, %mul3A_229 : vector<16xf32>
          %swap3A_231 = arith.index_cast %add3A_222 : i32 to index
          %swap3A_232 = arith.constant 0 : index
          %swap3A_233 = tpu.vector_load %arg11[%swap3A_231, %swap3A_232] {strides = array<i32>} : memref<128x32xf32, #tpu.memory_space<vmem>>, vector<1x16xf32>,
          %swap3A_234 = vector.shape_cast %swap3A_233 : vector<1x16xf32> to vector<16xf32>
          %swap3A_235 = vector.shape_cast %mul3A_230 : vector<16xf32> to vector<1x16xf32>
          tpu.vector_store %arg11[%swap3A_231, %swap3A_232], %swap3A_235 {strides = array<i32>} : memref<128x32xf32, #tpu.memory_space<vmem>>, vector<1x16xf32>,
          %get3A_236 = arith.index_cast %add3A_222 : i32 to index
          %get3A_237 = arith.constant 16 : index
          %get3A_238 = tpu.vector_load %arg11[%get3A_236, %get3A_237] {strides = array<i32>} : memref<128x32xf32, #tpu.memory_space<vmem>>, vector<1x16xf32>,
          %get3A_239 = vector.shape_cast %get3A_238 : vector<1x16xf32> to vector<16xf32>
          %mul3A_240 = vector.broadcast %squeeze3A_224 : f32 to vector<16xf32>
          %mul3A_241 = arith.mulf %get3A_239, %mul3A_240 : vector<16xf32>
          %swap3A_242 = arith.index_cast %add3A_222 : i32 to index
          %swap3A_243 = arith.constant 16 : index
          %swap3A_244 = tpu.vector_load %arg11[%swap3A_242, %swap3A_243] {strides = array<i32>} : memref<128x32xf32, #tpu.memory_space<vmem>>, vector<1x16xf32>,
          %swap3A_245 = vector.shape_cast %swap3A_244 : vector<1x16xf32> to vector<16xf32>
          %swap3A_246 = vector.shape_cast %mul3A_241 : vector<16xf32> to vector<1x16xf32>
          tpu.vector_store %arg11[%swap3A_242, %swap3A_243], %swap3A_246 {strides = array<i32>} : memref<128x32xf32, #tpu.memory_space<vmem>>, vector<1x16xf32>,
          %mul3A_247 = arith.constant 16 : i32
          %mul3A_248 = arith.muli %scan3A_131, %mul3A_247 : i32
          %add3A_249 = arith.constant 4 : i32
          %add3A_250 = arith.addi %mul3A_248, %add3A_249 : i32
          %slice3A_251 = vector.extract_strided_slice %get3A_136 {offsets = [4], sizes = [1], strides = [1]} : vector<16xf32> to vector<1xf32>
          %squeeze3A_252 = vector.extract %slice3A_251[0] : f32 from vector<1xf32>
          %get3A_253 = arith.index_cast %add3A_250 : i32 to index
          %get3A_254 = arith.constant 0 : index
          %get3A_255 = tpu.vector_load %arg11[%get3A_253, %get3A_254] {strides = array<i32>} : memref<128x32xf32, #tpu.memory_space<vmem>>, vector<1x16xf32>,
          %get3A_256 = vector.shape_cast %get3A_255 : vector<1x16xf32> to vector<16xf32>
          %mul3A_257 = vector.broadcast %squeeze3A_252 : f32 to vector<16xf32>
          %mul3A_258 = arith.mulf %get3A_256, %mul3A_257 : vector<16xf32>
          %swap3A_259 = arith.index_cast %add3A_250 : i32 to index
          %swap3A_260 = arith.constant 0 : index
          %swap3A_261 = tpu.vector_load %arg11[%swap3A_259, %swap3A_260] {strides = array<i32>} : memref<128x32xf32, #tpu.memory_space<vmem>>, vector<1x16xf32>,
          %swap3A_262 = vector.shape_cast %swap3A_261 : vector<1x16xf32> to vector<16xf32>
          %swap3A_263 = vector.shape_cast %mul3A_258 : vector<16xf32> to vector<1x16xf32>
          tpu.vector_store %arg11[%swap3A_259, %swap3A_260], %swap3A_263 {strides = array<i32>} : memref<128x32xf32, #tpu.memory_space<vmem>>, vector<1x16xf32>,
          %get3A_264 = arith.index_cast %add3A_250 : i32 to index
          %get3A_265 = arith.constant 16 : index
          %get3A_266 = tpu.vector_load %arg11[%get3A_264, %get3A_265] {strides = array<i32>} : memref<128x32xf32, #tpu.memory_space<vmem>>, vector<1x16xf32>,
          %get3A_267 = vector.shape_cast %get3A_266 : vector<1x16xf32> to vector<16xf32>
          %mul3A_268 = vector.broadcast %squeeze3A_252 : f32 to vector<16xf32>
          %mul3A_269 = arith.mulf %get3A_267, %mul3A_268 : vector<16xf32>
          %swap3A_270 = arith.index_cast %add3A_250 : i32 to index
          %swap3A_271 = arith.constant 16 : index
          %swap3A_272 = tpu.vector_load %arg11[%swap3A_270, %swap3A_271] {strides = array<i32>} : memref<128x32xf32, #tpu.memory_space<vmem>>, vector<1x16xf32>,
          %swap3A_273 = vector.shape_cast %swap3A_272 : vector<1x16xf32> to vector<16xf32>
          %swap3A_274 = vector.shape_cast %mul3A_269 : vector<16xf32> to vector<1x16xf32>
          tpu.vector_store %arg11[%swap3A_270, %swap3A_271], %swap3A_274 {strides = array<i32>} : memref<128x32xf32, #tpu.memory_space<vmem>>, vector<1x16xf32>,
          %mul3A_275 = arith.constant 16 : i32
          %mul3A_276 = arith.muli %scan3A_131, %mul3A_275 : i32
          %add3A_277 = arith.constant 5 : i32
          %add3A_278 = arith.addi %mul3A_276, %add3A_277 : i32
          %slice3A_279 = vector.extract_strided_slice %get3A_136 {offsets = [5], sizes = [1], strides = [1]} : vector<16xf32> to vector<1xf32>
          %squeeze3A_280 = vector.extract %slice3A_279[0] : f32 from vector<1xf32>
          %get3A_281 = arith.index_cast %add3A_278 : i32 to index
          %get3A_282 = arith.constant 0 : index
          %get3A_283 = tpu.vector_load %arg11[%get3A_281, %get3A_282] {strides = array<i32>} : memref<128x32xf32, #tpu.memory_space<vmem>>, vector<1x16xf32>,
          %get3A_284 = vector.shape_cast %get3A_283 : vector<1x16xf32> to vector<16xf32>
          %mul3A_285 = vector.broadcast %squeeze3A_280 : f32 to vector<16xf32>
          %mul3A_286 = arith.mulf %get3A_284, %mul3A_285 : vector<16xf32>
          %swap3A_287 = arith.index_cast %add3A_278 : i32 to index
          %swap3A_288 = arith.constant 0 : index
          %swap3A_289 = tpu.vector_load %arg11[%swap3A_287, %swap3A_288] {strides = array<i32>} : memref<128x32xf32, #tpu.memory_space<vmem>>, vector<1x16xf32>,
          %swap3A_290 = vector.shape_cast %swap3A_289 : vector<1x16xf32> to vector<16xf32>
          %swap3A_291 = vector.shape_cast %mul3A_286 : vector<16xf32> to vector<1x16xf32>
          tpu.vector_store %arg11[%swap3A_287, %swap3A_288], %swap3A_291 {strides = array<i32>} : memref<128x32xf32, #tpu.memory_space<vmem>>, vector<1x16xf32>,
          %get3A_292 = arith.index_cast %add3A_278 : i32 to index
          %get3A_293 = arith.constant 16 : index
          %get3A_294 = tpu.vector_load %arg11[%get3A_292, %get3A_293] {strides = array<i32>} : memref<128x32xf32, #tpu.memory_space<vmem>>, vector<1x16xf32>,
          %get3A_295 = vector.shape_cast %get3A_294 : vector<1x16xf32> to vector<16xf32>
          %mul3A_296 = vector.broadcast %squeeze3A_280 : f32 to vector<16xf32>
          %mul3A_297 = arith.mulf %get3A_295, %mul3A_296 : vector<16xf32>
          %swap3A_298 = arith.index_cast %add3A_278 : i32 to index
          %swap3A_299 = arith.constant 16 : index
          %swap3A_300 = tpu.vector_load %arg11[%swap3A_298, %swap3A_299] {strides = array<i32>} : memref<128x32xf32, #tpu.memory_space<vmem>>, vector<1x16xf32>,
          %swap3A_301 = vector.shape_cast %swap3A_300 : vector<1x16xf32> to vector<16xf32>
          %swap3A_302 = vector.shape_cast %mul3A_297 : vector<16xf32> to vector<1x16xf32>
          tpu.vector_store %arg11[%swap3A_298, %swap3A_299], %swap3A_302 {strides = array<i32>} : memref<128x32xf32, #tpu.memory_space<vmem>>, vector<1x16xf32>,
          %mul3A_303 = arith.constant 16 : i32
          %mul3A_304 = arith.muli %scan3A_131, %mul3A_303 : i32
          %add3A_305 = arith.constant 6 : i32
          %add3A_306 = arith.addi %mul3A_304, %add3A_305 : i32
          %slice3A_307 = vector.extract_strided_slice %get3A_136 {offsets = [6], sizes = [1], strides = [1]} : vector<16xf32> to vector<1xf32>
          %squeeze3A_308 = vector.extract %slice3A_307[0] : f32 from vector<1xf32>
          %get3A_309 = arith.index_cast %add3A_306 : i32 to index
          %get3A_310 = arith.constant 0 : index
          %get3A_311 = tpu.vector_load %arg11[%get3A_309, %get3A_310] {strides = array<i32>} : memref<128x32xf32, #tpu.memory_space<vmem>>, vector<1x16xf32>,
          %get3A_312 = vector.shape_cast %get3A_311 : vector<1x16xf32> to vector<16xf32>
          %mul3A_313 = vector.broadcast %squeeze3A_308 : f32 to vector<16xf32>
          %mul3A_314 = arith.mulf %get3A_312, %mul3A_313 : vector<16xf32>
          %swap3A_315 = arith.index_cast %add3A_306 : i32 to index
          %swap3A_316 = arith.constant 0 : index
          %swap3A_317 = tpu.vector_load %arg11[%swap3A_315, %swap3A_316] {strides = array<i32>} : memref<128x32xf32, #tpu.memory_space<vmem>>, vector<1x16xf32>,
          %swap3A_318 = vector.shape_cast %swap3A_317 : vector<1x16xf32> to vector<16xf32>
          %swap3A_319 = vector.shape_cast %mul3A_314 : vector<16xf32> to vector<1x16xf32>
          tpu.vector_store %arg11[%swap3A_315, %swap3A_316], %swap3A_319 {strides = array<i32>} : memref<128x32xf32, #tpu.memory_space<vmem>>, vector<1x16xf32>,
          %get3A_320 = arith.index_cast %add3A_306 : i32 to index
          %get3A_321 = arith.constant 16 : index
          %get3A_322 = tpu.vector_load %arg11[%get3A_320, %get3A_321] {strides = array<i32>} : memref<128x32xf32, #tpu.memory_space<vmem>>, vector<1x16xf32>,
          %get3A_323 = vector.shape_cast %get3A_322 : vector<1x16xf32> to vector<16xf32>
          %mul3A_324 = vector.broadcast %squeeze3A_308 : f32 to vector<16xf32>
          %mul3A_325 = arith.mulf %get3A_323, %mul3A_324 : vector<16xf32>
          %swap3A_326 = arith.index_cast %add3A_306 : i32 to index
          %swap3A_327 = arith.constant 16 : index
          %swap3A_328 = tpu.vector_load %arg11[%swap3A_326, %swap3A_327] {strides = array<i32>} : memref<128x32xf32, #tpu.memory_space<vmem>>, vector<1x16xf32>,
          %swap3A_329 = vector.shape_cast %swap3A_328 : vector<1x16xf32> to vector<16xf32>
          %swap3A_330 = vector.shape_cast %mul3A_325 : vector<16xf32> to vector<1x16xf32>
          tpu.vector_store %arg11[%swap3A_326, %swap3A_327], %swap3A_330 {strides = array<i32>} : memref<128x32xf32, #tpu.memory_space<vmem>>, vector<1x16xf32>,
          %mul3A_331 = arith.constant 16 : i32
          %mul3A_332 = arith.muli %scan3A_131, %mul3A_331 : i32
          %add3A_333 = arith.constant 7 : i32
          %add3A_334 = arith.addi %mul3A_332, %add3A_333 : i32
          %slice3A_335 = vector.extract_strided_slice %get3A_136 {offsets = [7], sizes = [1], strides = [1]} : vector<16xf32> to vector<1xf32>
          %squeeze3A_336 = vector.extract %slice3A_335[0] : f32 from vector<1xf32>
          %get3A_337 = arith.index_cast %add3A_334 : i32 to index
          %get3A_338 = arith.constant 0 : index
          %get3A_339 = tpu.vector_load %arg11[%get3A_337, %get3A_338] {strides = array<i32>} : memref<128x32xf32, #tpu.memory_space<vmem>>, vector<1x16xf32>,
          %get3A_340 = vector.shape_cast %get3A_339 : vector<1x16xf32> to vector<16xf32>
          %mul3A_341 = vector.broadcast %squeeze3A_336 : f32 to vector<16xf32>
          %mul3A_342 = arith.mulf %get3A_340, %mul3A_341 : vector<16xf32>
          %swap3A_343 = arith.index_cast %add3A_334 : i32 to index
          %swap3A_344 = arith.constant 0 : index
          %swap3A_345 = tpu.vector_load %arg11[%swap3A_343, %swap3A_344] {strides = array<i32>} : memref<128x32xf32, #tpu.memory_space<vmem>>, vector<1x16xf32>,
          %swap3A_346 = vector.shape_cast %swap3A_345 : vector<1x16xf32> to vector<16xf32>
          %swap3A_347 = vector.shape_cast %mul3A_342 : vector<16xf32> to vector<1x16xf32>
          tpu.vector_store %arg11[%swap3A_343, %swap3A_344], %swap3A_347 {strides = array<i32>} : memref<128x32xf32, #tpu.memory_space<vmem>>, vector<1x16xf32>,
          %get3A_348 = arith.index_cast %add3A_334 : i32 to index
          %get3A_349 = arith.constant 16 : index
          %get3A_350 = tpu.vector_load %arg11[%get3A_348, %get3A_349] {strides = array<i32>} : memref<128x32xf32, #tpu.memory_space<vmem>>, vector<1x16xf32>,
          %get3A_351 = vector.shape_cast %get3A_350 : vector<1x16xf32> to vector<16xf32>
          %mul3A_352 = vector.broadcast %squeeze3A_336 : f32 to vector<16xf32>
          %mul3A_353 = arith.mulf %get3A_351, %mul3A_352 : vector<16xf32>
          %swap3A_354 = arith.index_cast %add3A_334 : i32 to index
          %swap3A_355 = arith.constant 16 : index
          %swap3A_356 = tpu.vector_load %arg11[%swap3A_354, %swap3A_355] {strides = array<i32>} : memref<128x32xf32, #tpu.memory_space<vmem>>, vector<1x16xf32>,
          %swap3A_357 = vector.shape_cast %swap3A_356 : vector<1x16xf32> to vector<16xf32>
          %swap3A_358 = vector.shape_cast %mul3A_353 : vector<16xf32> to vector<1x16xf32>
          tpu.vector_store %arg11[%swap3A_354, %swap3A_355], %swap3A_358 {strides = array<i32>} : memref<128x32xf32, #tpu.memory_space<vmem>>, vector<1x16xf32>,
          %mul3A_359 = arith.constant 16 : i32
          %mul3A_360 = arith.muli %scan3A_131, %mul3A_359 : i32
          %add3A_361 = arith.constant 8 : i32
          %add3A_362 = arith.addi %mul3A_360, %add3A_361 : i32
          %slice3A_363 = vector.extract_strided_slice %get3A_136 {offsets = [8], sizes = [1], strides = [1]} : vector<16xf32> to vector<1xf32>
          %squeeze3A_364 = vector.extract %slice3A_363[0] : f32 from vector<1xf32>
          %get3A_365 = arith.index_cast %add3A_362 : i32 to index
          %get3A_366 = arith.constant 0 : index
          %get3A_367 = tpu.vector_load %arg11[%get3A_365, %get3A_366] {strides = array<i32>} : memref<128x32xf32, #tpu.memory_space<vmem>>, vector<1x16xf32>,
          %get3A_368 = vector.shape_cast %get3A_367 : vector<1x16xf32> to vector<16xf32>
          %mul3A_369 = vector.broadcast %squeeze3A_364 : f32 to vector<16xf32>
          %mul3A_370 = arith.mulf %get3A_368, %mul3A_369 : vector<16xf32>
          %swap3A_371 = arith.index_cast %add3A_362 : i32 to index
          %swap3A_372 = arith.constant 0 : index
          %swap3A_373 = tpu.vector_load %arg11[%swap3A_371, %swap3A_372] {strides = array<i32>} : memref<128x32xf32, #tpu.memory_space<vmem>>, vector<1x16xf32>,
          %swap3A_374 = vector.shape_cast %swap3A_373 : vector<1x16xf32> to vector<16xf32>
          %swap3A_375 = vector.shape_cast %mul3A_370 : vector<16xf32> to vector<1x16xf32>
          tpu.vector_store %arg11[%swap3A_371, %swap3A_372], %swap3A_375 {strides = array<i32>} : memref<128x32xf32, #tpu.memory_space<vmem>>, vector<1x16xf32>,
          %get3A_376 = arith.index_cast %add3A_362 : i32 to index
          %get3A_377 = arith.constant 16 : index
          %get3A_378 = tpu.vector_load %arg11[%get3A_376, %get3A_377] {strides = array<i32>} : memref<128x32xf32, #tpu.memory_space<vmem>>, vector<1x16xf32>,
          %get3A_379 = vector.shape_cast %get3A_378 : vector<1x16xf32> to vector<16xf32>
          %mul3A_380 = vector.broadcast %squeeze3A_364 : f32 to vector<16xf32>
          %mul3A_381 = arith.mulf %get3A_379, %mul3A_380 : vector<16xf32>
          %swap3A_382 = arith.index_cast %add3A_362 : i32 to index
          %swap3A_383 = arith.constant 16 : index
          %swap3A_384 = tpu.vector_load %arg11[%swap3A_382, %swap3A_383] {strides = array<i32>} : memref<128x32xf32, #tpu.memory_space<vmem>>, vector<1x16xf32>,
          %swap3A_385 = vector.shape_cast %swap3A_384 : vector<1x16xf32> to vector<16xf32>
          %swap3A_386 = vector.shape_cast %mul3A_381 : vector<16xf32> to vector<1x16xf32>
          tpu.vector_store %arg11[%swap3A_382, %swap3A_383], %swap3A_386 {strides = array<i32>} : memref<128x32xf32, #tpu.memory_space<vmem>>, vector<1x16xf32>,
          %mul3A_387 = arith.constant 16 : i32
          %mul3A_388 = arith.muli %scan3A_131, %mul3A_387 : i32
          %add3A_389 = arith.constant 9 : i32
          %add3A_390 = arith.addi %mul3A_388, %add3A_389 : i32
          %slice3A_391 = vector.extract_strided_slice %get3A_136 {offsets = [9], sizes = [1], strides = [1]} : vector<16xf32> to vector<1xf32>
          %squeeze3A_392 = vector.extract %slice3A_391[0] : f32 from vector<1xf32>
          %get3A_393 = arith.index_cast %add3A_390 : i32 to index
          %get3A_394 = arith.constant 0 : index
          %get3A_395 = tpu.vector_load %arg11[%get3A_393, %get3A_394] {strides = array<i32>} : memref<128x32xf32, #tpu.memory_space<vmem>>, vector<1x16xf32>,
          %get3A_396 = vector.shape_cast %get3A_395 : vector<1x16xf32> to vector<16xf32>
          %mul3A_397 = vector.broadcast %squeeze3A_392 : f32 to vector<16xf32>
          %mul3A_398 = arith.mulf %get3A_396, %mul3A_397 : vector<16xf32>
          %swap3A_399 = arith.index_cast %add3A_390 : i32 to index
          %swap3A_400 = arith.constant 0 : index
          %swap3A_401 = tpu.vector_load %arg11[%swap3A_399, %swap3A_400] {strides = array<i32>} : memref<128x32xf32, #tpu.memory_space<vmem>>, vector<1x16xf32>,
          %swap3A_402 = vector.shape_cast %swap3A_401 : vector<1x16xf32> to vector<16xf32>
          %swap3A_403 = vector.shape_cast %mul3A_398 : vector<16xf32> to vector<1x16xf32>
          tpu.vector_store %arg11[%swap3A_399, %swap3A_400], %swap3A_403 {strides = array<i32>} : memref<128x32xf32, #tpu.memory_space<vmem>>, vector<1x16xf32>,
          %get3A_404 = arith.index_cast %add3A_390 : i32 to index
          %get3A_405 = arith.constant 16 : index
          %get3A_406 = tpu.vector_load %arg11[%get3A_404, %get3A_405] {strides = array<i32>} : memref<128x32xf32, #tpu.memory_space<vmem>>, vector<1x16xf32>,
          %get3A_407 = vector.shape_cast %get3A_406 : vector<1x16xf32> to vector<16xf32>
          %mul3A_408 = vector.broadcast %squeeze3A_392 : f32 to vector<16xf32>
          %mul3A_409 = arith.mulf %get3A_407, %mul3A_408 : vector<16xf32>
          %swap3A_410 = arith.index_cast %add3A_390 : i32 to index
          %swap3A_411 = arith.constant 16 : index
          %swap3A_412 = tpu.vector_load %arg11[%swap3A_410, %swap3A_411] {strides = array<i32>} : memref<128x32xf32, #tpu.memory_space<vmem>>, vector<1x16xf32>,
          %swap3A_413 = vector.shape_cast %swap3A_412 : vector<1x16xf32> to vector<16xf32>
          %swap3A_414 = vector.shape_cast %mul3A_409 : vector<16xf32> to vector<1x16xf32>
          tpu.vector_store %arg11[%swap3A_410, %swap3A_411], %swap3A_414 {strides = array<i32>} : memref<128x32xf32, #tpu.memory_space<vmem>>, vector<1x16xf32>,
          %mul3A_415 = arith.constant 16 : i32
          %mul3A_416 = arith.muli %scan3A_131, %mul3A_415 : i32
          %add3A_417 = arith.constant 10 : i32
          %add3A_418 = arith.addi %mul3A_416, %add3A_417 : i32
          %slice3A_419 = vector.extract_strided_slice %get3A_136 {offsets = [10], sizes = [1], strides = [1]} : vector<16xf32> to vector<1xf32>
          %squeeze3A_420 = vector.extract %slice3A_419[0] : f32 from vector<1xf32>
          %get3A_421 = arith.index_cast %add3A_418 : i32 to index
          %get3A_422 = arith.constant 0 : index
          %get3A_423 = tpu.vector_load %arg11[%get3A_421, %get3A_422] {strides = array<i32>} : memref<128x32xf32, #tpu.memory_space<vmem>>, vector<1x16xf32>,
          %get3A_424 = vector.shape_cast %get3A_423 : vector<1x16xf32> to vector<16xf32>
          %mul3A_425 = vector.broadcast %squeeze3A_420 : f32 to vector<16xf32>
          %mul3A_426 = arith.mulf %get3A_424, %mul3A_425 : vector<16xf32>
          %swap3A_427 = arith.index_cast %add3A_418 : i32 to index
          %swap3A_428 = arith.constant 0 : index
          %swap3A_429 = tpu.vector_load %arg11[%swap3A_427, %swap3A_428] {strides = array<i32>} : memref<128x32xf32, #tpu.memory_space<vmem>>, vector<1x16xf32>,
          %swap3A_430 = vector.shape_cast %swap3A_429 : vector<1x16xf32> to vector<16xf32>
          %swap3A_431 = vector.shape_cast %mul3A_426 : vector<16xf32> to vector<1x16xf32>
          tpu.vector_store %arg11[%swap3A_427, %swap3A_428], %swap3A_431 {strides = array<i32>} : memref<128x32xf32, #tpu.memory_space<vmem>>, vector<1x16xf32>,
          %get3A_432 = arith.index_cast %add3A_418 : i32 to index
          %get3A_433 = arith.constant 16 : index
          %get3A_434 = tpu.vector_load %arg11[%get3A_432, %get3A_433] {strides = array<i32>} : memref<128x32xf32, #tpu.memory_space<vmem>>, vector<1x16xf32>,
          %get3A_435 = vector.shape_cast %get3A_434 : vector<1x16xf32> to vector<16xf32>
          %mul3A_436 = vector.broadcast %squeeze3A_420 : f32 to vector<16xf32>
          %mul3A_437 = arith.mulf %get3A_435, %mul3A_436 : vector<16xf32>
          %swap3A_438 = arith.index_cast %add3A_418 : i32 to index
          %swap3A_439 = arith.constant 16 : index
          %swap3A_440 = tpu.vector_load %arg11[%swap3A_438, %swap3A_439] {strides = array<i32>} : memref<128x32xf32, #tpu.memory_space<vmem>>, vector<1x16xf32>,
          %swap3A_441 = vector.shape_cast %swap3A_440 : vector<1x16xf32> to vector<16xf32>
          %swap3A_442 = vector.shape_cast %mul3A_437 : vector<16xf32> to vector<1x16xf32>
          tpu.vector_store %arg11[%swap3A_438, %swap3A_439], %swap3A_442 {strides = array<i32>} : memref<128x32xf32, #tpu.memory_space<vmem>>, vector<1x16xf32>,
          %mul3A_443 = arith.constant 16 : i32
          %mul3A_444 = arith.muli %scan3A_131, %mul3A_443 : i32
          %add3A_445 = arith.constant 11 : i32
          %add3A_446 = arith.addi %mul3A_444, %add3A_445 : i32
          %slice3A_447 = vector.extract_strided_slice %get3A_136 {offsets = [11], sizes = [1], strides = [1]} : vector<16xf32> to vector<1xf32>
          %squeeze3A_448 = vector.extract %slice3A_447[0] : f32 from vector<1xf32>
          %get3A_449 = arith.index_cast %add3A_446 : i32 to index
          %get3A_450 = arith.constant 0 : index
          %get3A_451 = tpu.vector_load %arg11[%get3A_449, %get3A_450] {strides = array<i32>} : memref<128x32xf32, #tpu.memory_space<vmem>>, vector<1x16xf32>,
          %get3A_452 = vector.shape_cast %get3A_451 : vector<1x16xf32> to vector<16xf32>
          %mul3A_453 = vector.broadcast %squeeze3A_448 : f32 to vector<16xf32>
          %mul3A_454 = arith.mulf %get3A_452, %mul3A_453 : vector<16xf32>
          %swap3A_455 = arith.index_cast %add3A_446 : i32 to index
          %swap3A_456 = arith.constant 0 : index
          %swap3A_457 = tpu.vector_load %arg11[%swap3A_455, %swap3A_456] {strides = array<i32>} : memref<128x32xf32, #tpu.memory_space<vmem>>, vector<1x16xf32>,
          %swap3A_458 = vector.shape_cast %swap3A_457 : vector<1x16xf32> to vector<16xf32>
          %swap3A_459 = vector.shape_cast %mul3A_454 : vector<16xf32> to vector<1x16xf32>
          tpu.vector_store %arg11[%swap3A_455, %swap3A_456], %swap3A_459 {strides = array<i32>} : memref<128x32xf32, #tpu.memory_space<vmem>>, vector<1x16xf32>,
          %get3A_460 = arith.index_cast %add3A_446 : i32 to index
          %get3A_461 = arith.constant 16 : index
          %get3A_462 = tpu.vector_load %arg11[%get3A_460, %get3A_461] {strides = array<i32>} : memref<128x32xf32, #tpu.memory_space<vmem>>, vector<1x16xf32>,
          %get3A_463 = vector.shape_cast %get3A_462 : vector<1x16xf32> to vector<16xf32>
          %mul3A_464 = vector.broadcast %squeeze3A_448 : f32 to vector<16xf32>
          %mul3A_465 = arith.mulf %get3A_463, %mul3A_464 : vector<16xf32>
          %swap3A_466 = arith.index_cast %add3A_446 : i32 to index
          %swap3A_467 = arith.constant 16 : index
          %swap3A_468 = tpu.vector_load %arg11[%swap3A_466, %swap3A_467] {strides = array<i32>} : memref<128x32xf32, #tpu.memory_space<vmem>>, vector<1x16xf32>,
          %swap3A_469 = vector.shape_cast %swap3A_468 : vector<1x16xf32> to vector<16xf32>
          %swap3A_470 = vector.shape_cast %mul3A_465 : vector<16xf32> to vector<1x16xf32>
          tpu.vector_store %arg11[%swap3A_466, %swap3A_467], %swap3A_470 {strides = array<i32>} : memref<128x32xf32, #tpu.memory_space<vmem>>, vector<1x16xf32>,
          %mul3A_471 = arith.constant 16 : i32
          %mul3A_472 = arith.muli %scan3A_131, %mul3A_471 : i32
          %add3A_473 = arith.constant 12 : i32
          %add3A_474 = arith.addi %mul3A_472, %add3A_473 : i32
          %slice3A_475 = vector.extract_strided_slice %get3A_136 {offsets = [12], sizes = [1], strides = [1]} : vector<16xf32> to vector<1xf32>
          %squeeze3A_476 = vector.extract %slice3A_475[0] : f32 from vector<1xf32>
          %get3A_477 = arith.index_cast %add3A_474 : i32 to index
          %get3A_478 = arith.constant 0 : index
          %get3A_479 = tpu.vector_load %arg11[%get3A_477, %get3A_478] {strides = array<i32>} : memref<128x32xf32, #tpu.memory_space<vmem>>, vector<1x16xf32>,
          %get3A_480 = vector.shape_cast %get3A_479 : vector<1x16xf32> to vector<16xf32>
          %mul3A_481 = vector.broadcast %squeeze3A_476 : f32 to vector<16xf32>
          %mul3A_482 = arith.mulf %get3A_480, %mul3A_481 : vector<16xf32>
          %swap3A_483 = arith.index_cast %add3A_474 : i32 to index
          %swap3A_484 = arith.constant 0 : index
          %swap3A_485 = tpu.vector_load %arg11[%swap3A_483, %swap3A_484] {strides = array<i32>} : memref<128x32xf32, #tpu.memory_space<vmem>>, vector<1x16xf32>,
          %swap3A_486 = vector.shape_cast %swap3A_485 : vector<1x16xf32> to vector<16xf32>
          %swap3A_487 = vector.shape_cast %mul3A_482 : vector<16xf32> to vector<1x16xf32>
          tpu.vector_store %arg11[%swap3A_483, %swap3A_484], %swap3A_487 {strides = array<i32>} : memref<128x32xf32, #tpu.memory_space<vmem>>, vector<1x16xf32>,
          %get3A_488 = arith.index_cast %add3A_474 : i32 to index
          %get3A_489 = arith.constant 16 : index
          %get3A_490 = tpu.vector_load %arg11[%get3A_488, %get3A_489] {strides = array<i32>} : memref<128x32xf32, #tpu.memory_space<vmem>>, vector<1x16xf32>,
          %get3A_491 = vector.shape_cast %get3A_490 : vector<1x16xf32> to vector<16xf32>
          %mul3A_492 = vector.broadcast %squeeze3A_476 : f32 to vector<16xf32>
          %mul3A_493 = arith.mulf %get3A_491, %mul3A_492 : vector<16xf32>
          %swap3A_494 = arith.index_cast %add3A_474 : i32 to index
          %swap3A_495 = arith.constant 16 : index
          %swap3A_496 = tpu.vector_load %arg11[%swap3A_494, %swap3A_495] {strides = array<i32>} : memref<128x32xf32, #tpu.memory_space<vmem>>, vector<1x16xf32>,
          %swap3A_497 = vector.shape_cast %swap3A_496 : vector<1x16xf32> to vector<16xf32>
          %swap3A_498 = vector.shape_cast %mul3A_493 : vector<16xf32> to vector<1x16xf32>
          tpu.vector_store %arg11[%swap3A_494, %swap3A_495], %swap3A_498 {strides = array<i32>} : memref<128x32xf32, #tpu.memory_space<vmem>>, vector<1x16xf32>,
          %mul3A_499 = arith.constant 16 : i32
          %mul3A_500 = arith.muli %scan3A_131, %mul3A_499 : i32
          %add3A_501 = arith.constant 13 : i32
          %add3A_502 = arith.addi %mul3A_500, %add3A_501 : i32
          %slice3A_503 = vector.extract_strided_slice %get3A_136 {offsets = [13], sizes = [1], strides = [1]} : vector<16xf32> to vector<1xf32>
          %squeeze3A_504 = vector.extract %slice3A_503[0] : f32 from vector<1xf32>
          %get3A_505 = arith.index_cast %add3A_502 : i32 to index
          %get3A_506 = arith.constant 0 : index
          %get3A_507 = tpu.vector_load %arg11[%get3A_505, %get3A_506] {strides = array<i32>} : memref<128x32xf32, #tpu.memory_space<vmem>>, vector<1x16xf32>,
          %get3A_508 = vector.shape_cast %get3A_507 : vector<1x16xf32> to vector<16xf32>
          %mul3A_509 = vector.broadcast %squeeze3A_504 : f32 to vector<16xf32>
          %mul3A_510 = arith.mulf %get3A_508, %mul3A_509 : vector<16xf32>
          %swap3A_511 = arith.index_cast %add3A_502 : i32 to index
          %swap3A_512 = arith.constant 0 : index
          %swap3A_513 = tpu.vector_load %arg11[%swap3A_511, %swap3A_512] {strides = array<i32>} : memref<128x32xf32, #tpu.memory_space<vmem>>, vector<1x16xf32>,
          %swap3A_514 = vector.shape_cast %swap3A_513 : vector<1x16xf32> to vector<16xf32>
          %swap3A_515 = vector.shape_cast %mul3A_510 : vector<16xf32> to vector<1x16xf32>
          tpu.vector_store %arg11[%swap3A_511, %swap3A_512], %swap3A_515 {strides = array<i32>} : memref<128x32xf32, #tpu.memory_space<vmem>>, vector<1x16xf32>,
          %get3A_516 = arith.index_cast %add3A_502 : i32 to index
          %get3A_517 = arith.constant 16 : index
          %get3A_518 = tpu.vector_load %arg11[%get3A_516, %get3A_517] {strides = array<i32>} : memref<128x32xf32, #tpu.memory_space<vmem>>, vector<1x16xf32>,
          %get3A_519 = vector.shape_cast %get3A_518 : vector<1x16xf32> to vector<16xf32>
          %mul3A_520 = vector.broadcast %squeeze3A_504 : f32 to vector<16xf32>
          %mul3A_521 = arith.mulf %get3A_519, %mul3A_520 : vector<16xf32>
          %swap3A_522 = arith.index_cast %add3A_502 : i32 to index
          %swap3A_523 = arith.constant 16 : index
          %swap3A_524 = tpu.vector_load %arg11[%swap3A_522, %swap3A_523] {strides = array<i32>} : memref<128x32xf32, #tpu.memory_space<vmem>>, vector<1x16xf32>,
          %swap3A_525 = vector.shape_cast %swap3A_524 : vector<1x16xf32> to vector<16xf32>
          %swap3A_526 = vector.shape_cast %mul3A_521 : vector<16xf32> to vector<1x16xf32>
          tpu.vector_store %arg11[%swap3A_522, %swap3A_523], %swap3A_526 {strides = array<i32>} : memref<128x32xf32, #tpu.memory_space<vmem>>, vector<1x16xf32>,
          %mul3A_527 = arith.constant 16 : i32
          %mul3A_528 = arith.muli %scan3A_131, %mul3A_527 : i32
          %add3A_529 = arith.constant 14 : i32
          %add3A_530 = arith.addi %mul3A_528, %add3A_529 : i32
          %slice3A_531 = vector.extract_strided_slice %get3A_136 {offsets = [14], sizes = [1], strides = [1]} : vector<16xf32> to vector<1xf32>
          %squeeze3A_532 = vector.extract %slice3A_531[0] : f32 from vector<1xf32>
          %get3A_533 = arith.index_cast %add3A_530 : i32 to index
          %get3A_534 = arith.constant 0 : index
          %get3A_535 = tpu.vector_load %arg11[%get3A_533, %get3A_534] {strides = array<i32>} : memref<128x32xf32, #tpu.memory_space<vmem>>, vector<1x16xf32>,
          %get3A_536 = vector.shape_cast %get3A_535 : vector<1x16xf32> to vector<16xf32>
          %mul3A_537 = vector.broadcast %squeeze3A_532 : f32 to vector<16xf32>
          %mul3A_538 = arith.mulf %get3A_536, %mul3A_537 : vector<16xf32>
          %swap3A_539 = arith.index_cast %add3A_530 : i32 to index
          %swap3A_540 = arith.constant 0 : index
          %swap3A_541 = tpu.vector_load %arg11[%swap3A_539, %swap3A_540] {strides = array<i32>} : memref<128x32xf32, #tpu.memory_space<vmem>>, vector<1x16xf32>,
          %swap3A_542 = vector.shape_cast %swap3A_541 : vector<1x16xf32> to vector<16xf32>
          %swap3A_543 = vector.shape_cast %mul3A_538 : vector<16xf32> to vector<1x16xf32>
          tpu.vector_store %arg11[%swap3A_539, %swap3A_540], %swap3A_543 {strides = array<i32>} : memref<128x32xf32, #tpu.memory_space<vmem>>, vector<1x16xf32>,
          %get3A_544 = arith.index_cast %add3A_530 : i32 to index
          %get3A_545 = arith.constant 16 : index
          %get3A_546 = tpu.vector_load %arg11[%get3A_544, %get3A_545] {strides = array<i32>} : memref<128x32xf32, #tpu.memory_space<vmem>>, vector<1x16xf32>,
          %get3A_547 = vector.shape_cast %get3A_546 : vector<1x16xf32> to vector<16xf32>
          %mul3A_548 = vector.broadcast %squeeze3A_532 : f32 to vector<16xf32>
          %mul3A_549 = arith.mulf %get3A_547, %mul3A_548 : vector<16xf32>
          %swap3A_550 = arith.index_cast %add3A_530 : i32 to index
          %swap3A_551 = arith.constant 16 : index
          %swap3A_552 = tpu.vector_load %arg11[%swap3A_550, %swap3A_551] {strides = array<i32>} : memref<128x32xf32, #tpu.memory_space<vmem>>, vector<1x16xf32>,
          %swap3A_553 = vector.shape_cast %swap3A_552 : vector<1x16xf32> to vector<16xf32>
          %swap3A_554 = vector.shape_cast %mul3A_549 : vector<16xf32> to vector<1x16xf32>
          tpu.vector_store %arg11[%swap3A_550, %swap3A_551], %swap3A_554 {strides = array<i32>} : memref<128x32xf32, #tpu.memory_space<vmem>>, vector<1x16xf32>,
          %mul3A_555 = arith.constant 16 : i32
          %mul3A_556 = arith.muli %scan3A_131, %mul3A_555 : i32
          %add3A_557 = arith.constant 15 : i32
          %add3A_558 = arith.addi %mul3A_556, %add3A_557 : i32
          %slice3A_559 = vector.extract_strided_slice %get3A_136 {offsets = [15], sizes = [1], strides = [1]} : vector<16xf32> to vector<1xf32>
          %squeeze3A_560 = vector.extract %slice3A_559[0] : f32 from vector<1xf32>
          %get3A_561 = arith.index_cast %add3A_558 : i32 to index
          %get3A_562 = arith.constant 0 : index
          %get3A_563 = tpu.vector_load %arg11[%get3A_561, %get3A_562] {strides = array<i32>} : memref<128x32xf32, #tpu.memory_space<vmem>>, vector<1x16xf32>,
          %get3A_564 = vector.shape_cast %get3A_563 : vector<1x16xf32> to vector<16xf32>
          %mul3A_565 = vector.broadcast %squeeze3A_560 : f32 to vector<16xf32>
          %mul3A_566 = arith.mulf %get3A_564, %mul3A_565 : vector<16xf32>
          %swap3A_567 = arith.index_cast %add3A_558 : i32 to index
          %swap3A_568 = arith.constant 0 : index
          %swap3A_569 = tpu.vector_load %arg11[%swap3A_567, %swap3A_568] {strides = array<i32>} : memref<128x32xf32, #tpu.memory_space<vmem>>, vector<1x16xf32>,
          %swap3A_570 = vector.shape_cast %swap3A_569 : vector<1x16xf32> to vector<16xf32>
          %swap3A_571 = vector.shape_cast %mul3A_566 : vector<16xf32> to vector<1x16xf32>
          tpu.vector_store %arg11[%swap3A_567, %swap3A_568], %swap3A_571 {strides = array<i32>} : memref<128x32xf32, #tpu.memory_space<vmem>>, vector<1x16xf32>,
          %get3A_572 = arith.index_cast %add3A_558 : i32 to index
          %get3A_573 = arith.constant 16 : index
          %get3A_574 = tpu.vector_load %arg11[%get3A_572, %get3A_573] {strides = array<i32>} : memref<128x32xf32, #tpu.memory_space<vmem>>, vector<1x16xf32>,
          %get3A_575 = vector.shape_cast %get3A_574 : vector<1x16xf32> to vector<16xf32>
          %mul3A_576 = vector.broadcast %squeeze3A_560 : f32 to vector<16xf32>
          %mul3A_577 = arith.mulf %get3A_575, %mul3A_576 : vector<16xf32>
          %swap3A_578 = arith.index_cast %add3A_558 : i32 to index
          %swap3A_579 = arith.constant 16 : index
          %swap3A_580 = tpu.vector_load %arg11[%swap3A_578, %swap3A_579] {strides = array<i32>} : memref<128x32xf32, #tpu.memory_space<vmem>>, vector<1x16xf32>,
          %swap3A_581 = vector.shape_cast %swap3A_580 : vector<1x16xf32> to vector<16xf32>
          %swap3A_582 = vector.shape_cast %mul3A_577 : vector<16xf32> to vector<1x16xf32>
          tpu.vector_store %arg11[%swap3A_578, %swap3A_579], %swap3A_582 {strides = array<i32>} : memref<128x32xf32, #tpu.memory_space<vmem>>, vector<1x16xf32>,
        }
        %scan3A_130 = arith.constant 8 : i32
        "tpu.region"() ({
          %run_scoped3A = tpu.sem_alloc : memref<!tpu.dma_semaphore, #tpu.memory_space<semaphore_mem>>
          %dma_start3A_131 = arith.constant 0 : i32
          %dma_start3A_132 = arith.constant 0 : i32
          %dma_start3A_133 = tpu.memref_slice %arg13[%dma_start3A_131, %dma_start3A_132] : memref<50000x32xf32, #tpu.memory_space<vmem_shared>> -> memref<50000x32xf32, #tpu.memory_space<vmem_shared>>
          tpu.enqueue_indirect_dma source(%arg11 : memref<128x32xf32, #tpu.memory_space<vmem>>) target(%dma_start3A_133 : memref<50000x32xf32, #tpu.memory_space<vmem_shared>>) offsets(%arg8 : memref<128xi32, #tpu.memory_space<vmem>>) semaphore(%run_scoped3A : memref<!tpu.dma_semaphore, #tpu.memory_space<semaphore_mem>>) {add = true}
          %dma_wait3A_134 = arith.constant 0 : i32
          %dma_wait3A_135 = arith.constant 0 : i32
          %dma_wait3A_136 = tpu.memref_slice %arg13[%dma_wait3A_134, %dma_wait3A_135] : memref<50000x32xf32, #tpu.memory_space<vmem_shared>> -> memref<50000x32xf32, #tpu.memory_space<vmem_shared>>
          tpu.wait_indirect_dma semaphore(%run_scoped3A : memref<!tpu.dma_semaphore, #tpu.memory_space<semaphore_mem>>) src(%arg11 : memref<128x32xf32, #tpu.memory_space<vmem>>) dst(%dma_wait3A_136 : memref<50000x32xf32, #tpu.memory_space<vmem_shared>>)
          tpu.yield
        }) : () -> ()
      }
      %barrier3A_37 = arith.constant 0 : index
      tpu.barrier barrier_id(%barrier3A_37)
      %scan3A_38 = arith.constant 0 : i32
      %scan3A_39 = arith.constant 0 : i32
      %scan3A_40 = arith.constant 25 : i32
      %scan3A_41 = arith.addi %scan3A_39, %scan3A_40 : i32
      %scan3A_42 = arith.constant 1 : i32
      scf.for %scan3A_45 = %scan3A_39 to %scan3A_41 step %scan3A_42  : i32 {
        %mul3A_46 = arith.constant 125 : i32
        %mul3A_47 = arith.muli %scan3A_45, %mul3A_46 : i32
        %add3A_48 = arith.addi %mul3A_9, %mul3A_47 : i32
        %add3A_49 = arith.addi %add3A_21, %add3A_48 : i32
        "tpu.region"() ({
          %run_scoped3A = tpu.sem_alloc : memref<!tpu.dma_semaphore, #tpu.memory_space<semaphore_mem>>
          %dma_start3A = arith.constant 0 : i32
          %dma_start3A_50 = tpu.memref_slice %arg6[%add3A_49, %dma_start3A] : memref<300000x32xf32, #tpu.memory_space<hbm>> -> memref<125x32xf32, #tpu.memory_space<hbm>>
          %dma_start3A_51 = arith.constant 0 : i32
          %dma_start3A_52 = tpu.memref_slice %arg13[%add3A_48, %dma_start3A_51] : memref<50000x32xf32, #tpu.memory_space<vmem_shared>> -> memref<125x32xf32, #tpu.memory_space<vmem_shared>>
          tpu.enqueue_dma source(%dma_start3A_52 : memref<125x32xf32, #tpu.memory_space<vmem_shared>>) target(%dma_start3A_50 : memref<125x32xf32, #tpu.memory_space<hbm>>) target_semaphore(%run_scoped3A : memref<!tpu.dma_semaphore, #tpu.memory_space<semaphore_mem>>)
          %dma_wait3A = arith.constant 0 : i32
          %dma_wait3A_53 = tpu.memref_slice %arg6[%add3A_49, %dma_wait3A] : memref<300000x32xf32, #tpu.memory_space<hbm>> -> memref<125x32xf32, #tpu.memory_space<hbm>>
          %dma_wait3A_54 = arith.constant 0 : i32
          %dma_wait3A_55 = tpu.memref_slice %arg13[%add3A_48, %dma_wait3A_54] : memref<50000x32xf32, #tpu.memory_space<vmem_shared>> -> memref<125x32xf32, #tpu.memory_space<vmem_shared>>
          tpu.wait_dma2 semaphore(%run_scoped3A : memref<!tpu.dma_semaphore, #tpu.memory_space<semaphore_mem>>) src(%dma_wait3A_55 : memref<125x32xf32, #tpu.memory_space<vmem_shared>>) dst(%dma_wait3A_53 : memref<125x32xf32, #tpu.memory_space<hbm>>)
          tpu.yield
        }) : () -> ()
      }
      %scan3A_43 = arith.constant 25 : i32
      %barrier3A_44 = arith.constant 0 : index
      tpu.barrier barrier_id(%barrier3A_44)
    }
    %scan3A_15 = arith.constant 3 : i32
    return
  }
}

module attributes {stable_mosaic.version = 14 : i64} {
  func.func @_tc_mid_body(%arg0: i32, %arg1: memref<6x2000x32xf32, #tpu.memory_space<vmem>>, %arg2: memref<3x64x64xf32, #tpu.memory_space<vmem>>, %arg3: memref<6x2000x32xf32, #tpu.memory_space<vmem>>) attributes {dimension_semantics = [#tpu.dimension_semantics<arbitrary>], iteration_bounds = array<i64: 25>, scalar_prefetch = 0 : i64, scratch_operands = 0 : i64, tpu.core_type = #tpu.core_type<tc>, window_params = [{transform_indices = @transform_0, window_bounds = array<i64: 6, 2000, 32>}, {pipeline_mode = #tpu.pipeline_mode<synchronous>, transform_indices = @transform_1, window_bounds = array<i64: 3, 64, 64>}, {transform_indices = @transform_2, window_bounds = array<i64: 6, 2000, 32>}]} {
    %get3A = arith.constant 0 : index
    %get3A_0 = arith.constant 0 : index
    %get3A_1 = arith.constant 0 : index
    %get3A_2 = vector.load %arg1[%get3A, %get3A_0, %get3A_1] : memref<6x2000x32xf32, #tpu.memory_space<vmem>>, vector<1x2000x32xf32>
    %get3A_3 = vector.shape_cast %get3A_2 : vector<1x2000x32xf32> to vector<2000x32xf32>
    %get3A_4 = arith.constant 3 : index
    %get3A_5 = arith.constant 0 : index
    %get3A_6 = arith.constant 0 : index
    %get3A_7 = vector.load %arg1[%get3A_4, %get3A_5, %get3A_6] : memref<6x2000x32xf32, #tpu.memory_space<vmem>>, vector<1x2000x32xf32>
    %get3A_8 = vector.shape_cast %get3A_7 : vector<1x2000x32xf32> to vector<2000x32xf32>
    %concatenate3A = tpu.concatenate %get3A_3, %get3A_8 in 1 : vector<2000x32xf32>, vector<2000x32xf32> -> vector<2000x64xf32>
    %get3A_9 = arith.constant 0 : index
    %get3A_10 = arith.constant 0 : index
    %get3A_11 = arith.constant 0 : index
    %get3A_12 = vector.load %arg2[%get3A_9, %get3A_10, %get3A_11] : memref<3x64x64xf32, #tpu.memory_space<vmem>>, vector<1x64x64xf32>
    %get3A_13 = vector.shape_cast %get3A_12 : vector<1x64x64xf32> to vector<64x64xf32>
    %transpose3A = tpu.transpose %get3A_13, [1, 0] : vector<64x64xf32> -> vector<64x64xf32>
    %dot_general3A = arith.constant dense<0.000000e+00> : vector<2000x64xf32>
    %dot_general3A_14 = tpu.matmul %concatenate3A, %transpose3A, %dot_general3A {dimension_numbers = #tpu.dot_dimension_numbers<[1], [0], [0], [1], [0, 0, 1, 1], [], []>, transpose_lhs_hint = false} : vector<2000x64xf32>, vector<64x64xf32>, vector<2000x64xf32> -> vector<2000x64xf32>
    %ge3A = arith.constant 0.000000e+00 : f32
    %ge3A_15 = vector.broadcast %ge3A : f32 to vector<2000x64xf32>
    %ge3A_16 = arith.cmpf oge, %dot_general3A_14, %ge3A_15 : vector<2000x64xf32>
    %mul3A = arith.constant 2.000000e-01 : f32
    %mul3A_17 = vector.broadcast %mul3A : f32 to vector<2000x64xf32>
    %mul3A_18 = arith.mulf %mul3A_17, %dot_general3A_14 : vector<2000x64xf32>
    %select_n3A = arith.select %ge3A_16, %dot_general3A_14, %mul3A_18 : vector<2000x64xi1>, vector<2000x64xf32>
    %slice3A = vector.extract_strided_slice %select_n3A {offsets = [0, 0], sizes = [2000, 32], strides = [1, 1]} : vector<2000x64xf32> to vector<2000x32xf32>
    %swap3A = arith.constant 0 : index
    %swap3A_19 = arith.constant 0 : index
    %swap3A_20 = arith.constant 0 : index
    %swap3A_21 = vector.load %arg3[%swap3A, %swap3A_19, %swap3A_20] : memref<6x2000x32xf32, #tpu.memory_space<vmem>>, vector<1x2000x32xf32>
    %swap3A_22 = vector.shape_cast %swap3A_21 : vector<1x2000x32xf32> to vector<2000x32xf32>
    %swap3A_23 = vector.shape_cast %slice3A : vector<2000x32xf32> to vector<1x2000x32xf32>
    tpu.vector_store %arg3[%swap3A, %swap3A_19, %swap3A_20], %swap3A_23 {strides = array<i32>} : memref<6x2000x32xf32, #tpu.memory_space<vmem>>, vector<1x2000x32xf32>,
    %slice3A_24 = vector.extract_strided_slice %select_n3A {offsets = [0, 32], sizes = [2000, 32], strides = [1, 1]} : vector<2000x64xf32> to vector<2000x32xf32>
    %swap3A_25 = arith.constant 3 : index
    %swap3A_26 = arith.constant 0 : index
    %swap3A_27 = arith.constant 0 : index
    %swap3A_28 = vector.load %arg3[%swap3A_25, %swap3A_26, %swap3A_27] : memref<6x2000x32xf32, #tpu.memory_space<vmem>>, vector<1x2000x32xf32>
    %swap3A_29 = vector.shape_cast %swap3A_28 : vector<1x2000x32xf32> to vector<2000x32xf32>
    %swap3A_30 = vector.shape_cast %slice3A_24 : vector<2000x32xf32> to vector<1x2000x32xf32>
    tpu.vector_store %arg3[%swap3A_25, %swap3A_26, %swap3A_27], %swap3A_30 {strides = array<i32>} : memref<6x2000x32xf32, #tpu.memory_space<vmem>>, vector<1x2000x32xf32>,
    %get3A_31 = arith.constant 1 : index
    %get3A_32 = arith.constant 0 : index
    %get3A_33 = arith.constant 0 : index
    %get3A_34 = vector.load %arg1[%get3A_31, %get3A_32, %get3A_33] : memref<6x2000x32xf32, #tpu.memory_space<vmem>>, vector<1x2000x32xf32>
    %get3A_35 = vector.shape_cast %get3A_34 : vector<1x2000x32xf32> to vector<2000x32xf32>
    %get3A_36 = arith.constant 4 : index
    %get3A_37 = arith.constant 0 : index
    %get3A_38 = arith.constant 0 : index
    %get3A_39 = vector.load %arg1[%get3A_36, %get3A_37, %get3A_38] : memref<6x2000x32xf32, #tpu.memory_space<vmem>>, vector<1x2000x32xf32>
    %get3A_40 = vector.shape_cast %get3A_39 : vector<1x2000x32xf32> to vector<2000x32xf32>
    %concatenate3A_41 = tpu.concatenate %get3A_35, %get3A_40 in 1 : vector<2000x32xf32>, vector<2000x32xf32> -> vector<2000x64xf32>
    %get3A_42 = arith.constant 1 : index
    %get3A_43 = arith.constant 0 : index
    %get3A_44 = arith.constant 0 : index
    %get3A_45 = vector.load %arg2[%get3A_42, %get3A_43, %get3A_44] : memref<3x64x64xf32, #tpu.memory_space<vmem>>, vector<1x64x64xf32>
    %get3A_46 = vector.shape_cast %get3A_45 : vector<1x64x64xf32> to vector<64x64xf32>
    %transpose3A_47 = tpu.transpose %get3A_46, [1, 0] : vector<64x64xf32> -> vector<64x64xf32>
    %dot_general3A_48 = arith.constant dense<0.000000e+00> : vector<2000x64xf32>
    %dot_general3A_49 = tpu.matmul %concatenate3A_41, %transpose3A_47, %dot_general3A_48 {dimension_numbers = #tpu.dot_dimension_numbers<[1], [0], [0], [1], [0, 0, 1, 1], [], []>, transpose_lhs_hint = false} : vector<2000x64xf32>, vector<64x64xf32>, vector<2000x64xf32> -> vector<2000x64xf32>
    %ge3A_50 = arith.constant 0.000000e+00 : f32
    %ge3A_51 = vector.broadcast %ge3A_50 : f32 to vector<2000x64xf32>
    %ge3A_52 = arith.cmpf oge, %dot_general3A_49, %ge3A_51 : vector<2000x64xf32>
    %mul3A_53 = arith.constant 2.000000e-01 : f32
    %mul3A_54 = vector.broadcast %mul3A_53 : f32 to vector<2000x64xf32>
    %mul3A_55 = arith.mulf %mul3A_54, %dot_general3A_49 : vector<2000x64xf32>
    %select_n3A_56 = arith.select %ge3A_52, %dot_general3A_49, %mul3A_55 : vector<2000x64xi1>, vector<2000x64xf32>
    %slice3A_57 = vector.extract_strided_slice %select_n3A_56 {offsets = [0, 0], sizes = [2000, 32], strides = [1, 1]} : vector<2000x64xf32> to vector<2000x32xf32>
    %swap3A_58 = arith.constant 1 : index
    %swap3A_59 = arith.constant 0 : index
    %swap3A_60 = arith.constant 0 : index
    %swap3A_61 = vector.load %arg3[%swap3A_58, %swap3A_59, %swap3A_60] : memref<6x2000x32xf32, #tpu.memory_space<vmem>>, vector<1x2000x32xf32>
    %swap3A_62 = vector.shape_cast %swap3A_61 : vector<1x2000x32xf32> to vector<2000x32xf32>
    %swap3A_63 = vector.shape_cast %slice3A_57 : vector<2000x32xf32> to vector<1x2000x32xf32>
    tpu.vector_store %arg3[%swap3A_58, %swap3A_59, %swap3A_60], %swap3A_63 {strides = array<i32>} : memref<6x2000x32xf32, #tpu.memory_space<vmem>>, vector<1x2000x32xf32>,
    %slice3A_64 = vector.extract_strided_slice %select_n3A_56 {offsets = [0, 32], sizes = [2000, 32], strides = [1, 1]} : vector<2000x64xf32> to vector<2000x32xf32>
    %swap3A_65 = arith.constant 4 : index
    %swap3A_66 = arith.constant 0 : index
    %swap3A_67 = arith.constant 0 : index
    %swap3A_68 = vector.load %arg3[%swap3A_65, %swap3A_66, %swap3A_67] : memref<6x2000x32xf32, #tpu.memory_space<vmem>>, vector<1x2000x32xf32>
    %swap3A_69 = vector.shape_cast %swap3A_68 : vector<1x2000x32xf32> to vector<2000x32xf32>
    %swap3A_70 = vector.shape_cast %slice3A_64 : vector<2000x32xf32> to vector<1x2000x32xf32>
    tpu.vector_store %arg3[%swap3A_65, %swap3A_66, %swap3A_67], %swap3A_70 {strides = array<i32>} : memref<6x2000x32xf32, #tpu.memory_space<vmem>>, vector<1x2000x32xf32>,
    %get3A_71 = arith.constant 2 : index
    %get3A_72 = arith.constant 0 : index
    %get3A_73 = arith.constant 0 : index
    %get3A_74 = vector.load %arg1[%get3A_71, %get3A_72, %get3A_73] : memref<6x2000x32xf32, #tpu.memory_space<vmem>>, vector<1x2000x32xf32>
    %get3A_75 = vector.shape_cast %get3A_74 : vector<1x2000x32xf32> to vector<2000x32xf32>
    %get3A_76 = arith.constant 5 : index
    %get3A_77 = arith.constant 0 : index
    %get3A_78 = arith.constant 0 : index
    %get3A_79 = vector.load %arg1[%get3A_76, %get3A_77, %get3A_78] : memref<6x2000x32xf32, #tpu.memory_space<vmem>>, vector<1x2000x32xf32>
    %get3A_80 = vector.shape_cast %get3A_79 : vector<1x2000x32xf32> to vector<2000x32xf32>
    %concatenate3A_81 = tpu.concatenate %get3A_75, %get3A_80 in 1 : vector<2000x32xf32>, vector<2000x32xf32> -> vector<2000x64xf32>
    %get3A_82 = arith.constant 2 : index
    %get3A_83 = arith.constant 0 : index
    %get3A_84 = arith.constant 0 : index
    %get3A_85 = vector.load %arg2[%get3A_82, %get3A_83, %get3A_84] : memref<3x64x64xf32, #tpu.memory_space<vmem>>, vector<1x64x64xf32>
    %get3A_86 = vector.shape_cast %get3A_85 : vector<1x64x64xf32> to vector<64x64xf32>
    %transpose3A_87 = tpu.transpose %get3A_86, [1, 0] : vector<64x64xf32> -> vector<64x64xf32>
    %dot_general3A_88 = arith.constant dense<0.000000e+00> : vector<2000x64xf32>
    %dot_general3A_89 = tpu.matmul %concatenate3A_81, %transpose3A_87, %dot_general3A_88 {dimension_numbers = #tpu.dot_dimension_numbers<[1], [0], [0], [1], [0, 0, 1, 1], [], []>, transpose_lhs_hint = false} : vector<2000x64xf32>, vector<64x64xf32>, vector<2000x64xf32> -> vector<2000x64xf32>
    %ge3A_90 = arith.constant 0.000000e+00 : f32
    %ge3A_91 = vector.broadcast %ge3A_90 : f32 to vector<2000x64xf32>
    %ge3A_92 = arith.cmpf oge, %dot_general3A_89, %ge3A_91 : vector<2000x64xf32>
    %mul3A_93 = arith.constant 2.000000e-01 : f32
    %mul3A_94 = vector.broadcast %mul3A_93 : f32 to vector<2000x64xf32>
    %mul3A_95 = arith.mulf %mul3A_94, %dot_general3A_89 : vector<2000x64xf32>
    %select_n3A_96 = arith.select %ge3A_92, %dot_general3A_89, %mul3A_95 : vector<2000x64xi1>, vector<2000x64xf32>
    %slice3A_97 = vector.extract_strided_slice %select_n3A_96 {offsets = [0, 0], sizes = [2000, 32], strides = [1, 1]} : vector<2000x64xf32> to vector<2000x32xf32>
    %swap3A_98 = arith.constant 2 : index
    %swap3A_99 = arith.constant 0 : index
    %swap3A_100 = arith.constant 0 : index
    %swap3A_101 = vector.load %arg3[%swap3A_98, %swap3A_99, %swap3A_100] : memref<6x2000x32xf32, #tpu.memory_space<vmem>>, vector<1x2000x32xf32>
    %swap3A_102 = vector.shape_cast %swap3A_101 : vector<1x2000x32xf32> to vector<2000x32xf32>
    %swap3A_103 = vector.shape_cast %slice3A_97 : vector<2000x32xf32> to vector<1x2000x32xf32>
    tpu.vector_store %arg3[%swap3A_98, %swap3A_99, %swap3A_100], %swap3A_103 {strides = array<i32>} : memref<6x2000x32xf32, #tpu.memory_space<vmem>>, vector<1x2000x32xf32>,
    %slice3A_104 = vector.extract_strided_slice %select_n3A_96 {offsets = [0, 32], sizes = [2000, 32], strides = [1, 1]} : vector<2000x64xf32> to vector<2000x32xf32>
    %swap3A_105 = arith.constant 5 : index
    %swap3A_106 = arith.constant 0 : index
    %swap3A_107 = arith.constant 0 : index
    %swap3A_108 = vector.load %arg3[%swap3A_105, %swap3A_106, %swap3A_107] : memref<6x2000x32xf32, #tpu.memory_space<vmem>>, vector<1x2000x32xf32>
    %swap3A_109 = vector.shape_cast %swap3A_108 : vector<1x2000x32xf32> to vector<2000x32xf32>
    %swap3A_110 = vector.shape_cast %slice3A_104 : vector<2000x32xf32> to vector<1x2000x32xf32>
    tpu.vector_store %arg3[%swap3A_105, %swap3A_106, %swap3A_107], %swap3A_110 {strides = array<i32>} : memref<6x2000x32xf32, #tpu.memory_space<vmem>>, vector<1x2000x32xf32>,
    return
  }
  func.func @transform_0(%arg0: i32) -> (i32, i32, i32) {
    %c0_i32 = arith.constant 0 : i32
    %c0_i32_0 = arith.constant 0 : i32
    %c0_i32_1 = arith.constant 0 : i32
    return %c0_i32, %arg0, %c0_i32_0 : i32, i32, i32
  }
  func.func @transform_1(%arg0: i32) -> (i32, i32, i32) {
    %c0_i32 = arith.constant 0 : i32
    %c0_i32_0 = arith.constant 0 : i32
    %c0_i32_1 = arith.constant 0 : i32
    %c0_i32_2 = arith.constant 0 : i32
    return %c0_i32, %c0_i32_0, %c0_i32_1 : i32, i32, i32
  }
  func.func @transform_2(%arg0: i32) -> (i32, i32, i32) {
    %c0_i32 = arith.constant 0 : i32
    %c0_i32_0 = arith.constant 0 : i32
    %c0_i32_1 = arith.constant 0 : i32
    return %c0_i32, %arg0, %c0_i32_0 : i32, i32, i32
  }
}

module attributes {stable_mosaic.version = 14 : i64} {
  func.func @_tc_fin_body(%arg0: i32, %arg1: memref<6x2000x32xf32, #tpu.memory_space<vmem>>, %arg2: memref<3x64x64xf32, #tpu.memory_space<vmem>>, %arg3: memref<2000x64xf32, #tpu.memory_space<vmem>>, %arg4: memref<2000x64xf32, #tpu.memory_space<vmem>>) attributes {dimension_semantics = [#tpu.dimension_semantics<arbitrary>], iteration_bounds = array<i64: 25>, scalar_prefetch = 0 : i64, scratch_operands = 0 : i64, tpu.core_type = #tpu.core_type<tc>, window_params = [{transform_indices = @transform_0, window_bounds = array<i64: 6, 2000, 32>}, {pipeline_mode = #tpu.pipeline_mode<synchronous>, transform_indices = @transform_1, window_bounds = array<i64: 3, 64, 64>}, {transform_indices = @transform_2, window_bounds = array<i64: 2000, 64>}, {transform_indices = @transform_3, window_bounds = array<i64: 2000, 64>}]} {
    %get3A = arith.constant 0 : index
    %get3A_0 = arith.constant 0 : index
    %get3A_1 = vector.load %arg3[%get3A, %get3A_0] : memref<2000x64xf32, #tpu.memory_space<vmem>>, vector<2000x64xf32>
    %get3A_2 = arith.constant 0 : index
    %get3A_3 = arith.constant 0 : index
    %get3A_4 = arith.constant 0 : index
    %get3A_5 = vector.load %arg1[%get3A_2, %get3A_3, %get3A_4] : memref<6x2000x32xf32, #tpu.memory_space<vmem>>, vector<1x2000x32xf32>
    %get3A_6 = vector.shape_cast %get3A_5 : vector<1x2000x32xf32> to vector<2000x32xf32>
    %get3A_7 = arith.constant 3 : index
    %get3A_8 = arith.constant 0 : index
    %get3A_9 = arith.constant 0 : index
    %get3A_10 = vector.load %arg1[%get3A_7, %get3A_8, %get3A_9] : memref<6x2000x32xf32, #tpu.memory_space<vmem>>, vector<1x2000x32xf32>
    %get3A_11 = vector.shape_cast %get3A_10 : vector<1x2000x32xf32> to vector<2000x32xf32>
    %concatenate3A = tpu.concatenate %get3A_6, %get3A_11 in 1 : vector<2000x32xf32>, vector<2000x32xf32> -> vector<2000x64xf32>
    %get3A_12 = arith.constant 0 : index
    %get3A_13 = arith.constant 0 : index
    %get3A_14 = arith.constant 0 : index
    %get3A_15 = vector.load %arg2[%get3A_12, %get3A_13, %get3A_14] : memref<3x64x64xf32, #tpu.memory_space<vmem>>, vector<1x64x64xf32>
    %get3A_16 = vector.shape_cast %get3A_15 : vector<1x64x64xf32> to vector<64x64xf32>
    %transpose3A = tpu.transpose %get3A_16, [1, 0] : vector<64x64xf32> -> vector<64x64xf32>
    %dot_general3A = arith.constant dense<0.000000e+00> : vector<2000x64xf32>
    %dot_general3A_17 = tpu.matmul %concatenate3A, %transpose3A, %dot_general3A {dimension_numbers = #tpu.dot_dimension_numbers<[1], [0], [0], [1], [0, 0, 1, 1], [], []>, transpose_lhs_hint = false} : vector<2000x64xf32>, vector<64x64xf32>, vector<2000x64xf32> -> vector<2000x64xf32>
    %ge3A = arith.constant 0.000000e+00 : f32
    %ge3A_18 = vector.broadcast %ge3A : f32 to vector<2000x64xf32>
    %ge3A_19 = arith.cmpf oge, %dot_general3A_17, %ge3A_18 : vector<2000x64xf32>
    %mul3A = arith.constant 2.000000e-01 : f32
    %mul3A_20 = vector.broadcast %mul3A : f32 to vector<2000x64xf32>
    %mul3A_21 = arith.mulf %mul3A_20, %dot_general3A_17 : vector<2000x64xf32>
    %select_n3A = arith.select %ge3A_19, %dot_general3A_17, %mul3A_21 : vector<2000x64xi1>, vector<2000x64xf32>
    %add3A = arith.addf %get3A_1, %select_n3A : vector<2000x64xf32>
    %get3A_22 = arith.constant 1 : index
    %get3A_23 = arith.constant 0 : index
    %get3A_24 = arith.constant 0 : index
    %get3A_25 = vector.load %arg1[%get3A_22, %get3A_23, %get3A_24] : memref<6x2000x32xf32, #tpu.memory_space<vmem>>, vector<1x2000x32xf32>
    %get3A_26 = vector.shape_cast %get3A_25 : vector<1x2000x32xf32> to vector<2000x32xf32>
    %get3A_27 = arith.constant 4 : index
    %get3A_28 = arith.constant 0 : index
    %get3A_29 = arith.constant 0 : index
    %get3A_30 = vector.load %arg1[%get3A_27, %get3A_28, %get3A_29] : memref<6x2000x32xf32, #tpu.memory_space<vmem>>, vector<1x2000x32xf32>
    %get3A_31 = vector.shape_cast %get3A_30 : vector<1x2000x32xf32> to vector<2000x32xf32>
    %concatenate3A_32 = tpu.concatenate %get3A_26, %get3A_31 in 1 : vector<2000x32xf32>, vector<2000x32xf32> -> vector<2000x64xf32>
    %get3A_33 = arith.constant 1 : index
    %get3A_34 = arith.constant 0 : index
    %get3A_35 = arith.constant 0 : index
    %get3A_36 = vector.load %arg2[%get3A_33, %get3A_34, %get3A_35] : memref<3x64x64xf32, #tpu.memory_space<vmem>>, vector<1x64x64xf32>
    %get3A_37 = vector.shape_cast %get3A_36 : vector<1x64x64xf32> to vector<64x64xf32>
    %transpose3A_38 = tpu.transpose %get3A_37, [1, 0] : vector<64x64xf32> -> vector<64x64xf32>
    %dot_general3A_39 = arith.constant dense<0.000000e+00> : vector<2000x64xf32>
    %dot_general3A_40 = tpu.matmul %concatenate3A_32, %transpose3A_38, %dot_general3A_39 {dimension_numbers = #tpu.dot_dimension_numbers<[1], [0], [0], [1], [0, 0, 1, 1], [], []>, transpose_lhs_hint = false} : vector<2000x64xf32>, vector<64x64xf32>, vector<2000x64xf32> -> vector<2000x64xf32>
    %ge3A_41 = arith.constant 0.000000e+00 : f32
    %ge3A_42 = vector.broadcast %ge3A_41 : f32 to vector<2000x64xf32>
    %ge3A_43 = arith.cmpf oge, %dot_general3A_40, %ge3A_42 : vector<2000x64xf32>
    %mul3A_44 = arith.constant 2.000000e-01 : f32
    %mul3A_45 = vector.broadcast %mul3A_44 : f32 to vector<2000x64xf32>
    %mul3A_46 = arith.mulf %mul3A_45, %dot_general3A_40 : vector<2000x64xf32>
    %select_n3A_47 = arith.select %ge3A_43, %dot_general3A_40, %mul3A_46 : vector<2000x64xi1>, vector<2000x64xf32>
    %add3A_48 = arith.addf %add3A, %select_n3A_47 : vector<2000x64xf32>
    %get3A_49 = arith.constant 2 : index
    %get3A_50 = arith.constant 0 : index
    %get3A_51 = arith.constant 0 : index
    %get3A_52 = vector.load %arg1[%get3A_49, %get3A_50, %get3A_51] : memref<6x2000x32xf32, #tpu.memory_space<vmem>>, vector<1x2000x32xf32>
    %get3A_53 = vector.shape_cast %get3A_52 : vector<1x2000x32xf32> to vector<2000x32xf32>
    %get3A_54 = arith.constant 5 : index
    %get3A_55 = arith.constant 0 : index
    %get3A_56 = arith.constant 0 : index
    %get3A_57 = vector.load %arg1[%get3A_54, %get3A_55, %get3A_56] : memref<6x2000x32xf32, #tpu.memory_space<vmem>>, vector<1x2000x32xf32>
    %get3A_58 = vector.shape_cast %get3A_57 : vector<1x2000x32xf32> to vector<2000x32xf32>
    %concatenate3A_59 = tpu.concatenate %get3A_53, %get3A_58 in 1 : vector<2000x32xf32>, vector<2000x32xf32> -> vector<2000x64xf32>
    %get3A_60 = arith.constant 2 : index
    %get3A_61 = arith.constant 0 : index
    %get3A_62 = arith.constant 0 : index
    %get3A_63 = vector.load %arg2[%get3A_60, %get3A_61, %get3A_62] : memref<3x64x64xf32, #tpu.memory_space<vmem>>, vector<1x64x64xf32>
    %get3A_64 = vector.shape_cast %get3A_63 : vector<1x64x64xf32> to vector<64x64xf32>
    %transpose3A_65 = tpu.transpose %get3A_64, [1, 0] : vector<64x64xf32> -> vector<64x64xf32>
    %dot_general3A_66 = arith.constant dense<0.000000e+00> : vector<2000x64xf32>
    %dot_general3A_67 = tpu.matmul %concatenate3A_59, %transpose3A_65, %dot_general3A_66 {dimension_numbers = #tpu.dot_dimension_numbers<[1], [0], [0], [1], [0, 0, 1, 1], [], []>, transpose_lhs_hint = false} : vector<2000x64xf32>, vector<64x64xf32>, vector<2000x64xf32> -> vector<2000x64xf32>
    %ge3A_68 = arith.constant 0.000000e+00 : f32
    %ge3A_69 = vector.broadcast %ge3A_68 : f32 to vector<2000x64xf32>
    %ge3A_70 = arith.cmpf oge, %dot_general3A_67, %ge3A_69 : vector<2000x64xf32>
    %mul3A_71 = arith.constant 2.000000e-01 : f32
    %mul3A_72 = vector.broadcast %mul3A_71 : f32 to vector<2000x64xf32>
    %mul3A_73 = arith.mulf %mul3A_72, %dot_general3A_67 : vector<2000x64xf32>
    %select_n3A_74 = arith.select %ge3A_70, %dot_general3A_67, %mul3A_73 : vector<2000x64xi1>, vector<2000x64xf32>
    %add3A_75 = arith.addf %add3A_48, %select_n3A_74 : vector<2000x64xf32>
    %swap3A = arith.constant 0 : index
    %swap3A_76 = arith.constant 0 : index
    %swap3A_77 = vector.load %arg4[%swap3A, %swap3A_76] : memref<2000x64xf32, #tpu.memory_space<vmem>>, vector<2000x64xf32>
    tpu.vector_store %arg4[%swap3A, %swap3A_76], %add3A_75 {strides = array<i32>} : memref<2000x64xf32, #tpu.memory_space<vmem>>, vector<2000x64xf32>,
    return
  }
  func.func @transform_0(%arg0: i32) -> (i32, i32, i32) {
    %c0_i32 = arith.constant 0 : i32
    %c0_i32_0 = arith.constant 0 : i32
    %c0_i32_1 = arith.constant 0 : i32
    return %c0_i32, %arg0, %c0_i32_0 : i32, i32, i32
  }
  func.func @transform_1(%arg0: i32) -> (i32, i32, i32) {
    %c0_i32 = arith.constant 0 : i32
    %c0_i32_0 = arith.constant 0 : i32
    %c0_i32_1 = arith.constant 0 : i32
    %c0_i32_2 = arith.constant 0 : i32
    return %c0_i32, %c0_i32_0, %c0_i32_1 : i32, i32, i32
  }
  func.func @transform_2(%arg0: i32) -> (i32, i32) {
    %c0_i32 = arith.constant 0 : i32
    %c0_i32_0 = arith.constant 0 : i32
    return %arg0, %c0_i32 : i32, i32
  }
  func.func @transform_3(%arg0: i32) -> (i32, i32) {
    %c0_i32 = arith.constant 0 : i32
    %c0_i32_0 = arith.constant 0 : i32
    return %arg0, %c0_i32 : i32, i32
  }
}

</mosaic_0001>

<sc_bundles>
// kernel: kernel.6.cloned.1.call-start
scs
__scs_entry_jumppad:
0x0: {  	(pc) =	sbr.rel $0x88, $3  }
0x1: {  	(tag) =	ssettag $0x0;
	lr =	simm.s32 $0x1  }
0x2: {  	[smem:$0x3F94] =	sst lr;
	_ =	strace $0xD0000000  }
0x3: {  	_ = 	snop  }
0x4: {  	_ = 	snop  }
0x5: {  	_ = 	snop  }
0x6: {  	_ = 	snop  }
0x7: {  	_ = 	snop  }
__scs_overlays_trampoline_lowered:
0x8: {  	[smem:$0x3FA3] =	sst s0  }
0x9: {  	[smem:$0x3FA4] =	sst s1  }
0xa: {  	[smem:$0x3FA5] =	sst s2  }
0xb: {  	[smem:$0x3FA6] =	sst s3  }
0xc: {  	[smem:$0x3FA7] =	sst s4  }
0xd: {  	[smem:$0x3FA8] =	sst s5  }
0xe: {  	[smem:$0x3FA9] =	sst s6  }
0xf: {  	[smem:$0x3FAA] =	sst s7  }
0x10: {  	[smem:$0x3FAB] =	sst s8  }
0x11: {  	[smem:$0x3FAC] =	sst s9;
	s0 =	simm.s32 @!p0 $0x0  }
0x12: {  	s1 =	sld [smem:$0x3F92];
	s0 =	simm.s32 @p0 $0x1  }
0x13: {  	[smem:$0x3FAD] =	sst s0;
	s0 =	simm.s32 @!p1 $0x0  }
0x14: {  	s2 =	sld [smem:$0x3F91];
	s0 =	simm.s32 @p1 $0x1  }
0x15: {  	[smem:$0x3FAE] =	sst s0;
	s0 =	simm.s32 @!p2 $0x0  }
0x16: {  	s3 =	sld [smem:$0x3FDB];
	s0 =	simm.s32 @p2 $0x1  }
0x17: {  	s4 =	simm.s32 $0x1BF5;
	[smem:$0x3FB0] =	sst s0  }
0x18: {  	s0 =	sld [smem:$0x3F93];
	_ =	swait.ge [sflag:s4], $0x0  }
0x19: {  	s7 =	sld [smem:$0x3F94]  }
0x1a: {  	s8 =	sadd.s32 $0xFFFFE003, lr  }
0x1b: {  	s9 =	sadd.s32 $0xFFFFFEF7, lr;
	s5 =	simm.s32 $0xFFFFFFFF;
	p2 =	slt.u32 s8, $0xFFFFF086  }
0x1c: {  	p1 =	slt.u32 s9, $0xF7A;
	s5 =	simm.s32 @!p2 $0x0  }
0x1d: {  	s5 =	simm.s32 @p1 $0x1;
	p0 =	seq.s32 s7, s2  }
0x1e: {  	s7 =	smul.u32 @!p0 $0xF7A, s2;
	p2 =	seq.s32 @!p0 s5, $0x0  }
0x1f: {  	s9 =	smul.u32 $0xF7A, s1;
	s8 =	simm.s32 @!p0 $0x1BF5;
	p2 =	por !p2, p0  }
0x20: {  	[sflag:s8] =	ssyncset.s32 @!p0 $0xFFFFF086;
	s6 =	sadd.s32 @!p0 s3, s7;
	s7 =	simm.s32 @!p0 $0x108  }
0x21: {  	s3 =	sadd.s32 s3, s9;
	s6 =	sadd.s32 @!p0 $0x88, s6;
	s7 =	simm.s32 @p2 $0x1082  }
0x22: {  	[simem:s7], [sflag:s8] =	dma.local @!p0 [hbm:s6], $0xF7A  }
0x23: {  	s9 =	sor.u32 $0xD0000000, s2;
	s6 =	simm.s32 $0x108;
	_ =	swait.ge @!p0 [sflag:s8], $0x0  }
0x24: {  	s3 =	sadd.s32 $0x88, s3;
	s6 =	simm.s32 @!p1 $0x1082;
	[sflag:s4] =	ssyncset.s32 $0xFFFFF086  }
0x25: {  	[simem:s6], [sflag:s4] =	dma.local [hbm:s3], $0xF7A  }
0x26: {  	[smem:$0x3F94] =	sst s1;
	(tag) =	ssettag s2;
	_ =	strace s9  }
0x27: {  	s1 =	sld [smem:$0x3FA4]  }
0x28: {  	s2 =	sld [smem:$0x3FA5]  }
0x29: {  	s4 =	sld [smem:$0x3FA7]  }
0x2a: {  	p0 =	seq.s32 s5, $0x0;
	s5 =	sld [smem:$0x3FA8]  }
0x2b: {  	s6 =	sld [smem:$0x3FA9]  }
0x2c: {  	s7 =	sld [smem:$0x3FAA]  }
0x2d: {  	s3 =	simm.s32 $0x108;
	s8 =	sld [smem:$0x3FAB]  }
0x2e: {  	s3 =	simm.s32 @!p0 $0x1082;
	s9 =	sld [smem:$0x3FAC]  }
0x2f: {  	lr =	sadd.s32 s0, s3;
	s0 =	sld [smem:$0x3FA3]  }
0x30: {  	s3 =	sld [smem:$0x3FA6]  }
0x31: {  	[smem:$0x3FAF] =	sst s10  }
0x32: {  	s10 =	sld [smem:$0x3FAD];
	_ =	sdelay $0x3  }
0x33: {  	p0 =	seq.s32 s10, $0x1;
	s10 =	sld [smem:$0x3FAF];
	_ =	sdelay $0x3  }
0x34: {  	[smem:$0x3FAF] =	sst s10  }
0x35: {  	s10 =	sld [smem:$0x3FAE];
	_ =	sdelay $0x3  }
0x36: {  	p1 =	seq.s32 s10, $0x1;
	s10 =	sld [smem:$0x3FAF];
	_ =	sdelay $0x3  }
0x37: {  	[smem:$0x3FAF] =	sst s10  }
0x38: {  	s10 =	sld [smem:$0x3FB0]  }
0x39: {  	_ = 	snop;
	(pc) =	sbr.ind lr, $3  }
0x3a: {  	_ = 	snop  }
0x3b: {  	_ = 	snop  }
0x3c: {  	p2 =	seq.s32 s10, $0x1;
	s10 =	sld [smem:$0x3FAF]  }
0x3d: {  	_ =	shalt  }
0x3e: {  	_ =	shalt  }
0x3f: {  	_ =	shalt  }
0x40: {  	_ =	shalt  }
0x41: {  	_ =	shalt  }
0x42: {  	_ =	shalt  }
0x43: {  	_ =	shalt  }
0x44: {  	_ =	shalt  }
0x45: {  	_ =	shalt  }
0x46: {  	_ =	shalt  }
0x47: {  	_ =	shalt  }
0x48: {  	_ =	shalt  }
0x49: {  	_ =	shalt  }
0x4a: {  	_ =	shalt  }
0x4b: {  	_ =	shalt  }
0x4c: {  	_ =	shalt  }
0x4d: {  	_ =	shalt  }
0x4e: {  	_ =	shalt  }
0x4f: {  	_ =	shalt  }
0x50: {  	_ =	shalt  }
0x51: {  	_ =	shalt  }
0x52: {  	_ =	shalt  }
0x53: {  	_ =	shalt  }
0x54: {  	_ =	shalt  }
0x55: {  	_ =	shalt  }
0x56: {  	_ =	shalt  }
0x57: {  	_ =	shalt  }
0x58: {  	_ =	shalt  }
0x59: {  	_ =	shalt  }
0x5a: {  	_ =	shalt  }
0x5b: {  	_ =	shalt  }
0x5c: {  	_ =	shalt  }
0x5d: {  	_ =	shalt  }
0x5e: {  	_ =	shalt  }
0x5f: {  	_ =	shalt  }
0x60: {  	_ =	shalt  }
0x61: {  	_ =	shalt  }
0x62: {  	_ =	shalt  }
0x63: {  	_ =	shalt  }
0x64: {  	_ =	shalt  }
0x65: {  	_ =	shalt  }
0x66: {  	_ =	shalt  }
0x67: {  	_ =	shalt  }
0x68: {  	_ =	shalt  }
0x69: {  	_ =	shalt  }
0x6a: {  	_ =	shalt  }
0x6b: {  	_ =	shalt  }
0x6c: {  	_ =	shalt  }
0x6d: {  	_ =	shalt  }
0x6e: {  	_ =	shalt  }
0x6f: {  	_ =	shalt  }
0x70: {  	_ =	shalt  }
0x71: {  	_ =	shalt  }
0x72: {  	_ =	shalt  }
0x73: {  	_ =	shalt  }
0x74: {  	_ =	shalt  }
0x75: {  	_ =	shalt  }
0x76: {  	_ =	shalt  }
0x77: {  	_ =	shalt  }
0x78: {  	_ =	shalt  }
0x79: {  	_ =	shalt  }
0x7a: {  	_ =	shalt  }
0x7b: {  	_ =	shalt  }
0x7c: {  	_ =	shalt  }
0x7d: {  	_ =	shalt  }
0x7e: {  	_ =	shalt  }
0x7f: {  	_ =	shalt  }
0x80: {  	_ =	shalt  }
0x81: {  	_ =	shalt  }
0x82: {  	_ =	shalt  }
0x83: {  	_ =	shalt  }
0x84: {  	_ =	shalt  }
0x85: {  	_ =	shalt  }
0x86: {  	_ =	shalt  }
0x87: {  	_ =	shalt  }
.Lfunc_end0:
.L_simem_size_0:
called_computation.1_lowered:
.L_overlay_start_0:
0x88: {  	s2 =	sld [smem:$0x3FD9]  }
0x89: {  	s3 =	sld [smem:$0x3FFE];
	_ =	sdelay $0x1  }
0x8a: {  	s1 =	srdreg.scid  }
0x8b: {  	s0 =	sand.u32 $0x1, s1  }
0x8c: {  	s14 =	sshll.u32 s0, $0xA;
	s2 =	sadd.s32 s3, s2  }
0x8d: {  	s2 =	sadd.s32 s2, s14  }
0x8e: {  	[smem:$0x3FBB] =	sst s2  }
0x8f: {  	_ = 	snop  }
0x90: {  	s2 =	sld [smem:$0x3FD0];
	_ =	sdelay $0x2  }
0x91: {  	s4 =	simm.s32 $0xA;
	s5 =	simm.s32 $0x10;
	s15 =	sld [smem:$0x3FC8]  }
0x92: {  	[smem:s5], [sflag:s4] =	dma.local [hbm:s2], $0x1  }
0x93: {  	_ =	swait.eq [sflag:s4], $0x1  }
0x94: {  	[sflag:s4] =	ssyncset.done $0x0  }
0x95: {  	s16 =	sld [smem:$0x10];
	[sflag:s4] =	ssyncadd.s32 $0xFFFFFFFF  }
0x96: {  	s17 =	sld [smem:$0x11];
	(tm) =	ssettm $0x1  }
0x97: {  	s18 =	sld [smem:$0x3FFB];
	_ =	sdelay $0x3  }
0x98: {  	_ =	strace s18  }
0x99: {  	s5 =	sld [smem:$0x3FFC];
	_ =	sdelay $0x3  }
0x9a: {  	_ =	strace s5  }
0x9b: {  	s5 =	sld [smem:$0x3FFD];
	_ =	sdelay $0x3  }
0x9c: {  	_ =	strace s5  }
0x9d: {  	_ =	strace $0x8FFFFFFF  }
0x9e: {  	s19 =	sld [smem:$0x3FDB];
	_ =	sdelay $0x1  }
0x9f: {  	s6 =	simm.s32 $_scs_section_size  }
0xa0: {  	s7 =	simm.s32 $_size__tile_overlayer_lowered;
	s8 =	simm.s32 $_tile_overlayer_lowered  }
0xa1: {  	s22 =	simm.s32 $0x1BFF;
	s21 =	sshll.u32 s8, $0x1;
	s5 =	sadd.s32 s6, s19  }
0xa2: {  	s9 =	simm.s32 $0x0;
	s20 =	sshll.u32 s7, $0x1;
	s7 =	sadd.s32 s21, s5  }
0xa3: {  	[timem:s9], [sflag:s22] =	dma.local [hbm:s7], s20  }
0xa4: {  	_ =	swait.ge [sflag:s22], s20  }
0xa5: {  	s6 =	ssub.s32 $0x0, s20;
	[sflag:s22] =	ssyncset.done $0x0  }
0xa6: {  	[sflag:s22] =	ssyncadd.s32 s6;
	_ =	sdelay $0x1  }
0xa7: {  	s23 =	simm.s32 $0x1B8B  }
0xa8: {  	_ =	swait.ge [sflag:s23], $0x1  }
0xa9: {  	[sflag:s23] =	ssyncset.done $0x0  }
0xaa: {  	s25 =	simm.s32 $0x1B8E;
	s24 =	sld [smem:$0x3FFE];
	[sflag:s23] =	ssyncadd.s32 $0xFFFFFFFF  }
0xab: {  	s26 =	simm.s32 $execute0_lowered;
	[smem:$0x3FD2] =	sst s25  }
0xac: {  	s7 =	sshll.u32 s26, $0x1;
	_ =	strace $0x80000049;
	[dreg:$0x1] =	wrdreg $0xFFFFFFFF  }
0xad: {  	s28 =	simm.s32 $_size_execute0_lowered;
	s5 =	sadd.s32 s5, s7;
	[dreg:$0x0] =	wrdreg $0x0  }
0xae: {  	s7 =	sshll.u32 s28, $0x1;
	[dreg:$0x2] =	wrdreg s5  }
0xaf: {  	[dreg:$0x3] =	wrdreg s7  }
0xb0: {  	[dreg:$0x4] =	wrdreg $0xC0  }
0xb1: {  	_ =	task [dreg:s9], $0x5FFFF  }
0xb2: {  	[dreg:$0x1] =	wrdreg $0xFFFFFFFF  }
0xb3: {  	[dreg:$0x0] =	wrdreg $0x60  }
0xb4: {  	[dreg:$0x2] =	wrdreg s17  }
0xb5: {  	[dreg:$0x3] =	wrdreg s16  }
0xb6: {  	[dreg:$0x4] =	wrdreg s15  }
0xb7: {  	[dreg:$0x5] =	wrdreg s24  }
0xb8: {  	[dreg:$0x6] =	wrdreg $0x21200  }
0xb9: {  	[dreg:$0x7] =	wrdreg $0x9  }
0xba: {  	_ =	task.clear_ibuf [dreg:s9], $0x8FFFF;
	_ =	strace $0x90000049  }
0xbb: {  	s29 =	simm.s32 $0x9;
	_ =	strace $0x8000004B  }
0xbc: {  	_ =	swait.ge [sflag:s29], $0x1  }
0xbd: {  	[sflag:s29] =	ssyncadd.s32 $0xFFFFFFFF  }
0xbe: {  	_ =	strace $0x9000004B  }
0xbf: {  	_ =	sfence  }
0xc0: {  	s30 =	sld [smem:$0x0];
	_ =	sdelay $0x2  }
0xc1: {  	s31 =	sshll.u32 s1, $0xD;
	s1 =	sshrl.u32 s1, $0x2  }
0xc2: {  	s3 =	sand.u32 $0x4000, s31;
	s1 =	sadd.s32 s1, s30  }
0xc3: {  	s0 =	sor.u32 s3, s0;
	s1 =	sshll.u32 s1, $0x11  }
0xc4: {  	s0 =	sor.u32 s1, s0  }
0xc5: {  	s0 =	sadd.s32 $0x8F2B, s0  }
0xc6: {  	[sflag:s0] =	ssyncadd.remote.s32 $0x1  }
0xc7: {  	_ =	sfence.sel $0xFFFF  }
0xc8: {  	[dreg:$0x0] =	wrdreg $0xFFFFFFFF;
	(pc) =	sbr.abs _section_cstart, $3  }
0xc9: {  	[dreg:$0x1] =	wrdreg $0xFFFFFFFF  }
0xca: {  	_ =	task.clear_ibuf [dreg:s9], $0x2FFFF;
	_ =	strace $0x9FFFFFFF  }
0xcb: {  	(tm) =	ssettm $0x7FFFFFFF  }
tec
execute0_lowered:
.L_overlay_start_1:
0x0: {  	(tag) =	ssettag $0x1  }
0x1: {  	s1 =	rddreg [dreg:$0x0]  }
0x2: {  	s2 =	rddreg [dreg:$0x1]  }
0x3: {  	s3 =	rddreg [dreg:$0x2]  }
0x4: {  	s8 =	rddreg [dreg:$0x3]  }
0x5: {  	s4 =	rddreg [dreg:$0x4]  }
0x6: {  	s0 =	rddreg [dreg:$0x5]  }
0x7: {  	s5 =	simm.s32 $0x0;
	s6 =	srdreg.scid;
	s15 =	simm.s32 $0x2  }
0x8: {  	s16 =	simm.s32 $0x80;
	s17 =	simm.s32 $0x100;
	s9 =	sand.u32 $0x1, s6  }
0x9: {  	s18 =	simm.s32 $0x180;
	s6 =	stileid.u32;
	s10 =	smul.u32 $0x927C0, s9  }
0xa: {  	s19 =	simm.s32 $0x1;
	[smem:$0x7FF] =	sst s5;
	s13 =	smul.u32 $0x61A80, s6  }
0xb: {  	s7 =	sadd.s32 $0x3600, s8;
	_ =	strace $0x8000004A;
	s14 =	smul.u32 $0x30D4, s6  }
0xc: {  	s11 =	ssub.s32 $0x2, s9;
	p0 =	slt.u32 s6, $0xA;
	s9 =	smul.u32 $0x249F0, s9  }
0xd: {  	s31 =	sshrl.u32 s11, $0x1;
	s12 =	sadd.s32 s10, s8;
	s8 =	simm.s32 $0x187  }
0xe: {  	s11 =	ssub.s32 s11, s31;
	s10 =	sshll.u32 s6, $0x7;
	s13 =	sshrl.u32 s13, $0x2  }
0xf: {  	s8 =	simm.s32 @!p0 $0x186;
	s14 =	sadd.s32 s14, s12;
	s11 =	smax.u32 s11, $0x1  }
0x10: {  	v0 =	vimm.f32 $0.0e+00;
	s12 =	sadd.s32 s13, s4;
	s13 =	sadd.s32 $0x128600, s14;
	s14 =	simm.s32 $0x1180  }
.LBB2_1:
0x11: {  	s20 =	simm.s32 $0x80;
	s21 =	simm.s32 $0x0  }
.LBB2_2:
0x12: {  	p0 =	sne.s32 s20, $0x3E00;
	[tilespmem:s21+$0x1180] =	vst v0;
	s22 =	smov.u32 s20;
	s20 =	sadd.s32 $0x80, s20  }
.Ltmp0:
0x13: {  	[tilespmem:s21+$0x1190] =	vst v0;
	(pc) =	sbr.rel @p0 .LBB2_2-.Ltmp0, $2  }
0x14: {  	_ =	sdelay $0x2  }
0x15: {  	s21 =	sshra.s32 s22, $0x2  }
0x16: {  	[tilespmem:s21+$0x1180] =	vst v0  }
0x17: {  	s20 =	simm.s32 $0x0;
	[tilespmem:s21+$0x1190] =	vst v0;
	s21 =	smov.u32 s13  }
.LBB2_4:
0x18: {  	s22 =	sadd.s32 $0x0, s12  }
0x19: {  	[spmem:s22] =	stream.linear.scatter [tilespmem:s14], [sflag:$0x2], $0xFA0, $0x38;
	[tilespmem:$0x1A7C0] =	vst v63  }
0x1a: {  	s22 =	simm.s32 $0x3E80;
	_ =	swait.ge [sflag:s15], $0xFA0  }
.LBB2_5:
0x1b: {  	s23 =	sshra.s32 s22, $0x2;
	[sflag:s15] =	ssyncset.done $0x0;
	p0 =	sne.s32 s22, $0x5DC00  }
.Ltmp1:
0x1c: {  	s23 =	sadd.s32 s23, s12;
	[sflag:s15] =	ssyncadd.s32 $0xFFFFF060;
	(pc) =	sbr.rel @p0 .LBB2_5-.Ltmp1, $3  }
0x1d: {  	[spmem:s23] =	stream.linear.scatter [tilespmem:s14], [sflag:$0x2], $0xFA0, $0x38;
	[tilespmem:$0x1A7C0] =	vst v63  }
0x1e: {  	s22 =	sadd.s32 $0x3E80, s22;
	_ =	sdelay $0x1  }
0x1f: {  	_ =	swait.ge [sflag:s15], $0xFA0  }
0x20: {  	s22 =	smul.u32 $0xC350, s20  }
0x21: {  	[sflag:s15] =	ssyncset.done $0x0  }
0x22: {  	[sflag:s15] =	ssyncadd.s32 $0xFFFFF060;
	s22 =	sadd.s32 s9, s22  }
0x23: {  	s23 =	simm.s32 $0x0;
	[bflag:$0x0] =	sbarrier.arrive $0xFFFF;
	v1 =	vmov s22;
	s22 =	simm.s32 $0x0  }
.LBB2_7:
0x24: {  	s24 =	sshll.u32 s23, $0xB  }
0x25: {  	s24 =	sor.u32 s10, s24  }
0x26: {  	s24 =	sshrl.u32 s24, $0x3  }
0x27: {  	s25 =	sadd.s32 s2, s24  }
0x28: {  	[tilespmem:s22], [sflag:$0x2] =	stream.linear.gather [hbm4b:s25+s22], $0x80, $0x38;
	[tilespmem:$0x1A7C0] =	vst v63  }
0x29: {  	_ =	swait.ge [sflag:s15], $0x80  }
0x2a: {  	[sflag:s15] =	ssyncset.done $0x0  }
0x2b: {  	s30 =	sadd.s32 s1, s24;
	[sflag:s15] =	ssyncadd.s32 $0xFFFFFF80  }
0x2c: {  	[tilespmem:s16], [sflag:$0x2] =	stream.linear.gather [hbm4b:s30+s22], $0x80, $0x38;
	[tilespmem:$0x1A7C0] =	vst v63  }
0x2d: {  	_ =	swait.ge [sflag:s15], $0x80  }
0x2e: {  	[sflag:s15] =	ssyncset.done $0x0  }
0x2f: {  	s24 =	sadd.s32 s3, s24;
	[sflag:s15] =	ssyncadd.s32 $0xFFFFFF80  }
0x30: {  	[tilespmem:s17], [sflag:$0x2] =	stream.linear.gather [hbm4b:s24+s22], $0x80, $0x38;
	[tilespmem:$0x1A7C0] =	vst v63  }
0x31: {  	_ =	swait.ge [sflag:s15], $0x80  }
0x32: {  	[sflag:s15] =	ssyncset.done $0x0  }
0x33: {  	[sflag:s15] =	ssyncadd.s32 $0xFFFFFF80  }
0x34: {  	v2 =	vld [tilespmem:$0x0]  }
0x35: {  	v3 =	vld [tilespmem:$0x10]  }
0x36: {  	v4 =	vld [tilespmem:$0x20]  }
0x37: {  	v5 =	vld [tilespmem:$0x30]  }
0x38: {  	v6 =	vld [tilespmem:$0x40]  }
0x39: {  	v7 =	vld [tilespmem:$0x50];
	v2 =	vadd.s32 v1, v2  }
0x3a: {  	[tilespmem:$0x0] =	vst v2;
	v2 =	vadd.s32 v1, v3;
	v3 =	vld [tilespmem:$0x60]  }
0x3b: {  	[tilespmem:$0x10] =	vst v2;
	v2 =	vadd.s32 v1, v4;
	v4 =	vld [tilespmem:$0x70]  }
0x3c: {  	[tilespmem:$0x20] =	vst v2;
	v2 =	vadd.s32 v1, v5  }
0x3d: {  	[tilespmem:$0x30] =	vst v2;
	v2 =	vadd.s32 v1, v6  }
0x3e: {  	[tilespmem:$0x40] =	vst v2;
	v2 =	vadd.s32 v1, v7  }
0x3f: {  	[tilespmem:$0x50] =	vst v2;
	v2 =	vadd.s32 v1, v3  }
0x40: {  	[tilespmem:$0x60] =	vst v2;
	v2 =	vadd.s32 v1, v4  }
0x41: {  	[tilespmem:$0x70] =	vst v2  }
0x42: {  	[tilespmem:s18], [sflag:$0x1] =	stream.indirect.gather [hbm4b:s7+s16], $0x20, s22, s16, $0xb8;
	[tilespmem:$0x1A7C0] =	vst v63  }
0x43: {  	_ =	swait.ge [sflag:s19], $0x1000  }
0x44: {  	[sflag:s19] =	ssyncset.done $0x0  }
0x45: {  	s24 =	simm.s32 $0x280;
	[sflag:s19] =	ssyncadd.s32 $0xFFFFF000  }
0x46: {  	v7 =	vld [tilespmem:s24+$0xFFFFFFA0]  }
0x47: {  	v5 =	vld [tilespmem:s24+$0xFFFFFFF0]  }
0x48: {  	v2 =	vld [tilespmem:s24+$0xFFFFFF60]  }
0x49: {  	v8 =	vld [tilespmem:s24+$0xFFFFFFD0]  }
0x4a: {  	v9 =	vld [tilespmem:s24+$0x80]  }
0x4b: {  	v12 =	vld [tilespmem:s24+$0xFFFFFF10]  }
0x4c: {  	v16 =	vld [tilespmem:s24+$0xE0]  }
0x4d: {  	v11 =	vld [tilespmem:s24+$0xFFFFFF40]  }
0x4e: {  	s31 =	simm.s32 $0x0;
	v3 =	vld [tilespmem:s24+$0xFFFFFF90]  }
0x4f: {  	v4 =	vld [tilespmem:s31+$0x100]  }
0x50: {  	v10 =	vld [tilespmem:s24+$0xFFFFFFC0]  }
0x51: {  	v13 =	vld [tilespmem:s24+$0xFFFFFF00]  }
0x52: {  	v14 =	vld [tilespmem:s24+$0xD0]  }
0x53: {  	v23 =	vld [tilespmem:s24+$0xC0]  }
0x54: {  	v21 =	vld [tilespmem:s24+$0x90];
	v19 =	vbroadcast v4, $0x0;
	v6 =	vbroadcast v4, $0xF  }
0x55: {  	v22 =	vld [tilespmem:s24+$0xFFFFFF50];
	v20 =	vbroadcast v4, $0x2;
	v18 =	vbroadcast v4, $0xE  }
0x56: {  	v17 =	vld [tilespmem:s24+$0xB0];
	v15 =	vbroadcast v4, $0xC;
	v25 =	vmul.f32 v19, v13  }
0x57: {  	s26 =	simm.s32 $0x280;
	s25 =	simm.s32 $0x40;
	v13 =	vbroadcast v4, $0xD;
	v24 =	vmul.f32 v11, v20;
	v11 =	vld [tilespmem:s24+$0x60]  }
.LBB2_8:
0x58: {  	p0 =	sne.s32 s25, $0x1C0  }
0x59: {  	[tilespmem:s24+$0xFFFFFF00] =	vst v25;
	v25 =	vld [tilespmem:s24+$0xFFFFFFB0];
	v23 =	vmul.f32 v23, v18;
	v16 =	vmul.f32 v16, v6;
	s26 =	sadd.s32 $0x200, s26;
	s28 =	smov.u32 s25;
	s25 =	sadd.s32 $0x40, s25  }
0x5a: {  	[tilespmem:s24+$0xFFFFFF40] =	vst v24;
	v24 =	vbroadcast v4, $0xA;
	v21 =	vmul.f32 v21, v15;
	v26 =	vld [tilespmem:s24+$0xA0]  }
0x5b: {  	v12 =	vmul.f32 v12, v19;
	v19 =	vmul.f32 v22, v20;
	v20 =	vld [tilespmem:s24+$0x70];
	[tilespmem:s24+$0xE0] =	vst v16  }
0x5c: {  	v16 =	vbroadcast v4, $0x5;
	v22 =	vld [tilespmem:s24+$0xFFFFFFE0];
	v17 =	vmul.f32 v17, v13;
	[tilespmem:s24+$0xC0] =	vst v23  }
0x5d: {  	v14 =	vmul.f32 v14, v18;
	[tilespmem:s24+$0xFFFFFF10] =	vst v12;
	v12 =	vbroadcast v4, $0x6;
	v23 =	vld [tilespmem:s24+$0x40]  }
0x5e: {  	v27 =	vbroadcast v4, $0xB;
	v7 =	vmul.f32 v7, v16;
	v18 =	vld [tilespmem:s24+$0xFFFFFF20];
	[tilespmem:s24+$0x90] =	vst v21  }
0x5f: {  	v21 =	vbroadcast v4, $0x9;
	[tilespmem:s24+$0xFFFFFF50] =	vst v19;
	v19 =	vld [tilespmem:s24+$0x20];
	v13 =	vmul.f32 v26, v13  }
0x60: {  	v16 =	vmul.f32 v25, v16;
	v25 =	vld [tilespmem:s24+$0x50];
	v20 =	vmul.f32 v20, v27;
	[tilespmem:s24+$0xD0] =	vst v14  }
0x61: {  	v9 =	vmul.f32 v9, v15;
	v14 =	vbroadcast v4, $0x7;
	v26 =	vld [tilespmem:s24+$0x30];
	[tilespmem:s24+$0xA0] =	vst v13  }
0x62: {  	v10 =	vmul.f32 v10, v12;
	v13 =	vbroadcast v4, $0x3;
	v15 =	vld [tilespmem:s24+$0x0];
	[tilespmem:s24+$0x70] =	vst v20  }
0x63: {  	v11 =	vmul.f32 v11, v27;
	v8 =	vmul.f32 v8, v12;
	v12 =	vld [tilespmem:s24+$0x10];
	[tilespmem:s24+$0x80] =	vst v9  }
0x64: {  	v20 =	vbroadcast v4, $0x8;
	v23 =	vmul.f32 v23, v24;
	v9 =	vld [tilespmem:s24+$0xFFFFFF30];
	[tilespmem:s24+$0xB0] =	vst v17  }
0x65: {  	v17 =	vbroadcast v4, $0x1;
	v27 =	vld [tilespmem:s24+$0xFFFFFF70];
	[tilespmem:s24+$0xFFFFFFD0] =	vst v8;
	v24 =	vmul.f32 v25, v24  }
0x66: {  	v5 =	vmul.f32 v5, v14;
	v8 =	vmul.f32 v22, v14;
	[tilespmem:s24+$0xFFFFFFC0] =	vst v10;
	v10 =	vld [tilespmem:s24+$0xF0]  }
0x67: {  	v22 =	vmul.f32 v26, v21;
	v14 =	vld [tilespmem:s24+$0xFFFFFF80];
	[tilespmem:s24+$0xFFFFFFA0] =	vst v7;
	v15 =	vmul.f32 v15, v20  }
0x68: {  	v7 =	vld [tilespmem:s26+$0xFFFFFFA0];
	[tilespmem:s24+$0xFFFFFFF0] =	vst v5;
	v20 =	vmul.f32 v12, v20;
	v12 =	vmul.f32 v19, v21  }
0x69: {  	v5 =	vmul.f32 v18, v17;
	v17 =	vmul.f32 v9, v17;
	[tilespmem:s24+$0x60] =	vst v11  }
0x6a: {  	v2 =	vmul.f32 v2, v13;
	v9 =	vmul.f32 v27, v13;
	[tilespmem:s24+$0xFFFFFFB0] =	vst v16  }
0x6b: {  	v4 =	vbroadcast v4, $0x4;
	[tilespmem:s24+$0xFFFFFF20] =	vst v5;
	v5 =	vmul.f32 v10, v6  }
0x6c: {  	[tilespmem:s24+$0xFFFFFF60] =	vst v2  }
0x6d: {  	v6 =	vmul.f32 v14, v4;
	v2 =	vmul.f32 v3, v4;
	[tilespmem:s24+$0x40] =	vst v23  }
0x6e: {  	[tilespmem:s24+$0xFFFFFFE0] =	vst v8  }
0x6f: {  	[tilespmem:s24+$0xF0] =	vst v5  }
0x70: {  	[tilespmem:s24+$0xFFFFFF90] =	vst v2  }
0x71: {  	v5 =	vld [tilespmem:s26+$0xFFFFFFF0];
	[tilespmem:s24+$0xFFFFFF70] =	vst v9  }
0x72: {  	v2 =	vld [tilespmem:s26+$0xFFFFFF60];
	[tilespmem:s24+$0x20] =	vst v12  }
0x73: {  	v8 =	vld [tilespmem:s26+$0xFFFFFFD0];
	[tilespmem:s24+$0x30] =	vst v22  }
0x74: {  	v9 =	vld [tilespmem:s26+$0x80];
	[tilespmem:s24+$0xFFFFFF80] =	vst v6  }
0x75: {  	v12 =	vld [tilespmem:s26+$0xFFFFFF10];
	[tilespmem:s24+$0x50] =	vst v24  }
0x76: {  	v16 =	vld [tilespmem:s26+$0xE0];
	[tilespmem:s24+$0x0] =	vst v15  }
0x77: {  	v11 =	vld [tilespmem:s26+$0xFFFFFF40];
	[tilespmem:s24+$0xFFFFFF30] =	vst v17  }
0x78: {  	s28 =	sshra.s32 s28, $0x2;
	v3 =	vld [tilespmem:s26+$0xFFFFFF90];
	[tilespmem:s24+$0x10] =	vst v20;
	s24 =	smov.u32 s26  }
0x79: {  	v4 =	vld [tilespmem:s28+$0x100]  }
0x7a: {  	v10 =	vld [tilespmem:s26+$0xFFFFFFC0]  }
0x7b: {  	v13 =	vld [tilespmem:s26+$0xFFFFFF00]  }
0x7c: {  	v14 =	vld [tilespmem:s26+$0xD0]  }
.Ltmp2:
0x7d: {  	v23 =	vld [tilespmem:s26+$0xC0];
	(pc) =	sbr.rel @p0 .LBB2_8-.Ltmp2, $4  }
0x7e: {  	v19 =	vbroadcast v4, $0x0;
	v21 =	vld [tilespmem:s26+$0x90];
	v6 =	vbroadcast v4, $0xF  }
0x7f: {  	v20 =	vbroadcast v4, $0x2;
	v18 =	vbroadcast v4, $0xE;
	v22 =	vld [tilespmem:s26+$0xFFFFFF50]  }
0x80: {  	v25 =	vmul.f32 v19, v13;
	v13 =	vbroadcast v4, $0xD;
	v17 =	vld [tilespmem:s26+$0xB0]  }
0x81: {  	v15 =	vbroadcast v4, $0xC;
	v24 =	vmul.f32 v11, v20;
	v11 =	vld [tilespmem:s26+$0x60]  }
0x82: {  	[tilespmem:s24+$0xFFFFFF00] =	vst v25;
	v16 =	vmul.f32 v16, v6  }
0x83: {  	v23 =	vmul.f32 v23, v18;
	[tilespmem:s24+$0xFFFFFF40] =	vst v24  }
0x84: {  	v12 =	vmul.f32 v12, v19;
	[tilespmem:s24+$0xE0] =	vst v16  }
0x85: {  	v34 =	vmul.f32 v14, v18;
	[tilespmem:s24+$0xC0] =	vst v23  }
0x86: {  	v32 =	vmul.f32 v21, v15;
	[tilespmem:s24+$0xFFFFFF10] =	vst v12  }
0x87: {  	v40 =	vbroadcast v4, $0x6;
	v9 =	vmul.f32 v9, v15;
	[tilespmem:s24+$0xD0] =	vst v34  }
0x88: {  	v20 =	vmul.f32 v22, v20;
	[tilespmem:s24+$0x90] =	vst v32  }
0x89: {  	v44 =	vbroadcast v4, $0x5;
	v8 =	vmul.f32 v8, v40;
	[tilespmem:s24+$0x80] =	vst v9  }
0x8a: {  	v46 =	vbroadcast v4, $0x7;
	v10 =	vmul.f32 v10, v40;
	[tilespmem:s24+$0xFFFFFF50] =	vst v20  }
0x8b: {  	v53 =	vbroadcast v4, $0x3;
	v7 =	vmul.f32 v7, v44;
	[tilespmem:s24+$0xFFFFFFD0] =	vst v8  }
0x8c: {  	v30 =	vld [tilespmem:s24+$0xA0];
	v58 =	vbroadcast v4, $0x4;
	v5 =	vmul.f32 v5, v46;
	[tilespmem:s24+$0xFFFFFFC0] =	vst v10  }
0x8d: {  	v31 =	vld [tilespmem:s24+$0x70];
	v2 =	vmul.f32 v2, v53;
	[tilespmem:s24+$0xFFFFFFA0] =	vst v7  }
0x8e: {  	v33 =	vld [tilespmem:s24+$0xFFFFFFB0];
	v36 =	vbroadcast v4, $0xB;
	v3 =	vmul.f32 v3, v58;
	[tilespmem:s24+$0xFFFFFFF0] =	vst v5  }
0x8f: {  	v35 =	vld [tilespmem:s24+$0xFFFFFF20];
	v42 =	vmul.f32 v17, v13;
	[tilespmem:s24+$0xFFFFFF60] =	vst v2  }
0x90: {  	v39 =	vld [tilespmem:s24+$0x40];
	v11 =	vmul.f32 v11, v36;
	[tilespmem:s24+$0xFFFFFF90] =	vst v3  }
0x91: {  	v37 =	vld [tilespmem:s24+$0xFFFFFFE0];
	v38 =	vmul.f32 v30, v13;
	[tilespmem:s24+$0xB0] =	vst v42  }
0x92: {  	v51 =	vbroadcast v4, $0x1;
	v54 =	vld [tilespmem:s24+$0xF0];
	v19 =	vmul.f32 v31, v36;
	[tilespmem:s24+$0x60] =	vst v11  }
0x93: {  	v48 =	vld [tilespmem:s24+$0xFFFFFF70];
	v55 =	vbroadcast v4, $0xA;
	v52 =	vmul.f32 v33, v44;
	[tilespmem:s24+$0xA0] =	vst v38  }
0x94: {  	v45 =	vld [tilespmem:s24+$0x30];
	v14 =	vmul.f32 v35, v51;
	[tilespmem:s24+$0x70] =	vst v19  }
0x95: {  	v49 =	vld [tilespmem:s24+$0xFFFFFF80];
	v57 =	vmul.f32 v39, v55;
	[tilespmem:s24+$0xFFFFFFB0] =	vst v52  }
0x96: {  	v43 =	vld [tilespmem:s24+$0x20];
	v9 =	vmul.f32 v37, v46;
	[tilespmem:s24+$0xFFFFFF20] =	vst v14  }
0x97: {  	v56 =	vld [tilespmem:s24+$0xFFFFFF30];
	v59 =	vbroadcast v4, $0x9;
	v2 =	vmul.f32 v54, v6;
	[tilespmem:s24+$0x40] =	vst v57  }
0x98: {  	v41 =	vld [tilespmem:s24+$0x50];
	v60 =	vmul.f32 v48, v53;
	[tilespmem:s24+$0xFFFFFFE0] =	vst v9  }
0x99: {  	v47 =	vld [tilespmem:s24+$0x0];
	v3 =	vmul.f32 v45, v59;
	[tilespmem:s24+$0xF0] =	vst v2  }
0x9a: {  	v50 =	vld [tilespmem:s24+$0x10];
	v62 =	vmul.f32 v49, v58;
	[tilespmem:s24+$0xFFFFFF70] =	vst v60  }
0x9b: {  	v2 =	vmul.f32 v43, v59;
	[tilespmem:s24+$0x30] =	vst v3  }
0x9c: {  	v61 =	vbroadcast v4, $0x8;
	v63 =	vmul.f32 v56, v51;
	[tilespmem:s24+$0xFFFFFF80] =	vst v62  }
0x9d: {  	[tilespmem:s24+$0x20] =	vst v2;
	v2 =	vmul.f32 v41, v55  }
0x9e: {  	v3 =	vmul.f32 v47, v61;
	[tilespmem:s24+$0xFFFFFF30] =	vst v63  }
0x9f: {  	s23 =	sadd.s32 $0x1, s23;
	[tilespmem:s24+$0x50] =	vst v2;
	v2 =	vmul.f32 v50, v61  }
0xa0: {  	p0 =	sne.s32 s23, s8;
	[tilespmem:s24+$0x0] =	vst v3  }
.Ltmp3:
0xa1: {  	[tilespmem:s24+$0x10] =	vst v2;
	(pc) =	sbr.rel @p0 .LBB2_7-.Ltmp3, $4  }
0xa2: {  	[spmem:s4] =	stream.indirect.scatter.add.f32 [tilespmem:s18], [sflag:$0x2], $0x20, s16, s16, $0xb8;
	[tilespmem:$0x1A7C0] =	vst v63  }
0xa3: {  	_ =	swait.ge [sflag:s15], $0x1000  }
0xa4: {  	[sflag:s15] =	ssyncset.done $0x0  }
0xa5: {  	[sflag:s15] =	ssyncadd.s32 $0xFFFFF000  }
0xa6: {  	[bflag:$0x0] =	sbarrier.arrive $0xFFFF;
	s22 =	sshll.u32 s6, $0x6  }
0xa7: {  	s23 =	sadd.s32 $0x0, s21;
	s24 =	sshrl.u32 s12, $0x3;
	s22 =	sor.u32 $0x1C02, s22  }
0xa8: {  	[hbm:s23], [sflag:s22] =	dma.local [spmem:s24], $0x1F4  }
0xa9: {  	s23 =	simm.s32 $0x1F4;
	s24 =	sadd.s32 $0xFA0, s12;
	_ =	swait.ge [sflag:s15], $0x1F4  }
.LBB2_11:
0xaa: {  	s25 =	sadd.s32 s23, s21;
	[sflag:s15] =	ssyncset.done $0x0;
	p0 =	sne.s32 s23, $0x2EE0  }
.Ltmp4:
0xab: {  	s26 =	sshrl.u32 s24, $0x3;
	[sflag:s15] =	ssyncadd.s32 $0xFFFFFE0C;
	(pc) =	sbr.rel @p0 .LBB2_11-.Ltmp4, $3  }
0xac: {  	[hbm:s25], [sflag:s22] =	dma.local [spmem:s26], $0x1F4  }
0xad: {  	s23 =	sadd.s32 $0x1F4, s23;
	_ =	sdelay $0x1  }
0xae: {  	s24 =	sadd.s32 $0xFA0, s24;
	_ =	swait.ge [sflag:s15], $0x1F4  }
0xaf: {  	s20 =	sadd.s32 $0x1, s20  }
0xb0: {  	p0 =	sne.s32 s20, $0x3  }
.Ltmp5:
0xb1: {  	_ = 	snop;
	(pc) =	sbr.rel @p0 .LBB2_4-.Ltmp5, $4  }
0xb2: {  	[sflag:s15] =	ssyncset.done $0x0  }
0xb3: {  	[sflag:s15] =	ssyncadd.s32 $0xFFFFFE0C  }
0xb4: {  	[bflag:$0x0] =	sbarrier.arrive $0xFFFF  }
0xb5: {  	s21 =	sadd.s32 $0x30D40, s21  }
0xb6: {  	s5 =	sadd.s32 $0x1, s5  }
0xb7: {  	p0 =	sne.s32 s5, s11  }
.Ltmp6:
0xb8: {  	_ = 	snop;
	(pc) =	sbr.rel @p0 .LBB2_1-.Ltmp6, $1  }
0xb9: {  	_ =	sdelay $0x3  }
0xba: {  	_ =	sfence.sel $0x180000  }
0xbb: {  	[bflag:$0x0] =	sbarrier.arrive $0xFFFF  }
0xbc: {  	p0 =	sne.s32 s6, $0x0;
	_ =	strace $0x9000004A  }
0xbd: {  	s0 =	sadd.s32 @!p0 $0x100000, s0;
	[bflag:$0x2] =	sbarrier.arrive $0xFFFF  }
0xbe: {  	[sflag:s0] =	ssyncadd.tile.s32 @!p0 $0x1;
	_ =	shalt  }
.Lfunc_end2:
_tile_overlayer_lowered:
.L_overlay_start_2:
0xbf: {  	(tag) =	ssettag $0x2  }
0xc0: {  	s0 =	rddreg [dreg:$0x0];
	s2 =	stileid.u32  }
0xc1: {  	s1 =	rddreg [dreg:$0x1];
	p0 =	sne.s32 s2, $0x0  }
0xc2: {  	s3 =	rddreg [dreg:$0x2];
	[bflag:$0x3] =	sbarrier.arrive $0xFFFF;
	s2 =	simm.s32 @!p0 $0x1C02  }
0xc3: {  	[timem:s3], [sflag:s2] =	dma.local @!p0 [hbm:s0], s1  }
0xc4: {  	s0 =	simm.s32 @!p0 $0x2  }
0xc5: {  	_ =	swait.ge @!p0 [sflag:s0], s1  }
0xc6: {  	s1 =	ssub.s32 @!p0 $0x0, s1;
	[sflag:s0] =	ssyncset.done @!p0 $0x0  }
0xc7: {  	[sflag:s0] =	ssyncadd.s32 @!p0 s1  }
0xc8: {  	[bflag:$0x3] =	sbarrier.arrive $0xFFFF  }
0xc9: {  	_ =	shalt  }

// kernel: kernel.9.cloned.1.call-start
scs
__scs_entry_jumppad:
0x0: {  	(pc) =	sbr.rel $0x88, $3  }
0x1: {  	(tag) =	ssettag $0x0;
	lr =	simm.s32 $0x1  }
0x2: {  	[smem:$0x3F94] =	sst lr;
	_ =	strace $0xD0000000  }
0x3: {  	_ = 	snop  }
0x4: {  	_ = 	snop  }
0x5: {  	_ = 	snop  }
0x6: {  	_ = 	snop  }
0x7: {  	_ = 	snop  }
__scs_overlays_trampoline_lowered:
0x8: {  	[smem:$0x3FA3] =	sst s0  }
0x9: {  	[smem:$0x3FA4] =	sst s1  }
0xa: {  	[smem:$0x3FA5] =	sst s2  }
0xb: {  	[smem:$0x3FA6] =	sst s3  }
0xc: {  	[smem:$0x3FA7] =	sst s4  }
0xd: {  	[smem:$0x3FA8] =	sst s5  }
0xe: {  	[smem:$0x3FA9] =	sst s6  }
0xf: {  	[smem:$0x3FAA] =	sst s7  }
0x10: {  	[smem:$0x3FAB] =	sst s8  }
0x11: {  	[smem:$0x3FAC] =	sst s9;
	s0 =	simm.s32 @!p0 $0x0  }
0x12: {  	s1 =	sld [smem:$0x3F92];
	s0 =	simm.s32 @p0 $0x1  }
0x13: {  	[smem:$0x3FAD] =	sst s0;
	s0 =	simm.s32 @!p1 $0x0  }
0x14: {  	s2 =	sld [smem:$0x3F91];
	s0 =	simm.s32 @p1 $0x1  }
0x15: {  	[smem:$0x3FAE] =	sst s0;
	s0 =	simm.s32 @!p2 $0x0  }
0x16: {  	s3 =	sld [smem:$0x3FDB];
	s0 =	simm.s32 @p2 $0x1  }
0x17: {  	s4 =	simm.s32 $0x1BF5;
	[smem:$0x3FB0] =	sst s0  }
0x18: {  	s0 =	sld [smem:$0x3F93];
	_ =	swait.ge [sflag:s4], $0x0  }
0x19: {  	s7 =	sld [smem:$0x3F94]  }
0x1a: {  	s8 =	sadd.s32 $0xFFFFE003, lr  }
0x1b: {  	s9 =	sadd.s32 $0xFFFFFEF7, lr;
	s5 =	simm.s32 $0xFFFFFFFF;
	p2 =	slt.u32 s8, $0xFFFFF086  }
0x1c: {  	p1 =	slt.u32 s9, $0xF7A;
	s5 =	simm.s32 @!p2 $0x0  }
0x1d: {  	s5 =	simm.s32 @p1 $0x1;
	p0 =	seq.s32 s7, s2  }
0x1e: {  	s7 =	smul.u32 @!p0 $0xF7A, s2;
	p2 =	seq.s32 @!p0 s5, $0x0  }
0x1f: {  	s9 =	smul.u32 $0xF7A, s1;
	s8 =	simm.s32 @!p0 $0x1BF5;
	p2 =	por !p2, p0  }
0x20: {  	[sflag:s8] =	ssyncset.s32 @!p0 $0xFFFFF086;
	s6 =	sadd.s32 @!p0 s3, s7;
	s7 =	simm.s32 @!p0 $0x108  }
0x21: {  	s3 =	sadd.s32 s3, s9;
	s6 =	sadd.s32 @!p0 $0x88, s6;
	s7 =	simm.s32 @p2 $0x1082  }
0x22: {  	[simem:s7], [sflag:s8] =	dma.local @!p0 [hbm:s6], $0xF7A  }
0x23: {  	s9 =	sor.u32 $0xD0000000, s2;
	s6 =	simm.s32 $0x108;
	_ =	swait.ge @!p0 [sflag:s8], $0x0  }
0x24: {  	s3 =	sadd.s32 $0x88, s3;
	s6 =	simm.s32 @!p1 $0x1082;
	[sflag:s4] =	ssyncset.s32 $0xFFFFF086  }
0x25: {  	[simem:s6], [sflag:s4] =	dma.local [hbm:s3], $0xF7A  }
0x26: {  	[smem:$0x3F94] =	sst s1;
	(tag) =	ssettag s2;
	_ =	strace s9  }
0x27: {  	s1 =	sld [smem:$0x3FA4]  }
0x28: {  	s2 =	sld [smem:$0x3FA5]  }
0x29: {  	s4 =	sld [smem:$0x3FA7]  }
0x2a: {  	p0 =	seq.s32 s5, $0x0;
	s5 =	sld [smem:$0x3FA8]  }
0x2b: {  	s6 =	sld [smem:$0x3FA9]  }
0x2c: {  	s7 =	sld [smem:$0x3FAA]  }
0x2d: {  	s3 =	simm.s32 $0x108;
	s8 =	sld [smem:$0x3FAB]  }
0x2e: {  	s3 =	simm.s32 @!p0 $0x1082;
	s9 =	sld [smem:$0x3FAC]  }
0x2f: {  	lr =	sadd.s32 s0, s3;
	s0 =	sld [smem:$0x3FA3]  }
0x30: {  	s3 =	sld [smem:$0x3FA6]  }
0x31: {  	[smem:$0x3FAF] =	sst s10  }
0x32: {  	s10 =	sld [smem:$0x3FAD];
	_ =	sdelay $0x3  }
0x33: {  	p0 =	seq.s32 s10, $0x1;
	s10 =	sld [smem:$0x3FAF];
	_ =	sdelay $0x3  }
0x34: {  	[smem:$0x3FAF] =	sst s10  }
0x35: {  	s10 =	sld [smem:$0x3FAE];
	_ =	sdelay $0x3  }
0x36: {  	p1 =	seq.s32 s10, $0x1;
	s10 =	sld [smem:$0x3FAF];
	_ =	sdelay $0x3  }
0x37: {  	[smem:$0x3FAF] =	sst s10  }
0x38: {  	s10 =	sld [smem:$0x3FB0]  }
0x39: {  	_ = 	snop;
	(pc) =	sbr.ind lr, $3  }
0x3a: {  	_ = 	snop  }
0x3b: {  	_ = 	snop  }
0x3c: {  	p2 =	seq.s32 s10, $0x1;
	s10 =	sld [smem:$0x3FAF]  }
0x3d: {  	_ =	shalt  }
0x3e: {  	_ =	shalt  }
0x3f: {  	_ =	shalt  }
0x40: {  	_ =	shalt  }
0x41: {  	_ =	shalt  }
0x42: {  	_ =	shalt  }
0x43: {  	_ =	shalt  }
0x44: {  	_ =	shalt  }
0x45: {  	_ =	shalt  }
0x46: {  	_ =	shalt  }
0x47: {  	_ =	shalt  }
0x48: {  	_ =	shalt  }
0x49: {  	_ =	shalt  }
0x4a: {  	_ =	shalt  }
0x4b: {  	_ =	shalt  }
0x4c: {  	_ =	shalt  }
0x4d: {  	_ =	shalt  }
0x4e: {  	_ =	shalt  }
0x4f: {  	_ =	shalt  }
0x50: {  	_ =	shalt  }
0x51: {  	_ =	shalt  }
0x52: {  	_ =	shalt  }
0x53: {  	_ =	shalt  }
0x54: {  	_ =	shalt  }
0x55: {  	_ =	shalt  }
0x56: {  	_ =	shalt  }
0x57: {  	_ =	shalt  }
0x58: {  	_ =	shalt  }
0x59: {  	_ =	shalt  }
0x5a: {  	_ =	shalt  }
0x5b: {  	_ =	shalt  }
0x5c: {  	_ =	shalt  }
0x5d: {  	_ =	shalt  }
0x5e: {  	_ =	shalt  }
0x5f: {  	_ =	shalt  }
0x60: {  	_ =	shalt  }
0x61: {  	_ =	shalt  }
0x62: {  	_ =	shalt  }
0x63: {  	_ =	shalt  }
0x64: {  	_ =	shalt  }
0x65: {  	_ =	shalt  }
0x66: {  	_ =	shalt  }
0x67: {  	_ =	shalt  }
0x68: {  	_ =	shalt  }
0x69: {  	_ =	shalt  }
0x6a: {  	_ =	shalt  }
0x6b: {  	_ =	shalt  }
0x6c: {  	_ =	shalt  }
0x6d: {  	_ =	shalt  }
0x6e: {  	_ =	shalt  }
0x6f: {  	_ =	shalt  }
0x70: {  	_ =	shalt  }
0x71: {  	_ =	shalt  }
0x72: {  	_ =	shalt  }
0x73: {  	_ =	shalt  }
0x74: {  	_ =	shalt  }
0x75: {  	_ =	shalt  }
0x76: {  	_ =	shalt  }
0x77: {  	_ =	shalt  }
0x78: {  	_ =	shalt  }
0x79: {  	_ =	shalt  }
0x7a: {  	_ =	shalt  }
0x7b: {  	_ =	shalt  }
0x7c: {  	_ =	shalt  }
0x7d: {  	_ =	shalt  }
0x7e: {  	_ =	shalt  }
0x7f: {  	_ =	shalt  }
0x80: {  	_ =	shalt  }
0x81: {  	_ =	shalt  }
0x82: {  	_ =	shalt  }
0x83: {  	_ =	shalt  }
0x84: {  	_ =	shalt  }
0x85: {  	_ =	shalt  }
0x86: {  	_ =	shalt  }
0x87: {  	_ =	shalt  }
.Lfunc_end0:
.L_simem_size_0:
called_computation.2_lowered:
.L_overlay_start_0:
0x88: {  	s2 =	sld [smem:$0x3FD9]  }
0x89: {  	s3 =	sld [smem:$0x3FFE];
	_ =	sdelay $0x1  }
0x8a: {  	s1 =	srdreg.scid  }
0x8b: {  	s0 =	sand.u32 $0x1, s1  }
0x8c: {  	s14 =	sshll.u32 s0, $0xA;
	s2 =	sadd.s32 s3, s2  }
0x8d: {  	s2 =	sadd.s32 s2, s14  }
0x8e: {  	[smem:$0x3FBB] =	sst s2  }
0x8f: {  	_ = 	snop  }
0x90: {  	s2 =	sld [smem:$0x3FD0];
	_ =	sdelay $0x2  }
0x91: {  	s4 =	simm.s32 $0xA;
	s5 =	simm.s32 $0x10;
	s15 =	sld [smem:$0x3FC8]  }
0x92: {  	[smem:s5], [sflag:s4] =	dma.local [hbm:s2], $0x1  }
0x93: {  	_ =	swait.eq [sflag:s4], $0x1  }
0x94: {  	[sflag:s4] =	ssyncset.done $0x0  }
0x95: {  	s16 =	sld [smem:$0x10];
	[sflag:s4] =	ssyncadd.s32 $0xFFFFFFFF  }
0x96: {  	s17 =	sld [smem:$0x11];
	(tm) =	ssettm $0x1  }
0x97: {  	s18 =	sld [smem:$0x3FFB];
	_ =	sdelay $0x3  }
0x98: {  	_ =	strace s18  }
0x99: {  	s5 =	sld [smem:$0x3FFC];
	_ =	sdelay $0x3  }
0x9a: {  	_ =	strace s5  }
0x9b: {  	s5 =	sld [smem:$0x3FFD];
	_ =	sdelay $0x3  }
0x9c: {  	_ =	strace s5  }
0x9d: {  	_ =	strace $0x8FFFFFFF  }
0x9e: {  	s19 =	sld [smem:$0x3FDB];
	_ =	sdelay $0x1  }
0x9f: {  	s6 =	simm.s32 $_scs_section_size  }
0xa0: {  	s7 =	simm.s32 $_size__tile_overlayer_lowered;
	s8 =	simm.s32 $_tile_overlayer_lowered  }
0xa1: {  	s22 =	simm.s32 $0x1BFF;
	s21 =	sshll.u32 s8, $0x1;
	s5 =	sadd.s32 s6, s19  }
0xa2: {  	s9 =	simm.s32 $0x0;
	s20 =	sshll.u32 s7, $0x1;
	s7 =	sadd.s32 s21, s5  }
0xa3: {  	[timem:s9], [sflag:s22] =	dma.local [hbm:s7], s20  }
0xa4: {  	_ =	swait.ge [sflag:s22], s20  }
0xa5: {  	s6 =	ssub.s32 $0x0, s20;
	[sflag:s22] =	ssyncset.done $0x0  }
0xa6: {  	[sflag:s22] =	ssyncadd.s32 s6;
	_ =	sdelay $0x1  }
0xa7: {  	s23 =	simm.s32 $0x1B8B  }
0xa8: {  	_ =	swait.ge [sflag:s23], $0x1  }
0xa9: {  	[sflag:s23] =	ssyncset.done $0x0  }
0xaa: {  	s25 =	simm.s32 $0x1B8E;
	s24 =	sld [smem:$0x3FFE];
	[sflag:s23] =	ssyncadd.s32 $0xFFFFFFFF  }
0xab: {  	s26 =	simm.s32 $execute0_lowered;
	[smem:$0x3FD2] =	sst s25  }
0xac: {  	s7 =	sshll.u32 s26, $0x1;
	_ =	strace $0x8000004C;
	[dreg:$0x1] =	wrdreg $0xFFFFFFFF  }
0xad: {  	s28 =	simm.s32 $_size_execute0_lowered;
	s5 =	sadd.s32 s5, s7;
	[dreg:$0x0] =	wrdreg $0x0  }
0xae: {  	s7 =	sshll.u32 s28, $0x1;
	[dreg:$0x2] =	wrdreg s5  }
0xaf: {  	[dreg:$0x3] =	wrdreg s7  }
0xb0: {  	[dreg:$0x4] =	wrdreg $0xC0  }
0xb1: {  	_ =	task [dreg:s9], $0x5FFFF  }
0xb2: {  	[dreg:$0x1] =	wrdreg $0xFFFFFFFF  }
0xb3: {  	[dreg:$0x0] =	wrdreg $0x60  }
0xb4: {  	[dreg:$0x2] =	wrdreg s17  }
0xb5: {  	[dreg:$0x3] =	wrdreg s16  }
0xb6: {  	[dreg:$0x4] =	wrdreg s15  }
0xb7: {  	[dreg:$0x5] =	wrdreg s24  }
0xb8: {  	[dreg:$0x6] =	wrdreg $0x21200  }
0xb9: {  	[dreg:$0x7] =	wrdreg $0x9  }
0xba: {  	_ =	task.clear_ibuf [dreg:s9], $0x8FFFF;
	_ =	strace $0x9000004C  }
0xbb: {  	s29 =	simm.s32 $0x9;
	_ =	strace $0x8000004E  }
0xbc: {  	_ =	swait.ge [sflag:s29], $0x1  }
0xbd: {  	[sflag:s29] =	ssyncadd.s32 $0xFFFFFFFF  }
0xbe: {  	_ =	strace $0x9000004E  }
0xbf: {  	_ =	sfence  }
0xc0: {  	s30 =	sld [smem:$0x0];
	_ =	sdelay $0x2  }
0xc1: {  	s31 =	sshll.u32 s1, $0xD;
	s1 =	sshrl.u32 s1, $0x2  }
0xc2: {  	s3 =	sand.u32 $0x4000, s31;
	s1 =	sadd.s32 s1, s30  }
0xc3: {  	s0 =	sor.u32 s3, s0;
	s1 =	sshll.u32 s1, $0x11  }
0xc4: {  	s0 =	sor.u32 s1, s0  }
0xc5: {  	s0 =	sadd.s32 $0x8F2B, s0  }
0xc6: {  	[sflag:s0] =	ssyncadd.remote.s32 $0x1  }
0xc7: {  	_ =	sfence.sel $0xFFFF  }
0xc8: {  	[dreg:$0x0] =	wrdreg $0xFFFFFFFF;
	(pc) =	sbr.abs _section_cstart, $3  }
0xc9: {  	[dreg:$0x1] =	wrdreg $0xFFFFFFFF  }
0xca: {  	_ =	task.clear_ibuf [dreg:s9], $0x2FFFF;
	_ =	strace $0x9FFFFFFF  }
0xcb: {  	(tm) =	ssettm $0x7FFFFFFF  }
tec
execute0_lowered:
.L_overlay_start_1:
0x0: {  	(tag) =	ssettag $0x1  }
0x1: {  	s1 =	rddreg [dreg:$0x0]  }
0x2: {  	s2 =	rddreg [dreg:$0x1]  }
0x3: {  	s3 =	rddreg [dreg:$0x2]  }
0x4: {  	s8 =	rddreg [dreg:$0x3]  }
0x5: {  	s4 =	rddreg [dreg:$0x4]  }
0x6: {  	s0 =	rddreg [dreg:$0x5]  }
0x7: {  	s5 =	simm.s32 $0x0;
	s6 =	srdreg.scid;
	s15 =	simm.s32 $0x2  }
0x8: {  	s16 =	simm.s32 $0x80;
	s17 =	simm.s32 $0x100;
	s9 =	sand.u32 $0x1, s6  }
0x9: {  	s18 =	simm.s32 $0x180;
	s6 =	stileid.u32;
	s10 =	smul.u32 $0x927C0, s9  }
0xa: {  	s19 =	simm.s32 $0x1;
	[smem:$0x7FF] =	sst s5;
	s13 =	smul.u32 $0x61A80, s6  }
0xb: {  	s7 =	sadd.s32 $0x3600, s8;
	_ =	strace $0x8000004D;
	s14 =	smul.u32 $0x30D4, s6  }
0xc: {  	s11 =	ssub.s32 $0x2, s9;
	p0 =	slt.u32 s6, $0xA;
	s9 =	smul.u32 $0x249F0, s9  }
0xd: {  	s31 =	sshrl.u32 s11, $0x1;
	s12 =	sadd.s32 s10, s8;
	s8 =	simm.s32 $0x187  }
0xe: {  	s11 =	ssub.s32 s11, s31;
	s10 =	sshll.u32 s6, $0x7;
	s13 =	sshrl.u32 s13, $0x2  }
0xf: {  	s8 =	simm.s32 @!p0 $0x186;
	s14 =	sadd.s32 s14, s12;
	s11 =	smax.u32 s11, $0x1  }
0x10: {  	v0 =	vimm.f32 $0.0e+00;
	s12 =	sadd.s32 s13, s4;
	s13 =	sadd.s32 $0x128600, s14;
	s14 =	simm.s32 $0x1180  }
.LBB2_1:
0x11: {  	s20 =	simm.s32 $0x80;
	s21 =	simm.s32 $0x0  }
.LBB2_2:
0x12: {  	p0 =	sne.s32 s20, $0x3E00;
	[tilespmem:s21+$0x1180] =	vst v0;
	s22 =	smov.u32 s20;
	s20 =	sadd.s32 $0x80, s20  }
.Ltmp0:
0x13: {  	[tilespmem:s21+$0x1190] =	vst v0;
	(pc) =	sbr.rel @p0 .LBB2_2-.Ltmp0, $2  }
0x14: {  	_ =	sdelay $0x2  }
0x15: {  	s21 =	sshra.s32 s22, $0x2  }
0x16: {  	[tilespmem:s21+$0x1180] =	vst v0  }
0x17: {  	s20 =	simm.s32 $0x0;
	[tilespmem:s21+$0x1190] =	vst v0;
	s21 =	smov.u32 s13  }
.LBB2_4:
0x18: {  	s22 =	sadd.s32 $0x0, s12  }
0x19: {  	[spmem:s22] =	stream.linear.scatter [tilespmem:s14], [sflag:$0x2], $0xFA0, $0x38;
	[tilespmem:$0x1A7C0] =	vst v63  }
0x1a: {  	s22 =	simm.s32 $0x3E80;
	_ =	swait.ge [sflag:s15], $0xFA0  }
.LBB2_5:
0x1b: {  	s23 =	sshra.s32 s22, $0x2;
	[sflag:s15] =	ssyncset.done $0x0;
	p0 =	sne.s32 s22, $0x5DC00  }
.Ltmp1:
0x1c: {  	s23 =	sadd.s32 s23, s12;
	[sflag:s15] =	ssyncadd.s32 $0xFFFFF060;
	(pc) =	sbr.rel @p0 .LBB2_5-.Ltmp1, $3  }
0x1d: {  	[spmem:s23] =	stream.linear.scatter [tilespmem:s14], [sflag:$0x2], $0xFA0, $0x38;
	[tilespmem:$0x1A7C0] =	vst v63  }
0x1e: {  	s22 =	sadd.s32 $0x3E80, s22;
	_ =	sdelay $0x1  }
0x1f: {  	_ =	swait.ge [sflag:s15], $0xFA0  }
0x20: {  	s22 =	smul.u32 $0xC350, s20  }
0x21: {  	[sflag:s15] =	ssyncset.done $0x0  }
0x22: {  	[sflag:s15] =	ssyncadd.s32 $0xFFFFF060;
	s22 =	sadd.s32 s9, s22  }
0x23: {  	s23 =	simm.s32 $0x0;
	[bflag:$0x0] =	sbarrier.arrive $0xFFFF;
	v1 =	vmov s22;
	s22 =	simm.s32 $0x0  }
.LBB2_7:
0x24: {  	s24 =	sshll.u32 s23, $0xB  }
0x25: {  	s24 =	sor.u32 s10, s24  }
0x26: {  	s24 =	sshrl.u32 s24, $0x3  }
0x27: {  	s25 =	sadd.s32 s2, s24  }
0x28: {  	[tilespmem:s22], [sflag:$0x2] =	stream.linear.gather [hbm4b:s25+s22], $0x80, $0x38;
	[tilespmem:$0x1A7C0] =	vst v63  }
0x29: {  	_ =	swait.ge [sflag:s15], $0x80  }
0x2a: {  	[sflag:s15] =	ssyncset.done $0x0  }
0x2b: {  	s30 =	sadd.s32 s1, s24;
	[sflag:s15] =	ssyncadd.s32 $0xFFFFFF80  }
0x2c: {  	[tilespmem:s16], [sflag:$0x2] =	stream.linear.gather [hbm4b:s30+s22], $0x80, $0x38;
	[tilespmem:$0x1A7C0] =	vst v63  }
0x2d: {  	_ =	swait.ge [sflag:s15], $0x80  }
0x2e: {  	[sflag:s15] =	ssyncset.done $0x0  }
0x2f: {  	s24 =	sadd.s32 s3, s24;
	[sflag:s15] =	ssyncadd.s32 $0xFFFFFF80  }
0x30: {  	[tilespmem:s17], [sflag:$0x2] =	stream.linear.gather [hbm4b:s24+s22], $0x80, $0x38;
	[tilespmem:$0x1A7C0] =	vst v63  }
0x31: {  	_ =	swait.ge [sflag:s15], $0x80  }
0x32: {  	[sflag:s15] =	ssyncset.done $0x0  }
0x33: {  	[sflag:s15] =	ssyncadd.s32 $0xFFFFFF80  }
0x34: {  	v2 =	vld [tilespmem:$0x0]  }
0x35: {  	v3 =	vld [tilespmem:$0x10]  }
0x36: {  	v4 =	vld [tilespmem:$0x20]  }
0x37: {  	v5 =	vld [tilespmem:$0x30]  }
0x38: {  	v6 =	vld [tilespmem:$0x40]  }
0x39: {  	v7 =	vld [tilespmem:$0x50];
	v2 =	vadd.s32 v1, v2  }
0x3a: {  	[tilespmem:$0x0] =	vst v2;
	v2 =	vadd.s32 v1, v3;
	v3 =	vld [tilespmem:$0x60]  }
0x3b: {  	[tilespmem:$0x10] =	vst v2;
	v2 =	vadd.s32 v1, v4;
	v4 =	vld [tilespmem:$0x70]  }
0x3c: {  	[tilespmem:$0x20] =	vst v2;
	v2 =	vadd.s32 v1, v5  }
0x3d: {  	[tilespmem:$0x30] =	vst v2;
	v2 =	vadd.s32 v1, v6  }
0x3e: {  	[tilespmem:$0x40] =	vst v2;
	v2 =	vadd.s32 v1, v7  }
0x3f: {  	[tilespmem:$0x50] =	vst v2;
	v2 =	vadd.s32 v1, v3  }
0x40: {  	[tilespmem:$0x60] =	vst v2;
	v2 =	vadd.s32 v1, v4  }
0x41: {  	[tilespmem:$0x70] =	vst v2  }
0x42: {  	[tilespmem:s18], [sflag:$0x1] =	stream.indirect.gather [hbm4b:s7+s16], $0x20, s22, s16, $0xb8;
	[tilespmem:$0x1A7C0] =	vst v63  }
0x43: {  	_ =	swait.ge [sflag:s19], $0x1000  }
0x44: {  	[sflag:s19] =	ssyncset.done $0x0  }
0x45: {  	s24 =	simm.s32 $0x280;
	[sflag:s19] =	ssyncadd.s32 $0xFFFFF000  }
0x46: {  	v7 =	vld [tilespmem:s24+$0xFFFFFFA0]  }
0x47: {  	v5 =	vld [tilespmem:s24+$0xFFFFFFF0]  }
0x48: {  	v2 =	vld [tilespmem:s24+$0xFFFFFF60]  }
0x49: {  	v8 =	vld [tilespmem:s24+$0xFFFFFFD0]  }
0x4a: {  	v9 =	vld [tilespmem:s24+$0x80]  }
0x4b: {  	v12 =	vld [tilespmem:s24+$0xFFFFFF10]  }
0x4c: {  	v16 =	vld [tilespmem:s24+$0xE0]  }
0x4d: {  	v11 =	vld [tilespmem:s24+$0xFFFFFF40]  }
0x4e: {  	s31 =	simm.s32 $0x0;
	v3 =	vld [tilespmem:s24+$0xFFFFFF90]  }
0x4f: {  	v4 =	vld [tilespmem:s31+$0x100]  }
0x50: {  	v10 =	vld [tilespmem:s24+$0xFFFFFFC0]  }
0x51: {  	v13 =	vld [tilespmem:s24+$0xFFFFFF00]  }
0x52: {  	v14 =	vld [tilespmem:s24+$0xD0]  }
0x53: {  	v23 =	vld [tilespmem:s24+$0xC0]  }
0x54: {  	v21 =	vld [tilespmem:s24+$0x90];
	v19 =	vbroadcast v4, $0x0;
	v6 =	vbroadcast v4, $0xF  }
0x55: {  	v22 =	vld [tilespmem:s24+$0xFFFFFF50];
	v20 =	vbroadcast v4, $0x2;
	v18 =	vbroadcast v4, $0xE  }
0x56: {  	v17 =	vld [tilespmem:s24+$0xB0];
	v15 =	vbroadcast v4, $0xC;
	v25 =	vmul.f32 v19, v13  }
0x57: {  	s26 =	simm.s32 $0x280;
	s25 =	simm.s32 $0x40;
	v13 =	vbroadcast v4, $0xD;
	v24 =	vmul.f32 v11, v20;
	v11 =	vld [tilespmem:s24+$0x60]  }
.LBB2_8:
0x58: {  	p0 =	sne.s32 s25, $0x1C0  }
0x59: {  	[tilespmem:s24+$0xFFFFFF00] =	vst v25;
	v25 =	vld [tilespmem:s24+$0xFFFFFFB0];
	v23 =	vmul.f32 v23, v18;
	v16 =	vmul.f32 v16, v6;
	s26 =	sadd.s32 $0x200, s26;
	s28 =	smov.u32 s25;
	s25 =	sadd.s32 $0x40, s25  }
0x5a: {  	[tilespmem:s24+$0xFFFFFF40] =	vst v24;
	v24 =	vbroadcast v4, $0xA;
	v21 =	vmul.f32 v21, v15;
	v26 =	vld [tilespmem:s24+$0xA0]  }
0x5b: {  	v12 =	vmul.f32 v12, v19;
	v19 =	vmul.f32 v22, v20;
	v20 =	vld [tilespmem:s24+$0x70];
	[tilespmem:s24+$0xE0] =	vst v16  }
0x5c: {  	v16 =	vbroadcast v4, $0x5;
	v22 =	vld [tilespmem:s24+$0xFFFFFFE0];
	v17 =	vmul.f32 v17, v13;
	[tilespmem:s24+$0xC0] =	vst v23  }
0x5d: {  	v14 =	vmul.f32 v14, v18;
	[tilespmem:s24+$0xFFFFFF10] =	vst v12;
	v12 =	vbroadcast v4, $0x6;
	v23 =	vld [tilespmem:s24+$0x40]  }
0x5e: {  	v27 =	vbroadcast v4, $0xB;
	v7 =	vmul.f32 v7, v16;
	v18 =	vld [tilespmem:s24+$0xFFFFFF20];
	[tilespmem:s24+$0x90] =	vst v21  }
0x5f: {  	v21 =	vbroadcast v4, $0x9;
	[tilespmem:s24+$0xFFFFFF50] =	vst v19;
	v19 =	vld [tilespmem:s24+$0x20];
	v13 =	vmul.f32 v26, v13  }
0x60: {  	v16 =	vmul.f32 v25, v16;
	v25 =	vld [tilespmem:s24+$0x50];
	v20 =	vmul.f32 v20, v27;
	[tilespmem:s24+$0xD0] =	vst v14  }
0x61: {  	v9 =	vmul.f32 v9, v15;
	v14 =	vbroadcast v4, $0x7;
	v26 =	vld [tilespmem:s24+$0x30];
	[tilespmem:s24+$0xA0] =	vst v13  }
0x62: {  	v10 =	vmul.f32 v10, v12;
	v13 =	vbroadcast v4, $0x3;
	v15 =	vld [tilespmem:s24+$0x0];
	[tilespmem:s24+$0x70] =	vst v20  }
0x63: {  	v11 =	vmul.f32 v11, v27;
	v8 =	vmul.f32 v8, v12;
	v12 =	vld [tilespmem:s24+$0x10];
	[tilespmem:s24+$0x80] =	vst v9  }
0x64: {  	v20 =	vbroadcast v4, $0x8;
	v23 =	vmul.f32 v23, v24;
	v9 =	vld [tilespmem:s24+$0xFFFFFF30];
	[tilespmem:s24+$0xB0] =	vst v17  }
0x65: {  	v17 =	vbroadcast v4, $0x1;
	v27 =	vld [tilespmem:s24+$0xFFFFFF70];
	[tilespmem:s24+$0xFFFFFFD0] =	vst v8;
	v24 =	vmul.f32 v25, v24  }
0x66: {  	v5 =	vmul.f32 v5, v14;
	v8 =	vmul.f32 v22, v14;
	[tilespmem:s24+$0xFFFFFFC0] =	vst v10;
	v10 =	vld [tilespmem:s24+$0xF0]  }
0x67: {  	v22 =	vmul.f32 v26, v21;
	v14 =	vld [tilespmem:s24+$0xFFFFFF80];
	[tilespmem:s24+$0xFFFFFFA0] =	vst v7;
	v15 =	vmul.f32 v15, v20  }
0x68: {  	v7 =	vld [tilespmem:s26+$0xFFFFFFA0];
	[tilespmem:s24+$0xFFFFFFF0] =	vst v5;
	v20 =	vmul.f32 v12, v20;
	v12 =	vmul.f32 v19, v21  }
0x69: {  	v5 =	vmul.f32 v18, v17;
	v17 =	vmul.f32 v9, v17;
	[tilespmem:s24+$0x60] =	vst v11  }
0x6a: {  	v2 =	vmul.f32 v2, v13;
	v9 =	vmul.f32 v27, v13;
	[tilespmem:s24+$0xFFFFFFB0] =	vst v16  }
0x6b: {  	v4 =	vbroadcast v4, $0x4;
	[tilespmem:s24+$0xFFFFFF20] =	vst v5;
	v5 =	vmul.f32 v10, v6  }
0x6c: {  	[tilespmem:s24+$0xFFFFFF60] =	vst v2  }
0x6d: {  	v6 =	vmul.f32 v14, v4;
	v2 =	vmul.f32 v3, v4;
	[tilespmem:s24+$0x40] =	vst v23  }
0x6e: {  	[tilespmem:s24+$0xFFFFFFE0] =	vst v8  }
0x6f: {  	[tilespmem:s24+$0xF0] =	vst v5  }
0x70: {  	[tilespmem:s24+$0xFFFFFF90] =	vst v2  }
0x71: {  	v5 =	vld [tilespmem:s26+$0xFFFFFFF0];
	[tilespmem:s24+$0xFFFFFF70] =	vst v9  }
0x72: {  	v2 =	vld [tilespmem:s26+$0xFFFFFF60];
	[tilespmem:s24+$0x20] =	vst v12  }
0x73: {  	v8 =	vld [tilespmem:s26+$0xFFFFFFD0];
	[tilespmem:s24+$0x30] =	vst v22  }
0x74: {  	v9 =	vld [tilespmem:s26+$0x80];
	[tilespmem:s24+$0xFFFFFF80] =	vst v6  }
0x75: {  	v12 =	vld [tilespmem:s26+$0xFFFFFF10];
	[tilespmem:s24+$0x50] =	vst v24  }
0x76: {  	v16 =	vld [tilespmem:s26+$0xE0];
	[tilespmem:s24+$0x0] =	vst v15  }
0x77: {  	v11 =	vld [tilespmem:s26+$0xFFFFFF40];
	[tilespmem:s24+$0xFFFFFF30] =	vst v17  }
0x78: {  	s28 =	sshra.s32 s28, $0x2;
	v3 =	vld [tilespmem:s26+$0xFFFFFF90];
	[tilespmem:s24+$0x10] =	vst v20;
	s24 =	smov.u32 s26  }
0x79: {  	v4 =	vld [tilespmem:s28+$0x100]  }
0x7a: {  	v10 =	vld [tilespmem:s26+$0xFFFFFFC0]  }
0x7b: {  	v13 =	vld [tilespmem:s26+$0xFFFFFF00]  }
0x7c: {  	v14 =	vld [tilespmem:s26+$0xD0]  }
.Ltmp2:
0x7d: {  	v23 =	vld [tilespmem:s26+$0xC0];
	(pc) =	sbr.rel @p0 .LBB2_8-.Ltmp2, $4  }
0x7e: {  	v19 =	vbroadcast v4, $0x0;
	v21 =	vld [tilespmem:s26+$0x90];
	v6 =	vbroadcast v4, $0xF  }
0x7f: {  	v20 =	vbroadcast v4, $0x2;
	v18 =	vbroadcast v4, $0xE;
	v22 =	vld [tilespmem:s26+$0xFFFFFF50]  }
0x80: {  	v25 =	vmul.f32 v19, v13;
	v13 =	vbroadcast v4, $0xD;
	v17 =	vld [tilespmem:s26+$0xB0]  }
0x81: {  	v15 =	vbroadcast v4, $0xC;
	v24 =	vmul.f32 v11, v20;
	v11 =	vld [tilespmem:s26+$0x60]  }
0x82: {  	[tilespmem:s24+$0xFFFFFF00] =	vst v25;
	v16 =	vmul.f32 v16, v6  }
0x83: {  	v23 =	vmul.f32 v23, v18;
	[tilespmem:s24+$0xFFFFFF40] =	vst v24  }
0x84: {  	v12 =	vmul.f32 v12, v19;
	[tilespmem:s24+$0xE0] =	vst v16  }
0x85: {  	v34 =	vmul.f32 v14, v18;
	[tilespmem:s24+$0xC0] =	vst v23  }
0x86: {  	v32 =	vmul.f32 v21, v15;
	[tilespmem:s24+$0xFFFFFF10] =	vst v12  }
0x87: {  	v40 =	vbroadcast v4, $0x6;
	v9 =	vmul.f32 v9, v15;
	[tilespmem:s24+$0xD0] =	vst v34  }
0x88: {  	v20 =	vmul.f32 v22, v20;
	[tilespmem:s24+$0x90] =	vst v32  }
0x89: {  	v44 =	vbroadcast v4, $0x5;
	v8 =	vmul.f32 v8, v40;
	[tilespmem:s24+$0x80] =	vst v9  }
0x8a: {  	v46 =	vbroadcast v4, $0x7;
	v10 =	vmul.f32 v10, v40;
	[tilespmem:s24+$0xFFFFFF50] =	vst v20  }
0x8b: {  	v53 =	vbroadcast v4, $0x3;
	v7 =	vmul.f32 v7, v44;
	[tilespmem:s24+$0xFFFFFFD0] =	vst v8  }
0x8c: {  	v30 =	vld [tilespmem:s24+$0xA0];
	v58 =	vbroadcast v4, $0x4;
	v5 =	vmul.f32 v5, v46;
	[tilespmem:s24+$0xFFFFFFC0] =	vst v10  }
0x8d: {  	v31 =	vld [tilespmem:s24+$0x70];
	v2 =	vmul.f32 v2, v53;
	[tilespmem:s24+$0xFFFFFFA0] =	vst v7  }
0x8e: {  	v33 =	vld [tilespmem:s24+$0xFFFFFFB0];
	v36 =	vbroadcast v4, $0xB;
	v3 =	vmul.f32 v3, v58;
	[tilespmem:s24+$0xFFFFFFF0] =	vst v5  }
0x8f: {  	v35 =	vld [tilespmem:s24+$0xFFFFFF20];
	v42 =	vmul.f32 v17, v13;
	[tilespmem:s24+$0xFFFFFF60] =	vst v2  }
0x90: {  	v39 =	vld [tilespmem:s24+$0x40];
	v11 =	vmul.f32 v11, v36;
	[tilespmem:s24+$0xFFFFFF90] =	vst v3  }
0x91: {  	v37 =	vld [tilespmem:s24+$0xFFFFFFE0];
	v38 =	vmul.f32 v30, v13;
	[tilespmem:s24+$0xB0] =	vst v42  }
0x92: {  	v51 =	vbroadcast v4, $0x1;
	v54 =	vld [tilespmem:s24+$0xF0];
	v19 =	vmul.f32 v31, v36;
	[tilespmem:s24+$0x60] =	vst v11  }
0x93: {  	v48 =	vld [tilespmem:s24+$0xFFFFFF70];
	v55 =	vbroadcast v4, $0xA;
	v52 =	vmul.f32 v33, v44;
	[tilespmem:s24+$0xA0] =	vst v38  }
0x94: {  	v45 =	vld [tilespmem:s24+$0x30];
	v14 =	vmul.f32 v35, v51;
	[tilespmem:s24+$0x70] =	vst v19  }
0x95: {  	v49 =	vld [tilespmem:s24+$0xFFFFFF80];
	v57 =	vmul.f32 v39, v55;
	[tilespmem:s24+$0xFFFFFFB0] =	vst v52  }
0x96: {  	v43 =	vld [tilespmem:s24+$0x20];
	v9 =	vmul.f32 v37, v46;
	[tilespmem:s24+$0xFFFFFF20] =	vst v14  }
0x97: {  	v56 =	vld [tilespmem:s24+$0xFFFFFF30];
	v59 =	vbroadcast v4, $0x9;
	v2 =	vmul.f32 v54, v6;
	[tilespmem:s24+$0x40] =	vst v57  }
0x98: {  	v41 =	vld [tilespmem:s24+$0x50];
	v60 =	vmul.f32 v48, v53;
	[tilespmem:s24+$0xFFFFFFE0] =	vst v9  }
0x99: {  	v47 =	vld [tilespmem:s24+$0x0];
	v3 =	vmul.f32 v45, v59;
	[tilespmem:s24+$0xF0] =	vst v2  }
0x9a: {  	v50 =	vld [tilespmem:s24+$0x10];
	v62 =	vmul.f32 v49, v58;
	[tilespmem:s24+$0xFFFFFF70] =	vst v60  }
0x9b: {  	v2 =	vmul.f32 v43, v59;
	[tilespmem:s24+$0x30] =	vst v3  }
0x9c: {  	v61 =	vbroadcast v4, $0x8;
	v63 =	vmul.f32 v56, v51;
	[tilespmem:s24+$0xFFFFFF80] =	vst v62  }
0x9d: {  	[tilespmem:s24+$0x20] =	vst v2;
	v2 =	vmul.f32 v41, v55  }
0x9e: {  	v3 =	vmul.f32 v47, v61;
	[tilespmem:s24+$0xFFFFFF30] =	vst v63  }
0x9f: {  	s23 =	sadd.s32 $0x1, s23;
	[tilespmem:s24+$0x50] =	vst v2;
	v2 =	vmul.f32 v50, v61  }
0xa0: {  	p0 =	sne.s32 s23, s8;
	[tilespmem:s24+$0x0] =	vst v3  }
.Ltmp3:
0xa1: {  	[tilespmem:s24+$0x10] =	vst v2;
	(pc) =	sbr.rel @p0 .LBB2_7-.Ltmp3, $4  }
0xa2: {  	[spmem:s4] =	stream.indirect.scatter.add.f32 [tilespmem:s18], [sflag:$0x2], $0x20, s16, s16, $0xb8;
	[tilespmem:$0x1A7C0] =	vst v63  }
0xa3: {  	_ =	swait.ge [sflag:s15], $0x1000  }
0xa4: {  	[sflag:s15] =	ssyncset.done $0x0  }
0xa5: {  	[sflag:s15] =	ssyncadd.s32 $0xFFFFF000  }
0xa6: {  	[bflag:$0x0] =	sbarrier.arrive $0xFFFF;
	s22 =	sshll.u32 s6, $0x6  }
0xa7: {  	s23 =	sadd.s32 $0x0, s21;
	s24 =	sshrl.u32 s12, $0x3;
	s22 =	sor.u32 $0x1C02, s22  }
0xa8: {  	[hbm:s23], [sflag:s22] =	dma.local [spmem:s24], $0x1F4  }
0xa9: {  	s23 =	simm.s32 $0x1F4;
	s24 =	sadd.s32 $0xFA0, s12;
	_ =	swait.ge [sflag:s15], $0x1F4  }
.LBB2_11:
0xaa: {  	s25 =	sadd.s32 s23, s21;
	[sflag:s15] =	ssyncset.done $0x0;
	p0 =	sne.s32 s23, $0x2EE0  }
.Ltmp4:
0xab: {  	s26 =	sshrl.u32 s24, $0x3;
	[sflag:s15] =	ssyncadd.s32 $0xFFFFFE0C;
	(pc) =	sbr.rel @p0 .LBB2_11-.Ltmp4, $3  }
0xac: {  	[hbm:s25], [sflag:s22] =	dma.local [spmem:s26], $0x1F4  }
0xad: {  	s23 =	sadd.s32 $0x1F4, s23;
	_ =	sdelay $0x1  }
0xae: {  	s24 =	sadd.s32 $0xFA0, s24;
	_ =	swait.ge [sflag:s15], $0x1F4  }
0xaf: {  	s20 =	sadd.s32 $0x1, s20  }
0xb0: {  	p0 =	sne.s32 s20, $0x3  }
.Ltmp5:
0xb1: {  	_ = 	snop;
	(pc) =	sbr.rel @p0 .LBB2_4-.Ltmp5, $4  }
0xb2: {  	[sflag:s15] =	ssyncset.done $0x0  }
0xb3: {  	[sflag:s15] =	ssyncadd.s32 $0xFFFFFE0C  }
0xb4: {  	[bflag:$0x0] =	sbarrier.arrive $0xFFFF  }
0xb5: {  	s21 =	sadd.s32 $0x30D40, s21  }
0xb6: {  	s5 =	sadd.s32 $0x1, s5  }
0xb7: {  	p0 =	sne.s32 s5, s11  }
.Ltmp6:
0xb8: {  	_ = 	snop;
	(pc) =	sbr.rel @p0 .LBB2_1-.Ltmp6, $1  }
0xb9: {  	_ =	sdelay $0x3  }
0xba: {  	_ =	sfence.sel $0x180000  }
0xbb: {  	[bflag:$0x0] =	sbarrier.arrive $0xFFFF  }
0xbc: {  	p0 =	sne.s32 s6, $0x0;
	_ =	strace $0x9000004D  }
0xbd: {  	s0 =	sadd.s32 @!p0 $0x100000, s0;
	[bflag:$0x2] =	sbarrier.arrive $0xFFFF  }
0xbe: {  	[sflag:s0] =	ssyncadd.tile.s32 @!p0 $0x1;
	_ =	shalt  }
.Lfunc_end2:
_tile_overlayer_lowered:
.L_overlay_start_2:
0xbf: {  	(tag) =	ssettag $0x2  }
0xc0: {  	s0 =	rddreg [dreg:$0x0];
	s2 =	stileid.u32  }
0xc1: {  	s1 =	rddreg [dreg:$0x1];
	p0 =	sne.s32 s2, $0x0  }
0xc2: {  	s3 =	rddreg [dreg:$0x2];
	[bflag:$0x3] =	sbarrier.arrive $0xFFFF;
	s2 =	simm.s32 @!p0 $0x1C02  }
0xc3: {  	[timem:s3], [sflag:s2] =	dma.local @!p0 [hbm:s0], s1  }
0xc4: {  	s0 =	simm.s32 @!p0 $0x2  }
0xc5: {  	_ =	swait.ge @!p0 [sflag:s0], s1  }
0xc6: {  	s1 =	ssub.s32 @!p0 $0x0, s1;
	[sflag:s0] =	ssyncset.done @!p0 $0x0  }
0xc7: {  	[sflag:s0] =	ssyncadd.s32 @!p0 s1  }
0xc8: {  	[bflag:$0x3] =	sbarrier.arrive $0xFFFF  }
0xc9: {  	_ =	shalt  }

// kernel: sparse-core-data-format-call.cloned.1.call-start
scs
called_computation_lowered:
.L_overlay_start_0:
0x0: {  	s1 =	sld [smem:$0x3FD9]  }
0x1: {  	s2 =	sld [smem:$0x3FFE];
	_ =	sdelay $0x1  }
0x2: {  	s3 =	srdreg.scid  }
0x3: {  	s0 =	sand.u32 $0x1, s3  }
0x4: {  	s17 =	sshll.u32 s0, $0xA;
	s1 =	sadd.s32 s2, s1  }
0x5: {  	s1 =	sadd.s32 s1, s17  }
0x6: {  	[smem:$0x3FBB] =	sst s1  }
0x7: {  	_ = 	snop  }
0x8: {  	(tm) =	ssettm $0x1  }
0x9: {  	s18 =	sld [smem:$0x3FFB];
	_ =	sdelay $0x3  }
0xa: {  	_ =	strace s18  }
0xb: {  	s1 =	sld [smem:$0x3FFC];
	_ =	sdelay $0x3  }
0xc: {  	_ =	strace s1  }
0xd: {  	s1 =	sld [smem:$0x3FFD];
	_ =	sdelay $0x3  }
0xe: {  	_ =	strace s1  }
0xf: {  	_ =	strace $0x8FFFFFFF  }
0x10: {  	s19 =	sld [smem:$0x3FDB];
	_ =	sdelay $0x1  }
0x11: {  	s20 =	simm.s32 $_scs_section_size  }
0x12: {  	s4 =	simm.s32 $_size__tile_overlayer_lowered;
	s5 =	simm.s32 $_tile_overlayer_lowered  }
0x13: {  	s23 =	simm.s32 $0x1BFF;
	s22 =	sshll.u32 s5, $0x1;
	s1 =	sadd.s32 s20, s19  }
0x14: {  	s6 =	simm.s32 $0x0;
	s21 =	sshll.u32 s4, $0x1;
	s4 =	sadd.s32 s22, s1  }
0x15: {  	[timem:s6], [sflag:s23] =	dma.local [hbm:s4], s21  }
0x16: {  	_ =	swait.ge [sflag:s23], s21  }
0x17: {  	s2 =	ssub.s32 $0x0, s21;
	[sflag:s23] =	ssyncset.done $0x0  }
0x18: {  	[sflag:s23] =	ssyncadd.s32 s2;
	_ =	sdelay $0x1  }
0x19: {  	s24 =	simm.s32 $0x1B8B  }
0x1a: {  	_ =	swait.ge [sflag:s24], $0x1  }
0x1b: {  	[sflag:s24] =	ssyncset.done $0x0  }
0x1c: {  	s26 =	simm.s32 $0x1B8E;
	s25 =	sld [smem:$0x3FFE];
	[sflag:s24] =	ssyncadd.s32 $0xFFFFFFFF  }
0x1d: {  	s27 =	simm.s32 $execute0_lowered;
	[smem:$0x3FD2] =	sst s26  }
0x1e: {  	s4 =	sshll.u32 s27, $0x1;
	_ =	strace $0x80000046;
	[dreg:$0x1] =	wrdreg $0xFFFFFFFF  }
0x1f: {  	s28 =	simm.s32 $_size_execute0_lowered;
	s1 =	sadd.s32 s1, s4;
	[dreg:$0x0] =	wrdreg $0x0  }
0x20: {  	s4 =	sshll.u32 s28, $0x1;
	[dreg:$0x2] =	wrdreg s1  }
0x21: {  	[dreg:$0x3] =	wrdreg s4  }
0x22: {  	[dreg:$0x4] =	wrdreg $0xC0  }
0x23: {  	_ =	task [dreg:s6], $0x5FFFF  }
0x24: {  	[dreg:$0x1] =	wrdreg $0xFFFFFFFF  }
0x25: {  	[dreg:$0x0] =	wrdreg $0x60  }
0x26: {  	[dreg:$0x2] =	wrdreg s25  }
0x27: {  	[dreg:$0x3] =	wrdreg $0x9  }
0x28: {  	_ =	task.clear_ibuf [dreg:s6], $0x4FFFF;
	_ =	strace $0x90000046  }
0x29: {  	s29 =	simm.s32 $0x9;
	_ =	strace $0x80000048  }
0x2a: {  	_ =	swait.ge [sflag:s29], $0x1  }
0x2b: {  	[sflag:s29] =	ssyncadd.s32 $0xFFFFFFFF  }
0x2c: {  	_ =	strace $0x90000048  }
0x2d: {  	_ =	sfence  }
0x2e: {  	s30 =	sld [smem:$0x0];
	_ =	sdelay $0x2  }
0x2f: {  	s31 =	sshll.u32 s3, $0xD;
	s3 =	sshrl.u32 s3, $0x2  }
0x30: {  	s2 =	sand.u32 $0x4000, s31;
	s1 =	sadd.s32 s3, s30  }
0x31: {  	s0 =	sor.u32 s2, s0;
	s1 =	sshll.u32 s1, $0x11  }
0x32: {  	s0 =	sor.u32 s1, s0  }
0x33: {  	s0 =	sadd.s32 $0x8F2B, s0  }
0x34: {  	[sflag:s0] =	ssyncadd.remote.s32 $0x1  }
0x35: {  	_ =	sfence.sel $0xFFFF  }
0x36: {  	[dreg:$0x0] =	wrdreg $0xFFFFFFFF;
	(pc) =	sbr.abs _section_cstart, $3  }
0x37: {  	[dreg:$0x1] =	wrdreg $0xFFFFFFFF  }
0x38: {  	_ =	task.clear_ibuf [dreg:s6], $0x2FFFF;
	_ =	strace $0x9FFFFFFF  }
0x39: {  	(tm) =	ssettm $0x7FFFFFFF  }
tec
execute0_lowered:
.L_overlay_start_1:
0x0: {  	(tag) =	ssettag $0x1  }
0x1: {  	s0 =	srdreg.scid  }
0x2: {  	s5 =	rddreg [dreg:$0x0];
	s1 =	stileid.u32;
	s4 =	simm.s32 $0x1  }
0x3: {  	s6 =	simm.s32 $0x2;
	s15 =	simm.s32 $0x0;
	p0 =	por $0x0, $0x0  }
0x4: {  	s8 =	simm.s32 $0x80;
	s14 =	simm.s32 $0x0;
	s2 =	sshll.u32 s0, $0x4  }
0x5: {  	s9 =	simm.s32 $0x0;
	s10 =	simm.s32 $0x0;
	s2 =	sand.u32 $0x10, s2  }
.Ltmp0:
0x6: {  	s12 =	simm.s32 $0x0;
	s3 =	sor.u32 s1, s2;
	(pc) =	sbr.rel .LBB1_1-.Ltmp0, $4  }
0x7: {  	s0 =	rddreg [dreg:$0x1];
	_ =	strace $0x80000047;
	s3 =	sshll.u32 s3, $0x9  }
0x8: {  	s13 =	simm.s32 $0x0;
	[sflag:s4] =	ssyncpa.u1 $0x0;
	s7 =	ssub.s32 $0x49200, s3  }
0x9: {  	s2 =	sadd.s32 $0x3600, s5;
	[sflag:s6] =	ssyncpa.u1 $0x0;
	s6 =	sshrl.u32 s7, $0xE  }
0xa: {  	s5 =	sadd.s32 $0x128600, s5;
	s11 =	smov.u32 s3;
	s7 =	sadd.s32 $0x2, s6  }
.LBB1_5:
0xb: {  	p1 =	slt.u32 s13, $0x2  }
0xc: {  	s17 =	smov.u32 s15;
	p2 =	sgt.s32 @!p1 s15, $0x491E0;
	s16 =	sshra.s32 @!p1 s15, $0x1F  }
0xd: {  	p3 =	sgt.s32 @!p1 s14, $0x60;
	s18 =	sshra.s32 @!p1 s14, $0x1F;
	p2 =	por !p2, p1  }
0xe: {  	s15 =	sand.u32 @!p1 s16, s15;
	p3 =	por !p3, p1;
	s16 =	smov.u32 s14  }
0xf: {  	s14 =	sand.u32 @!p1 s18, s14;
	s17 =	simm.s32 @p2 $0x491E0;
	s16 =	simm.s32 @p3 $0x60  }
0x10: {  	s15 =	ssub.s32 @!p1 s17, s15;
	s14 =	ssub.s32 @!p1 s16, s14  }
0x11: {  	s18 =	smov.u32 s12;
	s16 =	sadd.s32 @!p1 $0xFFFB6E20, s15;
	s17 =	sadd.s32 @!p1 $0xFFFFFFA0, s14  }
0x12: {  	s15 =	ssub.s32 @!p1 $0x493E0, s15;
	p2 =	sgt.s32 @!p1 s16, $0x1FF;
	p3 =	sgt.s32 @!p1 s17, $0x1F  }
0x13: {  	s14 =	ssub.s32 @!p1 $0x80, s14;
	p2 =	por !p2, p1;
	p3 =	por !p3, p1  }
0x14: {  	s16 =	sadd.s32 $0x4000, s11;
	s15 =	simm.s32 @!p2 $0x0;
	s14 =	simm.s32 @!p3 $0x0  }
0x15: {  	p2 =	sgt.s32 s16, $0x493DF;
	s14 =	smul.u32 @!p1 s14, s15;
	s15 =	sadd.s32 $0x20, s12  }
0x16: {  	s18 =	smov.u32 @p2 s15  }
0x17: {  	s16 =	smov.u32 @p2 s3;
	p2 =	sgt.s32 s18, $0x1F  }
0x18: {  	s18 =	simm.s32 @p2 $0x0;
	p2 =	sne.s32 s13, s7  }
.Ltmp1:
0x19: {  	p0 =	por !p0, !p0;
	s17 =	simm.s32 @!p1 $0x2;
	(pc) =	sbr.rel @!p2 .LBB1_6-.Ltmp1, $4  }
0x1a: {  	s15 =	smov.u32 s9;
	s9 =	smov.u32 s11;
	s14 =	sand.u32 @!p1 $0x3FFFFFFF, s14  }
0x1b: {  	s11 =	smov.u32 s16;
	_ =	swait.ge @!p1 [sflag:s17], s14;
	s19 =	ssub.s32 @!p1 $0x0, s14  }
0x1c: {  	s14 =	smov.u32 s10;
	s13 =	sadd.s32 $0x1, s13;
	[sflag:s17] =	ssyncset.done @!p1 $0x0  }
0x1d: {  	s10 =	smov.u32 s12;
	s12 =	smov.u32 s18;
	[sflag:s17] =	ssyncadd.s32 @!p1 s19  }
.LBB1_1:
0x1e: {  	p1 =	sgt.u32 s13, s6  }
0x1f: {  	s16 =	sshrl.u32 @!p1 s12, $0x3  }
0x20: {  	s17 =	sshll.u32 @!p1 s11, $0x3;
	s18 =	sshll.u32 @!p1 s12, $0x7;
	s16 =	smul.u32 @!p1 $0x24A000, s16  }
0x21: {  	s19 =	sand.u32 @!p1 $0x7F, s11;
	s17 =	sand.u32 @!p1 $0xFFFFFC00, s17;
	s18 =	sand.u32 @!p1 $0x380, s18  }
0x22: {  	s16 =	sadd.s32 @!p1 s16, s17;
	s17 =	sor.u32 @!p1 s19, s18  }
0x23: {  	s17 =	sor.u32 @!p1 s16, s17  }
0x24: {  	s18 =	smulhi.u32 @!p1 $0xDFAC1F75, s17;
	_ =	sdelay $0x1  }
0x25: {  	s16 =	smulhi.u32 @!p1 $0xDFAC1F75, s16;
	s18 =	sshrl.u32 @!p1 s18, $0x12  }
0x26: {  	s18 =	smul.u32 @!p1 $0x49400, s18  }
0x27: {  	s19 =	sxor.u32 @!p1 $0xFFFFFFFF, s13;
	s16 =	sshrl.u32 @!p1 s16, $0x12  }
0x28: {  	s19 =	sshll.u32 @!p1 s19, $0xE;
	s16 =	sand.u32 @!p1 $0x1F, s16;
	s17 =	ssub.s32 @!p1 s17, s18  }
0x29: {  	s16 =	smul.u32 @!p1 $0x9280, s16;
	s18 =	sshrl.u32 @!p1 s17, $0x3;
	s17 =	sand.u32 @!p1 $0x7, s17  }
0x2a: {  	s19 =	sand.u32 @!p1 $0x4000, s19;
	s18 =	sadd.s32 @!p1 s2, s18;
	s17 =	sshll.u32 @!p1 s17, $0x12  }
0x2b: {  	s16 =	sadd.s32 @!p1 s16, s18;
	s17 =	sor.u32 @!p1 $0x1000, s17;
	s18 =	simm.s32 @!p1 $0x24A000  }
0x2c: {  	[tilespmem:s19], [sflag:$0x1] =	stream.strided.gather @!p1 [hbm4b:s16+s17], $0x4000, s18, s17, $0x38;
	[tilespmem:$0x10400] =	vst v63  }
0x2d: {  	p1 =	seq.s32 s13, $0x0  }
0x2e: {  	p2 =	sge.u32 @!p1 s13, s7  }
0x2f: {  	p1 =	por p1, p2  }
.Ltmp2:
0x30: {  	_ = 	snop;
	(pc) =	sbr.rel @p1 .LBB1_5-.Ltmp2, $1  }
0x31: {  	_ =	sdelay $0x3  }
0x32: {  	s19 =	simm.s32 $0x0  }
0x33: {  	s18 =	sand.u32 $0x3000, s19;
	s20 =	sand.u32 $0x380, s19  }
0x34: {  	s16 =	sand.u32 $0x1, s13;
	s18 =	sor.u32 s20, s18  }
0x35: {  	_ =	swait.ge [sflag:s4], $0x4000;
	s17 =	sshll.u32 s16, $0xE;
	s20 =	sand.u32 $0x3200, s18  }
0x36: {  	[sflag:s4] =	ssyncset.done $0x0;
	s19 =	sand.u32 $0x180, s19;
	s20 =	sadd.s32 s20, s17  }
0x37: {  	[sflag:s4] =	ssyncadd.s32 $0xFFFFC000;
	s22 =	sadd.s32 s19, s20  }
0x38: {  	v4 =	vld [tilespmem:s22+$0xC00]  }
0x39: {  	s21 =	simm.s32 $0x1;
	v0 =	vmov s17;
	v5 =	vld [tilespmem:s22+$0x0]  }
0x3a: {  	s21 =	simm.s32 @!p0 $0x0;
	v6 =	vld [tilespmem:s22+$0x10]  }
0x3b: {  	s31 =	smul.u32 $0x10800, s21;
	v7 =	vld [tilespmem:s22+$0x20]  }
0x3c: {  	v8 =	vld [tilespmem:s22+$0x30]  }
0x3d: {  	s19 =	sshrl.u32 s31, $0x2;
	v9 =	vld [tilespmem:s22+$0x40]  }
0x3e: {  	s19 =	sor.u32 $0x8000, s19;
	v1 =	vld.idx.msk [tilespmem:v0+s18+$0x410 ss:$0x1], $0xffff  }
0x3f: {  	v2 =	vld.idx.msk [tilespmem:v0+s18+$0x420 ss:$0x1], $0xffff;
	s20 =	sadd.s32 $0x0, s19  }
0x40: {  	v3 =	vld.idx.msk [tilespmem:v0+s18+$0x430 ss:$0x1], $0xffff;
	[tilespmem:s20+$0x3180 ss:$0x21] =	vst.msk $0xffff, v4  }
0x41: {  	v10 =	vld.idx.msk [tilespmem:v0+s18+$0x820 ss:$0x1], $0xffff;
	[tilespmem:s20+$0x0 ss:$0x21] =	vst.msk $0xffff, v5  }
0x42: {  	v11 =	vld.idx.msk [tilespmem:v0+s18+$0x830 ss:$0x1], $0xffff;
	[tilespmem:s20+$0x210 ss:$0x21] =	vst.msk $0xffff, v6  }
0x43: {  	v12 =	vld.idx.msk [tilespmem:v0+s18+$0x840 ss:$0x1], $0xffff;
	[tilespmem:s20+$0x420 ss:$0x21] =	vst.msk $0xffff, v7  }
0x44: {  	v13 =	vld.idx.msk [tilespmem:v0+s18+$0x850 ss:$0x1], $0xffff;
	[tilespmem:s20+$0x630 ss:$0x21] =	vst.msk $0xffff, v8  }
0x45: {  	v4 =	vld [tilespmem:s22+$0x50];
	[tilespmem:s20+$0x840 ss:$0x21] =	vst.msk $0xffff, v9  }
0x46: {  	v5 =	vld [tilespmem:s22+$0x60];
	[tilespmem:s20+$0x1290 ss:$0x21] =	vst.msk $0xffff, v1  }
0x47: {  	v6 =	vld [tilespmem:s22+$0x70];
	[tilespmem:s20+$0x14A0 ss:$0x21] =	vst.msk $0xffff, v2  }
0x48: {  	v7 =	vld [tilespmem:s22+$0x400];
	[tilespmem:s20+$0x16B0 ss:$0x21] =	vst.msk $0xffff, v3  }
0x49: {  	v8 =	vld [tilespmem:s22+$0x800];
	[tilespmem:s20+$0x2520 ss:$0x21] =	vst.msk $0xffff, v10  }
0x4a: {  	v9 =	vld.idx.msk [tilespmem:v0+s18+$0x470 ss:$0x1], $0xffff;
	[tilespmem:s20+$0x2730 ss:$0x21] =	vst.msk $0xffff, v11  }
0x4b: {  	v3 =	vld.idx.msk [tilespmem:v0+s18+$0xC10 ss:$0x1], $0xffff;
	[tilespmem:s20+$0x2940 ss:$0x21] =	vst.msk $0xffff, v12  }
0x4c: {  	v1 =	vld.idx.msk [tilespmem:v0+s18+$0xC20 ss:$0x1], $0xffff;
	[tilespmem:s20+$0x2B50 ss:$0x21] =	vst.msk $0xffff, v13  }
0x4d: {  	v2 =	vld.idx.msk [tilespmem:v0+s18+$0xC30 ss:$0x1], $0xffff;
	[tilespmem:s20+$0xA50 ss:$0x21] =	vst.msk $0xffff, v4  }
0x4e: {  	[tilespmem:s20+$0xE70 ss:$0x21] =	vst.msk $0xffff, v6;
	v6 =	vld.idx.msk [tilespmem:v0+s18+$0x460 ss:$0x1], $0xffff  }
0x4f: {  	v4 =	vld.idx.msk [tilespmem:v0+s18+$0x440 ss:$0x1], $0xffff;
	[tilespmem:s20+$0xC60 ss:$0x21] =	vst.msk $0xffff, v5  }
0x50: {  	v5 =	vld.idx.msk [tilespmem:v0+s18+$0x450 ss:$0x1], $0xffff;
	[tilespmem:s20+$0x1080 ss:$0x21] =	vst.msk $0xffff, v7  }
0x51: {  	[tilespmem:s20+$0x2100 ss:$0x21] =	vst.msk $0xffff, v8;
	v8 =	vld.idx.msk [tilespmem:v0+s18+$0x810 ss:$0x1], $0xffff  }
0x52: {  	v7 =	vld.idx.msk [tilespmem:v0+s18+$0x860 ss:$0x1], $0xffff;
	[tilespmem:s20+$0x1EF0 ss:$0x21] =	vst.msk $0xffff, v9  }
0x53: {  	s16 =	smul.u32 $0x10800, s16;
	[tilespmem:s20+$0x1CE0 ss:$0x21] =	vst.msk $0xffff, v6;
	v6 =	vld.idx.msk [tilespmem:v0+s18+$0x870 ss:$0x1], $0xffff  }
0x54: {  	s23 =	simm.s32 $0x200;
	s24 =	simm.s32 $0x8;
	[tilespmem:s20+$0x18C0 ss:$0x21] =	vst.msk $0xffff, v4;
	v4 =	vld.idx.msk [tilespmem:v0+s18+$0xC40 ss:$0x1], $0xffff  }
0x55: {  	s25 =	sand.u32 $0x3000, s23;
	s16 =	sshrl.u32 s16, $0x2;
	s22 =	simm.s32 $0x80;
	[tilespmem:s20+$0x1AD0 ss:$0x21] =	vst.msk $0xffff, v5;
	v5 =	vld.idx.msk [tilespmem:v0+s18+$0xC50 ss:$0x1], $0xffff  }
0x56: {  	s21 =	simm.s32 $0x4;
	s16 =	sor.u32 $0x8000, s16;
	s26 =	sand.u32 $0x380, s22;
	[tilespmem:s20+$0x2310 ss:$0x21] =	vst.msk $0xffff, v8;
	v8 =	vld.idx.msk [tilespmem:v0+s18+$0xC60 ss:$0x1], $0xffff  }
.LBB1_3:
0x57: {  	p1 =	sne.s32 s24, $0x7C;
	[tilespmem:s20+$0x2D60 ss:$0x21] =	vst.msk $0xffff, v7;
	v7 =	vld.idx.msk [tilespmem:v0+s18+$0xC70 ss:$0x1], $0xffff;
	s18 =	sor.u32 s26, s25  }
0x58: {  	s25 =	sand.u32 $0x3200, s18;
	v9 =	vld.idx.msk [tilespmem:v0+s18+$0x410 ss:$0x1], $0xffff;
	[tilespmem:s20+$0x2F70 ss:$0x21] =	vst.msk $0xffff, v6  }
0x59: {  	s26 =	sand.u32 $0x180, s22;
	s25 =	sadd.s32 s25, s17;
	v6 =	vld.idx.msk [tilespmem:v0+s18+$0x420 ss:$0x1], $0xffff;
	[tilespmem:s20+$0x3390 ss:$0x21] =	vst.msk $0xffff, v3  }
0x5a: {  	s25 =	sadd.s32 s26, s25;
	v3 =	vld.idx.msk [tilespmem:v0+s18+$0x430 ss:$0x1], $0xffff;
	[tilespmem:s20+$0x35A0 ss:$0x21] =	vst.msk $0xffff, v1  }
0x5b: {  	v1 =	vld [tilespmem:s25+$0xC00];
	[tilespmem:s20+$0x37B0 ss:$0x21] =	vst.msk $0xffff, v2  }
0x5c: {  	v2 =	vld [tilespmem:s25+$0x0];
	[tilespmem:s20+$0x39C0 ss:$0x21] =	vst.msk $0xffff, v4  }
0x5d: {  	v4 =	vld [tilespmem:s25+$0x10];
	[tilespmem:s20+$0x3BD0 ss:$0x21] =	vst.msk $0xffff, v5  }
0x5e: {  	s26 =	sshra.s32 s21, $0x2;
	s21 =	smov.u32 s24;
	v5 =	vld [tilespmem:s25+$0x20];
	[tilespmem:s20+$0x3DE0 ss:$0x21] =	vst.msk $0xffff, v8  }
0x5f: {  	v8 =	vld [tilespmem:s25+$0x30];
	[tilespmem:s20+$0x3FF0 ss:$0x21] =	vst.msk $0xffff, v7;
	s20 =	sadd.s32 s26, s19  }
0x60: {  	v7 =	vld [tilespmem:s25+$0x40];
	[tilespmem:s20+$0x3180 ss:$0x21] =	vst.msk $0xffff, v1  }
0x61: {  	[tilespmem:s20+$0x0 ss:$0x21] =	vst.msk $0xffff, v2;
	v1 =	vld [tilespmem:s25+$0x50]  }
0x62: {  	[tilespmem:s20+$0x210 ss:$0x21] =	vst.msk $0xffff, v4;
	v2 =	vld [tilespmem:s25+$0x60]  }
0x63: {  	[tilespmem:s20+$0x420 ss:$0x21] =	vst.msk $0xffff, v5;
	v4 =	vld [tilespmem:s25+$0x70]  }
0x64: {  	[tilespmem:s20+$0x630 ss:$0x21] =	vst.msk $0xffff, v8;
	v5 =	vld [tilespmem:s25+$0x400]  }
0x65: {  	[tilespmem:s20+$0x840 ss:$0x21] =	vst.msk $0xffff, v7;
	v7 =	vld [tilespmem:s25+$0x800]  }
0x66: {  	[tilespmem:s20+$0xA50 ss:$0x21] =	vst.msk $0xffff, v1;
	v1 =	vld.idx.msk [tilespmem:v0+s18+$0x440 ss:$0x1], $0xffff  }
0x67: {  	[tilespmem:s20+$0xC60 ss:$0x21] =	vst.msk $0xffff, v2;
	v2 =	vld.idx.msk [tilespmem:v0+s18+$0x450 ss:$0x1], $0xffff  }
0x68: {  	[tilespmem:s20+$0xE70 ss:$0x21] =	vst.msk $0xffff, v4;
	v4 =	vld.idx.msk [tilespmem:v0+s18+$0x460 ss:$0x1], $0xffff  }
0x69: {  	[tilespmem:s20+$0x1080 ss:$0x21] =	vst.msk $0xffff, v5;
	v5 =	vld.idx.msk [tilespmem:v0+s18+$0x470 ss:$0x1], $0xffff  }
0x6a: {  	[tilespmem:s20+$0x2100 ss:$0x21] =	vst.msk $0xffff, v7;
	v8 =	vld.idx.msk [tilespmem:v0+s18+$0x810 ss:$0x1], $0xffff  }
0x6b: {  	[tilespmem:s20+$0x1290 ss:$0x21] =	vst.msk $0xffff, v9;
	v9 =	vld.idx.msk [tilespmem:v0+s18+$0x820 ss:$0x1], $0xffff  }
0x6c: {  	[tilespmem:s20+$0x14A0 ss:$0x21] =	vst.msk $0xffff, v6;
	v10 =	vld.idx.msk [tilespmem:v0+s18+$0x830 ss:$0x1], $0xffff  }
0x6d: {  	[tilespmem:s20+$0x16B0 ss:$0x21] =	vst.msk $0xffff, v3;
	v11 =	vld.idx.msk [tilespmem:v0+s18+$0x840 ss:$0x1], $0xffff  }
0x6e: {  	[tilespmem:s20+$0x18C0 ss:$0x21] =	vst.msk $0xffff, v1;
	v12 =	vld.idx.msk [tilespmem:v0+s18+$0x850 ss:$0x1], $0xffff  }
0x6f: {  	[tilespmem:s20+$0x1AD0 ss:$0x21] =	vst.msk $0xffff, v2;
	v7 =	vld.idx.msk [tilespmem:v0+s18+$0x860 ss:$0x1], $0xffff  }
0x70: {  	[tilespmem:s20+$0x1CE0 ss:$0x21] =	vst.msk $0xffff, v4;
	v6 =	vld.idx.msk [tilespmem:v0+s18+$0x870 ss:$0x1], $0xffff  }
0x71: {  	[tilespmem:s20+$0x1EF0 ss:$0x21] =	vst.msk $0xffff, v5;
	v3 =	vld.idx.msk [tilespmem:v0+s18+$0xC10 ss:$0x1], $0xffff  }
.Ltmp3:
0x72: {  	[tilespmem:s20+$0x2310 ss:$0x21] =	vst.msk $0xffff, v8;
	v1 =	vld.idx.msk [tilespmem:v0+s18+$0xC20 ss:$0x1], $0xffff;
	(pc) =	sbr.rel @p1 .LBB1_3-.Ltmp3, $4  }
0x73: {  	[tilespmem:s20+$0x2520 ss:$0x21] =	vst.msk $0xffff, v9;
	v2 =	vld.idx.msk [tilespmem:v0+s18+$0xC30 ss:$0x1], $0xffff  }
0x74: {  	[tilespmem:s20+$0x2730 ss:$0x21] =	vst.msk $0xffff, v10;
	v4 =	vld.idx.msk [tilespmem:v0+s18+$0xC40 ss:$0x1], $0xffff  }
0x75: {  	s22 =	sadd.s32 $0x80, s22;
	s23 =	sadd.s32 $0x200, s23;
	[tilespmem:s20+$0x2940 ss:$0x21] =	vst.msk $0xffff, v11;
	v5 =	vld.idx.msk [tilespmem:v0+s18+$0xC50 ss:$0x1], $0xffff  }
0x76: {  	s24 =	sadd.s32 $0x4, s24;
	s26 =	sand.u32 $0x380, s22;
	s25 =	sand.u32 $0x3000, s23;
	[tilespmem:s20+$0x2B50 ss:$0x21] =	vst.msk $0xffff, v12;
	v8 =	vld.idx.msk [tilespmem:v0+s18+$0xC60 ss:$0x1], $0xffff  }
0x77: {  	_ = 	snop  }
0x78: {  	[tilespmem:s20+$0x2D60 ss:$0x21] =	vst.msk $0xffff, v7  }
0x79: {  	[tilespmem:s20+$0x2F70 ss:$0x21] =	vst.msk $0xffff, v6  }
0x7a: {  	[tilespmem:s20+$0x3390 ss:$0x21] =	vst.msk $0xffff, v3  }
0x7b: {  	s23 =	sor.u32 s26, s25;
	v31 =	vld.idx.msk [tilespmem:v0+s18+$0xC70 ss:$0x1], $0xffff;
	[tilespmem:s20+$0x35A0 ss:$0x21] =	vst.msk $0xffff, v1  }
0x7c: {  	[tilespmem:s20+$0x37B0 ss:$0x21] =	vst.msk $0xffff, v2;
	v43 =	vld.idx.msk [tilespmem:v0+s23+$0x410 ss:$0x1], $0xffff  }
0x7d: {  	v44 =	vld.idx.msk [tilespmem:v0+s23+$0x420 ss:$0x1], $0xffff;
	[tilespmem:s20+$0x39C0 ss:$0x21] =	vst.msk $0xffff, v4  }
0x7e: {  	s24 =	sand.u32 $0x3200, s23;
	v45 =	vld.idx.msk [tilespmem:v0+s23+$0x430 ss:$0x1], $0xffff;
	[tilespmem:s20+$0x3BD0 ss:$0x21] =	vst.msk $0xffff, v5  }
0x7f: {  	s22 =	sand.u32 $0x180, s22;
	s30 =	sshra.s32 s21, $0x2;
	v46 =	vld.idx.msk [tilespmem:v0+s23+$0x440 ss:$0x1], $0xffff;
	s17 =	sadd.s32 s24, s17;
	[tilespmem:s20+$0x3DE0 ss:$0x21] =	vst.msk $0xffff, v8  }
0x80: {  	v47 =	vld.idx.msk [tilespmem:v0+s23+$0x450 ss:$0x1], $0xffff;
	s29 =	sadd.s32 s22, s17;
	s17 =	sadd.s32 s30, s19;
	[tilespmem:s20+$0x3FF0 ss:$0x21] =	vst.msk $0xffff, v31  }
0x81: {  	v48 =	vld.idx.msk [tilespmem:v0+s23+$0x460 ss:$0x1], $0xffff;
	[tilespmem:s17+$0x1290 ss:$0x21] =	vst.msk $0xffff, v43  }
0x82: {  	v49 =	vld.idx.msk [tilespmem:v0+s23+$0x470 ss:$0x1], $0xffff;
	[tilespmem:s17+$0x14A0 ss:$0x21] =	vst.msk $0xffff, v44  }
0x83: {  	v50 =	vld.idx.msk [tilespmem:v0+s23+$0x810 ss:$0x1], $0xffff;
	[tilespmem:s17+$0x16B0 ss:$0x21] =	vst.msk $0xffff, v45  }
0x84: {  	v51 =	vld.idx.msk [tilespmem:v0+s23+$0x820 ss:$0x1], $0xffff;
	[tilespmem:s17+$0x18C0 ss:$0x21] =	vst.msk $0xffff, v46  }
0x85: {  	v52 =	vld.idx.msk [tilespmem:v0+s23+$0x830 ss:$0x1], $0xffff;
	[tilespmem:s17+$0x1AD0 ss:$0x21] =	vst.msk $0xffff, v47  }
0x86: {  	v53 =	vld.idx.msk [tilespmem:v0+s23+$0x840 ss:$0x1], $0xffff;
	[tilespmem:s17+$0x1CE0 ss:$0x21] =	vst.msk $0xffff, v48  }
0x87: {  	v54 =	vld.idx.msk [tilespmem:v0+s23+$0x850 ss:$0x1], $0xffff;
	[tilespmem:s17+$0x1EF0 ss:$0x21] =	vst.msk $0xffff, v49  }
0x88: {  	v55 =	vld.idx.msk [tilespmem:v0+s23+$0x860 ss:$0x1], $0xffff;
	[tilespmem:s17+$0x2310 ss:$0x21] =	vst.msk $0xffff, v50  }
0x89: {  	v56 =	vld.idx.msk [tilespmem:v0+s23+$0x870 ss:$0x1], $0xffff;
	[tilespmem:s17+$0x2520 ss:$0x21] =	vst.msk $0xffff, v51  }
0x8a: {  	v57 =	vld.idx.msk [tilespmem:v0+s23+$0xC10 ss:$0x1], $0xffff;
	[tilespmem:s17+$0x2730 ss:$0x21] =	vst.msk $0xffff, v52  }
0x8b: {  	v58 =	vld.idx.msk [tilespmem:v0+s23+$0xC20 ss:$0x1], $0xffff;
	[tilespmem:s17+$0x2940 ss:$0x21] =	vst.msk $0xffff, v53  }
0x8c: {  	v59 =	vld.idx.msk [tilespmem:v0+s23+$0xC30 ss:$0x1], $0xffff;
	[tilespmem:s17+$0x2B50 ss:$0x21] =	vst.msk $0xffff, v54  }
0x8d: {  	v60 =	vld.idx.msk [tilespmem:v0+s23+$0xC40 ss:$0x1], $0xffff;
	[tilespmem:s17+$0x2D60 ss:$0x21] =	vst.msk $0xffff, v55  }
0x8e: {  	v61 =	vld.idx.msk [tilespmem:v0+s23+$0xC50 ss:$0x1], $0xffff;
	[tilespmem:s17+$0x2F70 ss:$0x21] =	vst.msk $0xffff, v56  }
0x8f: {  	v62 =	vld.idx.msk [tilespmem:v0+s23+$0xC60 ss:$0x1], $0xffff;
	[tilespmem:s17+$0x3390 ss:$0x21] =	vst.msk $0xffff, v57  }
0x90: {  	v63 =	vld.idx.msk [tilespmem:v0+s23+$0xC70 ss:$0x1], $0xffff;
	[tilespmem:s17+$0x35A0 ss:$0x21] =	vst.msk $0xffff, v58  }
0x91: {  	s31 =	sshll.u32 s9, $0x7;
	v32 =	vld [tilespmem:s29+$0xC00];
	s20 =	sshll.u32 s10, $0x3;
	[tilespmem:s17+$0x37B0 ss:$0x21] =	vst.msk $0xffff, v59  }
0x92: {  	s21 =	sand.u32 $0xFFFFFC00, s31;
	v33 =	vld [tilespmem:s29+$0x0];
	s19 =	sand.u32 $0xFFFFFC00, s20;
	[tilespmem:s17+$0x39C0 ss:$0x21] =	vst.msk $0xffff, v60  }
0x93: {  	s18 =	sand.u32 $0x380, s31;
	v34 =	vld [tilespmem:s29+$0x10];
	[tilespmem:s17+$0x3BD0 ss:$0x21] =	vst.msk $0xffff, v61;
	s19 =	sadd.s32 s19, s21  }
0x94: {  	v35 =	vld [tilespmem:s29+$0x20];
	[tilespmem:s17+$0x3DE0 ss:$0x21] =	vst.msk $0xffff, v62;
	s18 =	sor.u32 s18, s19  }
0x95: {  	p1 =	sgt.s32 s9, $0x491E0;
	s25 =	sshra.s32 s10, $0x1F;
	v36 =	vld [tilespmem:s29+$0x30];
	[tilespmem:s17+$0x3FF0 ss:$0x21] =	vst.msk $0xffff, v63;
	s18 =	sshrl.u32 s18, $0x7  }
0x96: {  	s24 =	sshra.s32 s9, $0x1F;
	v37 =	vld [tilespmem:s29+$0x40];
	s20 =	smov.u32 s9;
	[tilespmem:s17+$0x3180 ss:$0x21] =	vst.msk $0xffff, v32;
	s22 =	smulhi.u32 $0x37EC8ED, s18  }
0x97: {  	s28 =	sshrl.u32 s10, $0x3;
	v38 =	vld [tilespmem:s29+$0x50];
	s20 =	simm.s32 @!p1 $0x491E0;
	s21 =	sand.u32 s24, s9;
	[tilespmem:s17+$0x0 ss:$0x21] =	vst.msk $0xffff, v33  }
0x98: {  	v39 =	vld [tilespmem:s29+$0x60];
	p1 =	sgt.s32 s10, $0x60;
	[tilespmem:s17+$0x210 ss:$0x21] =	vst.msk $0xffff, v34;
	s19 =	sshrl.u32 s22, $0xC;
	s22 =	smov.u32 s10  }
0x99: {  	s26 =	sand.u32 s25, s10;
	v40 =	vld [tilespmem:s29+$0x70];
	s20 =	ssub.s32 s20, s21;
	[tilespmem:s17+$0x420 ss:$0x21] =	vst.msk $0xffff, v35;
	s22 =	simm.s32 @!p1 $0x60  }
0x9a: {  	v41 =	vld [tilespmem:s29+$0x400];
	[tilespmem:s17+$0x630 ss:$0x21] =	vst.msk $0xffff, v36;
	s27 =	sadd.s32 $0xFFFB6E20, s20;
	s20 =	ssub.s32 $0x493E0, s20;
	s21 =	ssub.s32 s22, s26  }
0x9b: {  	v42 =	vld [tilespmem:s29+$0x800];
	[tilespmem:s17+$0x840 ss:$0x21] =	vst.msk $0xffff, v37;
	s19 =	smul.u32 $0x493E0, s19;
	p1 =	sgt.s32 s27, $0x1FF;
	s22 =	sadd.s32 $0xFFFFFFA0, s21  }
0x9c: {  	[tilespmem:s17+$0xA50 ss:$0x21] =	vst.msk $0xffff, v38;
	s20 =	simm.s32 @p1 $0x0;
	s21 =	ssub.s32 $0x80, s21;
	p1 =	sgt.s32 s22, $0x1F  }
.Ltmp4:
0x9d: {  	s29 =	sand.u32 $0x7, s10;
	[tilespmem:s17+$0xC60 ss:$0x21] =	vst.msk $0xffff, v39;
	s21 =	simm.s32 @p1 $0x0;
	(pc) =	sbr.rel .LBB1_5-.Ltmp4, $4  }
0x9e: {  	[tilespmem:s17+$0xE70 ss:$0x21] =	vst.msk $0xffff, v40;
	s18 =	ssub.s32 s18, s19;
	s19 =	sand.u32 $0xF, s28;
	s20 =	smul.u32 s21, s20  }
0x9f: {  	[tilespmem:s17+$0x1080 ss:$0x21] =	vst.msk $0xffff, v41;
	s18 =	sshll.u32 s18, $0x4;
	s19 =	sadd.s32 s5, s19;
	s21 =	sshll.u32 s29, $0x12  }
0xa0: {  	[tilespmem:s17+$0x2100 ss:$0x21] =	vst.msk $0xffff, v42;
	s18 =	sadd.s32 s18, s19;
	s31 =	sor.u32 $0x20, s21;
	s30 =	sand.u32 $0x3FFFFFFF, s20  }
0xa1: {  	[hbm4b:s18+s31] =	stream.strided.scatter [tilespmem:s16], [sflag:$0x2], s30, s8, s31, $0x10;
	[tilespmem:$0x10400] =	vst v63  }
.LBB1_6:
0xa2: {  	_ =	sfence.sel $0x180000  }
0xa3: {  	s2 =	simm.s32 $0x1;
	[bflag:$0x0] =	sbarrier.arrive $0xFFFF  }
0xa4: {  	s31 =	simm.s32 $0x2;
	[sflag:s2] =	ssyncpa.u1 $0x1  }
0xa5: {  	[sflag:s31] =	ssyncpa.u1 $0x1  }
0xa6: {  	p0 =	sne.s32 s1, $0x0;
	_ =	strace $0x90000047  }
0xa7: {  	s0 =	sadd.s32 @!p0 $0x100000, s0;
	[bflag:$0x2] =	sbarrier.arrive $0xFFFF  }
0xa8: {  	[sflag:s0] =	ssyncadd.tile.s32 @!p0 $0x1;
	_ =	shalt  }
.Lfunc_end1:
_tile_overlayer_lowered:
.L_overlay_start_2:
0xa9: {  	(tag) =	ssettag $0x2  }
0xaa: {  	s0 =	rddreg [dreg:$0x0];
	s2 =	stileid.u32  }
0xab: {  	s1 =	rddreg [dreg:$0x1];
	p0 =	sne.s32 s2, $0x0  }
0xac: {  	s3 =	rddreg [dreg:$0x2];
	[bflag:$0x3] =	sbarrier.arrive $0xFFFF;
	s2 =	simm.s32 @!p0 $0x1C01  }
0xad: {  	[timem:s3], [sflag:s2] =	dma.local @!p0 [hbm:s0], s1  }
0xae: {  	s0 =	simm.s32 @!p0 $0x1  }
0xaf: {  	_ =	swait.ge @!p0 [sflag:s0], s1  }
0xb0: {  	s1 =	ssub.s32 @!p0 $0x0, s1;
	[sflag:s0] =	ssyncset.done @!p0 $0x0  }
0xb1: {  	[sflag:s0] =	ssyncadd.s32 @!p0 s1  }
0xb2: {  	[bflag:$0x3] =	sbarrier.arrive $0xFFFF  }
0xb3: {  	_ =	shalt  }

</sc_bundles>
